<compile_context>
chip_gen: v7x
topology: tpu7x:2x2x1
jax: 0.10.2.dev20260603
libtpu: 0.0.44.dev20260713+nightly
codegen_flags: <defaults>
</compile_context>

<pallas_src>
import functools

import jax
import jax.numpy as jnp
from jax import lax
from jax.experimental import pallas as pl
from jax.experimental.pallas import tpu as pltpu
from jax.experimental.pallas import tpu_sc as plsc

NC = 2
NS = 16
NW = NC * NS
EK = 128
DEGW = 16
ZB = 128


def _vsc_mesh():
    return plsc.VectorSubcoreMesh(core_axis_name="c", subcore_axis_name="s")


def _pad_up(v, m):
    return ((v + m - 1) // m) * m


def _sc_deg(np_, ep):
    rows = ep // EK
    rpt = rows // NW
    npt = np_ // NS

    @functools.partial(
        pl.kernel,
        mesh=_vsc_mesh(),
        out_type=jax.ShapeDtypeStruct((NC, np_, DEGW), jnp.float32),
        scratch_types=[
            pltpu.VMEM((rpt, EK), jnp.int32),
            pltpu.VMEM((EK, DEGW), jnp.float32),
            pltpu.VMEM((ZB, DEGW), jnp.float32),
            pltpu.VMEM_SHARED((np_, DEGW), jnp.float32),
        ],
    )
    def k(dst_hbm, out_hbm, idx_v, ones_v, zb_v, acc_sh):
        c = lax.axis_index("c")
        s = lax.axis_index("s")
        w = c * NS + s

        def fill(i, _):
            ones_v[i, :] = jnp.ones((DEGW,), jnp.float32)
            return 0

        lax.fori_loop(0, EK, fill, 0)

        def fillz(i, _):
            zb_v[i, :] = jnp.zeros((DEGW,), jnp.float32)
            return 0

        lax.fori_loop(0, ZB, fillz, 0)

        def zloop(b, _):
            pltpu.sync_copy(zb_v, acc_sh.at[pl.ds(s * npt + b * ZB, ZB)])
            return 0

        lax.fori_loop(0, npt // ZB, zloop, 0)
        plsc.subcore_barrier()

        pltpu.sync_copy(dst_hbm.at[pl.ds(w * rpt, rpt)], idx_v)

        def body(j, _):
            pltpu.sync_copy(ones_v, acc_sh.at[idx_v.at[j]], add=True)
            return 0

        lax.fori_loop(0, rpt, body, 0)
        plsc.subcore_barrier()

        def wloop(b, _):
            r0 = s * npt + b * ZB
            pltpu.sync_copy(acc_sh.at[pl.ds(r0, ZB)], zb_v)
            pltpu.sync_copy(zb_v, out_hbm.at[c, pl.ds(r0, ZB)])
            return 0

        lax.fori_loop(0, npt // ZB, wloop, 0)

    return k


def _sc_agg(n, np_, ep, d, mode="full"):
    rows = ep // EK
    rpt = rows // NW
    nph = 2
    cpp = rpt // nph
    npt = np_ // NS

    @functools.partial(
        pl.kernel,
        mesh=_vsc_mesh(),
        out_type=jax.ShapeDtypeStruct((NC, np_, d), jnp.float32),
        scratch_types=[
            pltpu.VMEM((cpp, EK), jnp.int32),
            pltpu.VMEM((cpp, EK), jnp.int32),
            pltpu.VMEM((2, EK, d), jnp.float32),
            pltpu.VMEM_SHARED((np_, d), jnp.float32),
            pltpu.SemaphoreType.DMA,
            pltpu.SemaphoreType.DMA,
        ],
    )
    def k(hs_hbm, src_hbm, dst_hbm, z_hbm, out_hbm, sidx, didx, rb, acc_sh,
          sem0, sem1):
        c = lax.axis_index("c")
        s = lax.axis_index("s")
        w = c * NS + s

        pltpu.sync_copy(z_hbm, rb.at[0])

        def zloop(b, _):
            pltpu.sync_copy(rb.at[0], acc_sh.at[pl.ds(s * npt + b * ZB, ZB)])
            return 0

        lax.fori_loop(0, npt // ZB, zloop, 0)
        plsc.subcore_barrier()

        for p in range(nph):
            r0 = w * rpt + p * cpp
            pltpu.sync_copy(src_hbm.at[pl.ds(r0, cpp)], sidx)
            pltpu.sync_copy(dst_hbm.at[pl.ds(r0, cpp)], didx)

            if mode == "scatter":
                def body_s(j, _):
                    pltpu.sync_copy(rb.at[0], acc_sh.at[didx.at[2 * j]],
                                    add=True)
                    pltpu.sync_copy(rb.at[1], acc_sh.at[didx.at[2 * j + 1]],
                                    add=True)
                    return 0

                lax.fori_loop(0, cpp // 2, body_s, 0)
            elif mode == "gather":
                pltpu.async_copy(hs_hbm.at[sidx.at[0]], rb.at[0], sem0)

                def body_g(j, _):
                    pltpu.async_copy(hs_hbm.at[sidx.at[2 * j + 1]], rb.at[1],
                                     sem1)
                    pltpu.make_async_copy(
                        hs_hbm.at[sidx.at[2 * j]], rb.at[0], sem0).wait()

                    @pl.when(j < cpp // 2 - 1)
                    def _():
                        pltpu.async_copy(
                            hs_hbm.at[sidx.at[2 * j + 2]], rb.at[0], sem0)

                    pltpu.make_async_copy(
                        hs_hbm.at[sidx.at[2 * j + 1]], rb.at[1], sem1).wait()
                    return 0

                lax.fori_loop(0, cpp // 2, body_g, 0)
            else:
                pltpu.async_copy(hs_hbm.at[sidx.at[0]], rb.at[0], sem0)

                def body(j, _):
                    pltpu.async_copy(hs_hbm.at[sidx.at[2 * j + 1]], rb.at[1],
                                     sem1)
                    pltpu.make_async_copy(
                        hs_hbm.at[sidx.at[2 * j]], rb.at[0], sem0).wait()
                    pltpu.sync_copy(rb.at[0], acc_sh.at[didx.at[2 * j]],
                                    add=True)

                    @pl.when(j < cpp // 2 - 1)
                    def _():
                        pltpu.async_copy(
                            hs_hbm.at[sidx.at[2 * j + 2]], rb.at[0], sem0)

                    pltpu.make_async_copy(
                        hs_hbm.at[sidx.at[2 * j + 1]], rb.at[1], sem1).wait()
                    pltpu.sync_copy(rb.at[1], acc_sh.at[didx.at[2 * j + 1]],
                                    add=True)
                    return 0

                lax.fori_loop(0, cpp // 2, body, 0)

        plsc.subcore_barrier()

        def wloop(b, _):
            r0 = s * npt + b * ZB
            pltpu.sync_copy(acc_sh.at[pl.ds(r0, ZB)], rb.at[0])
            pltpu.sync_copy(rb.at[0], out_hbm.at[c, pl.ds(r0, ZB)])
            return 0

        lax.fori_loop(0, npt // ZB, wloop, 0)

    return k


def _dinv_from(degp_ref):
    deg = 1.0 + degp_ref[0, :, 0] + degp_ref[1, :, 0]
    return lax.rsqrt(deg)


def _tc_first(n, d, r):
    def body(x_ref, w_ref, degp_ref, hs_ref):
        dinv = _dinv_from(degp_ref)
        h = jnp.dot(x_ref[...], w_ref[...], preferred_element_type=jnp.float32)
        hs_ref[...] = h * dinv[:, None]

    return pl.pallas_call(
        body,
        grid=(n // r,),
        in_specs=[
            pl.BlockSpec((r, d), lambda i: (i, 0)),
            pl.BlockSpec((d, d), lambda i: (0, 0)),
            pl.BlockSpec((2, r, DEGW), lambda i: (0, i, 0)),
        ],
        out_specs=pl.BlockSpec((r, d), lambda i: (i, 0)),
        out_shape=jax.ShapeDtypeStruct((n, d), jnp.float32),
    )


def _tc_mid(n, d, r, relu):
    def body(aggp_ref, hsp_ref, b_ref, degp_ref, w_ref, out_ref):
        dinv = _dinv_from(degp_ref)
        t = (aggp_ref[0] + aggp_ref[1] + hsp_ref[...]) * dinv[:, None] + b_ref[...]
        if relu:
            t = jnp.maximum(t, 0.0)
        h = jnp.dot(t, w_ref[...], preferred_element_type=jnp.float32)
        out_ref[...] = h * dinv[:, None]

    return pl.pallas_call(
        body,
        grid=(n // r,),
        in_specs=[
            pl.BlockSpec((2, r, d), lambda i: (0, i, 0)),
            pl.BlockSpec((r, d), lambda i: (i, 0)),
            pl.BlockSpec((1, d), lambda i: (0, 0)),
            pl.BlockSpec((2, r, DEGW), lambda i: (0, i, 0)),
            pl.BlockSpec((d, d), lambda i: (0, 0)),
        ],
        out_specs=pl.BlockSpec((r, d), lambda i: (i, 0)),
        out_shape=jax.ShapeDtypeStruct((n, d), jnp.float32),
    )


def _tc_last(n, d, r):
    def body(aggp_ref, hsp_ref, degp_ref, out_ref):
        dinv = _dinv_from(degp_ref)
        out_ref[...] = (aggp_ref[0] + aggp_ref[1] + hsp_ref[...]) * dinv[:, None]

    return pl.pallas_call(
        body,
        grid=(n // r,),
        in_specs=[
            pl.BlockSpec((2, r, d), lambda i: (0, i, 0)),
            pl.BlockSpec((r, d), lambda i: (i, 0)),
            pl.BlockSpec((2, r, DEGW), lambda i: (0, i, 0)),
        ],
        out_specs=pl.BlockSpec((r, d), lambda i: (i, 0)),
        out_shape=jax.ShapeDtypeStruct((n, d), jnp.float32),
    )


def kernel(x, edge_index, W_in, b_in, W_h0, b_h0, W_h1, b_h1, W_out):
    n, d = x.shape
    e = edge_index.shape[1]
    r = 1000

    np_ = _pad_up(n + 1, NS * ZB)
    ep = _pad_up(e, NW * EK * 8)

    pad = ep - e
    pad_src = (jnp.arange(pad, dtype=edge_index.dtype) * 131) % n
    srcp = jnp.concatenate(
        [edge_index[0], pad_src]).reshape(ep // EK, EK)
    dstp = jnp.concatenate(
        [edge_index[1], jnp.full((pad,), n, edge_index.dtype)]).reshape(ep // EK, EK)

    zeros_rd = jnp.zeros((EK, d), jnp.float32)

    degp = _sc_deg(np_, ep)(dstp)
    agg_full = _sc_agg(n, np_, ep, d, "full")

    def agg(hs, sp, dp):
        return agg_full(hs, sp, dp, zeros_rd)
    first = _tc_first(n, d, r)
    mid_nr = _tc_mid(n, d, r, relu=False)
    mid_re = _tc_mid(n, d, r, relu=True)
    last = _tc_last(n, d, r)

    b2_in = b_in.reshape(1, d)
    b2_h0 = b_h0.reshape(1, d)
    b2_h1 = b_h1.reshape(1, d)

    hs0 = first(x, W_in, degp)
    a0 = agg(hs0, srcp, dstp)
    hs1 = mid_nr(a0, hs0, b2_in, degp, W_h0)
    a1 = agg(hs1, srcp, dstp)
    hs2 = mid_re(a1, hs1, b2_h0, degp, W_h1)
    a2 = agg(hs2, srcp, dstp)
    hs3 = mid_re(a2, hs2, b2_h1, degp, W_out)
    a3 = agg(hs3, srcp, dstp)
    return last(a3, hs3, degp)

# --- scband reference (transcript-rebuilt; emitter-appended) ---
"""Pipeline reference for scband-gcn-73091753443469 (READ-ONLY COPY).

The authoritative reference and input builder live on the scoring server;
editing this copy changes nothing except your own understanding.
"""

import jax, jax.numpy as jnp
import numpy as np

N = 10000
E = 320000
D = 128


def gcn_conv(x, src, dst, W, b):
    # PyG-style GCNConv: linear transform, add self-loops, symmetric deg^-1/2 norm, scatter-add
    n = x.shape[0]
    h = x @ W
    loop = jnp.arange(n, dtype=src.dtype)
    s = jnp.concatenate([src, loop])
    d = jnp.concatenate([dst, loop])
    deg = jnp.zeros((n,), h.dtype).at[d].add(1.0)
    dinv = jnp.where(deg > 0, 1.0 / jnp.sqrt(deg), 0.0)
    norm = dinv[s] * dinv[d]
    out = jnp.zeros_like(h).at[d].add(h[s] * norm[:, None])
    if b is not None:
        out = out + b
    return out


def setup_inputs(seed: int = 0):
    key = jax.random.key(seed)
    ks = jax.random.split(key, 10)
    x = jax.random.normal(ks[0], (N, D), dtype=jnp.float32)
    edge_index = jax.random.randint(ks[1], (2, E), 0, N, dtype=jnp.int32)
    scale = 1.0 / np.sqrt(D)
    W_in = jax.random.normal(ks[2], (D, D), dtype=jnp.float32) * scale
    b_in = jnp.zeros((D,), jnp.float32)
    W_h0 = jax.random.normal(ks[3], (D, D), dtype=jnp.float32) * scale
    b_h0 = jnp.zeros((D,), jnp.float32)
    W_h1 = jax.random.normal(ks[4], (D, D), dtype=jnp.float32) * scale
    b_h1 = jnp.zeros((D,), jnp.float32)
    W_out = jax.random.normal(ks[5], (D, D), dtype=jnp.float32) * scale
    return {"x": x, "edge_index": edge_index, "W_in": W_in, "b_in": b_in,
            "W_h0": W_h0, "b_h0": b_h0, "W_h1": W_h1, "b_h1": b_h1, "W_out": W_out}


def reference(x, edge_index, W_in, b_in, W_h0, b_h0, W_h1, b_h1, W_out):
    src = edge_index[0]
    dst = edge_index[1]
    h = gcn_conv(x, src, dst, W_in, b_in)            # input layer (no relu)
    h = jax.nn.relu(gcn_conv(h, src, dst, W_h0, b_h0))  # hidden layer 0 + relu
    h = jax.nn.relu(gcn_conv(h, src, dst, W_h1, b_h1))  # hidden layer 1 + relu
    return gcn_conv(h, src, dst, W_out, None)        # output layer, bias=False

if __name__ == "__main__":
    import jax
    _d = setup_inputs()
    print(jax.jit(kernel)(*tuple(_d.values())))

</pallas_src>

<mosaic_0001>
#map = affine_map<(d0, d1) -> (0, 0)>
#map1 = affine_map<(d0, d1) -> (0, 0, 0)>
module attributes {stable_mosaic.version = 14 : i64} {
  func.func @k(%arg0: i32, %arg1: i32, %arg2: memref<10000x128xf32, #tpu.memory_space<hbm>>, %arg3: memref<2560x128xi32, #tpu.memory_space<hbm>>, %arg4: memref<2560x128xi32, #tpu.memory_space<hbm>>, %arg5: memref<128x128xf32, #tpu.memory_space<hbm>>, %arg6: memref<2x10240x128xf32, #tpu.memory_space<hbm>>, %arg7: memref<40x128xi32, #tpu.memory_space<vmem>>, %arg8: memref<40x128xi32, #tpu.memory_space<vmem>>, %arg9: memref<2x128x128xf32, #tpu.memory_space<vmem>>, %arg10: memref<10240x128xf32, #tpu.memory_space<vmem_shared>>, %arg11: memref<!tpu.dma_semaphore, #tpu.memory_space<semaphore_mem>>, %arg12: memref<!tpu.dma_semaphore, #tpu.memory_space<semaphore_mem>>) attributes {dimension_semantics = [#tpu.dimension_semantics<core_parallel>, #tpu.dimension_semantics<subcore_parallel>], iteration_bounds = array<i64: 2, 16>, scalar_prefetch = 0 : i64, scratch_operands = 6 : i64, tpu.core_type = #tpu.core_type<sc_vector_subcore>, window_params = [{transform_indices = #map}, {transform_indices = #map}, {transform_indices = #map}, {transform_indices = #map}, {transform_indices = #map1}]} {
    %mul3A = arith.constant 16 : i32
    %mul3A_0 = arith.muli %arg0, %mul3A : i32
    %add3A = arith.addi %mul3A_0, %arg1 : i32
    %run_scoped3A = arith.constant 0 : i32
    "tpu.region"() ({
      %run_scoped3A_60 = tpu.sem_alloc : memref<!tpu.dma_semaphore, #tpu.memory_space<semaphore_mem>>
      %dma_start3A_61 = arith.constant 0 : i32
      %dma_start3A_62 = arith.constant 0 : i32
      %dma_start3A_63 = tpu.memref_slice %arg9[%run_scoped3A, %dma_start3A_61, %dma_start3A_62] : memref<2x128x128xf32, #tpu.memory_space<vmem>> -> memref<1x128x128xf32, #tpu.memory_space<vmem>>
      %dma_start3A_64 = tpu.memref_squeeze %dma_start3A_63 : memref<1x128x128xf32, #tpu.memory_space<vmem>> -> memref<128x128xf32, #tpu.memory_space<vmem>>
      %dma_start3A_65 = arith.constant 0 : i32
      %dma_start3A_66 = arith.constant 0 : i32
      %dma_start3A_67 = tpu.memref_slice %arg9[%run_scoped3A, %dma_start3A_65, %dma_start3A_66] : memref<2x128x128xf32, #tpu.memory_space<vmem>> -> memref<1x128x128xf32, #tpu.memory_space<vmem>>
      %dma_start3A_68 = tpu.memref_squeeze %dma_start3A_67 : memref<1x128x128xf32, #tpu.memory_space<vmem>> -> memref<128x128xf32, #tpu.memory_space<vmem>>
      tpu.enqueue_dma source(%arg5 : memref<128x128xf32, #tpu.memory_space<hbm>>) target(%dma_start3A_68 : memref<128x128xf32, #tpu.memory_space<vmem>>) target_semaphore(%run_scoped3A_60 : memref<!tpu.dma_semaphore, #tpu.memory_space<semaphore_mem>>)
      %dma_wait3A = arith.constant 0 : i32
      %dma_wait3A_69 = arith.constant 0 : i32
      %dma_wait3A_70 = tpu.memref_slice %arg9[%run_scoped3A, %dma_wait3A, %dma_wait3A_69] : memref<2x128x128xf32, #tpu.memory_space<vmem>> -> memref<1x128x128xf32, #tpu.memory_space<vmem>>
      %dma_wait3A_71 = tpu.memref_squeeze %dma_wait3A_70 : memref<1x128x128xf32, #tpu.memory_space<vmem>> -> memref<128x128xf32, #tpu.memory_space<vmem>>
      %dma_wait3A_72 = arith.constant 0 : i32
      %dma_wait3A_73 = arith.constant 0 : i32
      %dma_wait3A_74 = tpu.memref_slice %arg9[%run_scoped3A, %dma_wait3A_72, %dma_wait3A_73] : memref<2x128x128xf32, #tpu.memory_space<vmem>> -> memref<1x128x128xf32, #tpu.memory_space<vmem>>
      %dma_wait3A_75 = tpu.memref_squeeze %dma_wait3A_74 : memref<1x128x128xf32, #tpu.memory_space<vmem>> -> memref<128x128xf32, #tpu.memory_space<vmem>>
      tpu.wait_dma2 semaphore(%run_scoped3A_60 : memref<!tpu.dma_semaphore, #tpu.memory_space<semaphore_mem>>) src(%arg5 : memref<128x128xf32, #tpu.memory_space<hbm>>) dst(%dma_wait3A_75 : memref<128x128xf32, #tpu.memory_space<vmem>>)
      tpu.yield
    }) : () -> ()
    %scan3A = arith.constant 0 : i32
    %scan3A_1 = arith.constant 0 : i32
    %scan3A_2 = arith.constant 5 : i32
    %scan3A_3 = arith.addi %scan3A_1, %scan3A_2 : i32
    %scan3A_4 = arith.constant 1 : i32
    %scan3A_5 = scf.for %scan3A_60 = %scan3A_1 to %scan3A_3 step %scan3A_4 iter_args(%scan3A_61 = %scan3A) -> (i32)  : i32 {
      %mul3A_62 = arith.constant 640 : i32
      %mul3A_63 = arith.muli %arg1, %mul3A_62 : i32
      %mul3A_64 = arith.constant 128 : i32
      %mul3A_65 = arith.muli %scan3A_60, %mul3A_64 : i32
      %add3A_66 = arith.addi %mul3A_63, %mul3A_65 : i32
      %run_scoped3A_67 = arith.constant 0 : i32
      "tpu.region"() ({
        %run_scoped3A_69 = tpu.sem_alloc : memref<!tpu.dma_semaphore, #tpu.memory_space<semaphore_mem>>
        %dma_start3A_70 = arith.constant 0 : i32
        %dma_start3A_71 = arith.constant 0 : i32
        %dma_start3A_72 = tpu.memref_slice %arg9[%run_scoped3A_67, %dma_start3A_70, %dma_start3A_71] : memref<2x128x128xf32, #tpu.memory_space<vmem>> -> memref<1x128x128xf32, #tpu.memory_space<vmem>>
        %dma_start3A_73 = tpu.memref_squeeze %dma_start3A_72 : memref<1x128x128xf32, #tpu.memory_space<vmem>> -> memref<128x128xf32, #tpu.memory_space<vmem>>
        %dma_start3A_74 = arith.constant 0 : i32
        %dma_start3A_75 = tpu.memref_slice %arg10[%add3A_66, %dma_start3A_74] : memref<10240x128xf32, #tpu.memory_space<vmem_shared>> -> memref<128x128xf32, #tpu.memory_space<vmem_shared>>
        %dma_start3A_76 = arith.constant 0 : i32
        %dma_start3A_77 = tpu.memref_slice %arg10[%add3A_66, %dma_start3A_76] : memref<10240x128xf32, #tpu.memory_space<vmem_shared>> -> memref<128x128xf32, #tpu.memory_space<vmem_shared>>
        %dma_start3A_78 = arith.constant 0 : i32
        %dma_start3A_79 = arith.constant 0 : i32
        %dma_start3A_80 = tpu.memref_slice %arg9[%run_scoped3A_67, %dma_start3A_78, %dma_start3A_79] : memref<2x128x128xf32, #tpu.memory_space<vmem>> -> memref<1x128x128xf32, #tpu.memory_space<vmem>>
        %dma_start3A_81 = tpu.memref_squeeze %dma_start3A_80 : memref<1x128x128xf32, #tpu.memory_space<vmem>> -> memref<128x128xf32, #tpu.memory_space<vmem>>
        tpu.enqueue_dma source(%dma_start3A_81 : memref<128x128xf32, #tpu.memory_space<vmem>>) target(%dma_start3A_77 : memref<128x128xf32, #tpu.memory_space<vmem_shared>>) target_semaphore(%run_scoped3A_69 : memref<!tpu.dma_semaphore, #tpu.memory_space<semaphore_mem>>)
        %dma_wait3A = arith.constant 0 : i32
        %dma_wait3A_82 = arith.constant 0 : i32
        %dma_wait3A_83 = tpu.memref_slice %arg9[%run_scoped3A_67, %dma_wait3A, %dma_wait3A_82] : memref<2x128x128xf32, #tpu.memory_space<vmem>> -> memref<1x128x128xf32, #tpu.memory_space<vmem>>
        %dma_wait3A_84 = tpu.memref_squeeze %dma_wait3A_83 : memref<1x128x128xf32, #tpu.memory_space<vmem>> -> memref<128x128xf32, #tpu.memory_space<vmem>>
        %dma_wait3A_85 = arith.constant 0 : i32
        %dma_wait3A_86 = tpu.memref_slice %arg10[%add3A_66, %dma_wait3A_85] : memref<10240x128xf32, #tpu.memory_space<vmem_shared>> -> memref<128x128xf32, #tpu.memory_space<vmem_shared>>
        %dma_wait3A_87 = arith.constant 0 : i32
        %dma_wait3A_88 = tpu.memref_slice %arg10[%add3A_66, %dma_wait3A_87] : memref<10240x128xf32, #tpu.memory_space<vmem_shared>> -> memref<128x128xf32, #tpu.memory_space<vmem_shared>>
        %dma_wait3A_89 = arith.constant 0 : i32
        %dma_wait3A_90 = arith.constant 0 : i32
        %dma_wait3A_91 = tpu.memref_slice %arg9[%run_scoped3A_67, %dma_wait3A_89, %dma_wait3A_90] : memref<2x128x128xf32, #tpu.memory_space<vmem>> -> memref<1x128x128xf32, #tpu.memory_space<vmem>>
        %dma_wait3A_92 = tpu.memref_squeeze %dma_wait3A_91 : memref<1x128x128xf32, #tpu.memory_space<vmem>> -> memref<128x128xf32, #tpu.memory_space<vmem>>
        tpu.wait_dma2 semaphore(%run_scoped3A_69 : memref<!tpu.dma_semaphore, #tpu.memory_space<semaphore_mem>>) src(%dma_wait3A_92 : memref<128x128xf32, #tpu.memory_space<vmem>>) dst(%dma_wait3A_88 : memref<128x128xf32, #tpu.memory_space<vmem_shared>>)
        tpu.yield
      }) : () -> ()
      %scan3A_68 = arith.constant 0 : i32
      scf.yield %scan3A_68 : i32
    }
    %scan3A_6 = arith.constant 5 : i32
    %barrier3A = arith.constant 0 : index
    tpu.barrier barrier_id(%barrier3A)
    %mul3A_7 = arith.constant 80 : i32
    %mul3A_8 = arith.muli %add3A, %mul3A_7 : i32
    %add3A_9 = arith.constant 0 : i32
    %add3A_10 = arith.addi %mul3A_8, %add3A_9 : i32
    "tpu.region"() ({
      %run_scoped3A_60 = tpu.sem_alloc : memref<!tpu.dma_semaphore, #tpu.memory_space<semaphore_mem>>
      %dma_start3A_61 = arith.constant 0 : i32
      %dma_start3A_62 = tpu.memref_slice %arg3[%add3A_10, %dma_start3A_61] : memref<2560x128xi32, #tpu.memory_space<hbm>> -> memref<40x128xi32, #tpu.memory_space<hbm>>
      %dma_start3A_63 = arith.constant 0 : i32
      %dma_start3A_64 = tpu.memref_slice %arg3[%add3A_10, %dma_start3A_63] : memref<2560x128xi32, #tpu.memory_space<hbm>> -> memref<40x128xi32, #tpu.memory_space<hbm>>
      tpu.enqueue_dma source(%dma_start3A_64 : memref<40x128xi32, #tpu.memory_space<hbm>>) target(%arg7 : memref<40x128xi32, #tpu.memory_space<vmem>>) target_semaphore(%run_scoped3A_60 : memref<!tpu.dma_semaphore, #tpu.memory_space<semaphore_mem>>)
      %dma_wait3A = arith.constant 0 : i32
      %dma_wait3A_65 = tpu.memref_slice %arg3[%add3A_10, %dma_wait3A] : memref<2560x128xi32, #tpu.memory_space<hbm>> -> memref<40x128xi32, #tpu.memory_space<hbm>>
      %dma_wait3A_66 = arith.constant 0 : i32
      %dma_wait3A_67 = tpu.memref_slice %arg3[%add3A_10, %dma_wait3A_66] : memref<2560x128xi32, #tpu.memory_space<hbm>> -> memref<40x128xi32, #tpu.memory_space<hbm>>
      tpu.wait_dma2 semaphore(%run_scoped3A_60 : memref<!tpu.dma_semaphore, #tpu.memory_space<semaphore_mem>>) src(%dma_wait3A_67 : memref<40x128xi32, #tpu.memory_space<hbm>>) dst(%arg7 : memref<40x128xi32, #tpu.memory_space<vmem>>)
      tpu.yield
    }) : () -> ()
    "tpu.region"() ({
      %run_scoped3A_60 = tpu.sem_alloc : memref<!tpu.dma_semaphore, #tpu.memory_space<semaphore_mem>>
      %dma_start3A_61 = arith.constant 0 : i32
      %dma_start3A_62 = tpu.memref_slice %arg4[%add3A_10, %dma_start3A_61] : memref<2560x128xi32, #tpu.memory_space<hbm>> -> memref<40x128xi32, #tpu.memory_space<hbm>>
      %dma_start3A_63 = arith.constant 0 : i32
      %dma_start3A_64 = tpu.memref_slice %arg4[%add3A_10, %dma_start3A_63] : memref<2560x128xi32, #tpu.memory_space<hbm>> -> memref<40x128xi32, #tpu.memory_space<hbm>>
      tpu.enqueue_dma source(%dma_start3A_64 : memref<40x128xi32, #tpu.memory_space<hbm>>) target(%arg8 : memref<40x128xi32, #tpu.memory_space<vmem>>) target_semaphore(%run_scoped3A_60 : memref<!tpu.dma_semaphore, #tpu.memory_space<semaphore_mem>>)
      %dma_wait3A = arith.constant 0 : i32
      %dma_wait3A_65 = tpu.memref_slice %arg4[%add3A_10, %dma_wait3A] : memref<2560x128xi32, #tpu.memory_space<hbm>> -> memref<40x128xi32, #tpu.memory_space<hbm>>
      %dma_wait3A_66 = arith.constant 0 : i32
      %dma_wait3A_67 = tpu.memref_slice %arg4[%add3A_10, %dma_wait3A_66] : memref<2560x128xi32, #tpu.memory_space<hbm>> -> memref<40x128xi32, #tpu.memory_space<hbm>>
      tpu.wait_dma2 semaphore(%run_scoped3A_60 : memref<!tpu.dma_semaphore, #tpu.memory_space<semaphore_mem>>) src(%dma_wait3A_67 : memref<40x128xi32, #tpu.memory_space<hbm>>) dst(%arg8 : memref<40x128xi32, #tpu.memory_space<vmem>>)
      tpu.yield
    }) : () -> ()
    %dma_start3A = arith.constant 0 : i32
    %dma_start3A_11 = arith.constant 0 : i32
    %dma_start3A_12 = arith.constant 0 : i32
    %dma_start3A_13 = arith.constant 0 : i32
    %dma_start3A_14 = tpu.memref_slice %arg9[%dma_start3A_11, %dma_start3A_12, %dma_start3A_13] : memref<2x128x128xf32, #tpu.memory_space<vmem>> -> memref<1x128x128xf32, #tpu.memory_space<vmem>>
    %dma_start3A_15 = tpu.memref_squeeze %dma_start3A_14 : memref<1x128x128xf32, #tpu.memory_space<vmem>> -> memref<128x128xf32, #tpu.memory_space<vmem>>
    %dma_start3A_16 = arith.constant 0 : i32
    %dma_start3A_17 = tpu.memref_slice %arg7[%dma_start3A, %dma_start3A_16] : memref<40x128xi32, #tpu.memory_space<vmem>> -> memref<1x128xi32, #tpu.memory_space<vmem>>
    %dma_start3A_18 = tpu.memref_squeeze %dma_start3A_17 : memref<1x128xi32, #tpu.memory_space<vmem>> -> memref<128xi32, #tpu.memory_space<vmem>>
    %dma_start3A_19 = arith.constant 0 : i32
    %dma_start3A_20 = arith.constant 0 : i32
    %dma_start3A_21 = tpu.memref_slice %arg2[%dma_start3A_19, %dma_start3A_20] : memref<10000x128xf32, #tpu.memory_space<hbm>> -> memref<10000x128xf32, #tpu.memory_space<hbm>>
    tpu.enqueue_indirect_dma source(%dma_start3A_21 : memref<10000x128xf32, #tpu.memory_space<hbm>>) target(%dma_start3A_15 : memref<128x128xf32, #tpu.memory_space<vmem>>) offsets(%dma_start3A_18 : memref<128xi32, #tpu.memory_space<vmem>>) semaphore(%arg11 : memref<!tpu.dma_semaphore, #tpu.memory_space<semaphore_mem>>)
    %scan3A_22 = arith.constant 0 : i32
    %scan3A_23 = arith.constant 0 : i32
    %scan3A_24 = arith.constant 20 : i32
    %scan3A_25 = arith.addi %scan3A_23, %scan3A_24 : i32
    %scan3A_26 = arith.constant 1 : i32
    %scan3A_27 = scf.for %scan3A_60 = %scan3A_23 to %scan3A_25 step %scan3A_26 iter_args(%scan3A_61 = %scan3A_22) -> (i32)  : i32 {
      %mul3A_62 = arith.constant 2 : i32
      %mul3A_63 = arith.muli %mul3A_62, %scan3A_60 : i32
      %add3A_64 = arith.constant 1 : i32
      %add3A_65 = arith.addi %mul3A_63, %add3A_64 : i32
      %dma_start3A_66 = arith.constant 1 : i32
      %dma_start3A_67 = arith.constant 0 : i32
      %dma_start3A_68 = arith.constant 0 : i32
      %dma_start3A_69 = tpu.memref_slice %arg9[%dma_start3A_66, %dma_start3A_67, %dma_start3A_68] : memref<2x128x128xf32, #tpu.memory_space<vmem>> -> memref<1x128x128xf32, #tpu.memory_space<vmem>>
      %dma_start3A_70 = tpu.memref_squeeze %dma_start3A_69 : memref<1x128x128xf32, #tpu.memory_space<vmem>> -> memref<128x128xf32, #tpu.memory_space<vmem>>
      %dma_start3A_71 = arith.constant 0 : i32
      %dma_start3A_72 = tpu.memref_slice %arg7[%add3A_65, %dma_start3A_71] : memref<40x128xi32, #tpu.memory_space<vmem>> -> memref<1x128xi32, #tpu.memory_space<vmem>>
      %dma_start3A_73 = tpu.memref_squeeze %dma_start3A_72 : memref<1x128xi32, #tpu.memory_space<vmem>> -> memref<128xi32, #tpu.memory_space<vmem>>
      %dma_start3A_74 = arith.constant 0 : i32
      %dma_start3A_75 = arith.constant 0 : i32
      %dma_start3A_76 = tpu.memref_slice %arg2[%dma_start3A_74, %dma_start3A_75] : memref<10000x128xf32, #tpu.memory_space<hbm>> -> memref<10000x128xf32, #tpu.memory_space<hbm>>
      tpu.enqueue_indirect_dma source(%dma_start3A_76 : memref<10000x128xf32, #tpu.memory_space<hbm>>) target(%dma_start3A_70 : memref<128x128xf32, #tpu.memory_space<vmem>>) offsets(%dma_start3A_73 : memref<128xi32, #tpu.memory_space<vmem>>) semaphore(%arg12 : memref<!tpu.dma_semaphore, #tpu.memory_space<semaphore_mem>>)
      %mul3A_77 = arith.constant 2 : i32
      %mul3A_78 = arith.muli %mul3A_77, %scan3A_60 : i32
      %dma_wait3A = arith.constant 0 : i32
      %dma_wait3A_79 = arith.constant 0 : i32
      %dma_wait3A_80 = arith.constant 0 : i32
      %dma_wait3A_81 = tpu.memref_slice %arg9[%dma_wait3A, %dma_wait3A_79, %dma_wait3A_80] : memref<2x128x128xf32, #tpu.memory_space<vmem>> -> memref<1x128x128xf32, #tpu.memory_space<vmem>>
      %dma_wait3A_82 = tpu.memref_squeeze %dma_wait3A_81 : memref<1x128x128xf32, #tpu.memory_space<vmem>> -> memref<128x128xf32, #tpu.memory_space<vmem>>
      %dma_wait3A_83 = arith.constant 0 : i32
      %dma_wait3A_84 = tpu.memref_slice %arg7[%mul3A_78, %dma_wait3A_83] : memref<40x128xi32, #tpu.memory_space<vmem>> -> memref<1x128xi32, #tpu.memory_space<vmem>>
      %dma_wait3A_85 = tpu.memref_squeeze %dma_wait3A_84 : memref<1x128xi32, #tpu.memory_space<vmem>> -> memref<128xi32, #tpu.memory_space<vmem>>
      %dma_wait3A_86 = arith.constant 0 : i32
      %dma_wait3A_87 = arith.constant 0 : i32
      %dma_wait3A_88 = tpu.memref_slice %arg2[%dma_wait3A_86, %dma_wait3A_87] : memref<10000x128xf32, #tpu.memory_space<hbm>> -> memref<10000x128xf32, #tpu.memory_space<hbm>>
      tpu.wait_indirect_dma semaphore(%arg11 : memref<!tpu.dma_semaphore, #tpu.memory_space<semaphore_mem>>) src(%dma_wait3A_88 : memref<10000x128xf32, #tpu.memory_space<hbm>>) dst(%dma_wait3A_82 : memref<128x128xf32, #tpu.memory_space<vmem>>)
      %mul3A_89 = arith.constant 2 : i32
      %mul3A_90 = arith.muli %mul3A_89, %scan3A_60 : i32
      %run_scoped3A_91 = arith.constant 0 : i32
      "tpu.region"() ({
        %run_scoped3A_115 = tpu.sem_alloc : memref<!tpu.dma_semaphore, #tpu.memory_space<semaphore_mem>>
        %dma_start3A_116 = arith.constant 0 : i32
        %dma_start3A_117 = arith.constant 0 : i32
        %dma_start3A_118 = tpu.memref_slice %arg9[%run_scoped3A_91, %dma_start3A_116, %dma_start3A_117] : memref<2x128x128xf32, #tpu.memory_space<vmem>> -> memref<1x128x128xf32, #tpu.memory_space<vmem>>
        %dma_start3A_119 = tpu.memref_squeeze %dma_start3A_118 : memref<1x128x128xf32, #tpu.memory_space<vmem>> -> memref<128x128xf32, #tpu.memory_space<vmem>>
        %dma_start3A_120 = arith.constant 0 : i32
        %dma_start3A_121 = tpu.memref_slice %arg8[%mul3A_90, %dma_start3A_120] : memref<40x128xi32, #tpu.memory_space<vmem>> -> memref<1x128xi32, #tpu.memory_space<vmem>>
        %dma_start3A_122 = tpu.memref_squeeze %dma_start3A_121 : memref<1x128xi32, #tpu.memory_space<vmem>> -> memref<128xi32, #tpu.memory_space<vmem>>
        %dma_start3A_123 = arith.constant 0 : i32
        %dma_start3A_124 = arith.constant 0 : i32
        %dma_start3A_125 = tpu.memref_slice %arg10[%dma_start3A_123, %dma_start3A_124] : memref<10240x128xf32, #tpu.memory_space<vmem_shared>> -> memref<10240x128xf32, #tpu.memory_space<vmem_shared>>
        tpu.enqueue_indirect_dma source(%dma_start3A_119 : memref<128x128xf32, #tpu.memory_space<vmem>>) target(%dma_start3A_125 : memref<10240x128xf32, #tpu.memory_space<vmem_shared>>) offsets(%dma_start3A_122 : memref<128xi32, #tpu.memory_space<vmem>>) semaphore(%run_scoped3A_115 : memref<!tpu.dma_semaphore, #tpu.memory_space<semaphore_mem>>) {add = true}
        %dma_wait3A_126 = arith.constant 0 : i32
        %dma_wait3A_127 = arith.constant 0 : i32
        %dma_wait3A_128 = tpu.memref_slice %arg9[%run_scoped3A_91, %dma_wait3A_126, %dma_wait3A_127] : memref<2x128x128xf32, #tpu.memory_space<vmem>> -> memref<1x128x128xf32, #tpu.memory_space<vmem>>
        %dma_wait3A_129 = tpu.memref_squeeze %dma_wait3A_128 : memref<1x128x128xf32, #tpu.memory_space<vmem>> -> memref<128x128xf32, #tpu.memory_space<vmem>>
        %dma_wait3A_130 = arith.constant 0 : i32
        %dma_wait3A_131 = tpu.memref_slice %arg8[%mul3A_90, %dma_wait3A_130] : memref<40x128xi32, #tpu.memory_space<vmem>> -> memref<1x128xi32, #tpu.memory_space<vmem>>
        %dma_wait3A_132 = tpu.memref_squeeze %dma_wait3A_131 : memref<1x128xi32, #tpu.memory_space<vmem>> -> memref<128xi32, #tpu.memory_space<vmem>>
        %dma_wait3A_133 = arith.constant 0 : i32
        %dma_wait3A_134 = arith.constant 0 : i32
        %dma_wait3A_135 = tpu.memref_slice %arg10[%dma_wait3A_133, %dma_wait3A_134] : memref<10240x128xf32, #tpu.memory_space<vmem_shared>> -> memref<10240x128xf32, #tpu.memory_space<vmem_shared>>
        tpu.wait_indirect_dma semaphore(%run_scoped3A_115 : memref<!tpu.dma_semaphore, #tpu.memory_space<semaphore_mem>>) src(%dma_wait3A_129 : memref<128x128xf32, #tpu.memory_space<vmem>>) dst(%dma_wait3A_135 : memref<10240x128xf32, #tpu.memory_space<vmem_shared>>)
        tpu.yield
      }) : () -> ()
      %lt3A = arith.constant 19 : i32
      %lt3A_92 = arith.cmpi slt, %scan3A_60, %lt3A : i32
      %convert_element_type3A = arith.extui %lt3A_92 : i1 to i32
      %cond3A = arith.constant 0 : i32
      %cond3A_93 = arith.cmpi ne, %convert_element_type3A, %cond3A : i32
      scf.if %cond3A_93 {
        %mul3A_115 = arith.constant 2 : i32
        %mul3A_116 = arith.muli %mul3A_115, %scan3A_60 : i32
        %add3A_117 = arith.constant 2 : i32
        %add3A_118 = arith.addi %mul3A_116, %add3A_117 : i32
        %dma_start3A_119 = arith.constant 0 : i32
        %dma_start3A_120 = arith.constant 0 : i32
        %dma_start3A_121 = arith.constant 0 : i32
        %dma_start3A_122 = tpu.memref_slice %arg9[%dma_start3A_119, %dma_start3A_120, %dma_start3A_121] : memref<2x128x128xf32, #tpu.memory_space<vmem>> -> memref<1x128x128xf32, #tpu.memory_space<vmem>>
        %dma_start3A_123 = tpu.memref_squeeze %dma_start3A_122 : memref<1x128x128xf32, #tpu.memory_space<vmem>> -> memref<128x128xf32, #tpu.memory_space<vmem>>
        %dma_start3A_124 = arith.constant 0 : i32
        %dma_start3A_125 = tpu.memref_slice %arg7[%add3A_118, %dma_start3A_124] : memref<40x128xi32, #tpu.memory_space<vmem>> -> memref<1x128xi32, #tpu.memory_space<vmem>>
        %dma_start3A_126 = tpu.memref_squeeze %dma_start3A_125 : memref<1x128xi32, #tpu.memory_space<vmem>> -> memref<128xi32, #tpu.memory_space<vmem>>
        %dma_start3A_127 = arith.constant 0 : i32
        %dma_start3A_128 = arith.constant 0 : i32
        %dma_start3A_129 = tpu.memref_slice %arg2[%dma_start3A_127, %dma_start3A_128] : memref<10000x128xf32, #tpu.memory_space<hbm>> -> memref<10000x128xf32, #tpu.memory_space<hbm>>
        tpu.enqueue_indirect_dma source(%dma_start3A_129 : memref<10000x128xf32, #tpu.memory_space<hbm>>) target(%dma_start3A_123 : memref<128x128xf32, #tpu.memory_space<vmem>>) offsets(%dma_start3A_126 : memref<128xi32, #tpu.memory_space<vmem>>) semaphore(%arg11 : memref<!tpu.dma_semaphore, #tpu.memory_space<semaphore_mem>>)
      } else {
      }
      %mul3A_94 = arith.constant 2 : i32
      %mul3A_95 = arith.muli %mul3A_94, %scan3A_60 : i32
      %add3A_96 = arith.constant 1 : i32
      %add3A_97 = arith.addi %mul3A_95, %add3A_96 : i32
      %dma_wait3A_98 = arith.constant 1 : i32
      %dma_wait3A_99 = arith.constant 0 : i32
      %dma_wait3A_100 = arith.constant 0 : i32
      %dma_wait3A_101 = tpu.memref_slice %arg9[%dma_wait3A_98, %dma_wait3A_99, %dma_wait3A_100] : memref<2x128x128xf32, #tpu.memory_space<vmem>> -> memref<1x128x128xf32, #tpu.memory_space<vmem>>
      %dma_wait3A_102 = tpu.memref_squeeze %dma_wait3A_101 : memref<1x128x128xf32, #tpu.memory_space<vmem>> -> memref<128x128xf32, #tpu.memory_space<vmem>>
      %dma_wait3A_103 = arith.constant 0 : i32
      %dma_wait3A_104 = tpu.memref_slice %arg7[%add3A_97, %dma_wait3A_103] : memref<40x128xi32, #tpu.memory_space<vmem>> -> memref<1x128xi32, #tpu.memory_space<vmem>>
      %dma_wait3A_105 = tpu.memref_squeeze %dma_wait3A_104 : memref<1x128xi32, #tpu.memory_space<vmem>> -> memref<128xi32, #tpu.memory_space<vmem>>
      %dma_wait3A_106 = arith.constant 0 : i32
      %dma_wait3A_107 = arith.constant 0 : i32
      %dma_wait3A_108 = tpu.memref_slice %arg2[%dma_wait3A_106, %dma_wait3A_107] : memref<10000x128xf32, #tpu.memory_space<hbm>> -> memref<10000x128xf32, #tpu.memory_space<hbm>>
      tpu.wait_indirect_dma semaphore(%arg12 : memref<!tpu.dma_semaphore, #tpu.memory_space<semaphore_mem>>) src(%dma_wait3A_108 : memref<10000x128xf32, #tpu.memory_space<hbm>>) dst(%dma_wait3A_102 : memref<128x128xf32, #tpu.memory_space<vmem>>)
      %mul3A_109 = arith.constant 2 : i32
      %mul3A_110 = arith.muli %mul3A_109, %scan3A_60 : i32
      %add3A_111 = arith.constant 1 : i32
      %add3A_112 = arith.addi %mul3A_110, %add3A_111 : i32
      %run_scoped3A_113 = arith.constant 1 : i32
      "tpu.region"() ({
        %run_scoped3A_115 = tpu.sem_alloc : memref<!tpu.dma_semaphore, #tpu.memory_space<semaphore_mem>>
        %dma_start3A_116 = arith.constant 0 : i32
        %dma_start3A_117 = arith.constant 0 : i32
        %dma_start3A_118 = tpu.memref_slice %arg9[%run_scoped3A_113, %dma_start3A_116, %dma_start3A_117] : memref<2x128x128xf32, #tpu.memory_space<vmem>> -> memref<1x128x128xf32, #tpu.memory_space<vmem>>
        %dma_start3A_119 = tpu.memref_squeeze %dma_start3A_118 : memref<1x128x128xf32, #tpu.memory_space<vmem>> -> memref<128x128xf32, #tpu.memory_space<vmem>>
        %dma_start3A_120 = arith.constant 0 : i32
        %dma_start3A_121 = tpu.memref_slice %arg8[%add3A_112, %dma_start3A_120] : memref<40x128xi32, #tpu.memory_space<vmem>> -> memref<1x128xi32, #tpu.memory_space<vmem>>
        %dma_start3A_122 = tpu.memref_squeeze %dma_start3A_121 : memref<1x128xi32, #tpu.memory_space<vmem>> -> memref<128xi32, #tpu.memory_space<vmem>>
        %dma_start3A_123 = arith.constant 0 : i32
        %dma_start3A_124 = arith.constant 0 : i32
        %dma_start3A_125 = tpu.memref_slice %arg10[%dma_start3A_123, %dma_start3A_124] : memref<10240x128xf32, #tpu.memory_space<vmem_shared>> -> memref<10240x128xf32, #tpu.memory_space<vmem_shared>>
        tpu.enqueue_indirect_dma source(%dma_start3A_119 : memref<128x128xf32, #tpu.memory_space<vmem>>) target(%dma_start3A_125 : memref<10240x128xf32, #tpu.memory_space<vmem_shared>>) offsets(%dma_start3A_122 : memref<128xi32, #tpu.memory_space<vmem>>) semaphore(%run_scoped3A_115 : memref<!tpu.dma_semaphore, #tpu.memory_space<semaphore_mem>>) {add = true}
        %dma_wait3A_126 = arith.constant 0 : i32
        %dma_wait3A_127 = arith.constant 0 : i32
        %dma_wait3A_128 = tpu.memref_slice %arg9[%run_scoped3A_113, %dma_wait3A_126, %dma_wait3A_127] : memref<2x128x128xf32, #tpu.memory_space<vmem>> -> memref<1x128x128xf32, #tpu.memory_space<vmem>>
        %dma_wait3A_129 = tpu.memref_squeeze %dma_wait3A_128 : memref<1x128x128xf32, #tpu.memory_space<vmem>> -> memref<128x128xf32, #tpu.memory_space<vmem>>
        %dma_wait3A_130 = arith.constant 0 : i32
        %dma_wait3A_131 = tpu.memref_slice %arg8[%add3A_112, %dma_wait3A_130] : memref<40x128xi32, #tpu.memory_space<vmem>> -> memref<1x128xi32, #tpu.memory_space<vmem>>
        %dma_wait3A_132 = tpu.memref_squeeze %dma_wait3A_131 : memref<1x128xi32, #tpu.memory_space<vmem>> -> memref<128xi32, #tpu.memory_space<vmem>>
        %dma_wait3A_133 = arith.constant 0 : i32
        %dma_wait3A_134 = arith.constant 0 : i32
        %dma_wait3A_135 = tpu.memref_slice %arg10[%dma_wait3A_133, %dma_wait3A_134] : memref<10240x128xf32, #tpu.memory_space<vmem_shared>> -> memref<10240x128xf32, #tpu.memory_space<vmem_shared>>
        tpu.wait_indirect_dma semaphore(%run_scoped3A_115 : memref<!tpu.dma_semaphore, #tpu.memory_space<semaphore_mem>>) src(%dma_wait3A_129 : memref<128x128xf32, #tpu.memory_space<vmem>>) dst(%dma_wait3A_135 : memref<10240x128xf32, #tpu.memory_space<vmem_shared>>)
        tpu.yield
      }) : () -> ()
      %scan3A_114 = arith.constant 0 : i32
      scf.yield %scan3A_114 : i32
    }
    %scan3A_28 = arith.constant 20 : i32
    %mul3A_29 = arith.constant 80 : i32
    %mul3A_30 = arith.muli %add3A, %mul3A_29 : i32
    %add3A_31 = arith.constant 40 : i32
    %add3A_32 = arith.addi %mul3A_30, %add3A_31 : i32
    "tpu.region"() ({
      %run_scoped3A_60 = tpu.sem_alloc : memref<!tpu.dma_semaphore, #tpu.memory_space<semaphore_mem>>
      %dma_start3A_61 = arith.constant 0 : i32
      %dma_start3A_62 = tpu.memref_slice %arg3[%add3A_32, %dma_start3A_61] : memref<2560x128xi32, #tpu.memory_space<hbm>> -> memref<40x128xi32, #tpu.memory_space<hbm>>
      %dma_start3A_63 = arith.constant 0 : i32
      %dma_start3A_64 = tpu.memref_slice %arg3[%add3A_32, %dma_start3A_63] : memref<2560x128xi32, #tpu.memory_space<hbm>> -> memref<40x128xi32, #tpu.memory_space<hbm>>
      tpu.enqueue_dma source(%dma_start3A_64 : memref<40x128xi32, #tpu.memory_space<hbm>>) target(%arg7 : memref<40x128xi32, #tpu.memory_space<vmem>>) target_semaphore(%run_scoped3A_60 : memref<!tpu.dma_semaphore, #tpu.memory_space<semaphore_mem>>)
      %dma_wait3A = arith.constant 0 : i32
      %dma_wait3A_65 = tpu.memref_slice %arg3[%add3A_32, %dma_wait3A] : memref<2560x128xi32, #tpu.memory_space<hbm>> -> memref<40x128xi32, #tpu.memory_space<hbm>>
      %dma_wait3A_66 = arith.constant 0 : i32
      %dma_wait3A_67 = tpu.memref_slice %arg3[%add3A_32, %dma_wait3A_66] : memref<2560x128xi32, #tpu.memory_space<hbm>> -> memref<40x128xi32, #tpu.memory_space<hbm>>
      tpu.wait_dma2 semaphore(%run_scoped3A_60 : memref<!tpu.dma_semaphore, #tpu.memory_space<semaphore_mem>>) src(%dma_wait3A_67 : memref<40x128xi32, #tpu.memory_space<hbm>>) dst(%arg7 : memref<40x128xi32, #tpu.memory_space<vmem>>)
      tpu.yield
    }) : () -> ()
    "tpu.region"() ({
      %run_scoped3A_60 = tpu.sem_alloc : memref<!tpu.dma_semaphore, #tpu.memory_space<semaphore_mem>>
      %dma_start3A_61 = arith.constant 0 : i32
      %dma_start3A_62 = tpu.memref_slice %arg4[%add3A_32, %dma_start3A_61] : memref<2560x128xi32, #tpu.memory_space<hbm>> -> memref<40x128xi32, #tpu.memory_space<hbm>>
      %dma_start3A_63 = arith.constant 0 : i32
      %dma_start3A_64 = tpu.memref_slice %arg4[%add3A_32, %dma_start3A_63] : memref<2560x128xi32, #tpu.memory_space<hbm>> -> memref<40x128xi32, #tpu.memory_space<hbm>>
      tpu.enqueue_dma source(%dma_start3A_64 : memref<40x128xi32, #tpu.memory_space<hbm>>) target(%arg8 : memref<40x128xi32, #tpu.memory_space<vmem>>) target_semaphore(%run_scoped3A_60 : memref<!tpu.dma_semaphore, #tpu.memory_space<semaphore_mem>>)
      %dma_wait3A = arith.constant 0 : i32
      %dma_wait3A_65 = tpu.memref_slice %arg4[%add3A_32, %dma_wait3A] : memref<2560x128xi32, #tpu.memory_space<hbm>> -> memref<40x128xi32, #tpu.memory_space<hbm>>
      %dma_wait3A_66 = arith.constant 0 : i32
      %dma_wait3A_67 = tpu.memref_slice %arg4[%add3A_32, %dma_wait3A_66] : memref<2560x128xi32, #tpu.memory_space<hbm>> -> memref<40x128xi32, #tpu.memory_space<hbm>>
      tpu.wait_dma2 semaphore(%run_scoped3A_60 : memref<!tpu.dma_semaphore, #tpu.memory_space<semaphore_mem>>) src(%dma_wait3A_67 : memref<40x128xi32, #tpu.memory_space<hbm>>) dst(%arg8 : memref<40x128xi32, #tpu.memory_space<vmem>>)
      tpu.yield
    }) : () -> ()
    %dma_start3A_33 = arith.constant 0 : i32
    %dma_start3A_34 = arith.constant 0 : i32
    %dma_start3A_35 = arith.constant 0 : i32
    %dma_start3A_36 = arith.constant 0 : i32
    %dma_start3A_37 = tpu.memref_slice %arg9[%dma_start3A_34, %dma_start3A_35, %dma_start3A_36] : memref<2x128x128xf32, #tpu.memory_space<vmem>> -> memref<1x128x128xf32, #tpu.memory_space<vmem>>
    %dma_start3A_38 = tpu.memref_squeeze %dma_start3A_37 : memref<1x128x128xf32, #tpu.memory_space<vmem>> -> memref<128x128xf32, #tpu.memory_space<vmem>>
    %dma_start3A_39 = arith.constant 0 : i32
    %dma_start3A_40 = tpu.memref_slice %arg7[%dma_start3A_33, %dma_start3A_39] : memref<40x128xi32, #tpu.memory_space<vmem>> -> memref<1x128xi32, #tpu.memory_space<vmem>>
    %dma_start3A_41 = tpu.memref_squeeze %dma_start3A_40 : memref<1x128xi32, #tpu.memory_space<vmem>> -> memref<128xi32, #tpu.memory_space<vmem>>
    %dma_start3A_42 = arith.constant 0 : i32
    %dma_start3A_43 = arith.constant 0 : i32
    %dma_start3A_44 = tpu.memref_slice %arg2[%dma_start3A_42, %dma_start3A_43] : memref<10000x128xf32, #tpu.memory_space<hbm>> -> memref<10000x128xf32, #tpu.memory_space<hbm>>
    tpu.enqueue_indirect_dma source(%dma_start3A_44 : memref<10000x128xf32, #tpu.memory_space<hbm>>) target(%dma_start3A_38 : memref<128x128xf32, #tpu.memory_space<vmem>>) offsets(%dma_start3A_41 : memref<128xi32, #tpu.memory_space<vmem>>) semaphore(%arg11 : memref<!tpu.dma_semaphore, #tpu.memory_space<semaphore_mem>>)
    %scan3A_45 = arith.constant 0 : i32
    %scan3A_46 = arith.constant 0 : i32
    %scan3A_47 = arith.constant 20 : i32
    %scan3A_48 = arith.addi %scan3A_46, %scan3A_47 : i32
    %scan3A_49 = arith.constant 1 : i32
    %scan3A_50 = scf.for %scan3A_60 = %scan3A_46 to %scan3A_48 step %scan3A_49 iter_args(%scan3A_61 = %scan3A_45) -> (i32)  : i32 {
      %mul3A_62 = arith.constant 2 : i32
      %mul3A_63 = arith.muli %mul3A_62, %scan3A_60 : i32
      %add3A_64 = arith.constant 1 : i32
      %add3A_65 = arith.addi %mul3A_63, %add3A_64 : i32
      %dma_start3A_66 = arith.constant 1 : i32
      %dma_start3A_67 = arith.constant 0 : i32
      %dma_start3A_68 = arith.constant 0 : i32
      %dma_start3A_69 = tpu.memref_slice %arg9[%dma_start3A_66, %dma_start3A_67, %dma_start3A_68] : memref<2x128x128xf32, #tpu.memory_space<vmem>> -> memref<1x128x128xf32, #tpu.memory_space<vmem>>
      %dma_start3A_70 = tpu.memref_squeeze %dma_start3A_69 : memref<1x128x128xf32, #tpu.memory_space<vmem>> -> memref<128x128xf32, #tpu.memory_space<vmem>>
      %dma_start3A_71 = arith.constant 0 : i32
      %dma_start3A_72 = tpu.memref_slice %arg7[%add3A_65, %dma_start3A_71] : memref<40x128xi32, #tpu.memory_space<vmem>> -> memref<1x128xi32, #tpu.memory_space<vmem>>
      %dma_start3A_73 = tpu.memref_squeeze %dma_start3A_72 : memref<1x128xi32, #tpu.memory_space<vmem>> -> memref<128xi32, #tpu.memory_space<vmem>>
      %dma_start3A_74 = arith.constant 0 : i32
      %dma_start3A_75 = arith.constant 0 : i32
      %dma_start3A_76 = tpu.memref_slice %arg2[%dma_start3A_74, %dma_start3A_75] : memref<10000x128xf32, #tpu.memory_space<hbm>> -> memref<10000x128xf32, #tpu.memory_space<hbm>>
      tpu.enqueue_indirect_dma source(%dma_start3A_76 : memref<10000x128xf32, #tpu.memory_space<hbm>>) target(%dma_start3A_70 : memref<128x128xf32, #tpu.memory_space<vmem>>) offsets(%dma_start3A_73 : memref<128xi32, #tpu.memory_space<vmem>>) semaphore(%arg12 : memref<!tpu.dma_semaphore, #tpu.memory_space<semaphore_mem>>)
      %mul3A_77 = arith.constant 2 : i32
      %mul3A_78 = arith.muli %mul3A_77, %scan3A_60 : i32
      %dma_wait3A = arith.constant 0 : i32
      %dma_wait3A_79 = arith.constant 0 : i32
      %dma_wait3A_80 = arith.constant 0 : i32
      %dma_wait3A_81 = tpu.memref_slice %arg9[%dma_wait3A, %dma_wait3A_79, %dma_wait3A_80] : memref<2x128x128xf32, #tpu.memory_space<vmem>> -> memref<1x128x128xf32, #tpu.memory_space<vmem>>
      %dma_wait3A_82 = tpu.memref_squeeze %dma_wait3A_81 : memref<1x128x128xf32, #tpu.memory_space<vmem>> -> memref<128x128xf32, #tpu.memory_space<vmem>>
      %dma_wait3A_83 = arith.constant 0 : i32
      %dma_wait3A_84 = tpu.memref_slice %arg7[%mul3A_78, %dma_wait3A_83] : memref<40x128xi32, #tpu.memory_space<vmem>> -> memref<1x128xi32, #tpu.memory_space<vmem>>
      %dma_wait3A_85 = tpu.memref_squeeze %dma_wait3A_84 : memref<1x128xi32, #tpu.memory_space<vmem>> -> memref<128xi32, #tpu.memory_space<vmem>>
      %dma_wait3A_86 = arith.constant 0 : i32
      %dma_wait3A_87 = arith.constant 0 : i32
      %dma_wait3A_88 = tpu.memref_slice %arg2[%dma_wait3A_86, %dma_wait3A_87] : memref<10000x128xf32, #tpu.memory_space<hbm>> -> memref<10000x128xf32, #tpu.memory_space<hbm>>
      tpu.wait_indirect_dma semaphore(%arg11 : memref<!tpu.dma_semaphore, #tpu.memory_space<semaphore_mem>>) src(%dma_wait3A_88 : memref<10000x128xf32, #tpu.memory_space<hbm>>) dst(%dma_wait3A_82 : memref<128x128xf32, #tpu.memory_space<vmem>>)
      %mul3A_89 = arith.constant 2 : i32
      %mul3A_90 = arith.muli %mul3A_89, %scan3A_60 : i32
      %run_scoped3A_91 = arith.constant 0 : i32
      "tpu.region"() ({
        %run_scoped3A_115 = tpu.sem_alloc : memref<!tpu.dma_semaphore, #tpu.memory_space<semaphore_mem>>
        %dma_start3A_116 = arith.constant 0 : i32
        %dma_start3A_117 = arith.constant 0 : i32
        %dma_start3A_118 = tpu.memref_slice %arg9[%run_scoped3A_91, %dma_start3A_116, %dma_start3A_117] : memref<2x128x128xf32, #tpu.memory_space<vmem>> -> memref<1x128x128xf32, #tpu.memory_space<vmem>>
        %dma_start3A_119 = tpu.memref_squeeze %dma_start3A_118 : memref<1x128x128xf32, #tpu.memory_space<vmem>> -> memref<128x128xf32, #tpu.memory_space<vmem>>
        %dma_start3A_120 = arith.constant 0 : i32
        %dma_start3A_121 = tpu.memref_slice %arg8[%mul3A_90, %dma_start3A_120] : memref<40x128xi32, #tpu.memory_space<vmem>> -> memref<1x128xi32, #tpu.memory_space<vmem>>
        %dma_start3A_122 = tpu.memref_squeeze %dma_start3A_121 : memref<1x128xi32, #tpu.memory_space<vmem>> -> memref<128xi32, #tpu.memory_space<vmem>>
        %dma_start3A_123 = arith.constant 0 : i32
        %dma_start3A_124 = arith.constant 0 : i32
        %dma_start3A_125 = tpu.memref_slice %arg10[%dma_start3A_123, %dma_start3A_124] : memref<10240x128xf32, #tpu.memory_space<vmem_shared>> -> memref<10240x128xf32, #tpu.memory_space<vmem_shared>>
        tpu.enqueue_indirect_dma source(%dma_start3A_119 : memref<128x128xf32, #tpu.memory_space<vmem>>) target(%dma_start3A_125 : memref<10240x128xf32, #tpu.memory_space<vmem_shared>>) offsets(%dma_start3A_122 : memref<128xi32, #tpu.memory_space<vmem>>) semaphore(%run_scoped3A_115 : memref<!tpu.dma_semaphore, #tpu.memory_space<semaphore_mem>>) {add = true}
        %dma_wait3A_126 = arith.constant 0 : i32
        %dma_wait3A_127 = arith.constant 0 : i32
        %dma_wait3A_128 = tpu.memref_slice %arg9[%run_scoped3A_91, %dma_wait3A_126, %dma_wait3A_127] : memref<2x128x128xf32, #tpu.memory_space<vmem>> -> memref<1x128x128xf32, #tpu.memory_space<vmem>>
        %dma_wait3A_129 = tpu.memref_squeeze %dma_wait3A_128 : memref<1x128x128xf32, #tpu.memory_space<vmem>> -> memref<128x128xf32, #tpu.memory_space<vmem>>
        %dma_wait3A_130 = arith.constant 0 : i32
        %dma_wait3A_131 = tpu.memref_slice %arg8[%mul3A_90, %dma_wait3A_130] : memref<40x128xi32, #tpu.memory_space<vmem>> -> memref<1x128xi32, #tpu.memory_space<vmem>>
        %dma_wait3A_132 = tpu.memref_squeeze %dma_wait3A_131 : memref<1x128xi32, #tpu.memory_space<vmem>> -> memref<128xi32, #tpu.memory_space<vmem>>
        %dma_wait3A_133 = arith.constant 0 : i32
        %dma_wait3A_134 = arith.constant 0 : i32
        %dma_wait3A_135 = tpu.memref_slice %arg10[%dma_wait3A_133, %dma_wait3A_134] : memref<10240x128xf32, #tpu.memory_space<vmem_shared>> -> memref<10240x128xf32, #tpu.memory_space<vmem_shared>>
        tpu.wait_indirect_dma semaphore(%run_scoped3A_115 : memref<!tpu.dma_semaphore, #tpu.memory_space<semaphore_mem>>) src(%dma_wait3A_129 : memref<128x128xf32, #tpu.memory_space<vmem>>) dst(%dma_wait3A_135 : memref<10240x128xf32, #tpu.memory_space<vmem_shared>>)
        tpu.yield
      }) : () -> ()
      %lt3A = arith.constant 19 : i32
      %lt3A_92 = arith.cmpi slt, %scan3A_60, %lt3A : i32
      %convert_element_type3A = arith.extui %lt3A_92 : i1 to i32
      %cond3A = arith.constant 0 : i32
      %cond3A_93 = arith.cmpi ne, %convert_element_type3A, %cond3A : i32
      scf.if %cond3A_93 {
        %mul3A_115 = arith.constant 2 : i32
        %mul3A_116 = arith.muli %mul3A_115, %scan3A_60 : i32
        %add3A_117 = arith.constant 2 : i32
        %add3A_118 = arith.addi %mul3A_116, %add3A_117 : i32
        %dma_start3A_119 = arith.constant 0 : i32
        %dma_start3A_120 = arith.constant 0 : i32
        %dma_start3A_121 = arith.constant 0 : i32
        %dma_start3A_122 = tpu.memref_slice %arg9[%dma_start3A_119, %dma_start3A_120, %dma_start3A_121] : memref<2x128x128xf32, #tpu.memory_space<vmem>> -> memref<1x128x128xf32, #tpu.memory_space<vmem>>
        %dma_start3A_123 = tpu.memref_squeeze %dma_start3A_122 : memref<1x128x128xf32, #tpu.memory_space<vmem>> -> memref<128x128xf32, #tpu.memory_space<vmem>>
        %dma_start3A_124 = arith.constant 0 : i32
        %dma_start3A_125 = tpu.memref_slice %arg7[%add3A_118, %dma_start3A_124] : memref<40x128xi32, #tpu.memory_space<vmem>> -> memref<1x128xi32, #tpu.memory_space<vmem>>
        %dma_start3A_126 = tpu.memref_squeeze %dma_start3A_125 : memref<1x128xi32, #tpu.memory_space<vmem>> -> memref<128xi32, #tpu.memory_space<vmem>>
        %dma_start3A_127 = arith.constant 0 : i32
        %dma_start3A_128 = arith.constant 0 : i32
        %dma_start3A_129 = tpu.memref_slice %arg2[%dma_start3A_127, %dma_start3A_128] : memref<10000x128xf32, #tpu.memory_space<hbm>> -> memref<10000x128xf32, #tpu.memory_space<hbm>>
        tpu.enqueue_indirect_dma source(%dma_start3A_129 : memref<10000x128xf32, #tpu.memory_space<hbm>>) target(%dma_start3A_123 : memref<128x128xf32, #tpu.memory_space<vmem>>) offsets(%dma_start3A_126 : memref<128xi32, #tpu.memory_space<vmem>>) semaphore(%arg11 : memref<!tpu.dma_semaphore, #tpu.memory_space<semaphore_mem>>)
      } else {
      }
      %mul3A_94 = arith.constant 2 : i32
      %mul3A_95 = arith.muli %mul3A_94, %scan3A_60 : i32
      %add3A_96 = arith.constant 1 : i32
      %add3A_97 = arith.addi %mul3A_95, %add3A_96 : i32
      %dma_wait3A_98 = arith.constant 1 : i32
      %dma_wait3A_99 = arith.constant 0 : i32
      %dma_wait3A_100 = arith.constant 0 : i32
      %dma_wait3A_101 = tpu.memref_slice %arg9[%dma_wait3A_98, %dma_wait3A_99, %dma_wait3A_100] : memref<2x128x128xf32, #tpu.memory_space<vmem>> -> memref<1x128x128xf32, #tpu.memory_space<vmem>>
      %dma_wait3A_102 = tpu.memref_squeeze %dma_wait3A_101 : memref<1x128x128xf32, #tpu.memory_space<vmem>> -> memref<128x128xf32, #tpu.memory_space<vmem>>
      %dma_wait3A_103 = arith.constant 0 : i32
      %dma_wait3A_104 = tpu.memref_slice %arg7[%add3A_97, %dma_wait3A_103] : memref<40x128xi32, #tpu.memory_space<vmem>> -> memref<1x128xi32, #tpu.memory_space<vmem>>
      %dma_wait3A_105 = tpu.memref_squeeze %dma_wait3A_104 : memref<1x128xi32, #tpu.memory_space<vmem>> -> memref<128xi32, #tpu.memory_space<vmem>>
      %dma_wait3A_106 = arith.constant 0 : i32
      %dma_wait3A_107 = arith.constant 0 : i32
      %dma_wait3A_108 = tpu.memref_slice %arg2[%dma_wait3A_106, %dma_wait3A_107] : memref<10000x128xf32, #tpu.memory_space<hbm>> -> memref<10000x128xf32, #tpu.memory_space<hbm>>
      tpu.wait_indirect_dma semaphore(%arg12 : memref<!tpu.dma_semaphore, #tpu.memory_space<semaphore_mem>>) src(%dma_wait3A_108 : memref<10000x128xf32, #tpu.memory_space<hbm>>) dst(%dma_wait3A_102 : memref<128x128xf32, #tpu.memory_space<vmem>>)
      %mul3A_109 = arith.constant 2 : i32
      %mul3A_110 = arith.muli %mul3A_109, %scan3A_60 : i32
      %add3A_111 = arith.constant 1 : i32
      %add3A_112 = arith.addi %mul3A_110, %add3A_111 : i32
      %run_scoped3A_113 = arith.constant 1 : i32
      "tpu.region"() ({
        %run_scoped3A_115 = tpu.sem_alloc : memref<!tpu.dma_semaphore, #tpu.memory_space<semaphore_mem>>
        %dma_start3A_116 = arith.constant 0 : i32
        %dma_start3A_117 = arith.constant 0 : i32
        %dma_start3A_118 = tpu.memref_slice %arg9[%run_scoped3A_113, %dma_start3A_116, %dma_start3A_117] : memref<2x128x128xf32, #tpu.memory_space<vmem>> -> memref<1x128x128xf32, #tpu.memory_space<vmem>>
        %dma_start3A_119 = tpu.memref_squeeze %dma_start3A_118 : memref<1x128x128xf32, #tpu.memory_space<vmem>> -> memref<128x128xf32, #tpu.memory_space<vmem>>
        %dma_start3A_120 = arith.constant 0 : i32
        %dma_start3A_121 = tpu.memref_slice %arg8[%add3A_112, %dma_start3A_120] : memref<40x128xi32, #tpu.memory_space<vmem>> -> memref<1x128xi32, #tpu.memory_space<vmem>>
        %dma_start3A_122 = tpu.memref_squeeze %dma_start3A_121 : memref<1x128xi32, #tpu.memory_space<vmem>> -> memref<128xi32, #tpu.memory_space<vmem>>
        %dma_start3A_123 = arith.constant 0 : i32
        %dma_start3A_124 = arith.constant 0 : i32
        %dma_start3A_125 = tpu.memref_slice %arg10[%dma_start3A_123, %dma_start3A_124] : memref<10240x128xf32, #tpu.memory_space<vmem_shared>> -> memref<10240x128xf32, #tpu.memory_space<vmem_shared>>
        tpu.enqueue_indirect_dma source(%dma_start3A_119 : memref<128x128xf32, #tpu.memory_space<vmem>>) target(%dma_start3A_125 : memref<10240x128xf32, #tpu.memory_space<vmem_shared>>) offsets(%dma_start3A_122 : memref<128xi32, #tpu.memory_space<vmem>>) semaphore(%run_scoped3A_115 : memref<!tpu.dma_semaphore, #tpu.memory_space<semaphore_mem>>) {add = true}
        %dma_wait3A_126 = arith.constant 0 : i32
        %dma_wait3A_127 = arith.constant 0 : i32
        %dma_wait3A_128 = tpu.memref_slice %arg9[%run_scoped3A_113, %dma_wait3A_126, %dma_wait3A_127] : memref<2x128x128xf32, #tpu.memory_space<vmem>> -> memref<1x128x128xf32, #tpu.memory_space<vmem>>
        %dma_wait3A_129 = tpu.memref_squeeze %dma_wait3A_128 : memref<1x128x128xf32, #tpu.memory_space<vmem>> -> memref<128x128xf32, #tpu.memory_space<vmem>>
        %dma_wait3A_130 = arith.constant 0 : i32
        %dma_wait3A_131 = tpu.memref_slice %arg8[%add3A_112, %dma_wait3A_130] : memref<40x128xi32, #tpu.memory_space<vmem>> -> memref<1x128xi32, #tpu.memory_space<vmem>>
        %dma_wait3A_132 = tpu.memref_squeeze %dma_wait3A_131 : memref<1x128xi32, #tpu.memory_space<vmem>> -> memref<128xi32, #tpu.memory_space<vmem>>
        %dma_wait3A_133 = arith.constant 0 : i32
        %dma_wait3A_134 = arith.constant 0 : i32
        %dma_wait3A_135 = tpu.memref_slice %arg10[%dma_wait3A_133, %dma_wait3A_134] : memref<10240x128xf32, #tpu.memory_space<vmem_shared>> -> memref<10240x128xf32, #tpu.memory_space<vmem_shared>>
        tpu.wait_indirect_dma semaphore(%run_scoped3A_115 : memref<!tpu.dma_semaphore, #tpu.memory_space<semaphore_mem>>) src(%dma_wait3A_129 : memref<128x128xf32, #tpu.memory_space<vmem>>) dst(%dma_wait3A_135 : memref<10240x128xf32, #tpu.memory_space<vmem_shared>>)
        tpu.yield
      }) : () -> ()
      %scan3A_114 = arith.constant 0 : i32
      scf.yield %scan3A_114 : i32
    }
    %scan3A_51 = arith.constant 20 : i32
    %barrier3A_52 = arith.constant 0 : index
    tpu.barrier barrier_id(%barrier3A_52)
    %scan3A_53 = arith.constant 0 : i32
    %scan3A_54 = arith.constant 0 : i32
    %scan3A_55 = arith.constant 5 : i32
    %scan3A_56 = arith.addi %scan3A_54, %scan3A_55 : i32
    %scan3A_57 = arith.constant 1 : i32
    %scan3A_58 = scf.for %scan3A_60 = %scan3A_54 to %scan3A_56 step %scan3A_57 iter_args(%scan3A_61 = %scan3A_53) -> (i32)  : i32 {
      %mul3A_62 = arith.constant 640 : i32
      %mul3A_63 = arith.muli %arg1, %mul3A_62 : i32
      %mul3A_64 = arith.constant 128 : i32
      %mul3A_65 = arith.muli %scan3A_60, %mul3A_64 : i32
      %add3A_66 = arith.addi %mul3A_63, %mul3A_65 : i32
      %run_scoped3A_67 = arith.constant 0 : i32
      "tpu.region"() ({
        %run_scoped3A_70 = tpu.sem_alloc : memref<!tpu.dma_semaphore, #tpu.memory_space<semaphore_mem>>
        %dma_start3A_71 = arith.constant 0 : i32
        %dma_start3A_72 = arith.constant 0 : i32
        %dma_start3A_73 = tpu.memref_slice %arg9[%run_scoped3A_67, %dma_start3A_71, %dma_start3A_72] : memref<2x128x128xf32, #tpu.memory_space<vmem>> -> memref<1x128x128xf32, #tpu.memory_space<vmem>>
        %dma_start3A_74 = tpu.memref_squeeze %dma_start3A_73 : memref<1x128x128xf32, #tpu.memory_space<vmem>> -> memref<128x128xf32, #tpu.memory_space<vmem>>
        %dma_start3A_75 = arith.constant 0 : i32
        %dma_start3A_76 = tpu.memref_slice %arg10[%add3A_66, %dma_start3A_75] : memref<10240x128xf32, #tpu.memory_space<vmem_shared>> -> memref<128x128xf32, #tpu.memory_space<vmem_shared>>
        %dma_start3A_77 = arith.constant 0 : i32
        %dma_start3A_78 = arith.constant 0 : i32
        %dma_start3A_79 = tpu.memref_slice %arg9[%run_scoped3A_67, %dma_start3A_77, %dma_start3A_78] : memref<2x128x128xf32, #tpu.memory_space<vmem>> -> memref<1x128x128xf32, #tpu.memory_space<vmem>>
        %dma_start3A_80 = tpu.memref_squeeze %dma_start3A_79 : memref<1x128x128xf32, #tpu.memory_space<vmem>> -> memref<128x128xf32, #tpu.memory_space<vmem>>
        %dma_start3A_81 = arith.constant 0 : i32
        %dma_start3A_82 = tpu.memref_slice %arg10[%add3A_66, %dma_start3A_81] : memref<10240x128xf32, #tpu.memory_space<vmem_shared>> -> memref<128x128xf32, #tpu.memory_space<vmem_shared>>
        tpu.enqueue_dma source(%dma_start3A_82 : memref<128x128xf32, #tpu.memory_space<vmem_shared>>) target(%dma_start3A_80 : memref<128x128xf32, #tpu.memory_space<vmem>>) target_semaphore(%run_scoped3A_70 : memref<!tpu.dma_semaphore, #tpu.memory_space<semaphore_mem>>)
        %dma_wait3A = arith.constant 0 : i32
        %dma_wait3A_83 = arith.constant 0 : i32
        %dma_wait3A_84 = tpu.memref_slice %arg9[%run_scoped3A_67, %dma_wait3A, %dma_wait3A_83] : memref<2x128x128xf32, #tpu.memory_space<vmem>> -> memref<1x128x128xf32, #tpu.memory_space<vmem>>
        %dma_wait3A_85 = tpu.memref_squeeze %dma_wait3A_84 : memref<1x128x128xf32, #tpu.memory_space<vmem>> -> memref<128x128xf32, #tpu.memory_space<vmem>>
        %dma_wait3A_86 = arith.constant 0 : i32
        %dma_wait3A_87 = tpu.memref_slice %arg10[%add3A_66, %dma_wait3A_86] : memref<10240x128xf32, #tpu.memory_space<vmem_shared>> -> memref<128x128xf32, #tpu.memory_space<vmem_shared>>
        %dma_wait3A_88 = arith.constant 0 : i32
        %dma_wait3A_89 = arith.constant 0 : i32
        %dma_wait3A_90 = tpu.memref_slice %arg9[%run_scoped3A_67, %dma_wait3A_88, %dma_wait3A_89] : memref<2x128x128xf32, #tpu.memory_space<vmem>> -> memref<1x128x128xf32, #tpu.memory_space<vmem>>
        %dma_wait3A_91 = tpu.memref_squeeze %dma_wait3A_90 : memref<1x128x128xf32, #tpu.memory_space<vmem>> -> memref<128x128xf32, #tpu.memory_space<vmem>>
        %dma_wait3A_92 = arith.constant 0 : i32
        %dma_wait3A_93 = tpu.memref_slice %arg10[%add3A_66, %dma_wait3A_92] : memref<10240x128xf32, #tpu.memory_space<vmem_shared>> -> memref<128x128xf32, #tpu.memory_space<vmem_shared>>
        tpu.wait_dma2 semaphore(%run_scoped3A_70 : memref<!tpu.dma_semaphore, #tpu.memory_space<semaphore_mem>>) src(%dma_wait3A_93 : memref<128x128xf32, #tpu.memory_space<vmem_shared>>) dst(%dma_wait3A_91 : memref<128x128xf32, #tpu.memory_space<vmem>>)
        tpu.yield
      }) : () -> ()
      %run_scoped3A_68 = arith.constant 0 : i32
      "tpu.region"() ({
        %run_scoped3A_70 = tpu.sem_alloc : memref<!tpu.dma_semaphore, #tpu.memory_space<semaphore_mem>>
        %dma_start3A_71 = arith.constant 0 : i32
        %dma_start3A_72 = arith.constant 0 : i32
        %dma_start3A_73 = tpu.memref_slice %arg9[%run_scoped3A_68, %dma_start3A_71, %dma_start3A_72] : memref<2x128x128xf32, #tpu.memory_space<vmem>> -> memref<1x128x128xf32, #tpu.memory_space<vmem>>
        %dma_start3A_74 = tpu.memref_squeeze %dma_start3A_73 : memref<1x128x128xf32, #tpu.memory_space<vmem>> -> memref<128x128xf32, #tpu.memory_space<vmem>>
        %dma_start3A_75 = arith.constant 0 : i32
        %dma_start3A_76 = tpu.memref_slice %arg6[%arg0, %add3A_66, %dma_start3A_75] : memref<2x10240x128xf32, #tpu.memory_space<hbm>> -> memref<1x128x128xf32, #tpu.memory_space<hbm>>
        %dma_start3A_77 = tpu.memref_squeeze %dma_start3A_76 : memref<1x128x128xf32, #tpu.memory_space<hbm>> -> memref<128x128xf32, #tpu.memory_space<hbm>>
        %dma_start3A_78 = arith.constant 0 : i32
        %dma_start3A_79 = tpu.memref_slice %arg6[%arg0, %add3A_66, %dma_start3A_78] : memref<2x10240x128xf32, #tpu.memory_space<hbm>> -> memref<1x128x128xf32, #tpu.memory_space<hbm>>
        %dma_start3A_80 = tpu.memref_squeeze %dma_start3A_79 : memref<1x128x128xf32, #tpu.memory_space<hbm>> -> memref<128x128xf32, #tpu.memory_space<hbm>>
        %dma_start3A_81 = arith.constant 0 : i32
        %dma_start3A_82 = arith.constant 0 : i32
        %dma_start3A_83 = tpu.memref_slice %arg9[%run_scoped3A_68, %dma_start3A_81, %dma_start3A_82] : memref<2x128x128xf32, #tpu.memory_space<vmem>> -> memref<1x128x128xf32, #tpu.memory_space<vmem>>
        %dma_start3A_84 = tpu.memref_squeeze %dma_start3A_83 : memref<1x128x128xf32, #tpu.memory_space<vmem>> -> memref<128x128xf32, #tpu.memory_space<vmem>>
        tpu.enqueue_dma source(%dma_start3A_84 : memref<128x128xf32, #tpu.memory_space<vmem>>) target(%dma_start3A_80 : memref<128x128xf32, #tpu.memory_space<hbm>>) target_semaphore(%run_scoped3A_70 : memref<!tpu.dma_semaphore, #tpu.memory_space<semaphore_mem>>)
        %dma_wait3A = arith.constant 0 : i32
        %dma_wait3A_85 = arith.constant 0 : i32
        %dma_wait3A_86 = tpu.memref_slice %arg9[%run_scoped3A_68, %dma_wait3A, %dma_wait3A_85] : memref<2x128x128xf32, #tpu.memory_space<vmem>> -> memref<1x128x128xf32, #tpu.memory_space<vmem>>
        %dma_wait3A_87 = tpu.memref_squeeze %dma_wait3A_86 : memref<1x128x128xf32, #tpu.memory_space<vmem>> -> memref<128x128xf32, #tpu.memory_space<vmem>>
        %dma_wait3A_88 = arith.constant 0 : i32
        %dma_wait3A_89 = tpu.memref_slice %arg6[%arg0, %add3A_66, %dma_wait3A_88] : memref<2x10240x128xf32, #tpu.memory_space<hbm>> -> memref<1x128x128xf32, #tpu.memory_space<hbm>>
        %dma_wait3A_90 = tpu.memref_squeeze %dma_wait3A_89 : memref<1x128x128xf32, #tpu.memory_space<hbm>> -> memref<128x128xf32, #tpu.memory_space<hbm>>
        %dma_wait3A_91 = arith.constant 0 : i32
        %dma_wait3A_92 = tpu.memref_slice %arg6[%arg0, %add3A_66, %dma_wait3A_91] : memref<2x10240x128xf32, #tpu.memory_space<hbm>> -> memref<1x128x128xf32, #tpu.memory_space<hbm>>
        %dma_wait3A_93 = tpu.memref_squeeze %dma_wait3A_92 : memref<1x128x128xf32, #tpu.memory_space<hbm>> -> memref<128x128xf32, #tpu.memory_space<hbm>>
        %dma_wait3A_94 = arith.constant 0 : i32
        %dma_wait3A_95 = arith.constant 0 : i32
        %dma_wait3A_96 = tpu.memref_slice %arg9[%run_scoped3A_68, %dma_wait3A_94, %dma_wait3A_95] : memref<2x128x128xf32, #tpu.memory_space<vmem>> -> memref<1x128x128xf32, #tpu.memory_space<vmem>>
        %dma_wait3A_97 = tpu.memref_squeeze %dma_wait3A_96 : memref<1x128x128xf32, #tpu.memory_space<vmem>> -> memref<128x128xf32, #tpu.memory_space<vmem>>
        tpu.wait_dma2 semaphore(%run_scoped3A_70 : memref<!tpu.dma_semaphore, #tpu.memory_space<semaphore_mem>>) src(%dma_wait3A_97 : memref<128x128xf32, #tpu.memory_space<vmem>>) dst(%dma_wait3A_93 : memref<128x128xf32, #tpu.memory_space<hbm>>)
        tpu.yield
      }) : () -> ()
      %scan3A_69 = arith.constant 0 : i32
      scf.yield %scan3A_69 : i32
    }
    %scan3A_59 = arith.constant 5 : i32
    return
  }
}

#map = affine_map<(d0, d1) -> (0, 0)>
#map1 = affine_map<(d0, d1) -> (0, 0, 0)>
module attributes {stable_mosaic.version = 14 : i64} {
  func.func @k(%arg0: i32, %arg1: i32, %arg2: memref<2560x128xi32, #tpu.memory_space<hbm>>, %arg3: memref<2x10240x16xf32, #tpu.memory_space<hbm>>, %arg4: memref<80x128xi32, #tpu.memory_space<vmem>>, %arg5: memref<128x16xf32, #tpu.memory_space<vmem>>, %arg6: memref<128x16xf32, #tpu.memory_space<vmem>>, %arg7: memref<10240x16xf32, #tpu.memory_space<vmem_shared>>) attributes {dimension_semantics = [#tpu.dimension_semantics<core_parallel>, #tpu.dimension_semantics<subcore_parallel>], iteration_bounds = array<i64: 2, 16>, scalar_prefetch = 0 : i64, scratch_operands = 4 : i64, tpu.core_type = #tpu.core_type<sc_vector_subcore>, window_params = [{transform_indices = #map}, {transform_indices = #map1}]} {
    %mul3A = arith.constant 16 : i32
    %mul3A_0 = arith.muli %arg0, %mul3A : i32
    %add3A = arith.addi %mul3A_0, %arg1 : i32
    %scan3A = arith.constant 0 : i32
    %scan3A_1 = arith.constant 0 : i32
    %scan3A_2 = arith.constant 128 : i32
    %scan3A_3 = arith.addi %scan3A_1, %scan3A_2 : i32
    %scan3A_4 = arith.constant 1 : i32
    %scan3A_5 = scf.for %scan3A_38 = %scan3A_1 to %scan3A_3 step %scan3A_4 iter_args(%scan3A_39 = %scan3A) -> (i32)  : i32 {
      %broadcast_in_dim3A = arith.constant 1.000000e+00 : f32
      %broadcast_in_dim3A_40 = vector.broadcast %broadcast_in_dim3A : f32 to vector<16xf32>
      %swap3A = arith.index_cast %scan3A_38 : i32 to index
      %swap3A_41 = arith.constant 0 : index
      %swap3A_42 = tpu.vector_load %arg5[%swap3A, %swap3A_41] {strides = array<i32>} : memref<128x16xf32, #tpu.memory_space<vmem>>, vector<1x16xf32>,
      %swap3A_43 = vector.shape_cast %swap3A_42 : vector<1x16xf32> to vector<16xf32>
      %swap3A_44 = vector.shape_cast %broadcast_in_dim3A_40 : vector<16xf32> to vector<1x16xf32>
      tpu.vector_store %arg5[%swap3A, %swap3A_41], %swap3A_44 {strides = array<i32>} : memref<128x16xf32, #tpu.memory_space<vmem>>, vector<1x16xf32>,
      %scan3A_45 = arith.constant 0 : i32
      scf.yield %scan3A_45 : i32
    }
    %scan3A_6 = arith.constant 128 : i32
    %scan3A_7 = arith.constant 0 : i32
    %scan3A_8 = arith.constant 0 : i32
    %scan3A_9 = arith.constant 128 : i32
    %scan3A_10 = arith.addi %scan3A_8, %scan3A_9 : i32
    %scan3A_11 = arith.constant 1 : i32
    %scan3A_12 = scf.for %scan3A_38 = %scan3A_8 to %scan3A_10 step %scan3A_11 iter_args(%scan3A_39 = %scan3A_7) -> (i32)  : i32 {
      %broadcast_in_dim3A = arith.constant 0.000000e+00 : f32
      %broadcast_in_dim3A_40 = vector.broadcast %broadcast_in_dim3A : f32 to vector<16xf32>
      %swap3A = arith.index_cast %scan3A_38 : i32 to index
      %swap3A_41 = arith.constant 0 : index
      %swap3A_42 = tpu.vector_load %arg6[%swap3A, %swap3A_41] {strides = array<i32>} : memref<128x16xf32, #tpu.memory_space<vmem>>, vector<1x16xf32>,
      %swap3A_43 = vector.shape_cast %swap3A_42 : vector<1x16xf32> to vector<16xf32>
      %swap3A_44 = vector.shape_cast %broadcast_in_dim3A_40 : vector<16xf32> to vector<1x16xf32>
      tpu.vector_store %arg6[%swap3A, %swap3A_41], %swap3A_44 {strides = array<i32>} : memref<128x16xf32, #tpu.memory_space<vmem>>, vector<1x16xf32>,
      %scan3A_45 = arith.constant 0 : i32
      scf.yield %scan3A_45 : i32
    }
    %scan3A_13 = arith.constant 128 : i32
    %scan3A_14 = arith.constant 0 : i32
    %scan3A_15 = arith.constant 0 : i32
    %scan3A_16 = arith.constant 5 : i32
    %scan3A_17 = arith.addi %scan3A_15, %scan3A_16 : i32
    %scan3A_18 = arith.constant 1 : i32
    %scan3A_19 = scf.for %scan3A_38 = %scan3A_15 to %scan3A_17 step %scan3A_18 iter_args(%scan3A_39 = %scan3A_14) -> (i32)  : i32 {
      %mul3A_40 = arith.constant 640 : i32
      %mul3A_41 = arith.muli %arg1, %mul3A_40 : i32
      %mul3A_42 = arith.constant 128 : i32
      %mul3A_43 = arith.muli %scan3A_38, %mul3A_42 : i32
      %add3A_44 = arith.addi %mul3A_41, %mul3A_43 : i32
      "tpu.region"() ({
        %run_scoped3A = tpu.sem_alloc : memref<!tpu.dma_semaphore, #tpu.memory_space<semaphore_mem>>
        %dma_start3A = arith.constant 0 : i32
        %dma_start3A_46 = tpu.memref_slice %arg7[%add3A_44, %dma_start3A] : memref<10240x16xf32, #tpu.memory_space<vmem_shared>> -> memref<128x16xf32, #tpu.memory_space<vmem_shared>>
        %dma_start3A_47 = arith.constant 0 : i32
        %dma_start3A_48 = tpu.memref_slice %arg7[%add3A_44, %dma_start3A_47] : memref<10240x16xf32, #tpu.memory_space<vmem_shared>> -> memref<128x16xf32, #tpu.memory_space<vmem_shared>>
        tpu.enqueue_dma source(%arg6 : memref<128x16xf32, #tpu.memory_space<vmem>>) target(%dma_start3A_48 : memref<128x16xf32, #tpu.memory_space<vmem_shared>>) target_semaphore(%run_scoped3A : memref<!tpu.dma_semaphore, #tpu.memory_space<semaphore_mem>>)
        %dma_wait3A = arith.constant 0 : i32
        %dma_wait3A_49 = tpu.memref_slice %arg7[%add3A_44, %dma_wait3A] : memref<10240x16xf32, #tpu.memory_space<vmem_shared>> -> memref<128x16xf32, #tpu.memory_space<vmem_shared>>
        %dma_wait3A_50 = arith.constant 0 : i32
        %dma_wait3A_51 = tpu.memref_slice %arg7[%add3A_44, %dma_wait3A_50] : memref<10240x16xf32, #tpu.memory_space<vmem_shared>> -> memref<128x16xf32, #tpu.memory_space<vmem_shared>>
        tpu.wait_dma2 semaphore(%run_scoped3A : memref<!tpu.dma_semaphore, #tpu.memory_space<semaphore_mem>>) src(%arg6 : memref<128x16xf32, #tpu.memory_space<vmem>>) dst(%dma_wait3A_51 : memref<128x16xf32, #tpu.memory_space<vmem_shared>>)
        tpu.yield
      }) : () -> ()
      %scan3A_45 = arith.constant 0 : i32
      scf.yield %scan3A_45 : i32
    }
    %scan3A_20 = arith.constant 5 : i32
    %barrier3A = arith.constant 0 : index
    tpu.barrier barrier_id(%barrier3A)
    %mul3A_21 = arith.constant 80 : i32
    %mul3A_22 = arith.muli %add3A, %mul3A_21 : i32
    "tpu.region"() ({
      %run_scoped3A = tpu.sem_alloc : memref<!tpu.dma_semaphore, #tpu.memory_space<semaphore_mem>>
      %dma_start3A = arith.constant 0 : i32
      %dma_start3A_38 = tpu.memref_slice %arg2[%mul3A_22, %dma_start3A] : memref<2560x128xi32, #tpu.memory_space<hbm>> -> memref<80x128xi32, #tpu.memory_space<hbm>>
      %dma_start3A_39 = arith.constant 0 : i32
      %dma_start3A_40 = tpu.memref_slice %arg2[%mul3A_22, %dma_start3A_39] : memref<2560x128xi32, #tpu.memory_space<hbm>> -> memref<80x128xi32, #tpu.memory_space<hbm>>
      tpu.enqueue_dma source(%dma_start3A_40 : memref<80x128xi32, #tpu.memory_space<hbm>>) target(%arg4 : memref<80x128xi32, #tpu.memory_space<vmem>>) target_semaphore(%run_scoped3A : memref<!tpu.dma_semaphore, #tpu.memory_space<semaphore_mem>>)
      %dma_wait3A = arith.constant 0 : i32
      %dma_wait3A_41 = tpu.memref_slice %arg2[%mul3A_22, %dma_wait3A] : memref<2560x128xi32, #tpu.memory_space<hbm>> -> memref<80x128xi32, #tpu.memory_space<hbm>>
      %dma_wait3A_42 = arith.constant 0 : i32
      %dma_wait3A_43 = tpu.memref_slice %arg2[%mul3A_22, %dma_wait3A_42] : memref<2560x128xi32, #tpu.memory_space<hbm>> -> memref<80x128xi32, #tpu.memory_space<hbm>>
      tpu.wait_dma2 semaphore(%run_scoped3A : memref<!tpu.dma_semaphore, #tpu.memory_space<semaphore_mem>>) src(%dma_wait3A_43 : memref<80x128xi32, #tpu.memory_space<hbm>>) dst(%arg4 : memref<80x128xi32, #tpu.memory_space<vmem>>)
      tpu.yield
    }) : () -> ()
    %scan3A_23 = arith.constant 0 : i32
    %scan3A_24 = arith.constant 0 : i32
    %scan3A_25 = arith.constant 80 : i32
    %scan3A_26 = arith.addi %scan3A_24, %scan3A_25 : i32
    %scan3A_27 = arith.constant 1 : i32
    %scan3A_28 = scf.for %scan3A_38 = %scan3A_24 to %scan3A_26 step %scan3A_27 iter_args(%scan3A_39 = %scan3A_23) -> (i32)  : i32 {
      "tpu.region"() ({
        %run_scoped3A = tpu.sem_alloc : memref<!tpu.dma_semaphore, #tpu.memory_space<semaphore_mem>>
        %dma_start3A = arith.constant 0 : i32
        %dma_start3A_41 = tpu.memref_slice %arg4[%scan3A_38, %dma_start3A] : memref<80x128xi32, #tpu.memory_space<vmem>> -> memref<1x128xi32, #tpu.memory_space<vmem>>
        %dma_start3A_42 = tpu.memref_squeeze %dma_start3A_41 : memref<1x128xi32, #tpu.memory_space<vmem>> -> memref<128xi32, #tpu.memory_space<vmem>>
        %dma_start3A_43 = arith.constant 0 : i32
        %dma_start3A_44 = arith.constant 0 : i32
        %dma_start3A_45 = tpu.memref_slice %arg7[%dma_start3A_43, %dma_start3A_44] : memref<10240x16xf32, #tpu.memory_space<vmem_shared>> -> memref<10240x16xf32, #tpu.memory_space<vmem_shared>>
        tpu.enqueue_indirect_dma source(%arg5 : memref<128x16xf32, #tpu.memory_space<vmem>>) target(%dma_start3A_45 : memref<10240x16xf32, #tpu.memory_space<vmem_shared>>) offsets(%dma_start3A_42 : memref<128xi32, #tpu.memory_space<vmem>>) semaphore(%run_scoped3A : memref<!tpu.dma_semaphore, #tpu.memory_space<semaphore_mem>>) {add = true}
        %dma_wait3A = arith.constant 0 : i32
        %dma_wait3A_46 = tpu.memref_slice %arg4[%scan3A_38, %dma_wait3A] : memref<80x128xi32, #tpu.memory_space<vmem>> -> memref<1x128xi32, #tpu.memory_space<vmem>>
        %dma_wait3A_47 = tpu.memref_squeeze %dma_wait3A_46 : memref<1x128xi32, #tpu.memory_space<vmem>> -> memref<128xi32, #tpu.memory_space<vmem>>
        %dma_wait3A_48 = arith.constant 0 : i32
        %dma_wait3A_49 = arith.constant 0 : i32
        %dma_wait3A_50 = tpu.memref_slice %arg7[%dma_wait3A_48, %dma_wait3A_49] : memref<10240x16xf32, #tpu.memory_space<vmem_shared>> -> memref<10240x16xf32, #tpu.memory_space<vmem_shared>>
        tpu.wait_indirect_dma semaphore(%run_scoped3A : memref<!tpu.dma_semaphore, #tpu.memory_space<semaphore_mem>>) src(%arg5 : memref<128x16xf32, #tpu.memory_space<vmem>>) dst(%dma_wait3A_50 : memref<10240x16xf32, #tpu.memory_space<vmem_shared>>)
        tpu.yield
      }) : () -> ()
      %scan3A_40 = arith.constant 0 : i32
      scf.yield %scan3A_40 : i32
    }
    %scan3A_29 = arith.constant 80 : i32
    %barrier3A_30 = arith.constant 0 : index
    tpu.barrier barrier_id(%barrier3A_30)
    %scan3A_31 = arith.constant 0 : i32
    %scan3A_32 = arith.constant 0 : i32
    %scan3A_33 = arith.constant 5 : i32
    %scan3A_34 = arith.addi %scan3A_32, %scan3A_33 : i32
    %scan3A_35 = arith.constant 1 : i32
    %scan3A_36 = scf.for %scan3A_38 = %scan3A_32 to %scan3A_34 step %scan3A_35 iter_args(%scan3A_39 = %scan3A_31) -> (i32)  : i32 {
      %mul3A_40 = arith.constant 640 : i32
      %mul3A_41 = arith.muli %arg1, %mul3A_40 : i32
      %mul3A_42 = arith.constant 128 : i32
      %mul3A_43 = arith.muli %scan3A_38, %mul3A_42 : i32
      %add3A_44 = arith.addi %mul3A_41, %mul3A_43 : i32
      "tpu.region"() ({
        %run_scoped3A = tpu.sem_alloc : memref<!tpu.dma_semaphore, #tpu.memory_space<semaphore_mem>>
        %dma_start3A = arith.constant 0 : i32
        %dma_start3A_46 = tpu.memref_slice %arg7[%add3A_44, %dma_start3A] : memref<10240x16xf32, #tpu.memory_space<vmem_shared>> -> memref<128x16xf32, #tpu.memory_space<vmem_shared>>
        %dma_start3A_47 = arith.constant 0 : i32
        %dma_start3A_48 = tpu.memref_slice %arg7[%add3A_44, %dma_start3A_47] : memref<10240x16xf32, #tpu.memory_space<vmem_shared>> -> memref<128x16xf32, #tpu.memory_space<vmem_shared>>
        tpu.enqueue_dma source(%dma_start3A_48 : memref<128x16xf32, #tpu.memory_space<vmem_shared>>) target(%arg6 : memref<128x16xf32, #tpu.memory_space<vmem>>) target_semaphore(%run_scoped3A : memref<!tpu.dma_semaphore, #tpu.memory_space<semaphore_mem>>)
        %dma_wait3A = arith.constant 0 : i32
        %dma_wait3A_49 = tpu.memref_slice %arg7[%add3A_44, %dma_wait3A] : memref<10240x16xf32, #tpu.memory_space<vmem_shared>> -> memref<128x16xf32, #tpu.memory_space<vmem_shared>>
        %dma_wait3A_50 = arith.constant 0 : i32
        %dma_wait3A_51 = tpu.memref_slice %arg7[%add3A_44, %dma_wait3A_50] : memref<10240x16xf32, #tpu.memory_space<vmem_shared>> -> memref<128x16xf32, #tpu.memory_space<vmem_shared>>
        tpu.wait_dma2 semaphore(%run_scoped3A : memref<!tpu.dma_semaphore, #tpu.memory_space<semaphore_mem>>) src(%dma_wait3A_51 : memref<128x16xf32, #tpu.memory_space<vmem_shared>>) dst(%arg6 : memref<128x16xf32, #tpu.memory_space<vmem>>)
        tpu.yield
      }) : () -> ()
      "tpu.region"() ({
        %run_scoped3A = tpu.sem_alloc : memref<!tpu.dma_semaphore, #tpu.memory_space<semaphore_mem>>
        %dma_start3A = arith.constant 0 : i32
        %dma_start3A_46 = tpu.memref_slice %arg3[%arg0, %add3A_44, %dma_start3A] : memref<2x10240x16xf32, #tpu.memory_space<hbm>> -> memref<1x128x16xf32, #tpu.memory_space<hbm>>
        %dma_start3A_47 = tpu.memref_squeeze %dma_start3A_46 : memref<1x128x16xf32, #tpu.memory_space<hbm>> -> memref<128x16xf32, #tpu.memory_space<hbm>>
        %dma_start3A_48 = arith.constant 0 : i32
        %dma_start3A_49 = tpu.memref_slice %arg3[%arg0, %add3A_44, %dma_start3A_48] : memref<2x10240x16xf32, #tpu.memory_space<hbm>> -> memref<1x128x16xf32, #tpu.memory_space<hbm>>
        %dma_start3A_50 = tpu.memref_squeeze %dma_start3A_49 : memref<1x128x16xf32, #tpu.memory_space<hbm>> -> memref<128x16xf32, #tpu.memory_space<hbm>>
        tpu.enqueue_dma source(%arg6 : memref<128x16xf32, #tpu.memory_space<vmem>>) target(%dma_start3A_50 : memref<128x16xf32, #tpu.memory_space<hbm>>) target_semaphore(%run_scoped3A : memref<!tpu.dma_semaphore, #tpu.memory_space<semaphore_mem>>)
        %dma_wait3A = arith.constant 0 : i32
        %dma_wait3A_51 = tpu.memref_slice %arg3[%arg0, %add3A_44, %dma_wait3A] : memref<2x10240x16xf32, #tpu.memory_space<hbm>> -> memref<1x128x16xf32, #tpu.memory_space<hbm>>
        %dma_wait3A_52 = tpu.memref_squeeze %dma_wait3A_51 : memref<1x128x16xf32, #tpu.memory_space<hbm>> -> memref<128x16xf32, #tpu.memory_space<hbm>>
        %dma_wait3A_53 = arith.constant 0 : i32
        %dma_wait3A_54 = tpu.memref_slice %arg3[%arg0, %add3A_44, %dma_wait3A_53] : memref<2x10240x16xf32, #tpu.memory_space<hbm>> -> memref<1x128x16xf32, #tpu.memory_space<hbm>>
        %dma_wait3A_55 = tpu.memref_squeeze %dma_wait3A_54 : memref<1x128x16xf32, #tpu.memory_space<hbm>> -> memref<128x16xf32, #tpu.memory_space<hbm>>
        tpu.wait_dma2 semaphore(%run_scoped3A : memref<!tpu.dma_semaphore, #tpu.memory_space<semaphore_mem>>) src(%arg6 : memref<128x16xf32, #tpu.memory_space<vmem>>) dst(%dma_wait3A_55 : memref<128x16xf32, #tpu.memory_space<hbm>>)
        tpu.yield
      }) : () -> ()
      %scan3A_45 = arith.constant 0 : i32
      scf.yield %scan3A_45 : i32
    }
    %scan3A_37 = arith.constant 5 : i32
    return
  }
}

#map = affine_map<(d0, d1) -> (0, 0)>
#map1 = affine_map<(d0, d1) -> (0, 0, 0)>
module attributes {stable_mosaic.version = 14 : i64} {
  func.func @k(%arg0: i32, %arg1: i32, %arg2: memref<10000x128xf32, #tpu.memory_space<hbm>>, %arg3: memref<2560x128xi32, #tpu.memory_space<hbm>>, %arg4: memref<2560x128xi32, #tpu.memory_space<hbm>>, %arg5: memref<128x128xf32, #tpu.memory_space<hbm>>, %arg6: memref<2x10240x128xf32, #tpu.memory_space<hbm>>, %arg7: memref<40x128xi32, #tpu.memory_space<vmem>>, %arg8: memref<40x128xi32, #tpu.memory_space<vmem>>, %arg9: memref<2x128x128xf32, #tpu.memory_space<vmem>>, %arg10: memref<10240x128xf32, #tpu.memory_space<vmem_shared>>, %arg11: memref<!tpu.dma_semaphore, #tpu.memory_space<semaphore_mem>>, %arg12: memref<!tpu.dma_semaphore, #tpu.memory_space<semaphore_mem>>) attributes {dimension_semantics = [#tpu.dimension_semantics<core_parallel>, #tpu.dimension_semantics<subcore_parallel>], iteration_bounds = array<i64: 2, 16>, scalar_prefetch = 0 : i64, scratch_operands = 6 : i64, tpu.core_type = #tpu.core_type<sc_vector_subcore>, window_params = [{transform_indices = #map}, {transform_indices = #map}, {transform_indices = #map}, {transform_indices = #map}, {transform_indices = #map1}]} {
    %mul3A = arith.constant 16 : i32
    %mul3A_0 = arith.muli %arg0, %mul3A : i32
    %add3A = arith.addi %mul3A_0, %arg1 : i32
    %run_scoped3A = arith.constant 0 : i32
    "tpu.region"() ({
      %run_scoped3A_60 = tpu.sem_alloc : memref<!tpu.dma_semaphore, #tpu.memory_space<semaphore_mem>>
      %dma_start3A_61 = arith.constant 0 : i32
      %dma_start3A_62 = arith.constant 0 : i32
      %dma_start3A_63 = tpu.memref_slice %arg9[%run_scoped3A, %dma_start3A_61, %dma_start3A_62] : memref<2x128x128xf32, #tpu.memory_space<vmem>> -> memref<1x128x128xf32, #tpu.memory_space<vmem>>
      %dma_start3A_64 = tpu.memref_squeeze %dma_start3A_63 : memref<1x128x128xf32, #tpu.memory_space<vmem>> -> memref<128x128xf32, #tpu.memory_space<vmem>>
      %dma_start3A_65 = arith.constant 0 : i32
      %dma_start3A_66 = arith.constant 0 : i32
      %dma_start3A_67 = tpu.memref_slice %arg9[%run_scoped3A, %dma_start3A_65, %dma_start3A_66] : memref<2x128x128xf32, #tpu.memory_space<vmem>> -> memref<1x128x128xf32, #tpu.memory_space<vmem>>
      %dma_start3A_68 = tpu.memref_squeeze %dma_start3A_67 : memref<1x128x128xf32, #tpu.memory_space<vmem>> -> memref<128x128xf32, #tpu.memory_space<vmem>>
      tpu.enqueue_dma source(%arg5 : memref<128x128xf32, #tpu.memory_space<hbm>>) target(%dma_start3A_68 : memref<128x128xf32, #tpu.memory_space<vmem>>) target_semaphore(%run_scoped3A_60 : memref<!tpu.dma_semaphore, #tpu.memory_space<semaphore_mem>>)
      %dma_wait3A = arith.constant 0 : i32
      %dma_wait3A_69 = arith.constant 0 : i32
      %dma_wait3A_70 = tpu.memref_slice %arg9[%run_scoped3A, %dma_wait3A, %dma_wait3A_69] : memref<2x128x128xf32, #tpu.memory_space<vmem>> -> memref<1x128x128xf32, #tpu.memory_space<vmem>>
      %dma_wait3A_71 = tpu.memref_squeeze %dma_wait3A_70 : memref<1x128x128xf32, #tpu.memory_space<vmem>> -> memref<128x128xf32, #tpu.memory_space<vmem>>
      %dma_wait3A_72 = arith.constant 0 : i32
      %dma_wait3A_73 = arith.constant 0 : i32
      %dma_wait3A_74 = tpu.memref_slice %arg9[%run_scoped3A, %dma_wait3A_72, %dma_wait3A_73] : memref<2x128x128xf32, #tpu.memory_space<vmem>> -> memref<1x128x128xf32, #tpu.memory_space<vmem>>
      %dma_wait3A_75 = tpu.memref_squeeze %dma_wait3A_74 : memref<1x128x128xf32, #tpu.memory_space<vmem>> -> memref<128x128xf32, #tpu.memory_space<vmem>>
      tpu.wait_dma2 semaphore(%run_scoped3A_60 : memref<!tpu.dma_semaphore, #tpu.memory_space<semaphore_mem>>) src(%arg5 : memref<128x128xf32, #tpu.memory_space<hbm>>) dst(%dma_wait3A_75 : memref<128x128xf32, #tpu.memory_space<vmem>>)
      tpu.yield
    }) : () -> ()
    %scan3A = arith.constant 0 : i32
    %scan3A_1 = arith.constant 0 : i32
    %scan3A_2 = arith.constant 5 : i32
    %scan3A_3 = arith.addi %scan3A_1, %scan3A_2 : i32
    %scan3A_4 = arith.constant 1 : i32
    %scan3A_5 = scf.for %scan3A_60 = %scan3A_1 to %scan3A_3 step %scan3A_4 iter_args(%scan3A_61 = %scan3A) -> (i32)  : i32 {
      %mul3A_62 = arith.constant 640 : i32
      %mul3A_63 = arith.muli %arg1, %mul3A_62 : i32
      %mul3A_64 = arith.constant 128 : i32
      %mul3A_65 = arith.muli %scan3A_60, %mul3A_64 : i32
      %add3A_66 = arith.addi %mul3A_63, %mul3A_65 : i32
      %run_scoped3A_67 = arith.constant 0 : i32
      "tpu.region"() ({
        %run_scoped3A_69 = tpu.sem_alloc : memref<!tpu.dma_semaphore, #tpu.memory_space<semaphore_mem>>
        %dma_start3A_70 = arith.constant 0 : i32
        %dma_start3A_71 = arith.constant 0 : i32
        %dma_start3A_72 = tpu.memref_slice %arg9[%run_scoped3A_67, %dma_start3A_70, %dma_start3A_71] : memref<2x128x128xf32, #tpu.memory_space<vmem>> -> memref<1x128x128xf32, #tpu.memory_space<vmem>>
        %dma_start3A_73 = tpu.memref_squeeze %dma_start3A_72 : memref<1x128x128xf32, #tpu.memory_space<vmem>> -> memref<128x128xf32, #tpu.memory_space<vmem>>
        %dma_start3A_74 = arith.constant 0 : i32
        %dma_start3A_75 = tpu.memref_slice %arg10[%add3A_66, %dma_start3A_74] : memref<10240x128xf32, #tpu.memory_space<vmem_shared>> -> memref<128x128xf32, #tpu.memory_space<vmem_shared>>
        %dma_start3A_76 = arith.constant 0 : i32
        %dma_start3A_77 = tpu.memref_slice %arg10[%add3A_66, %dma_start3A_76] : memref<10240x128xf32, #tpu.memory_space<vmem_shared>> -> memref<128x128xf32, #tpu.memory_space<vmem_shared>>
        %dma_start3A_78 = arith.constant 0 : i32
        %dma_start3A_79 = arith.constant 0 : i32
        %dma_start3A_80 = tpu.memref_slice %arg9[%run_scoped3A_67, %dma_start3A_78, %dma_start3A_79] : memref<2x128x128xf32, #tpu.memory_space<vmem>> -> memref<1x128x128xf32, #tpu.memory_space<vmem>>
        %dma_start3A_81 = tpu.memref_squeeze %dma_start3A_80 : memref<1x128x128xf32, #tpu.memory_space<vmem>> -> memref<128x128xf32, #tpu.memory_space<vmem>>
        tpu.enqueue_dma source(%dma_start3A_81 : memref<128x128xf32, #tpu.memory_space<vmem>>) target(%dma_start3A_77 : memref<128x128xf32, #tpu.memory_space<vmem_shared>>) target_semaphore(%run_scoped3A_69 : memref<!tpu.dma_semaphore, #tpu.memory_space<semaphore_mem>>)
        %dma_wait3A = arith.constant 0 : i32
        %dma_wait3A_82 = arith.constant 0 : i32
        %dma_wait3A_83 = tpu.memref_slice %arg9[%run_scoped3A_67, %dma_wait3A, %dma_wait3A_82] : memref<2x128x128xf32, #tpu.memory_space<vmem>> -> memref<1x128x128xf32, #tpu.memory_space<vmem>>
        %dma_wait3A_84 = tpu.memref_squeeze %dma_wait3A_83 : memref<1x128x128xf32, #tpu.memory_space<vmem>> -> memref<128x128xf32, #tpu.memory_space<vmem>>
        %dma_wait3A_85 = arith.constant 0 : i32
        %dma_wait3A_86 = tpu.memref_slice %arg10[%add3A_66, %dma_wait3A_85] : memref<10240x128xf32, #tpu.memory_space<vmem_shared>> -> memref<128x128xf32, #tpu.memory_space<vmem_shared>>
        %dma_wait3A_87 = arith.constant 0 : i32
        %dma_wait3A_88 = tpu.memref_slice %arg10[%add3A_66, %dma_wait3A_87] : memref<10240x128xf32, #tpu.memory_space<vmem_shared>> -> memref<128x128xf32, #tpu.memory_space<vmem_shared>>
        %dma_wait3A_89 = arith.constant 0 : i32
        %dma_wait3A_90 = arith.constant 0 : i32
        %dma_wait3A_91 = tpu.memref_slice %arg9[%run_scoped3A_67, %dma_wait3A_89, %dma_wait3A_90] : memref<2x128x128xf32, #tpu.memory_space<vmem>> -> memref<1x128x128xf32, #tpu.memory_space<vmem>>
        %dma_wait3A_92 = tpu.memref_squeeze %dma_wait3A_91 : memref<1x128x128xf32, #tpu.memory_space<vmem>> -> memref<128x128xf32, #tpu.memory_space<vmem>>
        tpu.wait_dma2 semaphore(%run_scoped3A_69 : memref<!tpu.dma_semaphore, #tpu.memory_space<semaphore_mem>>) src(%dma_wait3A_92 : memref<128x128xf32, #tpu.memory_space<vmem>>) dst(%dma_wait3A_88 : memref<128x128xf32, #tpu.memory_space<vmem_shared>>)
        tpu.yield
      }) : () -> ()
      %scan3A_68 = arith.constant 0 : i32
      scf.yield %scan3A_68 : i32
    }
    %scan3A_6 = arith.constant 5 : i32
    %barrier3A = arith.constant 0 : index
    tpu.barrier barrier_id(%barrier3A)
    %mul3A_7 = arith.constant 80 : i32
    %mul3A_8 = arith.muli %add3A, %mul3A_7 : i32
    %add3A_9 = arith.constant 0 : i32
    %add3A_10 = arith.addi %mul3A_8, %add3A_9 : i32
    "tpu.region"() ({
      %run_scoped3A_60 = tpu.sem_alloc : memref<!tpu.dma_semaphore, #tpu.memory_space<semaphore_mem>>
      %dma_start3A_61 = arith.constant 0 : i32
      %dma_start3A_62 = tpu.memref_slice %arg3[%add3A_10, %dma_start3A_61] : memref<2560x128xi32, #tpu.memory_space<hbm>> -> memref<40x128xi32, #tpu.memory_space<hbm>>
      %dma_start3A_63 = arith.constant 0 : i32
      %dma_start3A_64 = tpu.memref_slice %arg3[%add3A_10, %dma_start3A_63] : memref<2560x128xi32, #tpu.memory_space<hbm>> -> memref<40x128xi32, #tpu.memory_space<hbm>>
      tpu.enqueue_dma source(%dma_start3A_64 : memref<40x128xi32, #tpu.memory_space<hbm>>) target(%arg7 : memref<40x128xi32, #tpu.memory_space<vmem>>) target_semaphore(%run_scoped3A_60 : memref<!tpu.dma_semaphore, #tpu.memory_space<semaphore_mem>>)
      %dma_wait3A = arith.constant 0 : i32
      %dma_wait3A_65 = tpu.memref_slice %arg3[%add3A_10, %dma_wait3A] : memref<2560x128xi32, #tpu.memory_space<hbm>> -> memref<40x128xi32, #tpu.memory_space<hbm>>
      %dma_wait3A_66 = arith.constant 0 : i32
      %dma_wait3A_67 = tpu.memref_slice %arg3[%add3A_10, %dma_wait3A_66] : memref<2560x128xi32, #tpu.memory_space<hbm>> -> memref<40x128xi32, #tpu.memory_space<hbm>>
      tpu.wait_dma2 semaphore(%run_scoped3A_60 : memref<!tpu.dma_semaphore, #tpu.memory_space<semaphore_mem>>) src(%dma_wait3A_67 : memref<40x128xi32, #tpu.memory_space<hbm>>) dst(%arg7 : memref<40x128xi32, #tpu.memory_space<vmem>>)
      tpu.yield
    }) : () -> ()
    "tpu.region"() ({
      %run_scoped3A_60 = tpu.sem_alloc : memref<!tpu.dma_semaphore, #tpu.memory_space<semaphore_mem>>
      %dma_start3A_61 = arith.constant 0 : i32
      %dma_start3A_62 = tpu.memref_slice %arg4[%add3A_10, %dma_start3A_61] : memref<2560x128xi32, #tpu.memory_space<hbm>> -> memref<40x128xi32, #tpu.memory_space<hbm>>
      %dma_start3A_63 = arith.constant 0 : i32
      %dma_start3A_64 = tpu.memref_slice %arg4[%add3A_10, %dma_start3A_63] : memref<2560x128xi32, #tpu.memory_space<hbm>> -> memref<40x128xi32, #tpu.memory_space<hbm>>
      tpu.enqueue_dma source(%dma_start3A_64 : memref<40x128xi32, #tpu.memory_space<hbm>>) target(%arg8 : memref<40x128xi32, #tpu.memory_space<vmem>>) target_semaphore(%run_scoped3A_60 : memref<!tpu.dma_semaphore, #tpu.memory_space<semaphore_mem>>)
      %dma_wait3A = arith.constant 0 : i32
      %dma_wait3A_65 = tpu.memref_slice %arg4[%add3A_10, %dma_wait3A] : memref<2560x128xi32, #tpu.memory_space<hbm>> -> memref<40x128xi32, #tpu.memory_space<hbm>>
      %dma_wait3A_66 = arith.constant 0 : i32
      %dma_wait3A_67 = tpu.memref_slice %arg4[%add3A_10, %dma_wait3A_66] : memref<2560x128xi32, #tpu.memory_space<hbm>> -> memref<40x128xi32, #tpu.memory_space<hbm>>
      tpu.wait_dma2 semaphore(%run_scoped3A_60 : memref<!tpu.dma_semaphore, #tpu.memory_space<semaphore_mem>>) src(%dma_wait3A_67 : memref<40x128xi32, #tpu.memory_space<hbm>>) dst(%arg8 : memref<40x128xi32, #tpu.memory_space<vmem>>)
      tpu.yield
    }) : () -> ()
    %dma_start3A = arith.constant 0 : i32
    %dma_start3A_11 = arith.constant 0 : i32
    %dma_start3A_12 = arith.constant 0 : i32
    %dma_start3A_13 = arith.constant 0 : i32
    %dma_start3A_14 = tpu.memref_slice %arg9[%dma_start3A_11, %dma_start3A_12, %dma_start3A_13] : memref<2x128x128xf32, #tpu.memory_space<vmem>> -> memref<1x128x128xf32, #tpu.memory_space<vmem>>
    %dma_start3A_15 = tpu.memref_squeeze %dma_start3A_14 : memref<1x128x128xf32, #tpu.memory_space<vmem>> -> memref<128x128xf32, #tpu.memory_space<vmem>>
    %dma_start3A_16 = arith.constant 0 : i32
    %dma_start3A_17 = tpu.memref_slice %arg7[%dma_start3A, %dma_start3A_16] : memref<40x128xi32, #tpu.memory_space<vmem>> -> memref<1x128xi32, #tpu.memory_space<vmem>>
    %dma_start3A_18 = tpu.memref_squeeze %dma_start3A_17 : memref<1x128xi32, #tpu.memory_space<vmem>> -> memref<128xi32, #tpu.memory_space<vmem>>
    %dma_start3A_19 = arith.constant 0 : i32
    %dma_start3A_20 = arith.constant 0 : i32
    %dma_start3A_21 = tpu.memref_slice %arg2[%dma_start3A_19, %dma_start3A_20] : memref<10000x128xf32, #tpu.memory_space<hbm>> -> memref<10000x128xf32, #tpu.memory_space<hbm>>
    tpu.enqueue_indirect_dma source(%dma_start3A_21 : memref<10000x128xf32, #tpu.memory_space<hbm>>) target(%dma_start3A_15 : memref<128x128xf32, #tpu.memory_space<vmem>>) offsets(%dma_start3A_18 : memref<128xi32, #tpu.memory_space<vmem>>) semaphore(%arg11 : memref<!tpu.dma_semaphore, #tpu.memory_space<semaphore_mem>>)
    %scan3A_22 = arith.constant 0 : i32
    %scan3A_23 = arith.constant 0 : i32
    %scan3A_24 = arith.constant 20 : i32
    %scan3A_25 = arith.addi %scan3A_23, %scan3A_24 : i32
    %scan3A_26 = arith.constant 1 : i32
    %scan3A_27 = scf.for %scan3A_60 = %scan3A_23 to %scan3A_25 step %scan3A_26 iter_args(%scan3A_61 = %scan3A_22) -> (i32)  : i32 {
      %mul3A_62 = arith.constant 2 : i32
      %mul3A_63 = arith.muli %mul3A_62, %scan3A_60 : i32
      %add3A_64 = arith.constant 1 : i32
      %add3A_65 = arith.addi %mul3A_63, %add3A_64 : i32
      %dma_start3A_66 = arith.constant 1 : i32
      %dma_start3A_67 = arith.constant 0 : i32
      %dma_start3A_68 = arith.constant 0 : i32
      %dma_start3A_69 = tpu.memref_slice %arg9[%dma_start3A_66, %dma_start3A_67, %dma_start3A_68] : memref<2x128x128xf32, #tpu.memory_space<vmem>> -> memref<1x128x128xf32, #tpu.memory_space<vmem>>
      %dma_start3A_70 = tpu.memref_squeeze %dma_start3A_69 : memref<1x128x128xf32, #tpu.memory_space<vmem>> -> memref<128x128xf32, #tpu.memory_space<vmem>>
      %dma_start3A_71 = arith.constant 0 : i32
      %dma_start3A_72 = tpu.memref_slice %arg7[%add3A_65, %dma_start3A_71] : memref<40x128xi32, #tpu.memory_space<vmem>> -> memref<1x128xi32, #tpu.memory_space<vmem>>
      %dma_start3A_73 = tpu.memref_squeeze %dma_start3A_72 : memref<1x128xi32, #tpu.memory_space<vmem>> -> memref<128xi32, #tpu.memory_space<vmem>>
      %dma_start3A_74 = arith.constant 0 : i32
      %dma_start3A_75 = arith.constant 0 : i32
      %dma_start3A_76 = tpu.memref_slice %arg2[%dma_start3A_74, %dma_start3A_75] : memref<10000x128xf32, #tpu.memory_space<hbm>> -> memref<10000x128xf32, #tpu.memory_space<hbm>>
      tpu.enqueue_indirect_dma source(%dma_start3A_76 : memref<10000x128xf32, #tpu.memory_space<hbm>>) target(%dma_start3A_70 : memref<128x128xf32, #tpu.memory_space<vmem>>) offsets(%dma_start3A_73 : memref<128xi32, #tpu.memory_space<vmem>>) semaphore(%arg12 : memref<!tpu.dma_semaphore, #tpu.memory_space<semaphore_mem>>)
      %mul3A_77 = arith.constant 2 : i32
      %mul3A_78 = arith.muli %mul3A_77, %scan3A_60 : i32
      %dma_wait3A = arith.constant 0 : i32
      %dma_wait3A_79 = arith.constant 0 : i32
      %dma_wait3A_80 = arith.constant 0 : i32
      %dma_wait3A_81 = tpu.memref_slice %arg9[%dma_wait3A, %dma_wait3A_79, %dma_wait3A_80] : memref<2x128x128xf32, #tpu.memory_space<vmem>> -> memref<1x128x128xf32, #tpu.memory_space<vmem>>
      %dma_wait3A_82 = tpu.memref_squeeze %dma_wait3A_81 : memref<1x128x128xf32, #tpu.memory_space<vmem>> -> memref<128x128xf32, #tpu.memory_space<vmem>>
      %dma_wait3A_83 = arith.constant 0 : i32
      %dma_wait3A_84 = tpu.memref_slice %arg7[%mul3A_78, %dma_wait3A_83] : memref<40x128xi32, #tpu.memory_space<vmem>> -> memref<1x128xi32, #tpu.memory_space<vmem>>
      %dma_wait3A_85 = tpu.memref_squeeze %dma_wait3A_84 : memref<1x128xi32, #tpu.memory_space<vmem>> -> memref<128xi32, #tpu.memory_space<vmem>>
      %dma_wait3A_86 = arith.constant 0 : i32
      %dma_wait3A_87 = arith.constant 0 : i32
      %dma_wait3A_88 = tpu.memref_slice %arg2[%dma_wait3A_86, %dma_wait3A_87] : memref<10000x128xf32, #tpu.memory_space<hbm>> -> memref<10000x128xf32, #tpu.memory_space<hbm>>
      tpu.wait_indirect_dma semaphore(%arg11 : memref<!tpu.dma_semaphore, #tpu.memory_space<semaphore_mem>>) src(%dma_wait3A_88 : memref<10000x128xf32, #tpu.memory_space<hbm>>) dst(%dma_wait3A_82 : memref<128x128xf32, #tpu.memory_space<vmem>>)
      %mul3A_89 = arith.constant 2 : i32
      %mul3A_90 = arith.muli %mul3A_89, %scan3A_60 : i32
      %run_scoped3A_91 = arith.constant 0 : i32
      "tpu.region"() ({
        %run_scoped3A_115 = tpu.sem_alloc : memref<!tpu.dma_semaphore, #tpu.memory_space<semaphore_mem>>
        %dma_start3A_116 = arith.constant 0 : i32
        %dma_start3A_117 = arith.constant 0 : i32
        %dma_start3A_118 = tpu.memref_slice %arg9[%run_scoped3A_91, %dma_start3A_116, %dma_start3A_117] : memref<2x128x128xf32, #tpu.memory_space<vmem>> -> memref<1x128x128xf32, #tpu.memory_space<vmem>>
        %dma_start3A_119 = tpu.memref_squeeze %dma_start3A_118 : memref<1x128x128xf32, #tpu.memory_space<vmem>> -> memref<128x128xf32, #tpu.memory_space<vmem>>
        %dma_start3A_120 = arith.constant 0 : i32
        %dma_start3A_121 = tpu.memref_slice %arg8[%mul3A_90, %dma_start3A_120] : memref<40x128xi32, #tpu.memory_space<vmem>> -> memref<1x128xi32, #tpu.memory_space<vmem>>
        %dma_start3A_122 = tpu.memref_squeeze %dma_start3A_121 : memref<1x128xi32, #tpu.memory_space<vmem>> -> memref<128xi32, #tpu.memory_space<vmem>>
        %dma_start3A_123 = arith.constant 0 : i32
        %dma_start3A_124 = arith.constant 0 : i32
        %dma_start3A_125 = tpu.memref_slice %arg10[%dma_start3A_123, %dma_start3A_124] : memref<10240x128xf32, #tpu.memory_space<vmem_shared>> -> memref<10240x128xf32, #tpu.memory_space<vmem_shared>>
        tpu.enqueue_indirect_dma source(%dma_start3A_119 : memref<128x128xf32, #tpu.memory_space<vmem>>) target(%dma_start3A_125 : memref<10240x128xf32, #tpu.memory_space<vmem_shared>>) offsets(%dma_start3A_122 : memref<128xi32, #tpu.memory_space<vmem>>) semaphore(%run_scoped3A_115 : memref<!tpu.dma_semaphore, #tpu.memory_space<semaphore_mem>>) {add = true}
        %dma_wait3A_126 = arith.constant 0 : i32
        %dma_wait3A_127 = arith.constant 0 : i32
        %dma_wait3A_128 = tpu.memref_slice %arg9[%run_scoped3A_91, %dma_wait3A_126, %dma_wait3A_127] : memref<2x128x128xf32, #tpu.memory_space<vmem>> -> memref<1x128x128xf32, #tpu.memory_space<vmem>>
        %dma_wait3A_129 = tpu.memref_squeeze %dma_wait3A_128 : memref<1x128x128xf32, #tpu.memory_space<vmem>> -> memref<128x128xf32, #tpu.memory_space<vmem>>
        %dma_wait3A_130 = arith.constant 0 : i32
        %dma_wait3A_131 = tpu.memref_slice %arg8[%mul3A_90, %dma_wait3A_130] : memref<40x128xi32, #tpu.memory_space<vmem>> -> memref<1x128xi32, #tpu.memory_space<vmem>>
        %dma_wait3A_132 = tpu.memref_squeeze %dma_wait3A_131 : memref<1x128xi32, #tpu.memory_space<vmem>> -> memref<128xi32, #tpu.memory_space<vmem>>
        %dma_wait3A_133 = arith.constant 0 : i32
        %dma_wait3A_134 = arith.constant 0 : i32
        %dma_wait3A_135 = tpu.memref_slice %arg10[%dma_wait3A_133, %dma_wait3A_134] : memref<10240x128xf32, #tpu.memory_space<vmem_shared>> -> memref<10240x128xf32, #tpu.memory_space<vmem_shared>>
        tpu.wait_indirect_dma semaphore(%run_scoped3A_115 : memref<!tpu.dma_semaphore, #tpu.memory_space<semaphore_mem>>) src(%dma_wait3A_129 : memref<128x128xf32, #tpu.memory_space<vmem>>) dst(%dma_wait3A_135 : memref<10240x128xf32, #tpu.memory_space<vmem_shared>>)
        tpu.yield
      }) : () -> ()
      %lt3A = arith.constant 19 : i32
      %lt3A_92 = arith.cmpi slt, %scan3A_60, %lt3A : i32
      %convert_element_type3A = arith.extui %lt3A_92 : i1 to i32
      %cond3A = arith.constant 0 : i32
      %cond3A_93 = arith.cmpi ne, %convert_element_type3A, %cond3A : i32
      scf.if %cond3A_93 {
        %mul3A_115 = arith.constant 2 : i32
        %mul3A_116 = arith.muli %mul3A_115, %scan3A_60 : i32
        %add3A_117 = arith.constant 2 : i32
        %add3A_118 = arith.addi %mul3A_116, %add3A_117 : i32
        %dma_start3A_119 = arith.constant 0 : i32
        %dma_start3A_120 = arith.constant 0 : i32
        %dma_start3A_121 = arith.constant 0 : i32
        %dma_start3A_122 = tpu.memref_slice %arg9[%dma_start3A_119, %dma_start3A_120, %dma_start3A_121] : memref<2x128x128xf32, #tpu.memory_space<vmem>> -> memref<1x128x128xf32, #tpu.memory_space<vmem>>
        %dma_start3A_123 = tpu.memref_squeeze %dma_start3A_122 : memref<1x128x128xf32, #tpu.memory_space<vmem>> -> memref<128x128xf32, #tpu.memory_space<vmem>>
        %dma_start3A_124 = arith.constant 0 : i32
        %dma_start3A_125 = tpu.memref_slice %arg7[%add3A_118, %dma_start3A_124] : memref<40x128xi32, #tpu.memory_space<vmem>> -> memref<1x128xi32, #tpu.memory_space<vmem>>
        %dma_start3A_126 = tpu.memref_squeeze %dma_start3A_125 : memref<1x128xi32, #tpu.memory_space<vmem>> -> memref<128xi32, #tpu.memory_space<vmem>>
        %dma_start3A_127 = arith.constant 0 : i32
        %dma_start3A_128 = arith.constant 0 : i32
        %dma_start3A_129 = tpu.memref_slice %arg2[%dma_start3A_127, %dma_start3A_128] : memref<10000x128xf32, #tpu.memory_space<hbm>> -> memref<10000x128xf32, #tpu.memory_space<hbm>>
        tpu.enqueue_indirect_dma source(%dma_start3A_129 : memref<10000x128xf32, #tpu.memory_space<hbm>>) target(%dma_start3A_123 : memref<128x128xf32, #tpu.memory_space<vmem>>) offsets(%dma_start3A_126 : memref<128xi32, #tpu.memory_space<vmem>>) semaphore(%arg11 : memref<!tpu.dma_semaphore, #tpu.memory_space<semaphore_mem>>)
      } else {
      }
      %mul3A_94 = arith.constant 2 : i32
      %mul3A_95 = arith.muli %mul3A_94, %scan3A_60 : i32
      %add3A_96 = arith.constant 1 : i32
      %add3A_97 = arith.addi %mul3A_95, %add3A_96 : i32
      %dma_wait3A_98 = arith.constant 1 : i32
      %dma_wait3A_99 = arith.constant 0 : i32
      %dma_wait3A_100 = arith.constant 0 : i32
      %dma_wait3A_101 = tpu.memref_slice %arg9[%dma_wait3A_98, %dma_wait3A_99, %dma_wait3A_100] : memref<2x128x128xf32, #tpu.memory_space<vmem>> -> memref<1x128x128xf32, #tpu.memory_space<vmem>>
      %dma_wait3A_102 = tpu.memref_squeeze %dma_wait3A_101 : memref<1x128x128xf32, #tpu.memory_space<vmem>> -> memref<128x128xf32, #tpu.memory_space<vmem>>
      %dma_wait3A_103 = arith.constant 0 : i32
      %dma_wait3A_104 = tpu.memref_slice %arg7[%add3A_97, %dma_wait3A_103] : memref<40x128xi32, #tpu.memory_space<vmem>> -> memref<1x128xi32, #tpu.memory_space<vmem>>
      %dma_wait3A_105 = tpu.memref_squeeze %dma_wait3A_104 : memref<1x128xi32, #tpu.memory_space<vmem>> -> memref<128xi32, #tpu.memory_space<vmem>>
      %dma_wait3A_106 = arith.constant 0 : i32
      %dma_wait3A_107 = arith.constant 0 : i32
      %dma_wait3A_108 = tpu.memref_slice %arg2[%dma_wait3A_106, %dma_wait3A_107] : memref<10000x128xf32, #tpu.memory_space<hbm>> -> memref<10000x128xf32, #tpu.memory_space<hbm>>
      tpu.wait_indirect_dma semaphore(%arg12 : memref<!tpu.dma_semaphore, #tpu.memory_space<semaphore_mem>>) src(%dma_wait3A_108 : memref<10000x128xf32, #tpu.memory_space<hbm>>) dst(%dma_wait3A_102 : memref<128x128xf32, #tpu.memory_space<vmem>>)
      %mul3A_109 = arith.constant 2 : i32
      %mul3A_110 = arith.muli %mul3A_109, %scan3A_60 : i32
      %add3A_111 = arith.constant 1 : i32
      %add3A_112 = arith.addi %mul3A_110, %add3A_111 : i32
      %run_scoped3A_113 = arith.constant 1 : i32
      "tpu.region"() ({
        %run_scoped3A_115 = tpu.sem_alloc : memref<!tpu.dma_semaphore, #tpu.memory_space<semaphore_mem>>
        %dma_start3A_116 = arith.constant 0 : i32
        %dma_start3A_117 = arith.constant 0 : i32
        %dma_start3A_118 = tpu.memref_slice %arg9[%run_scoped3A_113, %dma_start3A_116, %dma_start3A_117] : memref<2x128x128xf32, #tpu.memory_space<vmem>> -> memref<1x128x128xf32, #tpu.memory_space<vmem>>
        %dma_start3A_119 = tpu.memref_squeeze %dma_start3A_118 : memref<1x128x128xf32, #tpu.memory_space<vmem>> -> memref<128x128xf32, #tpu.memory_space<vmem>>
        %dma_start3A_120 = arith.constant 0 : i32
        %dma_start3A_121 = tpu.memref_slice %arg8[%add3A_112, %dma_start3A_120] : memref<40x128xi32, #tpu.memory_space<vmem>> -> memref<1x128xi32, #tpu.memory_space<vmem>>
        %dma_start3A_122 = tpu.memref_squeeze %dma_start3A_121 : memref<1x128xi32, #tpu.memory_space<vmem>> -> memref<128xi32, #tpu.memory_space<vmem>>
        %dma_start3A_123 = arith.constant 0 : i32
        %dma_start3A_124 = arith.constant 0 : i32
        %dma_start3A_125 = tpu.memref_slice %arg10[%dma_start3A_123, %dma_start3A_124] : memref<10240x128xf32, #tpu.memory_space<vmem_shared>> -> memref<10240x128xf32, #tpu.memory_space<vmem_shared>>
        tpu.enqueue_indirect_dma source(%dma_start3A_119 : memref<128x128xf32, #tpu.memory_space<vmem>>) target(%dma_start3A_125 : memref<10240x128xf32, #tpu.memory_space<vmem_shared>>) offsets(%dma_start3A_122 : memref<128xi32, #tpu.memory_space<vmem>>) semaphore(%run_scoped3A_115 : memref<!tpu.dma_semaphore, #tpu.memory_space<semaphore_mem>>) {add = true}
        %dma_wait3A_126 = arith.constant 0 : i32
        %dma_wait3A_127 = arith.constant 0 : i32
        %dma_wait3A_128 = tpu.memref_slice %arg9[%run_scoped3A_113, %dma_wait3A_126, %dma_wait3A_127] : memref<2x128x128xf32, #tpu.memory_space<vmem>> -> memref<1x128x128xf32, #tpu.memory_space<vmem>>
        %dma_wait3A_129 = tpu.memref_squeeze %dma_wait3A_128 : memref<1x128x128xf32, #tpu.memory_space<vmem>> -> memref<128x128xf32, #tpu.memory_space<vmem>>
        %dma_wait3A_130 = arith.constant 0 : i32
        %dma_wait3A_131 = tpu.memref_slice %arg8[%add3A_112, %dma_wait3A_130] : memref<40x128xi32, #tpu.memory_space<vmem>> -> memref<1x128xi32, #tpu.memory_space<vmem>>
        %dma_wait3A_132 = tpu.memref_squeeze %dma_wait3A_131 : memref<1x128xi32, #tpu.memory_space<vmem>> -> memref<128xi32, #tpu.memory_space<vmem>>
        %dma_wait3A_133 = arith.constant 0 : i32
        %dma_wait3A_134 = arith.constant 0 : i32
        %dma_wait3A_135 = tpu.memref_slice %arg10[%dma_wait3A_133, %dma_wait3A_134] : memref<10240x128xf32, #tpu.memory_space<vmem_shared>> -> memref<10240x128xf32, #tpu.memory_space<vmem_shared>>
        tpu.wait_indirect_dma semaphore(%run_scoped3A_115 : memref<!tpu.dma_semaphore, #tpu.memory_space<semaphore_mem>>) src(%dma_wait3A_129 : memref<128x128xf32, #tpu.memory_space<vmem>>) dst(%dma_wait3A_135 : memref<10240x128xf32, #tpu.memory_space<vmem_shared>>)
        tpu.yield
      }) : () -> ()
      %scan3A_114 = arith.constant 0 : i32
      scf.yield %scan3A_114 : i32
    }
    %scan3A_28 = arith.constant 20 : i32
    %mul3A_29 = arith.constant 80 : i32
    %mul3A_30 = arith.muli %add3A, %mul3A_29 : i32
    %add3A_31 = arith.constant 40 : i32
    %add3A_32 = arith.addi %mul3A_30, %add3A_31 : i32
    "tpu.region"() ({
      %run_scoped3A_60 = tpu.sem_alloc : memref<!tpu.dma_semaphore, #tpu.memory_space<semaphore_mem>>
      %dma_start3A_61 = arith.constant 0 : i32
      %dma_start3A_62 = tpu.memref_slice %arg3[%add3A_32, %dma_start3A_61] : memref<2560x128xi32, #tpu.memory_space<hbm>> -> memref<40x128xi32, #tpu.memory_space<hbm>>
      %dma_start3A_63 = arith.constant 0 : i32
      %dma_start3A_64 = tpu.memref_slice %arg3[%add3A_32, %dma_start3A_63] : memref<2560x128xi32, #tpu.memory_space<hbm>> -> memref<40x128xi32, #tpu.memory_space<hbm>>
      tpu.enqueue_dma source(%dma_start3A_64 : memref<40x128xi32, #tpu.memory_space<hbm>>) target(%arg7 : memref<40x128xi32, #tpu.memory_space<vmem>>) target_semaphore(%run_scoped3A_60 : memref<!tpu.dma_semaphore, #tpu.memory_space<semaphore_mem>>)
      %dma_wait3A = arith.constant 0 : i32
      %dma_wait3A_65 = tpu.memref_slice %arg3[%add3A_32, %dma_wait3A] : memref<2560x128xi32, #tpu.memory_space<hbm>> -> memref<40x128xi32, #tpu.memory_space<hbm>>
      %dma_wait3A_66 = arith.constant 0 : i32
      %dma_wait3A_67 = tpu.memref_slice %arg3[%add3A_32, %dma_wait3A_66] : memref<2560x128xi32, #tpu.memory_space<hbm>> -> memref<40x128xi32, #tpu.memory_space<hbm>>
      tpu.wait_dma2 semaphore(%run_scoped3A_60 : memref<!tpu.dma_semaphore, #tpu.memory_space<semaphore_mem>>) src(%dma_wait3A_67 : memref<40x128xi32, #tpu.memory_space<hbm>>) dst(%arg7 : memref<40x128xi32, #tpu.memory_space<vmem>>)
      tpu.yield
    }) : () -> ()
    "tpu.region"() ({
      %run_scoped3A_60 = tpu.sem_alloc : memref<!tpu.dma_semaphore, #tpu.memory_space<semaphore_mem>>
      %dma_start3A_61 = arith.constant 0 : i32
      %dma_start3A_62 = tpu.memref_slice %arg4[%add3A_32, %dma_start3A_61] : memref<2560x128xi32, #tpu.memory_space<hbm>> -> memref<40x128xi32, #tpu.memory_space<hbm>>
      %dma_start3A_63 = arith.constant 0 : i32
      %dma_start3A_64 = tpu.memref_slice %arg4[%add3A_32, %dma_start3A_63] : memref<2560x128xi32, #tpu.memory_space<hbm>> -> memref<40x128xi32, #tpu.memory_space<hbm>>
      tpu.enqueue_dma source(%dma_start3A_64 : memref<40x128xi32, #tpu.memory_space<hbm>>) target(%arg8 : memref<40x128xi32, #tpu.memory_space<vmem>>) target_semaphore(%run_scoped3A_60 : memref<!tpu.dma_semaphore, #tpu.memory_space<semaphore_mem>>)
      %dma_wait3A = arith.constant 0 : i32
      %dma_wait3A_65 = tpu.memref_slice %arg4[%add3A_32, %dma_wait3A] : memref<2560x128xi32, #tpu.memory_space<hbm>> -> memref<40x128xi32, #tpu.memory_space<hbm>>
      %dma_wait3A_66 = arith.constant 0 : i32
      %dma_wait3A_67 = tpu.memref_slice %arg4[%add3A_32, %dma_wait3A_66] : memref<2560x128xi32, #tpu.memory_space<hbm>> -> memref<40x128xi32, #tpu.memory_space<hbm>>
      tpu.wait_dma2 semaphore(%run_scoped3A_60 : memref<!tpu.dma_semaphore, #tpu.memory_space<semaphore_mem>>) src(%dma_wait3A_67 : memref<40x128xi32, #tpu.memory_space<hbm>>) dst(%arg8 : memref<40x128xi32, #tpu.memory_space<vmem>>)
      tpu.yield
    }) : () -> ()
    %dma_start3A_33 = arith.constant 0 : i32
    %dma_start3A_34 = arith.constant 0 : i32
    %dma_start3A_35 = arith.constant 0 : i32
    %dma_start3A_36 = arith.constant 0 : i32
    %dma_start3A_37 = tpu.memref_slice %arg9[%dma_start3A_34, %dma_start3A_35, %dma_start3A_36] : memref<2x128x128xf32, #tpu.memory_space<vmem>> -> memref<1x128x128xf32, #tpu.memory_space<vmem>>
    %dma_start3A_38 = tpu.memref_squeeze %dma_start3A_37 : memref<1x128x128xf32, #tpu.memory_space<vmem>> -> memref<128x128xf32, #tpu.memory_space<vmem>>
    %dma_start3A_39 = arith.constant 0 : i32
    %dma_start3A_40 = tpu.memref_slice %arg7[%dma_start3A_33, %dma_start3A_39] : memref<40x128xi32, #tpu.memory_space<vmem>> -> memref<1x128xi32, #tpu.memory_space<vmem>>
    %dma_start3A_41 = tpu.memref_squeeze %dma_start3A_40 : memref<1x128xi32, #tpu.memory_space<vmem>> -> memref<128xi32, #tpu.memory_space<vmem>>
    %dma_start3A_42 = arith.constant 0 : i32
    %dma_start3A_43 = arith.constant 0 : i32
    %dma_start3A_44 = tpu.memref_slice %arg2[%dma_start3A_42, %dma_start3A_43] : memref<10000x128xf32, #tpu.memory_space<hbm>> -> memref<10000x128xf32, #tpu.memory_space<hbm>>
    tpu.enqueue_indirect_dma source(%dma_start3A_44 : memref<10000x128xf32, #tpu.memory_space<hbm>>) target(%dma_start3A_38 : memref<128x128xf32, #tpu.memory_space<vmem>>) offsets(%dma_start3A_41 : memref<128xi32, #tpu.memory_space<vmem>>) semaphore(%arg11 : memref<!tpu.dma_semaphore, #tpu.memory_space<semaphore_mem>>)
    %scan3A_45 = arith.constant 0 : i32
    %scan3A_46 = arith.constant 0 : i32
    %scan3A_47 = arith.constant 20 : i32
    %scan3A_48 = arith.addi %scan3A_46, %scan3A_47 : i32
    %scan3A_49 = arith.constant 1 : i32
    %scan3A_50 = scf.for %scan3A_60 = %scan3A_46 to %scan3A_48 step %scan3A_49 iter_args(%scan3A_61 = %scan3A_45) -> (i32)  : i32 {
      %mul3A_62 = arith.constant 2 : i32
      %mul3A_63 = arith.muli %mul3A_62, %scan3A_60 : i32
      %add3A_64 = arith.constant 1 : i32
      %add3A_65 = arith.addi %mul3A_63, %add3A_64 : i32
      %dma_start3A_66 = arith.constant 1 : i32
      %dma_start3A_67 = arith.constant 0 : i32
      %dma_start3A_68 = arith.constant 0 : i32
      %dma_start3A_69 = tpu.memref_slice %arg9[%dma_start3A_66, %dma_start3A_67, %dma_start3A_68] : memref<2x128x128xf32, #tpu.memory_space<vmem>> -> memref<1x128x128xf32, #tpu.memory_space<vmem>>
      %dma_start3A_70 = tpu.memref_squeeze %dma_start3A_69 : memref<1x128x128xf32, #tpu.memory_space<vmem>> -> memref<128x128xf32, #tpu.memory_space<vmem>>
      %dma_start3A_71 = arith.constant 0 : i32
      %dma_start3A_72 = tpu.memref_slice %arg7[%add3A_65, %dma_start3A_71] : memref<40x128xi32, #tpu.memory_space<vmem>> -> memref<1x128xi32, #tpu.memory_space<vmem>>
      %dma_start3A_73 = tpu.memref_squeeze %dma_start3A_72 : memref<1x128xi32, #tpu.memory_space<vmem>> -> memref<128xi32, #tpu.memory_space<vmem>>
      %dma_start3A_74 = arith.constant 0 : i32
      %dma_start3A_75 = arith.constant 0 : i32
      %dma_start3A_76 = tpu.memref_slice %arg2[%dma_start3A_74, %dma_start3A_75] : memref<10000x128xf32, #tpu.memory_space<hbm>> -> memref<10000x128xf32, #tpu.memory_space<hbm>>
      tpu.enqueue_indirect_dma source(%dma_start3A_76 : memref<10000x128xf32, #tpu.memory_space<hbm>>) target(%dma_start3A_70 : memref<128x128xf32, #tpu.memory_space<vmem>>) offsets(%dma_start3A_73 : memref<128xi32, #tpu.memory_space<vmem>>) semaphore(%arg12 : memref<!tpu.dma_semaphore, #tpu.memory_space<semaphore_mem>>)
      %mul3A_77 = arith.constant 2 : i32
      %mul3A_78 = arith.muli %mul3A_77, %scan3A_60 : i32
      %dma_wait3A = arith.constant 0 : i32
      %dma_wait3A_79 = arith.constant 0 : i32
      %dma_wait3A_80 = arith.constant 0 : i32
      %dma_wait3A_81 = tpu.memref_slice %arg9[%dma_wait3A, %dma_wait3A_79, %dma_wait3A_80] : memref<2x128x128xf32, #tpu.memory_space<vmem>> -> memref<1x128x128xf32, #tpu.memory_space<vmem>>
      %dma_wait3A_82 = tpu.memref_squeeze %dma_wait3A_81 : memref<1x128x128xf32, #tpu.memory_space<vmem>> -> memref<128x128xf32, #tpu.memory_space<vmem>>
      %dma_wait3A_83 = arith.constant 0 : i32
      %dma_wait3A_84 = tpu.memref_slice %arg7[%mul3A_78, %dma_wait3A_83] : memref<40x128xi32, #tpu.memory_space<vmem>> -> memref<1x128xi32, #tpu.memory_space<vmem>>
      %dma_wait3A_85 = tpu.memref_squeeze %dma_wait3A_84 : memref<1x128xi32, #tpu.memory_space<vmem>> -> memref<128xi32, #tpu.memory_space<vmem>>
      %dma_wait3A_86 = arith.constant 0 : i32
      %dma_wait3A_87 = arith.constant 0 : i32
      %dma_wait3A_88 = tpu.memref_slice %arg2[%dma_wait3A_86, %dma_wait3A_87] : memref<10000x128xf32, #tpu.memory_space<hbm>> -> memref<10000x128xf32, #tpu.memory_space<hbm>>
      tpu.wait_indirect_dma semaphore(%arg11 : memref<!tpu.dma_semaphore, #tpu.memory_space<semaphore_mem>>) src(%dma_wait3A_88 : memref<10000x128xf32, #tpu.memory_space<hbm>>) dst(%dma_wait3A_82 : memref<128x128xf32, #tpu.memory_space<vmem>>)
      %mul3A_89 = arith.constant 2 : i32
      %mul3A_90 = arith.muli %mul3A_89, %scan3A_60 : i32
      %run_scoped3A_91 = arith.constant 0 : i32
      "tpu.region"() ({
        %run_scoped3A_115 = tpu.sem_alloc : memref<!tpu.dma_semaphore, #tpu.memory_space<semaphore_mem>>
        %dma_start3A_116 = arith.constant 0 : i32
        %dma_start3A_117 = arith.constant 0 : i32
        %dma_start3A_118 = tpu.memref_slice %arg9[%run_scoped3A_91, %dma_start3A_116, %dma_start3A_117] : memref<2x128x128xf32, #tpu.memory_space<vmem>> -> memref<1x128x128xf32, #tpu.memory_space<vmem>>
        %dma_start3A_119 = tpu.memref_squeeze %dma_start3A_118 : memref<1x128x128xf32, #tpu.memory_space<vmem>> -> memref<128x128xf32, #tpu.memory_space<vmem>>
        %dma_start3A_120 = arith.constant 0 : i32
        %dma_start3A_121 = tpu.memref_slice %arg8[%mul3A_90, %dma_start3A_120] : memref<40x128xi32, #tpu.memory_space<vmem>> -> memref<1x128xi32, #tpu.memory_space<vmem>>
        %dma_start3A_122 = tpu.memref_squeeze %dma_start3A_121 : memref<1x128xi32, #tpu.memory_space<vmem>> -> memref<128xi32, #tpu.memory_space<vmem>>
        %dma_start3A_123 = arith.constant 0 : i32
        %dma_start3A_124 = arith.constant 0 : i32
        %dma_start3A_125 = tpu.memref_slice %arg10[%dma_start3A_123, %dma_start3A_124] : memref<10240x128xf32, #tpu.memory_space<vmem_shared>> -> memref<10240x128xf32, #tpu.memory_space<vmem_shared>>
        tpu.enqueue_indirect_dma source(%dma_start3A_119 : memref<128x128xf32, #tpu.memory_space<vmem>>) target(%dma_start3A_125 : memref<10240x128xf32, #tpu.memory_space<vmem_shared>>) offsets(%dma_start3A_122 : memref<128xi32, #tpu.memory_space<vmem>>) semaphore(%run_scoped3A_115 : memref<!tpu.dma_semaphore, #tpu.memory_space<semaphore_mem>>) {add = true}
        %dma_wait3A_126 = arith.constant 0 : i32
        %dma_wait3A_127 = arith.constant 0 : i32
        %dma_wait3A_128 = tpu.memref_slice %arg9[%run_scoped3A_91, %dma_wait3A_126, %dma_wait3A_127] : memref<2x128x128xf32, #tpu.memory_space<vmem>> -> memref<1x128x128xf32, #tpu.memory_space<vmem>>
        %dma_wait3A_129 = tpu.memref_squeeze %dma_wait3A_128 : memref<1x128x128xf32, #tpu.memory_space<vmem>> -> memref<128x128xf32, #tpu.memory_space<vmem>>
        %dma_wait3A_130 = arith.constant 0 : i32
        %dma_wait3A_131 = tpu.memref_slice %arg8[%mul3A_90, %dma_wait3A_130] : memref<40x128xi32, #tpu.memory_space<vmem>> -> memref<1x128xi32, #tpu.memory_space<vmem>>
        %dma_wait3A_132 = tpu.memref_squeeze %dma_wait3A_131 : memref<1x128xi32, #tpu.memory_space<vmem>> -> memref<128xi32, #tpu.memory_space<vmem>>
        %dma_wait3A_133 = arith.constant 0 : i32
        %dma_wait3A_134 = arith.constant 0 : i32
        %dma_wait3A_135 = tpu.memref_slice %arg10[%dma_wait3A_133, %dma_wait3A_134] : memref<10240x128xf32, #tpu.memory_space<vmem_shared>> -> memref<10240x128xf32, #tpu.memory_space<vmem_shared>>
        tpu.wait_indirect_dma semaphore(%run_scoped3A_115 : memref<!tpu.dma_semaphore, #tpu.memory_space<semaphore_mem>>) src(%dma_wait3A_129 : memref<128x128xf32, #tpu.memory_space<vmem>>) dst(%dma_wait3A_135 : memref<10240x128xf32, #tpu.memory_space<vmem_shared>>)
        tpu.yield
      }) : () -> ()
      %lt3A = arith.constant 19 : i32
      %lt3A_92 = arith.cmpi slt, %scan3A_60, %lt3A : i32
      %convert_element_type3A = arith.extui %lt3A_92 : i1 to i32
      %cond3A = arith.constant 0 : i32
      %cond3A_93 = arith.cmpi ne, %convert_element_type3A, %cond3A : i32
      scf.if %cond3A_93 {
        %mul3A_115 = arith.constant 2 : i32
        %mul3A_116 = arith.muli %mul3A_115, %scan3A_60 : i32
        %add3A_117 = arith.constant 2 : i32
        %add3A_118 = arith.addi %mul3A_116, %add3A_117 : i32
        %dma_start3A_119 = arith.constant 0 : i32
        %dma_start3A_120 = arith.constant 0 : i32
        %dma_start3A_121 = arith.constant 0 : i32
        %dma_start3A_122 = tpu.memref_slice %arg9[%dma_start3A_119, %dma_start3A_120, %dma_start3A_121] : memref<2x128x128xf32, #tpu.memory_space<vmem>> -> memref<1x128x128xf32, #tpu.memory_space<vmem>>
        %dma_start3A_123 = tpu.memref_squeeze %dma_start3A_122 : memref<1x128x128xf32, #tpu.memory_space<vmem>> -> memref<128x128xf32, #tpu.memory_space<vmem>>
        %dma_start3A_124 = arith.constant 0 : i32
        %dma_start3A_125 = tpu.memref_slice %arg7[%add3A_118, %dma_start3A_124] : memref<40x128xi32, #tpu.memory_space<vmem>> -> memref<1x128xi32, #tpu.memory_space<vmem>>
        %dma_start3A_126 = tpu.memref_squeeze %dma_start3A_125 : memref<1x128xi32, #tpu.memory_space<vmem>> -> memref<128xi32, #tpu.memory_space<vmem>>
        %dma_start3A_127 = arith.constant 0 : i32
        %dma_start3A_128 = arith.constant 0 : i32
        %dma_start3A_129 = tpu.memref_slice %arg2[%dma_start3A_127, %dma_start3A_128] : memref<10000x128xf32, #tpu.memory_space<hbm>> -> memref<10000x128xf32, #tpu.memory_space<hbm>>
        tpu.enqueue_indirect_dma source(%dma_start3A_129 : memref<10000x128xf32, #tpu.memory_space<hbm>>) target(%dma_start3A_123 : memref<128x128xf32, #tpu.memory_space<vmem>>) offsets(%dma_start3A_126 : memref<128xi32, #tpu.memory_space<vmem>>) semaphore(%arg11 : memref<!tpu.dma_semaphore, #tpu.memory_space<semaphore_mem>>)
      } else {
      }
      %mul3A_94 = arith.constant 2 : i32
      %mul3A_95 = arith.muli %mul3A_94, %scan3A_60 : i32
      %add3A_96 = arith.constant 1 : i32
      %add3A_97 = arith.addi %mul3A_95, %add3A_96 : i32
      %dma_wait3A_98 = arith.constant 1 : i32
      %dma_wait3A_99 = arith.constant 0 : i32
      %dma_wait3A_100 = arith.constant 0 : i32
      %dma_wait3A_101 = tpu.memref_slice %arg9[%dma_wait3A_98, %dma_wait3A_99, %dma_wait3A_100] : memref<2x128x128xf32, #tpu.memory_space<vmem>> -> memref<1x128x128xf32, #tpu.memory_space<vmem>>
      %dma_wait3A_102 = tpu.memref_squeeze %dma_wait3A_101 : memref<1x128x128xf32, #tpu.memory_space<vmem>> -> memref<128x128xf32, #tpu.memory_space<vmem>>
      %dma_wait3A_103 = arith.constant 0 : i32
      %dma_wait3A_104 = tpu.memref_slice %arg7[%add3A_97, %dma_wait3A_103] : memref<40x128xi32, #tpu.memory_space<vmem>> -> memref<1x128xi32, #tpu.memory_space<vmem>>
      %dma_wait3A_105 = tpu.memref_squeeze %dma_wait3A_104 : memref<1x128xi32, #tpu.memory_space<vmem>> -> memref<128xi32, #tpu.memory_space<vmem>>
      %dma_wait3A_106 = arith.constant 0 : i32
      %dma_wait3A_107 = arith.constant 0 : i32
      %dma_wait3A_108 = tpu.memref_slice %arg2[%dma_wait3A_106, %dma_wait3A_107] : memref<10000x128xf32, #tpu.memory_space<hbm>> -> memref<10000x128xf32, #tpu.memory_space<hbm>>
      tpu.wait_indirect_dma semaphore(%arg12 : memref<!tpu.dma_semaphore, #tpu.memory_space<semaphore_mem>>) src(%dma_wait3A_108 : memref<10000x128xf32, #tpu.memory_space<hbm>>) dst(%dma_wait3A_102 : memref<128x128xf32, #tpu.memory_space<vmem>>)
      %mul3A_109 = arith.constant 2 : i32
      %mul3A_110 = arith.muli %mul3A_109, %scan3A_60 : i32
      %add3A_111 = arith.constant 1 : i32
      %add3A_112 = arith.addi %mul3A_110, %add3A_111 : i32
      %run_scoped3A_113 = arith.constant 1 : i32
      "tpu.region"() ({
        %run_scoped3A_115 = tpu.sem_alloc : memref<!tpu.dma_semaphore, #tpu.memory_space<semaphore_mem>>
        %dma_start3A_116 = arith.constant 0 : i32
        %dma_start3A_117 = arith.constant 0 : i32
        %dma_start3A_118 = tpu.memref_slice %arg9[%run_scoped3A_113, %dma_start3A_116, %dma_start3A_117] : memref<2x128x128xf32, #tpu.memory_space<vmem>> -> memref<1x128x128xf32, #tpu.memory_space<vmem>>
        %dma_start3A_119 = tpu.memref_squeeze %dma_start3A_118 : memref<1x128x128xf32, #tpu.memory_space<vmem>> -> memref<128x128xf32, #tpu.memory_space<vmem>>
        %dma_start3A_120 = arith.constant 0 : i32
        %dma_start3A_121 = tpu.memref_slice %arg8[%add3A_112, %dma_start3A_120] : memref<40x128xi32, #tpu.memory_space<vmem>> -> memref<1x128xi32, #tpu.memory_space<vmem>>
        %dma_start3A_122 = tpu.memref_squeeze %dma_start3A_121 : memref<1x128xi32, #tpu.memory_space<vmem>> -> memref<128xi32, #tpu.memory_space<vmem>>
        %dma_start3A_123 = arith.constant 0 : i32
        %dma_start3A_124 = arith.constant 0 : i32
        %dma_start3A_125 = tpu.memref_slice %arg10[%dma_start3A_123, %dma_start3A_124] : memref<10240x128xf32, #tpu.memory_space<vmem_shared>> -> memref<10240x128xf32, #tpu.memory_space<vmem_shared>>
        tpu.enqueue_indirect_dma source(%dma_start3A_119 : memref<128x128xf32, #tpu.memory_space<vmem>>) target(%dma_start3A_125 : memref<10240x128xf32, #tpu.memory_space<vmem_shared>>) offsets(%dma_start3A_122 : memref<128xi32, #tpu.memory_space<vmem>>) semaphore(%run_scoped3A_115 : memref<!tpu.dma_semaphore, #tpu.memory_space<semaphore_mem>>) {add = true}
        %dma_wait3A_126 = arith.constant 0 : i32
        %dma_wait3A_127 = arith.constant 0 : i32
        %dma_wait3A_128 = tpu.memref_slice %arg9[%run_scoped3A_113, %dma_wait3A_126, %dma_wait3A_127] : memref<2x128x128xf32, #tpu.memory_space<vmem>> -> memref<1x128x128xf32, #tpu.memory_space<vmem>>
        %dma_wait3A_129 = tpu.memref_squeeze %dma_wait3A_128 : memref<1x128x128xf32, #tpu.memory_space<vmem>> -> memref<128x128xf32, #tpu.memory_space<vmem>>
        %dma_wait3A_130 = arith.constant 0 : i32
        %dma_wait3A_131 = tpu.memref_slice %arg8[%add3A_112, %dma_wait3A_130] : memref<40x128xi32, #tpu.memory_space<vmem>> -> memref<1x128xi32, #tpu.memory_space<vmem>>
        %dma_wait3A_132 = tpu.memref_squeeze %dma_wait3A_131 : memref<1x128xi32, #tpu.memory_space<vmem>> -> memref<128xi32, #tpu.memory_space<vmem>>
        %dma_wait3A_133 = arith.constant 0 : i32
        %dma_wait3A_134 = arith.constant 0 : i32
        %dma_wait3A_135 = tpu.memref_slice %arg10[%dma_wait3A_133, %dma_wait3A_134] : memref<10240x128xf32, #tpu.memory_space<vmem_shared>> -> memref<10240x128xf32, #tpu.memory_space<vmem_shared>>
        tpu.wait_indirect_dma semaphore(%run_scoped3A_115 : memref<!tpu.dma_semaphore, #tpu.memory_space<semaphore_mem>>) src(%dma_wait3A_129 : memref<128x128xf32, #tpu.memory_space<vmem>>) dst(%dma_wait3A_135 : memref<10240x128xf32, #tpu.memory_space<vmem_shared>>)
        tpu.yield
      }) : () -> ()
      %scan3A_114 = arith.constant 0 : i32
      scf.yield %scan3A_114 : i32
    }
    %scan3A_51 = arith.constant 20 : i32
    %barrier3A_52 = arith.constant 0 : index
    tpu.barrier barrier_id(%barrier3A_52)
    %scan3A_53 = arith.constant 0 : i32
    %scan3A_54 = arith.constant 0 : i32
    %scan3A_55 = arith.constant 5 : i32
    %scan3A_56 = arith.addi %scan3A_54, %scan3A_55 : i32
    %scan3A_57 = arith.constant 1 : i32
    %scan3A_58 = scf.for %scan3A_60 = %scan3A_54 to %scan3A_56 step %scan3A_57 iter_args(%scan3A_61 = %scan3A_53) -> (i32)  : i32 {
      %mul3A_62 = arith.constant 640 : i32
      %mul3A_63 = arith.muli %arg1, %mul3A_62 : i32
      %mul3A_64 = arith.constant 128 : i32
      %mul3A_65 = arith.muli %scan3A_60, %mul3A_64 : i32
      %add3A_66 = arith.addi %mul3A_63, %mul3A_65 : i32
      %run_scoped3A_67 = arith.constant 0 : i32
      "tpu.region"() ({
        %run_scoped3A_70 = tpu.sem_alloc : memref<!tpu.dma_semaphore, #tpu.memory_space<semaphore_mem>>
        %dma_start3A_71 = arith.constant 0 : i32
        %dma_start3A_72 = arith.constant 0 : i32
        %dma_start3A_73 = tpu.memref_slice %arg9[%run_scoped3A_67, %dma_start3A_71, %dma_start3A_72] : memref<2x128x128xf32, #tpu.memory_space<vmem>> -> memref<1x128x128xf32, #tpu.memory_space<vmem>>
        %dma_start3A_74 = tpu.memref_squeeze %dma_start3A_73 : memref<1x128x128xf32, #tpu.memory_space<vmem>> -> memref<128x128xf32, #tpu.memory_space<vmem>>
        %dma_start3A_75 = arith.constant 0 : i32
        %dma_start3A_76 = tpu.memref_slice %arg10[%add3A_66, %dma_start3A_75] : memref<10240x128xf32, #tpu.memory_space<vmem_shared>> -> memref<128x128xf32, #tpu.memory_space<vmem_shared>>
        %dma_start3A_77 = arith.constant 0 : i32
        %dma_start3A_78 = arith.constant 0 : i32
        %dma_start3A_79 = tpu.memref_slice %arg9[%run_scoped3A_67, %dma_start3A_77, %dma_start3A_78] : memref<2x128x128xf32, #tpu.memory_space<vmem>> -> memref<1x128x128xf32, #tpu.memory_space<vmem>>
        %dma_start3A_80 = tpu.memref_squeeze %dma_start3A_79 : memref<1x128x128xf32, #tpu.memory_space<vmem>> -> memref<128x128xf32, #tpu.memory_space<vmem>>
        %dma_start3A_81 = arith.constant 0 : i32
        %dma_start3A_82 = tpu.memref_slice %arg10[%add3A_66, %dma_start3A_81] : memref<10240x128xf32, #tpu.memory_space<vmem_shared>> -> memref<128x128xf32, #tpu.memory_space<vmem_shared>>
        tpu.enqueue_dma source(%dma_start3A_82 : memref<128x128xf32, #tpu.memory_space<vmem_shared>>) target(%dma_start3A_80 : memref<128x128xf32, #tpu.memory_space<vmem>>) target_semaphore(%run_scoped3A_70 : memref<!tpu.dma_semaphore, #tpu.memory_space<semaphore_mem>>)
        %dma_wait3A = arith.constant 0 : i32
        %dma_wait3A_83 = arith.constant 0 : i32
        %dma_wait3A_84 = tpu.memref_slice %arg9[%run_scoped3A_67, %dma_wait3A, %dma_wait3A_83] : memref<2x128x128xf32, #tpu.memory_space<vmem>> -> memref<1x128x128xf32, #tpu.memory_space<vmem>>
        %dma_wait3A_85 = tpu.memref_squeeze %dma_wait3A_84 : memref<1x128x128xf32, #tpu.memory_space<vmem>> -> memref<128x128xf32, #tpu.memory_space<vmem>>
        %dma_wait3A_86 = arith.constant 0 : i32
        %dma_wait3A_87 = tpu.memref_slice %arg10[%add3A_66, %dma_wait3A_86] : memref<10240x128xf32, #tpu.memory_space<vmem_shared>> -> memref<128x128xf32, #tpu.memory_space<vmem_shared>>
        %dma_wait3A_88 = arith.constant 0 : i32
        %dma_wait3A_89 = arith.constant 0 : i32
        %dma_wait3A_90 = tpu.memref_slice %arg9[%run_scoped3A_67, %dma_wait3A_88, %dma_wait3A_89] : memref<2x128x128xf32, #tpu.memory_space<vmem>> -> memref<1x128x128xf32, #tpu.memory_space<vmem>>
        %dma_wait3A_91 = tpu.memref_squeeze %dma_wait3A_90 : memref<1x128x128xf32, #tpu.memory_space<vmem>> -> memref<128x128xf32, #tpu.memory_space<vmem>>
        %dma_wait3A_92 = arith.constant 0 : i32
        %dma_wait3A_93 = tpu.memref_slice %arg10[%add3A_66, %dma_wait3A_92] : memref<10240x128xf32, #tpu.memory_space<vmem_shared>> -> memref<128x128xf32, #tpu.memory_space<vmem_shared>>
        tpu.wait_dma2 semaphore(%run_scoped3A_70 : memref<!tpu.dma_semaphore, #tpu.memory_space<semaphore_mem>>) src(%dma_wait3A_93 : memref<128x128xf32, #tpu.memory_space<vmem_shared>>) dst(%dma_wait3A_91 : memref<128x128xf32, #tpu.memory_space<vmem>>)
        tpu.yield
      }) : () -> ()
      %run_scoped3A_68 = arith.constant 0 : i32
      "tpu.region"() ({
        %run_scoped3A_70 = tpu.sem_alloc : memref<!tpu.dma_semaphore, #tpu.memory_space<semaphore_mem>>
        %dma_start3A_71 = arith.constant 0 : i32
        %dma_start3A_72 = arith.constant 0 : i32
        %dma_start3A_73 = tpu.memref_slice %arg9[%run_scoped3A_68, %dma_start3A_71, %dma_start3A_72] : memref<2x128x128xf32, #tpu.memory_space<vmem>> -> memref<1x128x128xf32, #tpu.memory_space<vmem>>
        %dma_start3A_74 = tpu.memref_squeeze %dma_start3A_73 : memref<1x128x128xf32, #tpu.memory_space<vmem>> -> memref<128x128xf32, #tpu.memory_space<vmem>>
        %dma_start3A_75 = arith.constant 0 : i32
        %dma_start3A_76 = tpu.memref_slice %arg6[%arg0, %add3A_66, %dma_start3A_75] : memref<2x10240x128xf32, #tpu.memory_space<hbm>> -> memref<1x128x128xf32, #tpu.memory_space<hbm>>
        %dma_start3A_77 = tpu.memref_squeeze %dma_start3A_76 : memref<1x128x128xf32, #tpu.memory_space<hbm>> -> memref<128x128xf32, #tpu.memory_space<hbm>>
        %dma_start3A_78 = arith.constant 0 : i32
        %dma_start3A_79 = tpu.memref_slice %arg6[%arg0, %add3A_66, %dma_start3A_78] : memref<2x10240x128xf32, #tpu.memory_space<hbm>> -> memref<1x128x128xf32, #tpu.memory_space<hbm>>
        %dma_start3A_80 = tpu.memref_squeeze %dma_start3A_79 : memref<1x128x128xf32, #tpu.memory_space<hbm>> -> memref<128x128xf32, #tpu.memory_space<hbm>>
        %dma_start3A_81 = arith.constant 0 : i32
        %dma_start3A_82 = arith.constant 0 : i32
        %dma_start3A_83 = tpu.memref_slice %arg9[%run_scoped3A_68, %dma_start3A_81, %dma_start3A_82] : memref<2x128x128xf32, #tpu.memory_space<vmem>> -> memref<1x128x128xf32, #tpu.memory_space<vmem>>
        %dma_start3A_84 = tpu.memref_squeeze %dma_start3A_83 : memref<1x128x128xf32, #tpu.memory_space<vmem>> -> memref<128x128xf32, #tpu.memory_space<vmem>>
        tpu.enqueue_dma source(%dma_start3A_84 : memref<128x128xf32, #tpu.memory_space<vmem>>) target(%dma_start3A_80 : memref<128x128xf32, #tpu.memory_space<hbm>>) target_semaphore(%run_scoped3A_70 : memref<!tpu.dma_semaphore, #tpu.memory_space<semaphore_mem>>)
        %dma_wait3A = arith.constant 0 : i32
        %dma_wait3A_85 = arith.constant 0 : i32
        %dma_wait3A_86 = tpu.memref_slice %arg9[%run_scoped3A_68, %dma_wait3A, %dma_wait3A_85] : memref<2x128x128xf32, #tpu.memory_space<vmem>> -> memref<1x128x128xf32, #tpu.memory_space<vmem>>
        %dma_wait3A_87 = tpu.memref_squeeze %dma_wait3A_86 : memref<1x128x128xf32, #tpu.memory_space<vmem>> -> memref<128x128xf32, #tpu.memory_space<vmem>>
        %dma_wait3A_88 = arith.constant 0 : i32
        %dma_wait3A_89 = tpu.memref_slice %arg6[%arg0, %add3A_66, %dma_wait3A_88] : memref<2x10240x128xf32, #tpu.memory_space<hbm>> -> memref<1x128x128xf32, #tpu.memory_space<hbm>>
        %dma_wait3A_90 = tpu.memref_squeeze %dma_wait3A_89 : memref<1x128x128xf32, #tpu.memory_space<hbm>> -> memref<128x128xf32, #tpu.memory_space<hbm>>
        %dma_wait3A_91 = arith.constant 0 : i32
        %dma_wait3A_92 = tpu.memref_slice %arg6[%arg0, %add3A_66, %dma_wait3A_91] : memref<2x10240x128xf32, #tpu.memory_space<hbm>> -> memref<1x128x128xf32, #tpu.memory_space<hbm>>
        %dma_wait3A_93 = tpu.memref_squeeze %dma_wait3A_92 : memref<1x128x128xf32, #tpu.memory_space<hbm>> -> memref<128x128xf32, #tpu.memory_space<hbm>>
        %dma_wait3A_94 = arith.constant 0 : i32
        %dma_wait3A_95 = arith.constant 0 : i32
        %dma_wait3A_96 = tpu.memref_slice %arg9[%run_scoped3A_68, %dma_wait3A_94, %dma_wait3A_95] : memref<2x128x128xf32, #tpu.memory_space<vmem>> -> memref<1x128x128xf32, #tpu.memory_space<vmem>>
        %dma_wait3A_97 = tpu.memref_squeeze %dma_wait3A_96 : memref<1x128x128xf32, #tpu.memory_space<vmem>> -> memref<128x128xf32, #tpu.memory_space<vmem>>
        tpu.wait_dma2 semaphore(%run_scoped3A_70 : memref<!tpu.dma_semaphore, #tpu.memory_space<semaphore_mem>>) src(%dma_wait3A_97 : memref<128x128xf32, #tpu.memory_space<vmem>>) dst(%dma_wait3A_93 : memref<128x128xf32, #tpu.memory_space<hbm>>)
        tpu.yield
      }) : () -> ()
      %scan3A_69 = arith.constant 0 : i32
      scf.yield %scan3A_69 : i32
    }
    %scan3A_59 = arith.constant 5 : i32
    return
  }
}

#map = affine_map<(d0, d1) -> (0, 0)>
#map1 = affine_map<(d0, d1) -> (0, 0, 0)>
module attributes {stable_mosaic.version = 14 : i64} {
  func.func @k(%arg0: i32, %arg1: i32, %arg2: memref<10000x128xf32, #tpu.memory_space<hbm>>, %arg3: memref<2560x128xi32, #tpu.memory_space<hbm>>, %arg4: memref<2560x128xi32, #tpu.memory_space<hbm>>, %arg5: memref<128x128xf32, #tpu.memory_space<hbm>>, %arg6: memref<2x10240x128xf32, #tpu.memory_space<hbm>>, %arg7: memref<40x128xi32, #tpu.memory_space<vmem>>, %arg8: memref<40x128xi32, #tpu.memory_space<vmem>>, %arg9: memref<2x128x128xf32, #tpu.memory_space<vmem>>, %arg10: memref<10240x128xf32, #tpu.memory_space<vmem_shared>>, %arg11: memref<!tpu.dma_semaphore, #tpu.memory_space<semaphore_mem>>, %arg12: memref<!tpu.dma_semaphore, #tpu.memory_space<semaphore_mem>>) attributes {dimension_semantics = [#tpu.dimension_semantics<core_parallel>, #tpu.dimension_semantics<subcore_parallel>], iteration_bounds = array<i64: 2, 16>, scalar_prefetch = 0 : i64, scratch_operands = 6 : i64, tpu.core_type = #tpu.core_type<sc_vector_subcore>, window_params = [{transform_indices = #map}, {transform_indices = #map}, {transform_indices = #map}, {transform_indices = #map}, {transform_indices = #map1}]} {
    %mul3A = arith.constant 16 : i32
    %mul3A_0 = arith.muli %arg0, %mul3A : i32
    %add3A = arith.addi %mul3A_0, %arg1 : i32
    %run_scoped3A = arith.constant 0 : i32
    "tpu.region"() ({
      %run_scoped3A_60 = tpu.sem_alloc : memref<!tpu.dma_semaphore, #tpu.memory_space<semaphore_mem>>
      %dma_start3A_61 = arith.constant 0 : i32
      %dma_start3A_62 = arith.constant 0 : i32
      %dma_start3A_63 = tpu.memref_slice %arg9[%run_scoped3A, %dma_start3A_61, %dma_start3A_62] : memref<2x128x128xf32, #tpu.memory_space<vmem>> -> memref<1x128x128xf32, #tpu.memory_space<vmem>>
      %dma_start3A_64 = tpu.memref_squeeze %dma_start3A_63 : memref<1x128x128xf32, #tpu.memory_space<vmem>> -> memref<128x128xf32, #tpu.memory_space<vmem>>
      %dma_start3A_65 = arith.constant 0 : i32
      %dma_start3A_66 = arith.constant 0 : i32
      %dma_start3A_67 = tpu.memref_slice %arg9[%run_scoped3A, %dma_start3A_65, %dma_start3A_66] : memref<2x128x128xf32, #tpu.memory_space<vmem>> -> memref<1x128x128xf32, #tpu.memory_space<vmem>>
      %dma_start3A_68 = tpu.memref_squeeze %dma_start3A_67 : memref<1x128x128xf32, #tpu.memory_space<vmem>> -> memref<128x128xf32, #tpu.memory_space<vmem>>
      tpu.enqueue_dma source(%arg5 : memref<128x128xf32, #tpu.memory_space<hbm>>) target(%dma_start3A_68 : memref<128x128xf32, #tpu.memory_space<vmem>>) target_semaphore(%run_scoped3A_60 : memref<!tpu.dma_semaphore, #tpu.memory_space<semaphore_mem>>)
      %dma_wait3A = arith.constant 0 : i32
      %dma_wait3A_69 = arith.constant 0 : i32
      %dma_wait3A_70 = tpu.memref_slice %arg9[%run_scoped3A, %dma_wait3A, %dma_wait3A_69] : memref<2x128x128xf32, #tpu.memory_space<vmem>> -> memref<1x128x128xf32, #tpu.memory_space<vmem>>
      %dma_wait3A_71 = tpu.memref_squeeze %dma_wait3A_70 : memref<1x128x128xf32, #tpu.memory_space<vmem>> -> memref<128x128xf32, #tpu.memory_space<vmem>>
      %dma_wait3A_72 = arith.constant 0 : i32
      %dma_wait3A_73 = arith.constant 0 : i32
      %dma_wait3A_74 = tpu.memref_slice %arg9[%run_scoped3A, %dma_wait3A_72, %dma_wait3A_73] : memref<2x128x128xf32, #tpu.memory_space<vmem>> -> memref<1x128x128xf32, #tpu.memory_space<vmem>>
      %dma_wait3A_75 = tpu.memref_squeeze %dma_wait3A_74 : memref<1x128x128xf32, #tpu.memory_space<vmem>> -> memref<128x128xf32, #tpu.memory_space<vmem>>
      tpu.wait_dma2 semaphore(%run_scoped3A_60 : memref<!tpu.dma_semaphore, #tpu.memory_space<semaphore_mem>>) src(%arg5 : memref<128x128xf32, #tpu.memory_space<hbm>>) dst(%dma_wait3A_75 : memref<128x128xf32, #tpu.memory_space<vmem>>)
      tpu.yield
    }) : () -> ()
    %scan3A = arith.constant 0 : i32
    %scan3A_1 = arith.constant 0 : i32
    %scan3A_2 = arith.constant 5 : i32
    %scan3A_3 = arith.addi %scan3A_1, %scan3A_2 : i32
    %scan3A_4 = arith.constant 1 : i32
    %scan3A_5 = scf.for %scan3A_60 = %scan3A_1 to %scan3A_3 step %scan3A_4 iter_args(%scan3A_61 = %scan3A) -> (i32)  : i32 {
      %mul3A_62 = arith.constant 640 : i32
      %mul3A_63 = arith.muli %arg1, %mul3A_62 : i32
      %mul3A_64 = arith.constant 128 : i32
      %mul3A_65 = arith.muli %scan3A_60, %mul3A_64 : i32
      %add3A_66 = arith.addi %mul3A_63, %mul3A_65 : i32
      %run_scoped3A_67 = arith.constant 0 : i32
      "tpu.region"() ({
        %run_scoped3A_69 = tpu.sem_alloc : memref<!tpu.dma_semaphore, #tpu.memory_space<semaphore_mem>>
        %dma_start3A_70 = arith.constant 0 : i32
        %dma_start3A_71 = arith.constant 0 : i32
        %dma_start3A_72 = tpu.memref_slice %arg9[%run_scoped3A_67, %dma_start3A_70, %dma_start3A_71] : memref<2x128x128xf32, #tpu.memory_space<vmem>> -> memref<1x128x128xf32, #tpu.memory_space<vmem>>
        %dma_start3A_73 = tpu.memref_squeeze %dma_start3A_72 : memref<1x128x128xf32, #tpu.memory_space<vmem>> -> memref<128x128xf32, #tpu.memory_space<vmem>>
        %dma_start3A_74 = arith.constant 0 : i32
        %dma_start3A_75 = tpu.memref_slice %arg10[%add3A_66, %dma_start3A_74] : memref<10240x128xf32, #tpu.memory_space<vmem_shared>> -> memref<128x128xf32, #tpu.memory_space<vmem_shared>>
        %dma_start3A_76 = arith.constant 0 : i32
        %dma_start3A_77 = tpu.memref_slice %arg10[%add3A_66, %dma_start3A_76] : memref<10240x128xf32, #tpu.memory_space<vmem_shared>> -> memref<128x128xf32, #tpu.memory_space<vmem_shared>>
        %dma_start3A_78 = arith.constant 0 : i32
        %dma_start3A_79 = arith.constant 0 : i32
        %dma_start3A_80 = tpu.memref_slice %arg9[%run_scoped3A_67, %dma_start3A_78, %dma_start3A_79] : memref<2x128x128xf32, #tpu.memory_space<vmem>> -> memref<1x128x128xf32, #tpu.memory_space<vmem>>
        %dma_start3A_81 = tpu.memref_squeeze %dma_start3A_80 : memref<1x128x128xf32, #tpu.memory_space<vmem>> -> memref<128x128xf32, #tpu.memory_space<vmem>>
        tpu.enqueue_dma source(%dma_start3A_81 : memref<128x128xf32, #tpu.memory_space<vmem>>) target(%dma_start3A_77 : memref<128x128xf32, #tpu.memory_space<vmem_shared>>) target_semaphore(%run_scoped3A_69 : memref<!tpu.dma_semaphore, #tpu.memory_space<semaphore_mem>>)
        %dma_wait3A = arith.constant 0 : i32
        %dma_wait3A_82 = arith.constant 0 : i32
        %dma_wait3A_83 = tpu.memref_slice %arg9[%run_scoped3A_67, %dma_wait3A, %dma_wait3A_82] : memref<2x128x128xf32, #tpu.memory_space<vmem>> -> memref<1x128x128xf32, #tpu.memory_space<vmem>>
        %dma_wait3A_84 = tpu.memref_squeeze %dma_wait3A_83 : memref<1x128x128xf32, #tpu.memory_space<vmem>> -> memref<128x128xf32, #tpu.memory_space<vmem>>
        %dma_wait3A_85 = arith.constant 0 : i32
        %dma_wait3A_86 = tpu.memref_slice %arg10[%add3A_66, %dma_wait3A_85] : memref<10240x128xf32, #tpu.memory_space<vmem_shared>> -> memref<128x128xf32, #tpu.memory_space<vmem_shared>>
        %dma_wait3A_87 = arith.constant 0 : i32
        %dma_wait3A_88 = tpu.memref_slice %arg10[%add3A_66, %dma_wait3A_87] : memref<10240x128xf32, #tpu.memory_space<vmem_shared>> -> memref<128x128xf32, #tpu.memory_space<vmem_shared>>
        %dma_wait3A_89 = arith.constant 0 : i32
        %dma_wait3A_90 = arith.constant 0 : i32
        %dma_wait3A_91 = tpu.memref_slice %arg9[%run_scoped3A_67, %dma_wait3A_89, %dma_wait3A_90] : memref<2x128x128xf32, #tpu.memory_space<vmem>> -> memref<1x128x128xf32, #tpu.memory_space<vmem>>
        %dma_wait3A_92 = tpu.memref_squeeze %dma_wait3A_91 : memref<1x128x128xf32, #tpu.memory_space<vmem>> -> memref<128x128xf32, #tpu.memory_space<vmem>>
        tpu.wait_dma2 semaphore(%run_scoped3A_69 : memref<!tpu.dma_semaphore, #tpu.memory_space<semaphore_mem>>) src(%dma_wait3A_92 : memref<128x128xf32, #tpu.memory_space<vmem>>) dst(%dma_wait3A_88 : memref<128x128xf32, #tpu.memory_space<vmem_shared>>)
        tpu.yield
      }) : () -> ()
      %scan3A_68 = arith.constant 0 : i32
      scf.yield %scan3A_68 : i32
    }
    %scan3A_6 = arith.constant 5 : i32
    %barrier3A = arith.constant 0 : index
    tpu.barrier barrier_id(%barrier3A)
    %mul3A_7 = arith.constant 80 : i32
    %mul3A_8 = arith.muli %add3A, %mul3A_7 : i32
    %add3A_9 = arith.constant 0 : i32
    %add3A_10 = arith.addi %mul3A_8, %add3A_9 : i32
    "tpu.region"() ({
      %run_scoped3A_60 = tpu.sem_alloc : memref<!tpu.dma_semaphore, #tpu.memory_space<semaphore_mem>>
      %dma_start3A_61 = arith.constant 0 : i32
      %dma_start3A_62 = tpu.memref_slice %arg3[%add3A_10, %dma_start3A_61] : memref<2560x128xi32, #tpu.memory_space<hbm>> -> memref<40x128xi32, #tpu.memory_space<hbm>>
      %dma_start3A_63 = arith.constant 0 : i32
      %dma_start3A_64 = tpu.memref_slice %arg3[%add3A_10, %dma_start3A_63] : memref<2560x128xi32, #tpu.memory_space<hbm>> -> memref<40x128xi32, #tpu.memory_space<hbm>>
      tpu.enqueue_dma source(%dma_start3A_64 : memref<40x128xi32, #tpu.memory_space<hbm>>) target(%arg7 : memref<40x128xi32, #tpu.memory_space<vmem>>) target_semaphore(%run_scoped3A_60 : memref<!tpu.dma_semaphore, #tpu.memory_space<semaphore_mem>>)
      %dma_wait3A = arith.constant 0 : i32
      %dma_wait3A_65 = tpu.memref_slice %arg3[%add3A_10, %dma_wait3A] : memref<2560x128xi32, #tpu.memory_space<hbm>> -> memref<40x128xi32, #tpu.memory_space<hbm>>
      %dma_wait3A_66 = arith.constant 0 : i32
      %dma_wait3A_67 = tpu.memref_slice %arg3[%add3A_10, %dma_wait3A_66] : memref<2560x128xi32, #tpu.memory_space<hbm>> -> memref<40x128xi32, #tpu.memory_space<hbm>>
      tpu.wait_dma2 semaphore(%run_scoped3A_60 : memref<!tpu.dma_semaphore, #tpu.memory_space<semaphore_mem>>) src(%dma_wait3A_67 : memref<40x128xi32, #tpu.memory_space<hbm>>) dst(%arg7 : memref<40x128xi32, #tpu.memory_space<vmem>>)
      tpu.yield
    }) : () -> ()
    "tpu.region"() ({
      %run_scoped3A_60 = tpu.sem_alloc : memref<!tpu.dma_semaphore, #tpu.memory_space<semaphore_mem>>
      %dma_start3A_61 = arith.constant 0 : i32
      %dma_start3A_62 = tpu.memref_slice %arg4[%add3A_10, %dma_start3A_61] : memref<2560x128xi32, #tpu.memory_space<hbm>> -> memref<40x128xi32, #tpu.memory_space<hbm>>
      %dma_start3A_63 = arith.constant 0 : i32
      %dma_start3A_64 = tpu.memref_slice %arg4[%add3A_10, %dma_start3A_63] : memref<2560x128xi32, #tpu.memory_space<hbm>> -> memref<40x128xi32, #tpu.memory_space<hbm>>
      tpu.enqueue_dma source(%dma_start3A_64 : memref<40x128xi32, #tpu.memory_space<hbm>>) target(%arg8 : memref<40x128xi32, #tpu.memory_space<vmem>>) target_semaphore(%run_scoped3A_60 : memref<!tpu.dma_semaphore, #tpu.memory_space<semaphore_mem>>)
      %dma_wait3A = arith.constant 0 : i32
      %dma_wait3A_65 = tpu.memref_slice %arg4[%add3A_10, %dma_wait3A] : memref<2560x128xi32, #tpu.memory_space<hbm>> -> memref<40x128xi32, #tpu.memory_space<hbm>>
      %dma_wait3A_66 = arith.constant 0 : i32
      %dma_wait3A_67 = tpu.memref_slice %arg4[%add3A_10, %dma_wait3A_66] : memref<2560x128xi32, #tpu.memory_space<hbm>> -> memref<40x128xi32, #tpu.memory_space<hbm>>
      tpu.wait_dma2 semaphore(%run_scoped3A_60 : memref<!tpu.dma_semaphore, #tpu.memory_space<semaphore_mem>>) src(%dma_wait3A_67 : memref<40x128xi32, #tpu.memory_space<hbm>>) dst(%arg8 : memref<40x128xi32, #tpu.memory_space<vmem>>)
      tpu.yield
    }) : () -> ()
    %dma_start3A = arith.constant 0 : i32
    %dma_start3A_11 = arith.constant 0 : i32
    %dma_start3A_12 = arith.constant 0 : i32
    %dma_start3A_13 = arith.constant 0 : i32
    %dma_start3A_14 = tpu.memref_slice %arg9[%dma_start3A_11, %dma_start3A_12, %dma_start3A_13] : memref<2x128x128xf32, #tpu.memory_space<vmem>> -> memref<1x128x128xf32, #tpu.memory_space<vmem>>
    %dma_start3A_15 = tpu.memref_squeeze %dma_start3A_14 : memref<1x128x128xf32, #tpu.memory_space<vmem>> -> memref<128x128xf32, #tpu.memory_space<vmem>>
    %dma_start3A_16 = arith.constant 0 : i32
    %dma_start3A_17 = tpu.memref_slice %arg7[%dma_start3A, %dma_start3A_16] : memref<40x128xi32, #tpu.memory_space<vmem>> -> memref<1x128xi32, #tpu.memory_space<vmem>>
    %dma_start3A_18 = tpu.memref_squeeze %dma_start3A_17 : memref<1x128xi32, #tpu.memory_space<vmem>> -> memref<128xi32, #tpu.memory_space<vmem>>
    %dma_start3A_19 = arith.constant 0 : i32
    %dma_start3A_20 = arith.constant 0 : i32
    %dma_start3A_21 = tpu.memref_slice %arg2[%dma_start3A_19, %dma_start3A_20] : memref<10000x128xf32, #tpu.memory_space<hbm>> -> memref<10000x128xf32, #tpu.memory_space<hbm>>
    tpu.enqueue_indirect_dma source(%dma_start3A_21 : memref<10000x128xf32, #tpu.memory_space<hbm>>) target(%dma_start3A_15 : memref<128x128xf32, #tpu.memory_space<vmem>>) offsets(%dma_start3A_18 : memref<128xi32, #tpu.memory_space<vmem>>) semaphore(%arg11 : memref<!tpu.dma_semaphore, #tpu.memory_space<semaphore_mem>>)
    %scan3A_22 = arith.constant 0 : i32
    %scan3A_23 = arith.constant 0 : i32
    %scan3A_24 = arith.constant 20 : i32
    %scan3A_25 = arith.addi %scan3A_23, %scan3A_24 : i32
    %scan3A_26 = arith.constant 1 : i32
    %scan3A_27 = scf.for %scan3A_60 = %scan3A_23 to %scan3A_25 step %scan3A_26 iter_args(%scan3A_61 = %scan3A_22) -> (i32)  : i32 {
      %mul3A_62 = arith.constant 2 : i32
      %mul3A_63 = arith.muli %mul3A_62, %scan3A_60 : i32
      %add3A_64 = arith.constant 1 : i32
      %add3A_65 = arith.addi %mul3A_63, %add3A_64 : i32
      %dma_start3A_66 = arith.constant 1 : i32
      %dma_start3A_67 = arith.constant 0 : i32
      %dma_start3A_68 = arith.constant 0 : i32
      %dma_start3A_69 = tpu.memref_slice %arg9[%dma_start3A_66, %dma_start3A_67, %dma_start3A_68] : memref<2x128x128xf32, #tpu.memory_space<vmem>> -> memref<1x128x128xf32, #tpu.memory_space<vmem>>
      %dma_start3A_70 = tpu.memref_squeeze %dma_start3A_69 : memref<1x128x128xf32, #tpu.memory_space<vmem>> -> memref<128x128xf32, #tpu.memory_space<vmem>>
      %dma_start3A_71 = arith.constant 0 : i32
      %dma_start3A_72 = tpu.memref_slice %arg7[%add3A_65, %dma_start3A_71] : memref<40x128xi32, #tpu.memory_space<vmem>> -> memref<1x128xi32, #tpu.memory_space<vmem>>
      %dma_start3A_73 = tpu.memref_squeeze %dma_start3A_72 : memref<1x128xi32, #tpu.memory_space<vmem>> -> memref<128xi32, #tpu.memory_space<vmem>>
      %dma_start3A_74 = arith.constant 0 : i32
      %dma_start3A_75 = arith.constant 0 : i32
      %dma_start3A_76 = tpu.memref_slice %arg2[%dma_start3A_74, %dma_start3A_75] : memref<10000x128xf32, #tpu.memory_space<hbm>> -> memref<10000x128xf32, #tpu.memory_space<hbm>>
      tpu.enqueue_indirect_dma source(%dma_start3A_76 : memref<10000x128xf32, #tpu.memory_space<hbm>>) target(%dma_start3A_70 : memref<128x128xf32, #tpu.memory_space<vmem>>) offsets(%dma_start3A_73 : memref<128xi32, #tpu.memory_space<vmem>>) semaphore(%arg12 : memref<!tpu.dma_semaphore, #tpu.memory_space<semaphore_mem>>)
      %mul3A_77 = arith.constant 2 : i32
      %mul3A_78 = arith.muli %mul3A_77, %scan3A_60 : i32
      %dma_wait3A = arith.constant 0 : i32
      %dma_wait3A_79 = arith.constant 0 : i32
      %dma_wait3A_80 = arith.constant 0 : i32
      %dma_wait3A_81 = tpu.memref_slice %arg9[%dma_wait3A, %dma_wait3A_79, %dma_wait3A_80] : memref<2x128x128xf32, #tpu.memory_space<vmem>> -> memref<1x128x128xf32, #tpu.memory_space<vmem>>
      %dma_wait3A_82 = tpu.memref_squeeze %dma_wait3A_81 : memref<1x128x128xf32, #tpu.memory_space<vmem>> -> memref<128x128xf32, #tpu.memory_space<vmem>>
      %dma_wait3A_83 = arith.constant 0 : i32
      %dma_wait3A_84 = tpu.memref_slice %arg7[%mul3A_78, %dma_wait3A_83] : memref<40x128xi32, #tpu.memory_space<vmem>> -> memref<1x128xi32, #tpu.memory_space<vmem>>
      %dma_wait3A_85 = tpu.memref_squeeze %dma_wait3A_84 : memref<1x128xi32, #tpu.memory_space<vmem>> -> memref<128xi32, #tpu.memory_space<vmem>>
      %dma_wait3A_86 = arith.constant 0 : i32
      %dma_wait3A_87 = arith.constant 0 : i32
      %dma_wait3A_88 = tpu.memref_slice %arg2[%dma_wait3A_86, %dma_wait3A_87] : memref<10000x128xf32, #tpu.memory_space<hbm>> -> memref<10000x128xf32, #tpu.memory_space<hbm>>
      tpu.wait_indirect_dma semaphore(%arg11 : memref<!tpu.dma_semaphore, #tpu.memory_space<semaphore_mem>>) src(%dma_wait3A_88 : memref<10000x128xf32, #tpu.memory_space<hbm>>) dst(%dma_wait3A_82 : memref<128x128xf32, #tpu.memory_space<vmem>>)
      %mul3A_89 = arith.constant 2 : i32
      %mul3A_90 = arith.muli %mul3A_89, %scan3A_60 : i32
      %run_scoped3A_91 = arith.constant 0 : i32
      "tpu.region"() ({
        %run_scoped3A_115 = tpu.sem_alloc : memref<!tpu.dma_semaphore, #tpu.memory_space<semaphore_mem>>
        %dma_start3A_116 = arith.constant 0 : i32
        %dma_start3A_117 = arith.constant 0 : i32
        %dma_start3A_118 = tpu.memref_slice %arg9[%run_scoped3A_91, %dma_start3A_116, %dma_start3A_117] : memref<2x128x128xf32, #tpu.memory_space<vmem>> -> memref<1x128x128xf32, #tpu.memory_space<vmem>>
        %dma_start3A_119 = tpu.memref_squeeze %dma_start3A_118 : memref<1x128x128xf32, #tpu.memory_space<vmem>> -> memref<128x128xf32, #tpu.memory_space<vmem>>
        %dma_start3A_120 = arith.constant 0 : i32
        %dma_start3A_121 = tpu.memref_slice %arg8[%mul3A_90, %dma_start3A_120] : memref<40x128xi32, #tpu.memory_space<vmem>> -> memref<1x128xi32, #tpu.memory_space<vmem>>
        %dma_start3A_122 = tpu.memref_squeeze %dma_start3A_121 : memref<1x128xi32, #tpu.memory_space<vmem>> -> memref<128xi32, #tpu.memory_space<vmem>>
        %dma_start3A_123 = arith.constant 0 : i32
        %dma_start3A_124 = arith.constant 0 : i32
        %dma_start3A_125 = tpu.memref_slice %arg10[%dma_start3A_123, %dma_start3A_124] : memref<10240x128xf32, #tpu.memory_space<vmem_shared>> -> memref<10240x128xf32, #tpu.memory_space<vmem_shared>>
        tpu.enqueue_indirect_dma source(%dma_start3A_119 : memref<128x128xf32, #tpu.memory_space<vmem>>) target(%dma_start3A_125 : memref<10240x128xf32, #tpu.memory_space<vmem_shared>>) offsets(%dma_start3A_122 : memref<128xi32, #tpu.memory_space<vmem>>) semaphore(%run_scoped3A_115 : memref<!tpu.dma_semaphore, #tpu.memory_space<semaphore_mem>>) {add = true}
        %dma_wait3A_126 = arith.constant 0 : i32
        %dma_wait3A_127 = arith.constant 0 : i32
        %dma_wait3A_128 = tpu.memref_slice %arg9[%run_scoped3A_91, %dma_wait3A_126, %dma_wait3A_127] : memref<2x128x128xf32, #tpu.memory_space<vmem>> -> memref<1x128x128xf32, #tpu.memory_space<vmem>>
        %dma_wait3A_129 = tpu.memref_squeeze %dma_wait3A_128 : memref<1x128x128xf32, #tpu.memory_space<vmem>> -> memref<128x128xf32, #tpu.memory_space<vmem>>
        %dma_wait3A_130 = arith.constant 0 : i32
        %dma_wait3A_131 = tpu.memref_slice %arg8[%mul3A_90, %dma_wait3A_130] : memref<40x128xi32, #tpu.memory_space<vmem>> -> memref<1x128xi32, #tpu.memory_space<vmem>>
        %dma_wait3A_132 = tpu.memref_squeeze %dma_wait3A_131 : memref<1x128xi32, #tpu.memory_space<vmem>> -> memref<128xi32, #tpu.memory_space<vmem>>
        %dma_wait3A_133 = arith.constant 0 : i32
        %dma_wait3A_134 = arith.constant 0 : i32
        %dma_wait3A_135 = tpu.memref_slice %arg10[%dma_wait3A_133, %dma_wait3A_134] : memref<10240x128xf32, #tpu.memory_space<vmem_shared>> -> memref<10240x128xf32, #tpu.memory_space<vmem_shared>>
        tpu.wait_indirect_dma semaphore(%run_scoped3A_115 : memref<!tpu.dma_semaphore, #tpu.memory_space<semaphore_mem>>) src(%dma_wait3A_129 : memref<128x128xf32, #tpu.memory_space<vmem>>) dst(%dma_wait3A_135 : memref<10240x128xf32, #tpu.memory_space<vmem_shared>>)
        tpu.yield
      }) : () -> ()
      %lt3A = arith.constant 19 : i32
      %lt3A_92 = arith.cmpi slt, %scan3A_60, %lt3A : i32
      %convert_element_type3A = arith.extui %lt3A_92 : i1 to i32
      %cond3A = arith.constant 0 : i32
      %cond3A_93 = arith.cmpi ne, %convert_element_type3A, %cond3A : i32
      scf.if %cond3A_93 {
        %mul3A_115 = arith.constant 2 : i32
        %mul3A_116 = arith.muli %mul3A_115, %scan3A_60 : i32
        %add3A_117 = arith.constant 2 : i32
        %add3A_118 = arith.addi %mul3A_116, %add3A_117 : i32
        %dma_start3A_119 = arith.constant 0 : i32
        %dma_start3A_120 = arith.constant 0 : i32
        %dma_start3A_121 = arith.constant 0 : i32
        %dma_start3A_122 = tpu.memref_slice %arg9[%dma_start3A_119, %dma_start3A_120, %dma_start3A_121] : memref<2x128x128xf32, #tpu.memory_space<vmem>> -> memref<1x128x128xf32, #tpu.memory_space<vmem>>
        %dma_start3A_123 = tpu.memref_squeeze %dma_start3A_122 : memref<1x128x128xf32, #tpu.memory_space<vmem>> -> memref<128x128xf32, #tpu.memory_space<vmem>>
        %dma_start3A_124 = arith.constant 0 : i32
        %dma_start3A_125 = tpu.memref_slice %arg7[%add3A_118, %dma_start3A_124] : memref<40x128xi32, #tpu.memory_space<vmem>> -> memref<1x128xi32, #tpu.memory_space<vmem>>
        %dma_start3A_126 = tpu.memref_squeeze %dma_start3A_125 : memref<1x128xi32, #tpu.memory_space<vmem>> -> memref<128xi32, #tpu.memory_space<vmem>>
        %dma_start3A_127 = arith.constant 0 : i32
        %dma_start3A_128 = arith.constant 0 : i32
        %dma_start3A_129 = tpu.memref_slice %arg2[%dma_start3A_127, %dma_start3A_128] : memref<10000x128xf32, #tpu.memory_space<hbm>> -> memref<10000x128xf32, #tpu.memory_space<hbm>>
        tpu.enqueue_indirect_dma source(%dma_start3A_129 : memref<10000x128xf32, #tpu.memory_space<hbm>>) target(%dma_start3A_123 : memref<128x128xf32, #tpu.memory_space<vmem>>) offsets(%dma_start3A_126 : memref<128xi32, #tpu.memory_space<vmem>>) semaphore(%arg11 : memref<!tpu.dma_semaphore, #tpu.memory_space<semaphore_mem>>)
      } else {
      }
      %mul3A_94 = arith.constant 2 : i32
      %mul3A_95 = arith.muli %mul3A_94, %scan3A_60 : i32
      %add3A_96 = arith.constant 1 : i32
      %add3A_97 = arith.addi %mul3A_95, %add3A_96 : i32
      %dma_wait3A_98 = arith.constant 1 : i32
      %dma_wait3A_99 = arith.constant 0 : i32
      %dma_wait3A_100 = arith.constant 0 : i32
      %dma_wait3A_101 = tpu.memref_slice %arg9[%dma_wait3A_98, %dma_wait3A_99, %dma_wait3A_100] : memref<2x128x128xf32, #tpu.memory_space<vmem>> -> memref<1x128x128xf32, #tpu.memory_space<vmem>>
      %dma_wait3A_102 = tpu.memref_squeeze %dma_wait3A_101 : memref<1x128x128xf32, #tpu.memory_space<vmem>> -> memref<128x128xf32, #tpu.memory_space<vmem>>
      %dma_wait3A_103 = arith.constant 0 : i32
      %dma_wait3A_104 = tpu.memref_slice %arg7[%add3A_97, %dma_wait3A_103] : memref<40x128xi32, #tpu.memory_space<vmem>> -> memref<1x128xi32, #tpu.memory_space<vmem>>
      %dma_wait3A_105 = tpu.memref_squeeze %dma_wait3A_104 : memref<1x128xi32, #tpu.memory_space<vmem>> -> memref<128xi32, #tpu.memory_space<vmem>>
      %dma_wait3A_106 = arith.constant 0 : i32
      %dma_wait3A_107 = arith.constant 0 : i32
      %dma_wait3A_108 = tpu.memref_slice %arg2[%dma_wait3A_106, %dma_wait3A_107] : memref<10000x128xf32, #tpu.memory_space<hbm>> -> memref<10000x128xf32, #tpu.memory_space<hbm>>
      tpu.wait_indirect_dma semaphore(%arg12 : memref<!tpu.dma_semaphore, #tpu.memory_space<semaphore_mem>>) src(%dma_wait3A_108 : memref<10000x128xf32, #tpu.memory_space<hbm>>) dst(%dma_wait3A_102 : memref<128x128xf32, #tpu.memory_space<vmem>>)
      %mul3A_109 = arith.constant 2 : i32
      %mul3A_110 = arith.muli %mul3A_109, %scan3A_60 : i32
      %add3A_111 = arith.constant 1 : i32
      %add3A_112 = arith.addi %mul3A_110, %add3A_111 : i32
      %run_scoped3A_113 = arith.constant 1 : i32
      "tpu.region"() ({
        %run_scoped3A_115 = tpu.sem_alloc : memref<!tpu.dma_semaphore, #tpu.memory_space<semaphore_mem>>
        %dma_start3A_116 = arith.constant 0 : i32
        %dma_start3A_117 = arith.constant 0 : i32
        %dma_start3A_118 = tpu.memref_slice %arg9[%run_scoped3A_113, %dma_start3A_116, %dma_start3A_117] : memref<2x128x128xf32, #tpu.memory_space<vmem>> -> memref<1x128x128xf32, #tpu.memory_space<vmem>>
        %dma_start3A_119 = tpu.memref_squeeze %dma_start3A_118 : memref<1x128x128xf32, #tpu.memory_space<vmem>> -> memref<128x128xf32, #tpu.memory_space<vmem>>
        %dma_start3A_120 = arith.constant 0 : i32
        %dma_start3A_121 = tpu.memref_slice %arg8[%add3A_112, %dma_start3A_120] : memref<40x128xi32, #tpu.memory_space<vmem>> -> memref<1x128xi32, #tpu.memory_space<vmem>>
        %dma_start3A_122 = tpu.memref_squeeze %dma_start3A_121 : memref<1x128xi32, #tpu.memory_space<vmem>> -> memref<128xi32, #tpu.memory_space<vmem>>
        %dma_start3A_123 = arith.constant 0 : i32
        %dma_start3A_124 = arith.constant 0 : i32
        %dma_start3A_125 = tpu.memref_slice %arg10[%dma_start3A_123, %dma_start3A_124] : memref<10240x128xf32, #tpu.memory_space<vmem_shared>> -> memref<10240x128xf32, #tpu.memory_space<vmem_shared>>
        tpu.enqueue_indirect_dma source(%dma_start3A_119 : memref<128x128xf32, #tpu.memory_space<vmem>>) target(%dma_start3A_125 : memref<10240x128xf32, #tpu.memory_space<vmem_shared>>) offsets(%dma_start3A_122 : memref<128xi32, #tpu.memory_space<vmem>>) semaphore(%run_scoped3A_115 : memref<!tpu.dma_semaphore, #tpu.memory_space<semaphore_mem>>) {add = true}
        %dma_wait3A_126 = arith.constant 0 : i32
        %dma_wait3A_127 = arith.constant 0 : i32
        %dma_wait3A_128 = tpu.memref_slice %arg9[%run_scoped3A_113, %dma_wait3A_126, %dma_wait3A_127] : memref<2x128x128xf32, #tpu.memory_space<vmem>> -> memref<1x128x128xf32, #tpu.memory_space<vmem>>
        %dma_wait3A_129 = tpu.memref_squeeze %dma_wait3A_128 : memref<1x128x128xf32, #tpu.memory_space<vmem>> -> memref<128x128xf32, #tpu.memory_space<vmem>>
        %dma_wait3A_130 = arith.constant 0 : i32
        %dma_wait3A_131 = tpu.memref_slice %arg8[%add3A_112, %dma_wait3A_130] : memref<40x128xi32, #tpu.memory_space<vmem>> -> memref<1x128xi32, #tpu.memory_space<vmem>>
        %dma_wait3A_132 = tpu.memref_squeeze %dma_wait3A_131 : memref<1x128xi32, #tpu.memory_space<vmem>> -> memref<128xi32, #tpu.memory_space<vmem>>
        %dma_wait3A_133 = arith.constant 0 : i32
        %dma_wait3A_134 = arith.constant 0 : i32
        %dma_wait3A_135 = tpu.memref_slice %arg10[%dma_wait3A_133, %dma_wait3A_134] : memref<10240x128xf32, #tpu.memory_space<vmem_shared>> -> memref<10240x128xf32, #tpu.memory_space<vmem_shared>>
        tpu.wait_indirect_dma semaphore(%run_scoped3A_115 : memref<!tpu.dma_semaphore, #tpu.memory_space<semaphore_mem>>) src(%dma_wait3A_129 : memref<128x128xf32, #tpu.memory_space<vmem>>) dst(%dma_wait3A_135 : memref<10240x128xf32, #tpu.memory_space<vmem_shared>>)
        tpu.yield
      }) : () -> ()
      %scan3A_114 = arith.constant 0 : i32
      scf.yield %scan3A_114 : i32
    }
    %scan3A_28 = arith.constant 20 : i32
    %mul3A_29 = arith.constant 80 : i32
    %mul3A_30 = arith.muli %add3A, %mul3A_29 : i32
    %add3A_31 = arith.constant 40 : i32
    %add3A_32 = arith.addi %mul3A_30, %add3A_31 : i32
    "tpu.region"() ({
      %run_scoped3A_60 = tpu.sem_alloc : memref<!tpu.dma_semaphore, #tpu.memory_space<semaphore_mem>>
      %dma_start3A_61 = arith.constant 0 : i32
      %dma_start3A_62 = tpu.memref_slice %arg3[%add3A_32, %dma_start3A_61] : memref<2560x128xi32, #tpu.memory_space<hbm>> -> memref<40x128xi32, #tpu.memory_space<hbm>>
      %dma_start3A_63 = arith.constant 0 : i32
      %dma_start3A_64 = tpu.memref_slice %arg3[%add3A_32, %dma_start3A_63] : memref<2560x128xi32, #tpu.memory_space<hbm>> -> memref<40x128xi32, #tpu.memory_space<hbm>>
      tpu.enqueue_dma source(%dma_start3A_64 : memref<40x128xi32, #tpu.memory_space<hbm>>) target(%arg7 : memref<40x128xi32, #tpu.memory_space<vmem>>) target_semaphore(%run_scoped3A_60 : memref<!tpu.dma_semaphore, #tpu.memory_space<semaphore_mem>>)
      %dma_wait3A = arith.constant 0 : i32
      %dma_wait3A_65 = tpu.memref_slice %arg3[%add3A_32, %dma_wait3A] : memref<2560x128xi32, #tpu.memory_space<hbm>> -> memref<40x128xi32, #tpu.memory_space<hbm>>
      %dma_wait3A_66 = arith.constant 0 : i32
      %dma_wait3A_67 = tpu.memref_slice %arg3[%add3A_32, %dma_wait3A_66] : memref<2560x128xi32, #tpu.memory_space<hbm>> -> memref<40x128xi32, #tpu.memory_space<hbm>>
      tpu.wait_dma2 semaphore(%run_scoped3A_60 : memref<!tpu.dma_semaphore, #tpu.memory_space<semaphore_mem>>) src(%dma_wait3A_67 : memref<40x128xi32, #tpu.memory_space<hbm>>) dst(%arg7 : memref<40x128xi32, #tpu.memory_space<vmem>>)
      tpu.yield
    }) : () -> ()
    "tpu.region"() ({
      %run_scoped3A_60 = tpu.sem_alloc : memref<!tpu.dma_semaphore, #tpu.memory_space<semaphore_mem>>
      %dma_start3A_61 = arith.constant 0 : i32
      %dma_start3A_62 = tpu.memref_slice %arg4[%add3A_32, %dma_start3A_61] : memref<2560x128xi32, #tpu.memory_space<hbm>> -> memref<40x128xi32, #tpu.memory_space<hbm>>
      %dma_start3A_63 = arith.constant 0 : i32
      %dma_start3A_64 = tpu.memref_slice %arg4[%add3A_32, %dma_start3A_63] : memref<2560x128xi32, #tpu.memory_space<hbm>> -> memref<40x128xi32, #tpu.memory_space<hbm>>
      tpu.enqueue_dma source(%dma_start3A_64 : memref<40x128xi32, #tpu.memory_space<hbm>>) target(%arg8 : memref<40x128xi32, #tpu.memory_space<vmem>>) target_semaphore(%run_scoped3A_60 : memref<!tpu.dma_semaphore, #tpu.memory_space<semaphore_mem>>)
      %dma_wait3A = arith.constant 0 : i32
      %dma_wait3A_65 = tpu.memref_slice %arg4[%add3A_32, %dma_wait3A] : memref<2560x128xi32, #tpu.memory_space<hbm>> -> memref<40x128xi32, #tpu.memory_space<hbm>>
      %dma_wait3A_66 = arith.constant 0 : i32
      %dma_wait3A_67 = tpu.memref_slice %arg4[%add3A_32, %dma_wait3A_66] : memref<2560x128xi32, #tpu.memory_space<hbm>> -> memref<40x128xi32, #tpu.memory_space<hbm>>
      tpu.wait_dma2 semaphore(%run_scoped3A_60 : memref<!tpu.dma_semaphore, #tpu.memory_space<semaphore_mem>>) src(%dma_wait3A_67 : memref<40x128xi32, #tpu.memory_space<hbm>>) dst(%arg8 : memref<40x128xi32, #tpu.memory_space<vmem>>)
      tpu.yield
    }) : () -> ()
    %dma_start3A_33 = arith.constant 0 : i32
    %dma_start3A_34 = arith.constant 0 : i32
    %dma_start3A_35 = arith.constant 0 : i32
    %dma_start3A_36 = arith.constant 0 : i32
    %dma_start3A_37 = tpu.memref_slice %arg9[%dma_start3A_34, %dma_start3A_35, %dma_start3A_36] : memref<2x128x128xf32, #tpu.memory_space<vmem>> -> memref<1x128x128xf32, #tpu.memory_space<vmem>>
    %dma_start3A_38 = tpu.memref_squeeze %dma_start3A_37 : memref<1x128x128xf32, #tpu.memory_space<vmem>> -> memref<128x128xf32, #tpu.memory_space<vmem>>
    %dma_start3A_39 = arith.constant 0 : i32
    %dma_start3A_40 = tpu.memref_slice %arg7[%dma_start3A_33, %dma_start3A_39] : memref<40x128xi32, #tpu.memory_space<vmem>> -> memref<1x128xi32, #tpu.memory_space<vmem>>
    %dma_start3A_41 = tpu.memref_squeeze %dma_start3A_40 : memref<1x128xi32, #tpu.memory_space<vmem>> -> memref<128xi32, #tpu.memory_space<vmem>>
    %dma_start3A_42 = arith.constant 0 : i32
    %dma_start3A_43 = arith.constant 0 : i32
    %dma_start3A_44 = tpu.memref_slice %arg2[%dma_start3A_42, %dma_start3A_43] : memref<10000x128xf32, #tpu.memory_space<hbm>> -> memref<10000x128xf32, #tpu.memory_space<hbm>>
    tpu.enqueue_indirect_dma source(%dma_start3A_44 : memref<10000x128xf32, #tpu.memory_space<hbm>>) target(%dma_start3A_38 : memref<128x128xf32, #tpu.memory_space<vmem>>) offsets(%dma_start3A_41 : memref<128xi32, #tpu.memory_space<vmem>>) semaphore(%arg11 : memref<!tpu.dma_semaphore, #tpu.memory_space<semaphore_mem>>)
    %scan3A_45 = arith.constant 0 : i32
    %scan3A_46 = arith.constant 0 : i32
    %scan3A_47 = arith.constant 20 : i32
    %scan3A_48 = arith.addi %scan3A_46, %scan3A_47 : i32
    %scan3A_49 = arith.constant 1 : i32
    %scan3A_50 = scf.for %scan3A_60 = %scan3A_46 to %scan3A_48 step %scan3A_49 iter_args(%scan3A_61 = %scan3A_45) -> (i32)  : i32 {
      %mul3A_62 = arith.constant 2 : i32
      %mul3A_63 = arith.muli %mul3A_62, %scan3A_60 : i32
      %add3A_64 = arith.constant 1 : i32
      %add3A_65 = arith.addi %mul3A_63, %add3A_64 : i32
      %dma_start3A_66 = arith.constant 1 : i32
      %dma_start3A_67 = arith.constant 0 : i32
      %dma_start3A_68 = arith.constant 0 : i32
      %dma_start3A_69 = tpu.memref_slice %arg9[%dma_start3A_66, %dma_start3A_67, %dma_start3A_68] : memref<2x128x128xf32, #tpu.memory_space<vmem>> -> memref<1x128x128xf32, #tpu.memory_space<vmem>>
      %dma_start3A_70 = tpu.memref_squeeze %dma_start3A_69 : memref<1x128x128xf32, #tpu.memory_space<vmem>> -> memref<128x128xf32, #tpu.memory_space<vmem>>
      %dma_start3A_71 = arith.constant 0 : i32
      %dma_start3A_72 = tpu.memref_slice %arg7[%add3A_65, %dma_start3A_71] : memref<40x128xi32, #tpu.memory_space<vmem>> -> memref<1x128xi32, #tpu.memory_space<vmem>>
      %dma_start3A_73 = tpu.memref_squeeze %dma_start3A_72 : memref<1x128xi32, #tpu.memory_space<vmem>> -> memref<128xi32, #tpu.memory_space<vmem>>
      %dma_start3A_74 = arith.constant 0 : i32
      %dma_start3A_75 = arith.constant 0 : i32
      %dma_start3A_76 = tpu.memref_slice %arg2[%dma_start3A_74, %dma_start3A_75] : memref<10000x128xf32, #tpu.memory_space<hbm>> -> memref<10000x128xf32, #tpu.memory_space<hbm>>
      tpu.enqueue_indirect_dma source(%dma_start3A_76 : memref<10000x128xf32, #tpu.memory_space<hbm>>) target(%dma_start3A_70 : memref<128x128xf32, #tpu.memory_space<vmem>>) offsets(%dma_start3A_73 : memref<128xi32, #tpu.memory_space<vmem>>) semaphore(%arg12 : memref<!tpu.dma_semaphore, #tpu.memory_space<semaphore_mem>>)
      %mul3A_77 = arith.constant 2 : i32
      %mul3A_78 = arith.muli %mul3A_77, %scan3A_60 : i32
      %dma_wait3A = arith.constant 0 : i32
      %dma_wait3A_79 = arith.constant 0 : i32
      %dma_wait3A_80 = arith.constant 0 : i32
      %dma_wait3A_81 = tpu.memref_slice %arg9[%dma_wait3A, %dma_wait3A_79, %dma_wait3A_80] : memref<2x128x128xf32, #tpu.memory_space<vmem>> -> memref<1x128x128xf32, #tpu.memory_space<vmem>>
      %dma_wait3A_82 = tpu.memref_squeeze %dma_wait3A_81 : memref<1x128x128xf32, #tpu.memory_space<vmem>> -> memref<128x128xf32, #tpu.memory_space<vmem>>
      %dma_wait3A_83 = arith.constant 0 : i32
      %dma_wait3A_84 = tpu.memref_slice %arg7[%mul3A_78, %dma_wait3A_83] : memref<40x128xi32, #tpu.memory_space<vmem>> -> memref<1x128xi32, #tpu.memory_space<vmem>>
      %dma_wait3A_85 = tpu.memref_squeeze %dma_wait3A_84 : memref<1x128xi32, #tpu.memory_space<vmem>> -> memref<128xi32, #tpu.memory_space<vmem>>
      %dma_wait3A_86 = arith.constant 0 : i32
      %dma_wait3A_87 = arith.constant 0 : i32
      %dma_wait3A_88 = tpu.memref_slice %arg2[%dma_wait3A_86, %dma_wait3A_87] : memref<10000x128xf32, #tpu.memory_space<hbm>> -> memref<10000x128xf32, #tpu.memory_space<hbm>>
      tpu.wait_indirect_dma semaphore(%arg11 : memref<!tpu.dma_semaphore, #tpu.memory_space<semaphore_mem>>) src(%dma_wait3A_88 : memref<10000x128xf32, #tpu.memory_space<hbm>>) dst(%dma_wait3A_82 : memref<128x128xf32, #tpu.memory_space<vmem>>)
      %mul3A_89 = arith.constant 2 : i32
      %mul3A_90 = arith.muli %mul3A_89, %scan3A_60 : i32
      %run_scoped3A_91 = arith.constant 0 : i32
      "tpu.region"() ({
        %run_scoped3A_115 = tpu.sem_alloc : memref<!tpu.dma_semaphore, #tpu.memory_space<semaphore_mem>>
        %dma_start3A_116 = arith.constant 0 : i32
        %dma_start3A_117 = arith.constant 0 : i32
        %dma_start3A_118 = tpu.memref_slice %arg9[%run_scoped3A_91, %dma_start3A_116, %dma_start3A_117] : memref<2x128x128xf32, #tpu.memory_space<vmem>> -> memref<1x128x128xf32, #tpu.memory_space<vmem>>
        %dma_start3A_119 = tpu.memref_squeeze %dma_start3A_118 : memref<1x128x128xf32, #tpu.memory_space<vmem>> -> memref<128x128xf32, #tpu.memory_space<vmem>>
        %dma_start3A_120 = arith.constant 0 : i32
        %dma_start3A_121 = tpu.memref_slice %arg8[%mul3A_90, %dma_start3A_120] : memref<40x128xi32, #tpu.memory_space<vmem>> -> memref<1x128xi32, #tpu.memory_space<vmem>>
        %dma_start3A_122 = tpu.memref_squeeze %dma_start3A_121 : memref<1x128xi32, #tpu.memory_space<vmem>> -> memref<128xi32, #tpu.memory_space<vmem>>
        %dma_start3A_123 = arith.constant 0 : i32
        %dma_start3A_124 = arith.constant 0 : i32
        %dma_start3A_125 = tpu.memref_slice %arg10[%dma_start3A_123, %dma_start3A_124] : memref<10240x128xf32, #tpu.memory_space<vmem_shared>> -> memref<10240x128xf32, #tpu.memory_space<vmem_shared>>
        tpu.enqueue_indirect_dma source(%dma_start3A_119 : memref<128x128xf32, #tpu.memory_space<vmem>>) target(%dma_start3A_125 : memref<10240x128xf32, #tpu.memory_space<vmem_shared>>) offsets(%dma_start3A_122 : memref<128xi32, #tpu.memory_space<vmem>>) semaphore(%run_scoped3A_115 : memref<!tpu.dma_semaphore, #tpu.memory_space<semaphore_mem>>) {add = true}
        %dma_wait3A_126 = arith.constant 0 : i32
        %dma_wait3A_127 = arith.constant 0 : i32
        %dma_wait3A_128 = tpu.memref_slice %arg9[%run_scoped3A_91, %dma_wait3A_126, %dma_wait3A_127] : memref<2x128x128xf32, #tpu.memory_space<vmem>> -> memref<1x128x128xf32, #tpu.memory_space<vmem>>
        %dma_wait3A_129 = tpu.memref_squeeze %dma_wait3A_128 : memref<1x128x128xf32, #tpu.memory_space<vmem>> -> memref<128x128xf32, #tpu.memory_space<vmem>>
        %dma_wait3A_130 = arith.constant 0 : i32
        %dma_wait3A_131 = tpu.memref_slice %arg8[%mul3A_90, %dma_wait3A_130] : memref<40x128xi32, #tpu.memory_space<vmem>> -> memref<1x128xi32, #tpu.memory_space<vmem>>
        %dma_wait3A_132 = tpu.memref_squeeze %dma_wait3A_131 : memref<1x128xi32, #tpu.memory_space<vmem>> -> memref<128xi32, #tpu.memory_space<vmem>>
        %dma_wait3A_133 = arith.constant 0 : i32
        %dma_wait3A_134 = arith.constant 0 : i32
        %dma_wait3A_135 = tpu.memref_slice %arg10[%dma_wait3A_133, %dma_wait3A_134] : memref<10240x128xf32, #tpu.memory_space<vmem_shared>> -> memref<10240x128xf32, #tpu.memory_space<vmem_shared>>
        tpu.wait_indirect_dma semaphore(%run_scoped3A_115 : memref<!tpu.dma_semaphore, #tpu.memory_space<semaphore_mem>>) src(%dma_wait3A_129 : memref<128x128xf32, #tpu.memory_space<vmem>>) dst(%dma_wait3A_135 : memref<10240x128xf32, #tpu.memory_space<vmem_shared>>)
        tpu.yield
      }) : () -> ()
      %lt3A = arith.constant 19 : i32
      %lt3A_92 = arith.cmpi slt, %scan3A_60, %lt3A : i32
      %convert_element_type3A = arith.extui %lt3A_92 : i1 to i32
      %cond3A = arith.constant 0 : i32
      %cond3A_93 = arith.cmpi ne, %convert_element_type3A, %cond3A : i32
      scf.if %cond3A_93 {
        %mul3A_115 = arith.constant 2 : i32
        %mul3A_116 = arith.muli %mul3A_115, %scan3A_60 : i32
        %add3A_117 = arith.constant 2 : i32
        %add3A_118 = arith.addi %mul3A_116, %add3A_117 : i32
        %dma_start3A_119 = arith.constant 0 : i32
        %dma_start3A_120 = arith.constant 0 : i32
        %dma_start3A_121 = arith.constant 0 : i32
        %dma_start3A_122 = tpu.memref_slice %arg9[%dma_start3A_119, %dma_start3A_120, %dma_start3A_121] : memref<2x128x128xf32, #tpu.memory_space<vmem>> -> memref<1x128x128xf32, #tpu.memory_space<vmem>>
        %dma_start3A_123 = tpu.memref_squeeze %dma_start3A_122 : memref<1x128x128xf32, #tpu.memory_space<vmem>> -> memref<128x128xf32, #tpu.memory_space<vmem>>
        %dma_start3A_124 = arith.constant 0 : i32
        %dma_start3A_125 = tpu.memref_slice %arg7[%add3A_118, %dma_start3A_124] : memref<40x128xi32, #tpu.memory_space<vmem>> -> memref<1x128xi32, #tpu.memory_space<vmem>>
        %dma_start3A_126 = tpu.memref_squeeze %dma_start3A_125 : memref<1x128xi32, #tpu.memory_space<vmem>> -> memref<128xi32, #tpu.memory_space<vmem>>
        %dma_start3A_127 = arith.constant 0 : i32
        %dma_start3A_128 = arith.constant 0 : i32
        %dma_start3A_129 = tpu.memref_slice %arg2[%dma_start3A_127, %dma_start3A_128] : memref<10000x128xf32, #tpu.memory_space<hbm>> -> memref<10000x128xf32, #tpu.memory_space<hbm>>
        tpu.enqueue_indirect_dma source(%dma_start3A_129 : memref<10000x128xf32, #tpu.memory_space<hbm>>) target(%dma_start3A_123 : memref<128x128xf32, #tpu.memory_space<vmem>>) offsets(%dma_start3A_126 : memref<128xi32, #tpu.memory_space<vmem>>) semaphore(%arg11 : memref<!tpu.dma_semaphore, #tpu.memory_space<semaphore_mem>>)
      } else {
      }
      %mul3A_94 = arith.constant 2 : i32
      %mul3A_95 = arith.muli %mul3A_94, %scan3A_60 : i32
      %add3A_96 = arith.constant 1 : i32
      %add3A_97 = arith.addi %mul3A_95, %add3A_96 : i32
      %dma_wait3A_98 = arith.constant 1 : i32
      %dma_wait3A_99 = arith.constant 0 : i32
      %dma_wait3A_100 = arith.constant 0 : i32
      %dma_wait3A_101 = tpu.memref_slice %arg9[%dma_wait3A_98, %dma_wait3A_99, %dma_wait3A_100] : memref<2x128x128xf32, #tpu.memory_space<vmem>> -> memref<1x128x128xf32, #tpu.memory_space<vmem>>
      %dma_wait3A_102 = tpu.memref_squeeze %dma_wait3A_101 : memref<1x128x128xf32, #tpu.memory_space<vmem>> -> memref<128x128xf32, #tpu.memory_space<vmem>>
      %dma_wait3A_103 = arith.constant 0 : i32
      %dma_wait3A_104 = tpu.memref_slice %arg7[%add3A_97, %dma_wait3A_103] : memref<40x128xi32, #tpu.memory_space<vmem>> -> memref<1x128xi32, #tpu.memory_space<vmem>>
      %dma_wait3A_105 = tpu.memref_squeeze %dma_wait3A_104 : memref<1x128xi32, #tpu.memory_space<vmem>> -> memref<128xi32, #tpu.memory_space<vmem>>
      %dma_wait3A_106 = arith.constant 0 : i32
      %dma_wait3A_107 = arith.constant 0 : i32
      %dma_wait3A_108 = tpu.memref_slice %arg2[%dma_wait3A_106, %dma_wait3A_107] : memref<10000x128xf32, #tpu.memory_space<hbm>> -> memref<10000x128xf32, #tpu.memory_space<hbm>>
      tpu.wait_indirect_dma semaphore(%arg12 : memref<!tpu.dma_semaphore, #tpu.memory_space<semaphore_mem>>) src(%dma_wait3A_108 : memref<10000x128xf32, #tpu.memory_space<hbm>>) dst(%dma_wait3A_102 : memref<128x128xf32, #tpu.memory_space<vmem>>)
      %mul3A_109 = arith.constant 2 : i32
      %mul3A_110 = arith.muli %mul3A_109, %scan3A_60 : i32
      %add3A_111 = arith.constant 1 : i32
      %add3A_112 = arith.addi %mul3A_110, %add3A_111 : i32
      %run_scoped3A_113 = arith.constant 1 : i32
      "tpu.region"() ({
        %run_scoped3A_115 = tpu.sem_alloc : memref<!tpu.dma_semaphore, #tpu.memory_space<semaphore_mem>>
        %dma_start3A_116 = arith.constant 0 : i32
        %dma_start3A_117 = arith.constant 0 : i32
        %dma_start3A_118 = tpu.memref_slice %arg9[%run_scoped3A_113, %dma_start3A_116, %dma_start3A_117] : memref<2x128x128xf32, #tpu.memory_space<vmem>> -> memref<1x128x128xf32, #tpu.memory_space<vmem>>
        %dma_start3A_119 = tpu.memref_squeeze %dma_start3A_118 : memref<1x128x128xf32, #tpu.memory_space<vmem>> -> memref<128x128xf32, #tpu.memory_space<vmem>>
        %dma_start3A_120 = arith.constant 0 : i32
        %dma_start3A_121 = tpu.memref_slice %arg8[%add3A_112, %dma_start3A_120] : memref<40x128xi32, #tpu.memory_space<vmem>> -> memref<1x128xi32, #tpu.memory_space<vmem>>
        %dma_start3A_122 = tpu.memref_squeeze %dma_start3A_121 : memref<1x128xi32, #tpu.memory_space<vmem>> -> memref<128xi32, #tpu.memory_space<vmem>>
        %dma_start3A_123 = arith.constant 0 : i32
        %dma_start3A_124 = arith.constant 0 : i32
        %dma_start3A_125 = tpu.memref_slice %arg10[%dma_start3A_123, %dma_start3A_124] : memref<10240x128xf32, #tpu.memory_space<vmem_shared>> -> memref<10240x128xf32, #tpu.memory_space<vmem_shared>>
        tpu.enqueue_indirect_dma source(%dma_start3A_119 : memref<128x128xf32, #tpu.memory_space<vmem>>) target(%dma_start3A_125 : memref<10240x128xf32, #tpu.memory_space<vmem_shared>>) offsets(%dma_start3A_122 : memref<128xi32, #tpu.memory_space<vmem>>) semaphore(%run_scoped3A_115 : memref<!tpu.dma_semaphore, #tpu.memory_space<semaphore_mem>>) {add = true}
        %dma_wait3A_126 = arith.constant 0 : i32
        %dma_wait3A_127 = arith.constant 0 : i32
        %dma_wait3A_128 = tpu.memref_slice %arg9[%run_scoped3A_113, %dma_wait3A_126, %dma_wait3A_127] : memref<2x128x128xf32, #tpu.memory_space<vmem>> -> memref<1x128x128xf32, #tpu.memory_space<vmem>>
        %dma_wait3A_129 = tpu.memref_squeeze %dma_wait3A_128 : memref<1x128x128xf32, #tpu.memory_space<vmem>> -> memref<128x128xf32, #tpu.memory_space<vmem>>
        %dma_wait3A_130 = arith.constant 0 : i32
        %dma_wait3A_131 = tpu.memref_slice %arg8[%add3A_112, %dma_wait3A_130] : memref<40x128xi32, #tpu.memory_space<vmem>> -> memref<1x128xi32, #tpu.memory_space<vmem>>
        %dma_wait3A_132 = tpu.memref_squeeze %dma_wait3A_131 : memref<1x128xi32, #tpu.memory_space<vmem>> -> memref<128xi32, #tpu.memory_space<vmem>>
        %dma_wait3A_133 = arith.constant 0 : i32
        %dma_wait3A_134 = arith.constant 0 : i32
        %dma_wait3A_135 = tpu.memref_slice %arg10[%dma_wait3A_133, %dma_wait3A_134] : memref<10240x128xf32, #tpu.memory_space<vmem_shared>> -> memref<10240x128xf32, #tpu.memory_space<vmem_shared>>
        tpu.wait_indirect_dma semaphore(%run_scoped3A_115 : memref<!tpu.dma_semaphore, #tpu.memory_space<semaphore_mem>>) src(%dma_wait3A_129 : memref<128x128xf32, #tpu.memory_space<vmem>>) dst(%dma_wait3A_135 : memref<10240x128xf32, #tpu.memory_space<vmem_shared>>)
        tpu.yield
      }) : () -> ()
      %scan3A_114 = arith.constant 0 : i32
      scf.yield %scan3A_114 : i32
    }
    %scan3A_51 = arith.constant 20 : i32
    %barrier3A_52 = arith.constant 0 : index
    tpu.barrier barrier_id(%barrier3A_52)
    %scan3A_53 = arith.constant 0 : i32
    %scan3A_54 = arith.constant 0 : i32
    %scan3A_55 = arith.constant 5 : i32
    %scan3A_56 = arith.addi %scan3A_54, %scan3A_55 : i32
    %scan3A_57 = arith.constant 1 : i32
    %scan3A_58 = scf.for %scan3A_60 = %scan3A_54 to %scan3A_56 step %scan3A_57 iter_args(%scan3A_61 = %scan3A_53) -> (i32)  : i32 {
      %mul3A_62 = arith.constant 640 : i32
      %mul3A_63 = arith.muli %arg1, %mul3A_62 : i32
      %mul3A_64 = arith.constant 128 : i32
      %mul3A_65 = arith.muli %scan3A_60, %mul3A_64 : i32
      %add3A_66 = arith.addi %mul3A_63, %mul3A_65 : i32
      %run_scoped3A_67 = arith.constant 0 : i32
      "tpu.region"() ({
        %run_scoped3A_70 = tpu.sem_alloc : memref<!tpu.dma_semaphore, #tpu.memory_space<semaphore_mem>>
        %dma_start3A_71 = arith.constant 0 : i32
        %dma_start3A_72 = arith.constant 0 : i32
        %dma_start3A_73 = tpu.memref_slice %arg9[%run_scoped3A_67, %dma_start3A_71, %dma_start3A_72] : memref<2x128x128xf32, #tpu.memory_space<vmem>> -> memref<1x128x128xf32, #tpu.memory_space<vmem>>
        %dma_start3A_74 = tpu.memref_squeeze %dma_start3A_73 : memref<1x128x128xf32, #tpu.memory_space<vmem>> -> memref<128x128xf32, #tpu.memory_space<vmem>>
        %dma_start3A_75 = arith.constant 0 : i32
        %dma_start3A_76 = tpu.memref_slice %arg10[%add3A_66, %dma_start3A_75] : memref<10240x128xf32, #tpu.memory_space<vmem_shared>> -> memref<128x128xf32, #tpu.memory_space<vmem_shared>>
        %dma_start3A_77 = arith.constant 0 : i32
        %dma_start3A_78 = arith.constant 0 : i32
        %dma_start3A_79 = tpu.memref_slice %arg9[%run_scoped3A_67, %dma_start3A_77, %dma_start3A_78] : memref<2x128x128xf32, #tpu.memory_space<vmem>> -> memref<1x128x128xf32, #tpu.memory_space<vmem>>
        %dma_start3A_80 = tpu.memref_squeeze %dma_start3A_79 : memref<1x128x128xf32, #tpu.memory_space<vmem>> -> memref<128x128xf32, #tpu.memory_space<vmem>>
        %dma_start3A_81 = arith.constant 0 : i32
        %dma_start3A_82 = tpu.memref_slice %arg10[%add3A_66, %dma_start3A_81] : memref<10240x128xf32, #tpu.memory_space<vmem_shared>> -> memref<128x128xf32, #tpu.memory_space<vmem_shared>>
        tpu.enqueue_dma source(%dma_start3A_82 : memref<128x128xf32, #tpu.memory_space<vmem_shared>>) target(%dma_start3A_80 : memref<128x128xf32, #tpu.memory_space<vmem>>) target_semaphore(%run_scoped3A_70 : memref<!tpu.dma_semaphore, #tpu.memory_space<semaphore_mem>>)
        %dma_wait3A = arith.constant 0 : i32
        %dma_wait3A_83 = arith.constant 0 : i32
        %dma_wait3A_84 = tpu.memref_slice %arg9[%run_scoped3A_67, %dma_wait3A, %dma_wait3A_83] : memref<2x128x128xf32, #tpu.memory_space<vmem>> -> memref<1x128x128xf32, #tpu.memory_space<vmem>>
        %dma_wait3A_85 = tpu.memref_squeeze %dma_wait3A_84 : memref<1x128x128xf32, #tpu.memory_space<vmem>> -> memref<128x128xf32, #tpu.memory_space<vmem>>
        %dma_wait3A_86 = arith.constant 0 : i32
        %dma_wait3A_87 = tpu.memref_slice %arg10[%add3A_66, %dma_wait3A_86] : memref<10240x128xf32, #tpu.memory_space<vmem_shared>> -> memref<128x128xf32, #tpu.memory_space<vmem_shared>>
        %dma_wait3A_88 = arith.constant 0 : i32
        %dma_wait3A_89 = arith.constant 0 : i32
        %dma_wait3A_90 = tpu.memref_slice %arg9[%run_scoped3A_67, %dma_wait3A_88, %dma_wait3A_89] : memref<2x128x128xf32, #tpu.memory_space<vmem>> -> memref<1x128x128xf32, #tpu.memory_space<vmem>>
        %dma_wait3A_91 = tpu.memref_squeeze %dma_wait3A_90 : memref<1x128x128xf32, #tpu.memory_space<vmem>> -> memref<128x128xf32, #tpu.memory_space<vmem>>
        %dma_wait3A_92 = arith.constant 0 : i32
        %dma_wait3A_93 = tpu.memref_slice %arg10[%add3A_66, %dma_wait3A_92] : memref<10240x128xf32, #tpu.memory_space<vmem_shared>> -> memref<128x128xf32, #tpu.memory_space<vmem_shared>>
        tpu.wait_dma2 semaphore(%run_scoped3A_70 : memref<!tpu.dma_semaphore, #tpu.memory_space<semaphore_mem>>) src(%dma_wait3A_93 : memref<128x128xf32, #tpu.memory_space<vmem_shared>>) dst(%dma_wait3A_91 : memref<128x128xf32, #tpu.memory_space<vmem>>)
        tpu.yield
      }) : () -> ()
      %run_scoped3A_68 = arith.constant 0 : i32
      "tpu.region"() ({
        %run_scoped3A_70 = tpu.sem_alloc : memref<!tpu.dma_semaphore, #tpu.memory_space<semaphore_mem>>
        %dma_start3A_71 = arith.constant 0 : i32
        %dma_start3A_72 = arith.constant 0 : i32
        %dma_start3A_73 = tpu.memref_slice %arg9[%run_scoped3A_68, %dma_start3A_71, %dma_start3A_72] : memref<2x128x128xf32, #tpu.memory_space<vmem>> -> memref<1x128x128xf32, #tpu.memory_space<vmem>>
        %dma_start3A_74 = tpu.memref_squeeze %dma_start3A_73 : memref<1x128x128xf32, #tpu.memory_space<vmem>> -> memref<128x128xf32, #tpu.memory_space<vmem>>
        %dma_start3A_75 = arith.constant 0 : i32
        %dma_start3A_76 = tpu.memref_slice %arg6[%arg0, %add3A_66, %dma_start3A_75] : memref<2x10240x128xf32, #tpu.memory_space<hbm>> -> memref<1x128x128xf32, #tpu.memory_space<hbm>>
        %dma_start3A_77 = tpu.memref_squeeze %dma_start3A_76 : memref<1x128x128xf32, #tpu.memory_space<hbm>> -> memref<128x128xf32, #tpu.memory_space<hbm>>
        %dma_start3A_78 = arith.constant 0 : i32
        %dma_start3A_79 = tpu.memref_slice %arg6[%arg0, %add3A_66, %dma_start3A_78] : memref<2x10240x128xf32, #tpu.memory_space<hbm>> -> memref<1x128x128xf32, #tpu.memory_space<hbm>>
        %dma_start3A_80 = tpu.memref_squeeze %dma_start3A_79 : memref<1x128x128xf32, #tpu.memory_space<hbm>> -> memref<128x128xf32, #tpu.memory_space<hbm>>
        %dma_start3A_81 = arith.constant 0 : i32
        %dma_start3A_82 = arith.constant 0 : i32
        %dma_start3A_83 = tpu.memref_slice %arg9[%run_scoped3A_68, %dma_start3A_81, %dma_start3A_82] : memref<2x128x128xf32, #tpu.memory_space<vmem>> -> memref<1x128x128xf32, #tpu.memory_space<vmem>>
        %dma_start3A_84 = tpu.memref_squeeze %dma_start3A_83 : memref<1x128x128xf32, #tpu.memory_space<vmem>> -> memref<128x128xf32, #tpu.memory_space<vmem>>
        tpu.enqueue_dma source(%dma_start3A_84 : memref<128x128xf32, #tpu.memory_space<vmem>>) target(%dma_start3A_80 : memref<128x128xf32, #tpu.memory_space<hbm>>) target_semaphore(%run_scoped3A_70 : memref<!tpu.dma_semaphore, #tpu.memory_space<semaphore_mem>>)
        %dma_wait3A = arith.constant 0 : i32
        %dma_wait3A_85 = arith.constant 0 : i32
        %dma_wait3A_86 = tpu.memref_slice %arg9[%run_scoped3A_68, %dma_wait3A, %dma_wait3A_85] : memref<2x128x128xf32, #tpu.memory_space<vmem>> -> memref<1x128x128xf32, #tpu.memory_space<vmem>>
        %dma_wait3A_87 = tpu.memref_squeeze %dma_wait3A_86 : memref<1x128x128xf32, #tpu.memory_space<vmem>> -> memref<128x128xf32, #tpu.memory_space<vmem>>
        %dma_wait3A_88 = arith.constant 0 : i32
        %dma_wait3A_89 = tpu.memref_slice %arg6[%arg0, %add3A_66, %dma_wait3A_88] : memref<2x10240x128xf32, #tpu.memory_space<hbm>> -> memref<1x128x128xf32, #tpu.memory_space<hbm>>
        %dma_wait3A_90 = tpu.memref_squeeze %dma_wait3A_89 : memref<1x128x128xf32, #tpu.memory_space<hbm>> -> memref<128x128xf32, #tpu.memory_space<hbm>>
        %dma_wait3A_91 = arith.constant 0 : i32
        %dma_wait3A_92 = tpu.memref_slice %arg6[%arg0, %add3A_66, %dma_wait3A_91] : memref<2x10240x128xf32, #tpu.memory_space<hbm>> -> memref<1x128x128xf32, #tpu.memory_space<hbm>>
        %dma_wait3A_93 = tpu.memref_squeeze %dma_wait3A_92 : memref<1x128x128xf32, #tpu.memory_space<hbm>> -> memref<128x128xf32, #tpu.memory_space<hbm>>
        %dma_wait3A_94 = arith.constant 0 : i32
        %dma_wait3A_95 = arith.constant 0 : i32
        %dma_wait3A_96 = tpu.memref_slice %arg9[%run_scoped3A_68, %dma_wait3A_94, %dma_wait3A_95] : memref<2x128x128xf32, #tpu.memory_space<vmem>> -> memref<1x128x128xf32, #tpu.memory_space<vmem>>
        %dma_wait3A_97 = tpu.memref_squeeze %dma_wait3A_96 : memref<1x128x128xf32, #tpu.memory_space<vmem>> -> memref<128x128xf32, #tpu.memory_space<vmem>>
        tpu.wait_dma2 semaphore(%run_scoped3A_70 : memref<!tpu.dma_semaphore, #tpu.memory_space<semaphore_mem>>) src(%dma_wait3A_97 : memref<128x128xf32, #tpu.memory_space<vmem>>) dst(%dma_wait3A_93 : memref<128x128xf32, #tpu.memory_space<hbm>>)
        tpu.yield
      }) : () -> ()
      %scan3A_69 = arith.constant 0 : i32
      scf.yield %scan3A_69 : i32
    }
    %scan3A_59 = arith.constant 5 : i32
    return
  }
}

#map = affine_map<(d0, d1) -> (0, 0)>
#map1 = affine_map<(d0, d1) -> (0, 0, 0)>
module attributes {stable_mosaic.version = 14 : i64} {
  func.func @k(%arg0: i32, %arg1: i32, %arg2: memref<10000x128xf32, #tpu.memory_space<hbm>>, %arg3: memref<2560x128xi32, #tpu.memory_space<hbm>>, %arg4: memref<2560x128xi32, #tpu.memory_space<hbm>>, %arg5: memref<128x128xf32, #tpu.memory_space<hbm>>, %arg6: memref<2x10240x128xf32, #tpu.memory_space<hbm>>, %arg7: memref<40x128xi32, #tpu.memory_space<vmem>>, %arg8: memref<40x128xi32, #tpu.memory_space<vmem>>, %arg9: memref<2x128x128xf32, #tpu.memory_space<vmem>>, %arg10: memref<10240x128xf32, #tpu.memory_space<vmem_shared>>, %arg11: memref<!tpu.dma_semaphore, #tpu.memory_space<semaphore_mem>>, %arg12: memref<!tpu.dma_semaphore, #tpu.memory_space<semaphore_mem>>) attributes {dimension_semantics = [#tpu.dimension_semantics<core_parallel>, #tpu.dimension_semantics<subcore_parallel>], iteration_bounds = array<i64: 2, 16>, scalar_prefetch = 0 : i64, scratch_operands = 6 : i64, tpu.core_type = #tpu.core_type<sc_vector_subcore>, window_params = [{transform_indices = #map}, {transform_indices = #map}, {transform_indices = #map}, {transform_indices = #map}, {transform_indices = #map1}]} {
    %mul3A = arith.constant 16 : i32
    %mul3A_0 = arith.muli %arg0, %mul3A : i32
    %add3A = arith.addi %mul3A_0, %arg1 : i32
    %run_scoped3A = arith.constant 0 : i32
    "tpu.region"() ({
      %run_scoped3A_60 = tpu.sem_alloc : memref<!tpu.dma_semaphore, #tpu.memory_space<semaphore_mem>>
      %dma_start3A_61 = arith.constant 0 : i32
      %dma_start3A_62 = arith.constant 0 : i32
      %dma_start3A_63 = tpu.memref_slice %arg9[%run_scoped3A, %dma_start3A_61, %dma_start3A_62] : memref<2x128x128xf32, #tpu.memory_space<vmem>> -> memref<1x128x128xf32, #tpu.memory_space<vmem>>
      %dma_start3A_64 = tpu.memref_squeeze %dma_start3A_63 : memref<1x128x128xf32, #tpu.memory_space<vmem>> -> memref<128x128xf32, #tpu.memory_space<vmem>>
      %dma_start3A_65 = arith.constant 0 : i32
      %dma_start3A_66 = arith.constant 0 : i32
      %dma_start3A_67 = tpu.memref_slice %arg9[%run_scoped3A, %dma_start3A_65, %dma_start3A_66] : memref<2x128x128xf32, #tpu.memory_space<vmem>> -> memref<1x128x128xf32, #tpu.memory_space<vmem>>
      %dma_start3A_68 = tpu.memref_squeeze %dma_start3A_67 : memref<1x128x128xf32, #tpu.memory_space<vmem>> -> memref<128x128xf32, #tpu.memory_space<vmem>>
      tpu.enqueue_dma source(%arg5 : memref<128x128xf32, #tpu.memory_space<hbm>>) target(%dma_start3A_68 : memref<128x128xf32, #tpu.memory_space<vmem>>) target_semaphore(%run_scoped3A_60 : memref<!tpu.dma_semaphore, #tpu.memory_space<semaphore_mem>>)
      %dma_wait3A = arith.constant 0 : i32
      %dma_wait3A_69 = arith.constant 0 : i32
      %dma_wait3A_70 = tpu.memref_slice %arg9[%run_scoped3A, %dma_wait3A, %dma_wait3A_69] : memref<2x128x128xf32, #tpu.memory_space<vmem>> -> memref<1x128x128xf32, #tpu.memory_space<vmem>>
      %dma_wait3A_71 = tpu.memref_squeeze %dma_wait3A_70 : memref<1x128x128xf32, #tpu.memory_space<vmem>> -> memref<128x128xf32, #tpu.memory_space<vmem>>
      %dma_wait3A_72 = arith.constant 0 : i32
      %dma_wait3A_73 = arith.constant 0 : i32
      %dma_wait3A_74 = tpu.memref_slice %arg9[%run_scoped3A, %dma_wait3A_72, %dma_wait3A_73] : memref<2x128x128xf32, #tpu.memory_space<vmem>> -> memref<1x128x128xf32, #tpu.memory_space<vmem>>
      %dma_wait3A_75 = tpu.memref_squeeze %dma_wait3A_74 : memref<1x128x128xf32, #tpu.memory_space<vmem>> -> memref<128x128xf32, #tpu.memory_space<vmem>>
      tpu.wait_dma2 semaphore(%run_scoped3A_60 : memref<!tpu.dma_semaphore, #tpu.memory_space<semaphore_mem>>) src(%arg5 : memref<128x128xf32, #tpu.memory_space<hbm>>) dst(%dma_wait3A_75 : memref<128x128xf32, #tpu.memory_space<vmem>>)
      tpu.yield
    }) : () -> ()
    %scan3A = arith.constant 0 : i32
    %scan3A_1 = arith.constant 0 : i32
    %scan3A_2 = arith.constant 5 : i32
    %scan3A_3 = arith.addi %scan3A_1, %scan3A_2 : i32
    %scan3A_4 = arith.constant 1 : i32
    %scan3A_5 = scf.for %scan3A_60 = %scan3A_1 to %scan3A_3 step %scan3A_4 iter_args(%scan3A_61 = %scan3A) -> (i32)  : i32 {
      %mul3A_62 = arith.constant 640 : i32
      %mul3A_63 = arith.muli %arg1, %mul3A_62 : i32
      %mul3A_64 = arith.constant 128 : i32
      %mul3A_65 = arith.muli %scan3A_60, %mul3A_64 : i32
      %add3A_66 = arith.addi %mul3A_63, %mul3A_65 : i32
      %run_scoped3A_67 = arith.constant 0 : i32
      "tpu.region"() ({
        %run_scoped3A_69 = tpu.sem_alloc : memref<!tpu.dma_semaphore, #tpu.memory_space<semaphore_mem>>
        %dma_start3A_70 = arith.constant 0 : i32
        %dma_start3A_71 = arith.constant 0 : i32
        %dma_start3A_72 = tpu.memref_slice %arg9[%run_scoped3A_67, %dma_start3A_70, %dma_start3A_71] : memref<2x128x128xf32, #tpu.memory_space<vmem>> -> memref<1x128x128xf32, #tpu.memory_space<vmem>>
        %dma_start3A_73 = tpu.memref_squeeze %dma_start3A_72 : memref<1x128x128xf32, #tpu.memory_space<vmem>> -> memref<128x128xf32, #tpu.memory_space<vmem>>
        %dma_start3A_74 = arith.constant 0 : i32
        %dma_start3A_75 = tpu.memref_slice %arg10[%add3A_66, %dma_start3A_74] : memref<10240x128xf32, #tpu.memory_space<vmem_shared>> -> memref<128x128xf32, #tpu.memory_space<vmem_shared>>
        %dma_start3A_76 = arith.constant 0 : i32
        %dma_start3A_77 = tpu.memref_slice %arg10[%add3A_66, %dma_start3A_76] : memref<10240x128xf32, #tpu.memory_space<vmem_shared>> -> memref<128x128xf32, #tpu.memory_space<vmem_shared>>
        %dma_start3A_78 = arith.constant 0 : i32
        %dma_start3A_79 = arith.constant 0 : i32
        %dma_start3A_80 = tpu.memref_slice %arg9[%run_scoped3A_67, %dma_start3A_78, %dma_start3A_79] : memref<2x128x128xf32, #tpu.memory_space<vmem>> -> memref<1x128x128xf32, #tpu.memory_space<vmem>>
        %dma_start3A_81 = tpu.memref_squeeze %dma_start3A_80 : memref<1x128x128xf32, #tpu.memory_space<vmem>> -> memref<128x128xf32, #tpu.memory_space<vmem>>
        tpu.enqueue_dma source(%dma_start3A_81 : memref<128x128xf32, #tpu.memory_space<vmem>>) target(%dma_start3A_77 : memref<128x128xf32, #tpu.memory_space<vmem_shared>>) target_semaphore(%run_scoped3A_69 : memref<!tpu.dma_semaphore, #tpu.memory_space<semaphore_mem>>)
        %dma_wait3A = arith.constant 0 : i32
        %dma_wait3A_82 = arith.constant 0 : i32
        %dma_wait3A_83 = tpu.memref_slice %arg9[%run_scoped3A_67, %dma_wait3A, %dma_wait3A_82] : memref<2x128x128xf32, #tpu.memory_space<vmem>> -> memref<1x128x128xf32, #tpu.memory_space<vmem>>
        %dma_wait3A_84 = tpu.memref_squeeze %dma_wait3A_83 : memref<1x128x128xf32, #tpu.memory_space<vmem>> -> memref<128x128xf32, #tpu.memory_space<vmem>>
        %dma_wait3A_85 = arith.constant 0 : i32
        %dma_wait3A_86 = tpu.memref_slice %arg10[%add3A_66, %dma_wait3A_85] : memref<10240x128xf32, #tpu.memory_space<vmem_shared>> -> memref<128x128xf32, #tpu.memory_space<vmem_shared>>
        %dma_wait3A_87 = arith.constant 0 : i32
        %dma_wait3A_88 = tpu.memref_slice %arg10[%add3A_66, %dma_wait3A_87] : memref<10240x128xf32, #tpu.memory_space<vmem_shared>> -> memref<128x128xf32, #tpu.memory_space<vmem_shared>>
        %dma_wait3A_89 = arith.constant 0 : i32
        %dma_wait3A_90 = arith.constant 0 : i32
        %dma_wait3A_91 = tpu.memref_slice %arg9[%run_scoped3A_67, %dma_wait3A_89, %dma_wait3A_90] : memref<2x128x128xf32, #tpu.memory_space<vmem>> -> memref<1x128x128xf32, #tpu.memory_space<vmem>>
        %dma_wait3A_92 = tpu.memref_squeeze %dma_wait3A_91 : memref<1x128x128xf32, #tpu.memory_space<vmem>> -> memref<128x128xf32, #tpu.memory_space<vmem>>
        tpu.wait_dma2 semaphore(%run_scoped3A_69 : memref<!tpu.dma_semaphore, #tpu.memory_space<semaphore_mem>>) src(%dma_wait3A_92 : memref<128x128xf32, #tpu.memory_space<vmem>>) dst(%dma_wait3A_88 : memref<128x128xf32, #tpu.memory_space<vmem_shared>>)
        tpu.yield
      }) : () -> ()
      %scan3A_68 = arith.constant 0 : i32
      scf.yield %scan3A_68 : i32
    }
    %scan3A_6 = arith.constant 5 : i32
    %barrier3A = arith.constant 0 : index
    tpu.barrier barrier_id(%barrier3A)
    %mul3A_7 = arith.constant 80 : i32
    %mul3A_8 = arith.muli %add3A, %mul3A_7 : i32
    %add3A_9 = arith.constant 0 : i32
    %add3A_10 = arith.addi %mul3A_8, %add3A_9 : i32
    "tpu.region"() ({
      %run_scoped3A_60 = tpu.sem_alloc : memref<!tpu.dma_semaphore, #tpu.memory_space<semaphore_mem>>
      %dma_start3A_61 = arith.constant 0 : i32
      %dma_start3A_62 = tpu.memref_slice %arg3[%add3A_10, %dma_start3A_61] : memref<2560x128xi32, #tpu.memory_space<hbm>> -> memref<40x128xi32, #tpu.memory_space<hbm>>
      %dma_start3A_63 = arith.constant 0 : i32
      %dma_start3A_64 = tpu.memref_slice %arg3[%add3A_10, %dma_start3A_63] : memref<2560x128xi32, #tpu.memory_space<hbm>> -> memref<40x128xi32, #tpu.memory_space<hbm>>
      tpu.enqueue_dma source(%dma_start3A_64 : memref<40x128xi32, #tpu.memory_space<hbm>>) target(%arg7 : memref<40x128xi32, #tpu.memory_space<vmem>>) target_semaphore(%run_scoped3A_60 : memref<!tpu.dma_semaphore, #tpu.memory_space<semaphore_mem>>)
      %dma_wait3A = arith.constant 0 : i32
      %dma_wait3A_65 = tpu.memref_slice %arg3[%add3A_10, %dma_wait3A] : memref<2560x128xi32, #tpu.memory_space<hbm>> -> memref<40x128xi32, #tpu.memory_space<hbm>>
      %dma_wait3A_66 = arith.constant 0 : i32
      %dma_wait3A_67 = tpu.memref_slice %arg3[%add3A_10, %dma_wait3A_66] : memref<2560x128xi32, #tpu.memory_space<hbm>> -> memref<40x128xi32, #tpu.memory_space<hbm>>
      tpu.wait_dma2 semaphore(%run_scoped3A_60 : memref<!tpu.dma_semaphore, #tpu.memory_space<semaphore_mem>>) src(%dma_wait3A_67 : memref<40x128xi32, #tpu.memory_space<hbm>>) dst(%arg7 : memref<40x128xi32, #tpu.memory_space<vmem>>)
      tpu.yield
    }) : () -> ()
    "tpu.region"() ({
      %run_scoped3A_60 = tpu.sem_alloc : memref<!tpu.dma_semaphore, #tpu.memory_space<semaphore_mem>>
      %dma_start3A_61 = arith.constant 0 : i32
      %dma_start3A_62 = tpu.memref_slice %arg4[%add3A_10, %dma_start3A_61] : memref<2560x128xi32, #tpu.memory_space<hbm>> -> memref<40x128xi32, #tpu.memory_space<hbm>>
      %dma_start3A_63 = arith.constant 0 : i32
      %dma_start3A_64 = tpu.memref_slice %arg4[%add3A_10, %dma_start3A_63] : memref<2560x128xi32, #tpu.memory_space<hbm>> -> memref<40x128xi32, #tpu.memory_space<hbm>>
      tpu.enqueue_dma source(%dma_start3A_64 : memref<40x128xi32, #tpu.memory_space<hbm>>) target(%arg8 : memref<40x128xi32, #tpu.memory_space<vmem>>) target_semaphore(%run_scoped3A_60 : memref<!tpu.dma_semaphore, #tpu.memory_space<semaphore_mem>>)
      %dma_wait3A = arith.constant 0 : i32
      %dma_wait3A_65 = tpu.memref_slice %arg4[%add3A_10, %dma_wait3A] : memref<2560x128xi32, #tpu.memory_space<hbm>> -> memref<40x128xi32, #tpu.memory_space<hbm>>
      %dma_wait3A_66 = arith.constant 0 : i32
      %dma_wait3A_67 = tpu.memref_slice %arg4[%add3A_10, %dma_wait3A_66] : memref<2560x128xi32, #tpu.memory_space<hbm>> -> memref<40x128xi32, #tpu.memory_space<hbm>>
      tpu.wait_dma2 semaphore(%run_scoped3A_60 : memref<!tpu.dma_semaphore, #tpu.memory_space<semaphore_mem>>) src(%dma_wait3A_67 : memref<40x128xi32, #tpu.memory_space<hbm>>) dst(%arg8 : memref<40x128xi32, #tpu.memory_space<vmem>>)
      tpu.yield
    }) : () -> ()
    %dma_start3A = arith.constant 0 : i32
    %dma_start3A_11 = arith.constant 0 : i32
    %dma_start3A_12 = arith.constant 0 : i32
    %dma_start3A_13 = arith.constant 0 : i32
    %dma_start3A_14 = tpu.memref_slice %arg9[%dma_start3A_11, %dma_start3A_12, %dma_start3A_13] : memref<2x128x128xf32, #tpu.memory_space<vmem>> -> memref<1x128x128xf32, #tpu.memory_space<vmem>>
    %dma_start3A_15 = tpu.memref_squeeze %dma_start3A_14 : memref<1x128x128xf32, #tpu.memory_space<vmem>> -> memref<128x128xf32, #tpu.memory_space<vmem>>
    %dma_start3A_16 = arith.constant 0 : i32
    %dma_start3A_17 = tpu.memref_slice %arg7[%dma_start3A, %dma_start3A_16] : memref<40x128xi32, #tpu.memory_space<vmem>> -> memref<1x128xi32, #tpu.memory_space<vmem>>
    %dma_start3A_18 = tpu.memref_squeeze %dma_start3A_17 : memref<1x128xi32, #tpu.memory_space<vmem>> -> memref<128xi32, #tpu.memory_space<vmem>>
    %dma_start3A_19 = arith.constant 0 : i32
    %dma_start3A_20 = arith.constant 0 : i32
    %dma_start3A_21 = tpu.memref_slice %arg2[%dma_start3A_19, %dma_start3A_20] : memref<10000x128xf32, #tpu.memory_space<hbm>> -> memref<10000x128xf32, #tpu.memory_space<hbm>>
    tpu.enqueue_indirect_dma source(%dma_start3A_21 : memref<10000x128xf32, #tpu.memory_space<hbm>>) target(%dma_start3A_15 : memref<128x128xf32, #tpu.memory_space<vmem>>) offsets(%dma_start3A_18 : memref<128xi32, #tpu.memory_space<vmem>>) semaphore(%arg11 : memref<!tpu.dma_semaphore, #tpu.memory_space<semaphore_mem>>)
    %scan3A_22 = arith.constant 0 : i32
    %scan3A_23 = arith.constant 0 : i32
    %scan3A_24 = arith.constant 20 : i32
    %scan3A_25 = arith.addi %scan3A_23, %scan3A_24 : i32
    %scan3A_26 = arith.constant 1 : i32
    %scan3A_27 = scf.for %scan3A_60 = %scan3A_23 to %scan3A_25 step %scan3A_26 iter_args(%scan3A_61 = %scan3A_22) -> (i32)  : i32 {
      %mul3A_62 = arith.constant 2 : i32
      %mul3A_63 = arith.muli %mul3A_62, %scan3A_60 : i32
      %add3A_64 = arith.constant 1 : i32
      %add3A_65 = arith.addi %mul3A_63, %add3A_64 : i32
      %dma_start3A_66 = arith.constant 1 : i32
      %dma_start3A_67 = arith.constant 0 : i32
      %dma_start3A_68 = arith.constant 0 : i32
      %dma_start3A_69 = tpu.memref_slice %arg9[%dma_start3A_66, %dma_start3A_67, %dma_start3A_68] : memref<2x128x128xf32, #tpu.memory_space<vmem>> -> memref<1x128x128xf32, #tpu.memory_space<vmem>>
      %dma_start3A_70 = tpu.memref_squeeze %dma_start3A_69 : memref<1x128x128xf32, #tpu.memory_space<vmem>> -> memref<128x128xf32, #tpu.memory_space<vmem>>
      %dma_start3A_71 = arith.constant 0 : i32
      %dma_start3A_72 = tpu.memref_slice %arg7[%add3A_65, %dma_start3A_71] : memref<40x128xi32, #tpu.memory_space<vmem>> -> memref<1x128xi32, #tpu.memory_space<vmem>>
      %dma_start3A_73 = tpu.memref_squeeze %dma_start3A_72 : memref<1x128xi32, #tpu.memory_space<vmem>> -> memref<128xi32, #tpu.memory_space<vmem>>
      %dma_start3A_74 = arith.constant 0 : i32
      %dma_start3A_75 = arith.constant 0 : i32
      %dma_start3A_76 = tpu.memref_slice %arg2[%dma_start3A_74, %dma_start3A_75] : memref<10000x128xf32, #tpu.memory_space<hbm>> -> memref<10000x128xf32, #tpu.memory_space<hbm>>
      tpu.enqueue_indirect_dma source(%dma_start3A_76 : memref<10000x128xf32, #tpu.memory_space<hbm>>) target(%dma_start3A_70 : memref<128x128xf32, #tpu.memory_space<vmem>>) offsets(%dma_start3A_73 : memref<128xi32, #tpu.memory_space<vmem>>) semaphore(%arg12 : memref<!tpu.dma_semaphore, #tpu.memory_space<semaphore_mem>>)
      %mul3A_77 = arith.constant 2 : i32
      %mul3A_78 = arith.muli %mul3A_77, %scan3A_60 : i32
      %dma_wait3A = arith.constant 0 : i32
      %dma_wait3A_79 = arith.constant 0 : i32
      %dma_wait3A_80 = arith.constant 0 : i32
      %dma_wait3A_81 = tpu.memref_slice %arg9[%dma_wait3A, %dma_wait3A_79, %dma_wait3A_80] : memref<2x128x128xf32, #tpu.memory_space<vmem>> -> memref<1x128x128xf32, #tpu.memory_space<vmem>>
      %dma_wait3A_82 = tpu.memref_squeeze %dma_wait3A_81 : memref<1x128x128xf32, #tpu.memory_space<vmem>> -> memref<128x128xf32, #tpu.memory_space<vmem>>
      %dma_wait3A_83 = arith.constant 0 : i32
      %dma_wait3A_84 = tpu.memref_slice %arg7[%mul3A_78, %dma_wait3A_83] : memref<40x128xi32, #tpu.memory_space<vmem>> -> memref<1x128xi32, #tpu.memory_space<vmem>>
      %dma_wait3A_85 = tpu.memref_squeeze %dma_wait3A_84 : memref<1x128xi32, #tpu.memory_space<vmem>> -> memref<128xi32, #tpu.memory_space<vmem>>
      %dma_wait3A_86 = arith.constant 0 : i32
      %dma_wait3A_87 = arith.constant 0 : i32
      %dma_wait3A_88 = tpu.memref_slice %arg2[%dma_wait3A_86, %dma_wait3A_87] : memref<10000x128xf32, #tpu.memory_space<hbm>> -> memref<10000x128xf32, #tpu.memory_space<hbm>>
      tpu.wait_indirect_dma semaphore(%arg11 : memref<!tpu.dma_semaphore, #tpu.memory_space<semaphore_mem>>) src(%dma_wait3A_88 : memref<10000x128xf32, #tpu.memory_space<hbm>>) dst(%dma_wait3A_82 : memref<128x128xf32, #tpu.memory_space<vmem>>)
      %mul3A_89 = arith.constant 2 : i32
      %mul3A_90 = arith.muli %mul3A_89, %scan3A_60 : i32
      %run_scoped3A_91 = arith.constant 0 : i32
      "tpu.region"() ({
        %run_scoped3A_115 = tpu.sem_alloc : memref<!tpu.dma_semaphore, #tpu.memory_space<semaphore_mem>>
        %dma_start3A_116 = arith.constant 0 : i32
        %dma_start3A_117 = arith.constant 0 : i32
        %dma_start3A_118 = tpu.memref_slice %arg9[%run_scoped3A_91, %dma_start3A_116, %dma_start3A_117] : memref<2x128x128xf32, #tpu.memory_space<vmem>> -> memref<1x128x128xf32, #tpu.memory_space<vmem>>
        %dma_start3A_119 = tpu.memref_squeeze %dma_start3A_118 : memref<1x128x128xf32, #tpu.memory_space<vmem>> -> memref<128x128xf32, #tpu.memory_space<vmem>>
        %dma_start3A_120 = arith.constant 0 : i32
        %dma_start3A_121 = tpu.memref_slice %arg8[%mul3A_90, %dma_start3A_120] : memref<40x128xi32, #tpu.memory_space<vmem>> -> memref<1x128xi32, #tpu.memory_space<vmem>>
        %dma_start3A_122 = tpu.memref_squeeze %dma_start3A_121 : memref<1x128xi32, #tpu.memory_space<vmem>> -> memref<128xi32, #tpu.memory_space<vmem>>
        %dma_start3A_123 = arith.constant 0 : i32
        %dma_start3A_124 = arith.constant 0 : i32
        %dma_start3A_125 = tpu.memref_slice %arg10[%dma_start3A_123, %dma_start3A_124] : memref<10240x128xf32, #tpu.memory_space<vmem_shared>> -> memref<10240x128xf32, #tpu.memory_space<vmem_shared>>
        tpu.enqueue_indirect_dma source(%dma_start3A_119 : memref<128x128xf32, #tpu.memory_space<vmem>>) target(%dma_start3A_125 : memref<10240x128xf32, #tpu.memory_space<vmem_shared>>) offsets(%dma_start3A_122 : memref<128xi32, #tpu.memory_space<vmem>>) semaphore(%run_scoped3A_115 : memref<!tpu.dma_semaphore, #tpu.memory_space<semaphore_mem>>) {add = true}
        %dma_wait3A_126 = arith.constant 0 : i32
        %dma_wait3A_127 = arith.constant 0 : i32
        %dma_wait3A_128 = tpu.memref_slice %arg9[%run_scoped3A_91, %dma_wait3A_126, %dma_wait3A_127] : memref<2x128x128xf32, #tpu.memory_space<vmem>> -> memref<1x128x128xf32, #tpu.memory_space<vmem>>
        %dma_wait3A_129 = tpu.memref_squeeze %dma_wait3A_128 : memref<1x128x128xf32, #tpu.memory_space<vmem>> -> memref<128x128xf32, #tpu.memory_space<vmem>>
        %dma_wait3A_130 = arith.constant 0 : i32
        %dma_wait3A_131 = tpu.memref_slice %arg8[%mul3A_90, %dma_wait3A_130] : memref<40x128xi32, #tpu.memory_space<vmem>> -> memref<1x128xi32, #tpu.memory_space<vmem>>
        %dma_wait3A_132 = tpu.memref_squeeze %dma_wait3A_131 : memref<1x128xi32, #tpu.memory_space<vmem>> -> memref<128xi32, #tpu.memory_space<vmem>>
        %dma_wait3A_133 = arith.constant 0 : i32
        %dma_wait3A_134 = arith.constant 0 : i32
        %dma_wait3A_135 = tpu.memref_slice %arg10[%dma_wait3A_133, %dma_wait3A_134] : memref<10240x128xf32, #tpu.memory_space<vmem_shared>> -> memref<10240x128xf32, #tpu.memory_space<vmem_shared>>
        tpu.wait_indirect_dma semaphore(%run_scoped3A_115 : memref<!tpu.dma_semaphore, #tpu.memory_space<semaphore_mem>>) src(%dma_wait3A_129 : memref<128x128xf32, #tpu.memory_space<vmem>>) dst(%dma_wait3A_135 : memref<10240x128xf32, #tpu.memory_space<vmem_shared>>)
        tpu.yield
      }) : () -> ()
      %lt3A = arith.constant 19 : i32
      %lt3A_92 = arith.cmpi slt, %scan3A_60, %lt3A : i32
      %convert_element_type3A = arith.extui %lt3A_92 : i1 to i32
      %cond3A = arith.constant 0 : i32
      %cond3A_93 = arith.cmpi ne, %convert_element_type3A, %cond3A : i32
      scf.if %cond3A_93 {
        %mul3A_115 = arith.constant 2 : i32
        %mul3A_116 = arith.muli %mul3A_115, %scan3A_60 : i32
        %add3A_117 = arith.constant 2 : i32
        %add3A_118 = arith.addi %mul3A_116, %add3A_117 : i32
        %dma_start3A_119 = arith.constant 0 : i32
        %dma_start3A_120 = arith.constant 0 : i32
        %dma_start3A_121 = arith.constant 0 : i32
        %dma_start3A_122 = tpu.memref_slice %arg9[%dma_start3A_119, %dma_start3A_120, %dma_start3A_121] : memref<2x128x128xf32, #tpu.memory_space<vmem>> -> memref<1x128x128xf32, #tpu.memory_space<vmem>>
        %dma_start3A_123 = tpu.memref_squeeze %dma_start3A_122 : memref<1x128x128xf32, #tpu.memory_space<vmem>> -> memref<128x128xf32, #tpu.memory_space<vmem>>
        %dma_start3A_124 = arith.constant 0 : i32
        %dma_start3A_125 = tpu.memref_slice %arg7[%add3A_118, %dma_start3A_124] : memref<40x128xi32, #tpu.memory_space<vmem>> -> memref<1x128xi32, #tpu.memory_space<vmem>>
        %dma_start3A_126 = tpu.memref_squeeze %dma_start3A_125 : memref<1x128xi32, #tpu.memory_space<vmem>> -> memref<128xi32, #tpu.memory_space<vmem>>
        %dma_start3A_127 = arith.constant 0 : i32
        %dma_start3A_128 = arith.constant 0 : i32
        %dma_start3A_129 = tpu.memref_slice %arg2[%dma_start3A_127, %dma_start3A_128] : memref<10000x128xf32, #tpu.memory_space<hbm>> -> memref<10000x128xf32, #tpu.memory_space<hbm>>
        tpu.enqueue_indirect_dma source(%dma_start3A_129 : memref<10000x128xf32, #tpu.memory_space<hbm>>) target(%dma_start3A_123 : memref<128x128xf32, #tpu.memory_space<vmem>>) offsets(%dma_start3A_126 : memref<128xi32, #tpu.memory_space<vmem>>) semaphore(%arg11 : memref<!tpu.dma_semaphore, #tpu.memory_space<semaphore_mem>>)
      } else {
      }
      %mul3A_94 = arith.constant 2 : i32
      %mul3A_95 = arith.muli %mul3A_94, %scan3A_60 : i32
      %add3A_96 = arith.constant 1 : i32
      %add3A_97 = arith.addi %mul3A_95, %add3A_96 : i32
      %dma_wait3A_98 = arith.constant 1 : i32
      %dma_wait3A_99 = arith.constant 0 : i32
      %dma_wait3A_100 = arith.constant 0 : i32
      %dma_wait3A_101 = tpu.memref_slice %arg9[%dma_wait3A_98, %dma_wait3A_99, %dma_wait3A_100] : memref<2x128x128xf32, #tpu.memory_space<vmem>> -> memref<1x128x128xf32, #tpu.memory_space<vmem>>
      %dma_wait3A_102 = tpu.memref_squeeze %dma_wait3A_101 : memref<1x128x128xf32, #tpu.memory_space<vmem>> -> memref<128x128xf32, #tpu.memory_space<vmem>>
      %dma_wait3A_103 = arith.constant 0 : i32
      %dma_wait3A_104 = tpu.memref_slice %arg7[%add3A_97, %dma_wait3A_103] : memref<40x128xi32, #tpu.memory_space<vmem>> -> memref<1x128xi32, #tpu.memory_space<vmem>>
      %dma_wait3A_105 = tpu.memref_squeeze %dma_wait3A_104 : memref<1x128xi32, #tpu.memory_space<vmem>> -> memref<128xi32, #tpu.memory_space<vmem>>
      %dma_wait3A_106 = arith.constant 0 : i32
      %dma_wait3A_107 = arith.constant 0 : i32
      %dma_wait3A_108 = tpu.memref_slice %arg2[%dma_wait3A_106, %dma_wait3A_107] : memref<10000x128xf32, #tpu.memory_space<hbm>> -> memref<10000x128xf32, #tpu.memory_space<hbm>>
      tpu.wait_indirect_dma semaphore(%arg12 : memref<!tpu.dma_semaphore, #tpu.memory_space<semaphore_mem>>) src(%dma_wait3A_108 : memref<10000x128xf32, #tpu.memory_space<hbm>>) dst(%dma_wait3A_102 : memref<128x128xf32, #tpu.memory_space<vmem>>)
      %mul3A_109 = arith.constant 2 : i32
      %mul3A_110 = arith.muli %mul3A_109, %scan3A_60 : i32
      %add3A_111 = arith.constant 1 : i32
      %add3A_112 = arith.addi %mul3A_110, %add3A_111 : i32
      %run_scoped3A_113 = arith.constant 1 : i32
      "tpu.region"() ({
        %run_scoped3A_115 = tpu.sem_alloc : memref<!tpu.dma_semaphore, #tpu.memory_space<semaphore_mem>>
        %dma_start3A_116 = arith.constant 0 : i32
        %dma_start3A_117 = arith.constant 0 : i32
        %dma_start3A_118 = tpu.memref_slice %arg9[%run_scoped3A_113, %dma_start3A_116, %dma_start3A_117] : memref<2x128x128xf32, #tpu.memory_space<vmem>> -> memref<1x128x128xf32, #tpu.memory_space<vmem>>
        %dma_start3A_119 = tpu.memref_squeeze %dma_start3A_118 : memref<1x128x128xf32, #tpu.memory_space<vmem>> -> memref<128x128xf32, #tpu.memory_space<vmem>>
        %dma_start3A_120 = arith.constant 0 : i32
        %dma_start3A_121 = tpu.memref_slice %arg8[%add3A_112, %dma_start3A_120] : memref<40x128xi32, #tpu.memory_space<vmem>> -> memref<1x128xi32, #tpu.memory_space<vmem>>
        %dma_start3A_122 = tpu.memref_squeeze %dma_start3A_121 : memref<1x128xi32, #tpu.memory_space<vmem>> -> memref<128xi32, #tpu.memory_space<vmem>>
        %dma_start3A_123 = arith.constant 0 : i32
        %dma_start3A_124 = arith.constant 0 : i32
        %dma_start3A_125 = tpu.memref_slice %arg10[%dma_start3A_123, %dma_start3A_124] : memref<10240x128xf32, #tpu.memory_space<vmem_shared>> -> memref<10240x128xf32, #tpu.memory_space<vmem_shared>>
        tpu.enqueue_indirect_dma source(%dma_start3A_119 : memref<128x128xf32, #tpu.memory_space<vmem>>) target(%dma_start3A_125 : memref<10240x128xf32, #tpu.memory_space<vmem_shared>>) offsets(%dma_start3A_122 : memref<128xi32, #tpu.memory_space<vmem>>) semaphore(%run_scoped3A_115 : memref<!tpu.dma_semaphore, #tpu.memory_space<semaphore_mem>>) {add = true}
        %dma_wait3A_126 = arith.constant 0 : i32
        %dma_wait3A_127 = arith.constant 0 : i32
        %dma_wait3A_128 = tpu.memref_slice %arg9[%run_scoped3A_113, %dma_wait3A_126, %dma_wait3A_127] : memref<2x128x128xf32, #tpu.memory_space<vmem>> -> memref<1x128x128xf32, #tpu.memory_space<vmem>>
        %dma_wait3A_129 = tpu.memref_squeeze %dma_wait3A_128 : memref<1x128x128xf32, #tpu.memory_space<vmem>> -> memref<128x128xf32, #tpu.memory_space<vmem>>
        %dma_wait3A_130 = arith.constant 0 : i32
        %dma_wait3A_131 = tpu.memref_slice %arg8[%add3A_112, %dma_wait3A_130] : memref<40x128xi32, #tpu.memory_space<vmem>> -> memref<1x128xi32, #tpu.memory_space<vmem>>
        %dma_wait3A_132 = tpu.memref_squeeze %dma_wait3A_131 : memref<1x128xi32, #tpu.memory_space<vmem>> -> memref<128xi32, #tpu.memory_space<vmem>>
        %dma_wait3A_133 = arith.constant 0 : i32
        %dma_wait3A_134 = arith.constant 0 : i32
        %dma_wait3A_135 = tpu.memref_slice %arg10[%dma_wait3A_133, %dma_wait3A_134] : memref<10240x128xf32, #tpu.memory_space<vmem_shared>> -> memref<10240x128xf32, #tpu.memory_space<vmem_shared>>
        tpu.wait_indirect_dma semaphore(%run_scoped3A_115 : memref<!tpu.dma_semaphore, #tpu.memory_space<semaphore_mem>>) src(%dma_wait3A_129 : memref<128x128xf32, #tpu.memory_space<vmem>>) dst(%dma_wait3A_135 : memref<10240x128xf32, #tpu.memory_space<vmem_shared>>)
        tpu.yield
      }) : () -> ()
      %scan3A_114 = arith.constant 0 : i32
      scf.yield %scan3A_114 : i32
    }
    %scan3A_28 = arith.constant 20 : i32
    %mul3A_29 = arith.constant 80 : i32
    %mul3A_30 = arith.muli %add3A, %mul3A_29 : i32
    %add3A_31 = arith.constant 40 : i32
    %add3A_32 = arith.addi %mul3A_30, %add3A_31 : i32
    "tpu.region"() ({
      %run_scoped3A_60 = tpu.sem_alloc : memref<!tpu.dma_semaphore, #tpu.memory_space<semaphore_mem>>
      %dma_start3A_61 = arith.constant 0 : i32
      %dma_start3A_62 = tpu.memref_slice %arg3[%add3A_32, %dma_start3A_61] : memref<2560x128xi32, #tpu.memory_space<hbm>> -> memref<40x128xi32, #tpu.memory_space<hbm>>
      %dma_start3A_63 = arith.constant 0 : i32
      %dma_start3A_64 = tpu.memref_slice %arg3[%add3A_32, %dma_start3A_63] : memref<2560x128xi32, #tpu.memory_space<hbm>> -> memref<40x128xi32, #tpu.memory_space<hbm>>
      tpu.enqueue_dma source(%dma_start3A_64 : memref<40x128xi32, #tpu.memory_space<hbm>>) target(%arg7 : memref<40x128xi32, #tpu.memory_space<vmem>>) target_semaphore(%run_scoped3A_60 : memref<!tpu.dma_semaphore, #tpu.memory_space<semaphore_mem>>)
      %dma_wait3A = arith.constant 0 : i32
      %dma_wait3A_65 = tpu.memref_slice %arg3[%add3A_32, %dma_wait3A] : memref<2560x128xi32, #tpu.memory_space<hbm>> -> memref<40x128xi32, #tpu.memory_space<hbm>>
      %dma_wait3A_66 = arith.constant 0 : i32
      %dma_wait3A_67 = tpu.memref_slice %arg3[%add3A_32, %dma_wait3A_66] : memref<2560x128xi32, #tpu.memory_space<hbm>> -> memref<40x128xi32, #tpu.memory_space<hbm>>
      tpu.wait_dma2 semaphore(%run_scoped3A_60 : memref<!tpu.dma_semaphore, #tpu.memory_space<semaphore_mem>>) src(%dma_wait3A_67 : memref<40x128xi32, #tpu.memory_space<hbm>>) dst(%arg7 : memref<40x128xi32, #tpu.memory_space<vmem>>)
      tpu.yield
    }) : () -> ()
    "tpu.region"() ({
      %run_scoped3A_60 = tpu.sem_alloc : memref<!tpu.dma_semaphore, #tpu.memory_space<semaphore_mem>>
      %dma_start3A_61 = arith.constant 0 : i32
      %dma_start3A_62 = tpu.memref_slice %arg4[%add3A_32, %dma_start3A_61] : memref<2560x128xi32, #tpu.memory_space<hbm>> -> memref<40x128xi32, #tpu.memory_space<hbm>>
      %dma_start3A_63 = arith.constant 0 : i32
      %dma_start3A_64 = tpu.memref_slice %arg4[%add3A_32, %dma_start3A_63] : memref<2560x128xi32, #tpu.memory_space<hbm>> -> memref<40x128xi32, #tpu.memory_space<hbm>>
      tpu.enqueue_dma source(%dma_start3A_64 : memref<40x128xi32, #tpu.memory_space<hbm>>) target(%arg8 : memref<40x128xi32, #tpu.memory_space<vmem>>) target_semaphore(%run_scoped3A_60 : memref<!tpu.dma_semaphore, #tpu.memory_space<semaphore_mem>>)
      %dma_wait3A = arith.constant 0 : i32
      %dma_wait3A_65 = tpu.memref_slice %arg4[%add3A_32, %dma_wait3A] : memref<2560x128xi32, #tpu.memory_space<hbm>> -> memref<40x128xi32, #tpu.memory_space<hbm>>
      %dma_wait3A_66 = arith.constant 0 : i32
      %dma_wait3A_67 = tpu.memref_slice %arg4[%add3A_32, %dma_wait3A_66] : memref<2560x128xi32, #tpu.memory_space<hbm>> -> memref<40x128xi32, #tpu.memory_space<hbm>>
      tpu.wait_dma2 semaphore(%run_scoped3A_60 : memref<!tpu.dma_semaphore, #tpu.memory_space<semaphore_mem>>) src(%dma_wait3A_67 : memref<40x128xi32, #tpu.memory_space<hbm>>) dst(%arg8 : memref<40x128xi32, #tpu.memory_space<vmem>>)
      tpu.yield
    }) : () -> ()
    %dma_start3A_33 = arith.constant 0 : i32
    %dma_start3A_34 = arith.constant 0 : i32
    %dma_start3A_35 = arith.constant 0 : i32
    %dma_start3A_36 = arith.constant 0 : i32
    %dma_start3A_37 = tpu.memref_slice %arg9[%dma_start3A_34, %dma_start3A_35, %dma_start3A_36] : memref<2x128x128xf32, #tpu.memory_space<vmem>> -> memref<1x128x128xf32, #tpu.memory_space<vmem>>
    %dma_start3A_38 = tpu.memref_squeeze %dma_start3A_37 : memref<1x128x128xf32, #tpu.memory_space<vmem>> -> memref<128x128xf32, #tpu.memory_space<vmem>>
    %dma_start3A_39 = arith.constant 0 : i32
    %dma_start3A_40 = tpu.memref_slice %arg7[%dma_start3A_33, %dma_start3A_39] : memref<40x128xi32, #tpu.memory_space<vmem>> -> memref<1x128xi32, #tpu.memory_space<vmem>>
    %dma_start3A_41 = tpu.memref_squeeze %dma_start3A_40 : memref<1x128xi32, #tpu.memory_space<vmem>> -> memref<128xi32, #tpu.memory_space<vmem>>
    %dma_start3A_42 = arith.constant 0 : i32
    %dma_start3A_43 = arith.constant 0 : i32
    %dma_start3A_44 = tpu.memref_slice %arg2[%dma_start3A_42, %dma_start3A_43] : memref<10000x128xf32, #tpu.memory_space<hbm>> -> memref<10000x128xf32, #tpu.memory_space<hbm>>
    tpu.enqueue_indirect_dma source(%dma_start3A_44 : memref<10000x128xf32, #tpu.memory_space<hbm>>) target(%dma_start3A_38 : memref<128x128xf32, #tpu.memory_space<vmem>>) offsets(%dma_start3A_41 : memref<128xi32, #tpu.memory_space<vmem>>) semaphore(%arg11 : memref<!tpu.dma_semaphore, #tpu.memory_space<semaphore_mem>>)
    %scan3A_45 = arith.constant 0 : i32
    %scan3A_46 = arith.constant 0 : i32
    %scan3A_47 = arith.constant 20 : i32
    %scan3A_48 = arith.addi %scan3A_46, %scan3A_47 : i32
    %scan3A_49 = arith.constant 1 : i32
    %scan3A_50 = scf.for %scan3A_60 = %scan3A_46 to %scan3A_48 step %scan3A_49 iter_args(%scan3A_61 = %scan3A_45) -> (i32)  : i32 {
      %mul3A_62 = arith.constant 2 : i32
      %mul3A_63 = arith.muli %mul3A_62, %scan3A_60 : i32
      %add3A_64 = arith.constant 1 : i32
      %add3A_65 = arith.addi %mul3A_63, %add3A_64 : i32
      %dma_start3A_66 = arith.constant 1 : i32
      %dma_start3A_67 = arith.constant 0 : i32
      %dma_start3A_68 = arith.constant 0 : i32
      %dma_start3A_69 = tpu.memref_slice %arg9[%dma_start3A_66, %dma_start3A_67, %dma_start3A_68] : memref<2x128x128xf32, #tpu.memory_space<vmem>> -> memref<1x128x128xf32, #tpu.memory_space<vmem>>
      %dma_start3A_70 = tpu.memref_squeeze %dma_start3A_69 : memref<1x128x128xf32, #tpu.memory_space<vmem>> -> memref<128x128xf32, #tpu.memory_space<vmem>>
      %dma_start3A_71 = arith.constant 0 : i32
      %dma_start3A_72 = tpu.memref_slice %arg7[%add3A_65, %dma_start3A_71] : memref<40x128xi32, #tpu.memory_space<vmem>> -> memref<1x128xi32, #tpu.memory_space<vmem>>
      %dma_start3A_73 = tpu.memref_squeeze %dma_start3A_72 : memref<1x128xi32, #tpu.memory_space<vmem>> -> memref<128xi32, #tpu.memory_space<vmem>>
      %dma_start3A_74 = arith.constant 0 : i32
      %dma_start3A_75 = arith.constant 0 : i32
      %dma_start3A_76 = tpu.memref_slice %arg2[%dma_start3A_74, %dma_start3A_75] : memref<10000x128xf32, #tpu.memory_space<hbm>> -> memref<10000x128xf32, #tpu.memory_space<hbm>>
      tpu.enqueue_indirect_dma source(%dma_start3A_76 : memref<10000x128xf32, #tpu.memory_space<hbm>>) target(%dma_start3A_70 : memref<128x128xf32, #tpu.memory_space<vmem>>) offsets(%dma_start3A_73 : memref<128xi32, #tpu.memory_space<vmem>>) semaphore(%arg12 : memref<!tpu.dma_semaphore, #tpu.memory_space<semaphore_mem>>)
      %mul3A_77 = arith.constant 2 : i32
      %mul3A_78 = arith.muli %mul3A_77, %scan3A_60 : i32
      %dma_wait3A = arith.constant 0 : i32
      %dma_wait3A_79 = arith.constant 0 : i32
      %dma_wait3A_80 = arith.constant 0 : i32
      %dma_wait3A_81 = tpu.memref_slice %arg9[%dma_wait3A, %dma_wait3A_79, %dma_wait3A_80] : memref<2x128x128xf32, #tpu.memory_space<vmem>> -> memref<1x128x128xf32, #tpu.memory_space<vmem>>
      %dma_wait3A_82 = tpu.memref_squeeze %dma_wait3A_81 : memref<1x128x128xf32, #tpu.memory_space<vmem>> -> memref<128x128xf32, #tpu.memory_space<vmem>>
      %dma_wait3A_83 = arith.constant 0 : i32
      %dma_wait3A_84 = tpu.memref_slice %arg7[%mul3A_78, %dma_wait3A_83] : memref<40x128xi32, #tpu.memory_space<vmem>> -> memref<1x128xi32, #tpu.memory_space<vmem>>
      %dma_wait3A_85 = tpu.memref_squeeze %dma_wait3A_84 : memref<1x128xi32, #tpu.memory_space<vmem>> -> memref<128xi32, #tpu.memory_space<vmem>>
      %dma_wait3A_86 = arith.constant 0 : i32
      %dma_wait3A_87 = arith.constant 0 : i32
      %dma_wait3A_88 = tpu.memref_slice %arg2[%dma_wait3A_86, %dma_wait3A_87] : memref<10000x128xf32, #tpu.memory_space<hbm>> -> memref<10000x128xf32, #tpu.memory_space<hbm>>
      tpu.wait_indirect_dma semaphore(%arg11 : memref<!tpu.dma_semaphore, #tpu.memory_space<semaphore_mem>>) src(%dma_wait3A_88 : memref<10000x128xf32, #tpu.memory_space<hbm>>) dst(%dma_wait3A_82 : memref<128x128xf32, #tpu.memory_space<vmem>>)
      %mul3A_89 = arith.constant 2 : i32
      %mul3A_90 = arith.muli %mul3A_89, %scan3A_60 : i32
      %run_scoped3A_91 = arith.constant 0 : i32
      "tpu.region"() ({
        %run_scoped3A_115 = tpu.sem_alloc : memref<!tpu.dma_semaphore, #tpu.memory_space<semaphore_mem>>
        %dma_start3A_116 = arith.constant 0 : i32
        %dma_start3A_117 = arith.constant 0 : i32
        %dma_start3A_118 = tpu.memref_slice %arg9[%run_scoped3A_91, %dma_start3A_116, %dma_start3A_117] : memref<2x128x128xf32, #tpu.memory_space<vmem>> -> memref<1x128x128xf32, #tpu.memory_space<vmem>>
        %dma_start3A_119 = tpu.memref_squeeze %dma_start3A_118 : memref<1x128x128xf32, #tpu.memory_space<vmem>> -> memref<128x128xf32, #tpu.memory_space<vmem>>
        %dma_start3A_120 = arith.constant 0 : i32
        %dma_start3A_121 = tpu.memref_slice %arg8[%mul3A_90, %dma_start3A_120] : memref<40x128xi32, #tpu.memory_space<vmem>> -> memref<1x128xi32, #tpu.memory_space<vmem>>
        %dma_start3A_122 = tpu.memref_squeeze %dma_start3A_121 : memref<1x128xi32, #tpu.memory_space<vmem>> -> memref<128xi32, #tpu.memory_space<vmem>>
        %dma_start3A_123 = arith.constant 0 : i32
        %dma_start3A_124 = arith.constant 0 : i32
        %dma_start3A_125 = tpu.memref_slice %arg10[%dma_start3A_123, %dma_start3A_124] : memref<10240x128xf32, #tpu.memory_space<vmem_shared>> -> memref<10240x128xf32, #tpu.memory_space<vmem_shared>>
        tpu.enqueue_indirect_dma source(%dma_start3A_119 : memref<128x128xf32, #tpu.memory_space<vmem>>) target(%dma_start3A_125 : memref<10240x128xf32, #tpu.memory_space<vmem_shared>>) offsets(%dma_start3A_122 : memref<128xi32, #tpu.memory_space<vmem>>) semaphore(%run_scoped3A_115 : memref<!tpu.dma_semaphore, #tpu.memory_space<semaphore_mem>>) {add = true}
        %dma_wait3A_126 = arith.constant 0 : i32
        %dma_wait3A_127 = arith.constant 0 : i32
        %dma_wait3A_128 = tpu.memref_slice %arg9[%run_scoped3A_91, %dma_wait3A_126, %dma_wait3A_127] : memref<2x128x128xf32, #tpu.memory_space<vmem>> -> memref<1x128x128xf32, #tpu.memory_space<vmem>>
        %dma_wait3A_129 = tpu.memref_squeeze %dma_wait3A_128 : memref<1x128x128xf32, #tpu.memory_space<vmem>> -> memref<128x128xf32, #tpu.memory_space<vmem>>
        %dma_wait3A_130 = arith.constant 0 : i32
        %dma_wait3A_131 = tpu.memref_slice %arg8[%mul3A_90, %dma_wait3A_130] : memref<40x128xi32, #tpu.memory_space<vmem>> -> memref<1x128xi32, #tpu.memory_space<vmem>>
        %dma_wait3A_132 = tpu.memref_squeeze %dma_wait3A_131 : memref<1x128xi32, #tpu.memory_space<vmem>> -> memref<128xi32, #tpu.memory_space<vmem>>
        %dma_wait3A_133 = arith.constant 0 : i32
        %dma_wait3A_134 = arith.constant 0 : i32
        %dma_wait3A_135 = tpu.memref_slice %arg10[%dma_wait3A_133, %dma_wait3A_134] : memref<10240x128xf32, #tpu.memory_space<vmem_shared>> -> memref<10240x128xf32, #tpu.memory_space<vmem_shared>>
        tpu.wait_indirect_dma semaphore(%run_scoped3A_115 : memref<!tpu.dma_semaphore, #tpu.memory_space<semaphore_mem>>) src(%dma_wait3A_129 : memref<128x128xf32, #tpu.memory_space<vmem>>) dst(%dma_wait3A_135 : memref<10240x128xf32, #tpu.memory_space<vmem_shared>>)
        tpu.yield
      }) : () -> ()
      %lt3A = arith.constant 19 : i32
      %lt3A_92 = arith.cmpi slt, %scan3A_60, %lt3A : i32
      %convert_element_type3A = arith.extui %lt3A_92 : i1 to i32
      %cond3A = arith.constant 0 : i32
      %cond3A_93 = arith.cmpi ne, %convert_element_type3A, %cond3A : i32
      scf.if %cond3A_93 {
        %mul3A_115 = arith.constant 2 : i32
        %mul3A_116 = arith.muli %mul3A_115, %scan3A_60 : i32
        %add3A_117 = arith.constant 2 : i32
        %add3A_118 = arith.addi %mul3A_116, %add3A_117 : i32
        %dma_start3A_119 = arith.constant 0 : i32
        %dma_start3A_120 = arith.constant 0 : i32
        %dma_start3A_121 = arith.constant 0 : i32
        %dma_start3A_122 = tpu.memref_slice %arg9[%dma_start3A_119, %dma_start3A_120, %dma_start3A_121] : memref<2x128x128xf32, #tpu.memory_space<vmem>> -> memref<1x128x128xf32, #tpu.memory_space<vmem>>
        %dma_start3A_123 = tpu.memref_squeeze %dma_start3A_122 : memref<1x128x128xf32, #tpu.memory_space<vmem>> -> memref<128x128xf32, #tpu.memory_space<vmem>>
        %dma_start3A_124 = arith.constant 0 : i32
        %dma_start3A_125 = tpu.memref_slice %arg7[%add3A_118, %dma_start3A_124] : memref<40x128xi32, #tpu.memory_space<vmem>> -> memref<1x128xi32, #tpu.memory_space<vmem>>
        %dma_start3A_126 = tpu.memref_squeeze %dma_start3A_125 : memref<1x128xi32, #tpu.memory_space<vmem>> -> memref<128xi32, #tpu.memory_space<vmem>>
        %dma_start3A_127 = arith.constant 0 : i32
        %dma_start3A_128 = arith.constant 0 : i32
        %dma_start3A_129 = tpu.memref_slice %arg2[%dma_start3A_127, %dma_start3A_128] : memref<10000x128xf32, #tpu.memory_space<hbm>> -> memref<10000x128xf32, #tpu.memory_space<hbm>>
        tpu.enqueue_indirect_dma source(%dma_start3A_129 : memref<10000x128xf32, #tpu.memory_space<hbm>>) target(%dma_start3A_123 : memref<128x128xf32, #tpu.memory_space<vmem>>) offsets(%dma_start3A_126 : memref<128xi32, #tpu.memory_space<vmem>>) semaphore(%arg11 : memref<!tpu.dma_semaphore, #tpu.memory_space<semaphore_mem>>)
      } else {
      }
      %mul3A_94 = arith.constant 2 : i32
      %mul3A_95 = arith.muli %mul3A_94, %scan3A_60 : i32
      %add3A_96 = arith.constant 1 : i32
      %add3A_97 = arith.addi %mul3A_95, %add3A_96 : i32
      %dma_wait3A_98 = arith.constant 1 : i32
      %dma_wait3A_99 = arith.constant 0 : i32
      %dma_wait3A_100 = arith.constant 0 : i32
      %dma_wait3A_101 = tpu.memref_slice %arg9[%dma_wait3A_98, %dma_wait3A_99, %dma_wait3A_100] : memref<2x128x128xf32, #tpu.memory_space<vmem>> -> memref<1x128x128xf32, #tpu.memory_space<vmem>>
      %dma_wait3A_102 = tpu.memref_squeeze %dma_wait3A_101 : memref<1x128x128xf32, #tpu.memory_space<vmem>> -> memref<128x128xf32, #tpu.memory_space<vmem>>
      %dma_wait3A_103 = arith.constant 0 : i32
      %dma_wait3A_104 = tpu.memref_slice %arg7[%add3A_97, %dma_wait3A_103] : memref<40x128xi32, #tpu.memory_space<vmem>> -> memref<1x128xi32, #tpu.memory_space<vmem>>
      %dma_wait3A_105 = tpu.memref_squeeze %dma_wait3A_104 : memref<1x128xi32, #tpu.memory_space<vmem>> -> memref<128xi32, #tpu.memory_space<vmem>>
      %dma_wait3A_106 = arith.constant 0 : i32
      %dma_wait3A_107 = arith.constant 0 : i32
      %dma_wait3A_108 = tpu.memref_slice %arg2[%dma_wait3A_106, %dma_wait3A_107] : memref<10000x128xf32, #tpu.memory_space<hbm>> -> memref<10000x128xf32, #tpu.memory_space<hbm>>
      tpu.wait_indirect_dma semaphore(%arg12 : memref<!tpu.dma_semaphore, #tpu.memory_space<semaphore_mem>>) src(%dma_wait3A_108 : memref<10000x128xf32, #tpu.memory_space<hbm>>) dst(%dma_wait3A_102 : memref<128x128xf32, #tpu.memory_space<vmem>>)
      %mul3A_109 = arith.constant 2 : i32
      %mul3A_110 = arith.muli %mul3A_109, %scan3A_60 : i32
      %add3A_111 = arith.constant 1 : i32
      %add3A_112 = arith.addi %mul3A_110, %add3A_111 : i32
      %run_scoped3A_113 = arith.constant 1 : i32
      "tpu.region"() ({
        %run_scoped3A_115 = tpu.sem_alloc : memref<!tpu.dma_semaphore, #tpu.memory_space<semaphore_mem>>
        %dma_start3A_116 = arith.constant 0 : i32
        %dma_start3A_117 = arith.constant 0 : i32
        %dma_start3A_118 = tpu.memref_slice %arg9[%run_scoped3A_113, %dma_start3A_116, %dma_start3A_117] : memref<2x128x128xf32, #tpu.memory_space<vmem>> -> memref<1x128x128xf32, #tpu.memory_space<vmem>>
        %dma_start3A_119 = tpu.memref_squeeze %dma_start3A_118 : memref<1x128x128xf32, #tpu.memory_space<vmem>> -> memref<128x128xf32, #tpu.memory_space<vmem>>
        %dma_start3A_120 = arith.constant 0 : i32
        %dma_start3A_121 = tpu.memref_slice %arg8[%add3A_112, %dma_start3A_120] : memref<40x128xi32, #tpu.memory_space<vmem>> -> memref<1x128xi32, #tpu.memory_space<vmem>>
        %dma_start3A_122 = tpu.memref_squeeze %dma_start3A_121 : memref<1x128xi32, #tpu.memory_space<vmem>> -> memref<128xi32, #tpu.memory_space<vmem>>
        %dma_start3A_123 = arith.constant 0 : i32
        %dma_start3A_124 = arith.constant 0 : i32
        %dma_start3A_125 = tpu.memref_slice %arg10[%dma_start3A_123, %dma_start3A_124] : memref<10240x128xf32, #tpu.memory_space<vmem_shared>> -> memref<10240x128xf32, #tpu.memory_space<vmem_shared>>
        tpu.enqueue_indirect_dma source(%dma_start3A_119 : memref<128x128xf32, #tpu.memory_space<vmem>>) target(%dma_start3A_125 : memref<10240x128xf32, #tpu.memory_space<vmem_shared>>) offsets(%dma_start3A_122 : memref<128xi32, #tpu.memory_space<vmem>>) semaphore(%run_scoped3A_115 : memref<!tpu.dma_semaphore, #tpu.memory_space<semaphore_mem>>) {add = true}
        %dma_wait3A_126 = arith.constant 0 : i32
        %dma_wait3A_127 = arith.constant 0 : i32
        %dma_wait3A_128 = tpu.memref_slice %arg9[%run_scoped3A_113, %dma_wait3A_126, %dma_wait3A_127] : memref<2x128x128xf32, #tpu.memory_space<vmem>> -> memref<1x128x128xf32, #tpu.memory_space<vmem>>
        %dma_wait3A_129 = tpu.memref_squeeze %dma_wait3A_128 : memref<1x128x128xf32, #tpu.memory_space<vmem>> -> memref<128x128xf32, #tpu.memory_space<vmem>>
        %dma_wait3A_130 = arith.constant 0 : i32
        %dma_wait3A_131 = tpu.memref_slice %arg8[%add3A_112, %dma_wait3A_130] : memref<40x128xi32, #tpu.memory_space<vmem>> -> memref<1x128xi32, #tpu.memory_space<vmem>>
        %dma_wait3A_132 = tpu.memref_squeeze %dma_wait3A_131 : memref<1x128xi32, #tpu.memory_space<vmem>> -> memref<128xi32, #tpu.memory_space<vmem>>
        %dma_wait3A_133 = arith.constant 0 : i32
        %dma_wait3A_134 = arith.constant 0 : i32
        %dma_wait3A_135 = tpu.memref_slice %arg10[%dma_wait3A_133, %dma_wait3A_134] : memref<10240x128xf32, #tpu.memory_space<vmem_shared>> -> memref<10240x128xf32, #tpu.memory_space<vmem_shared>>
        tpu.wait_indirect_dma semaphore(%run_scoped3A_115 : memref<!tpu.dma_semaphore, #tpu.memory_space<semaphore_mem>>) src(%dma_wait3A_129 : memref<128x128xf32, #tpu.memory_space<vmem>>) dst(%dma_wait3A_135 : memref<10240x128xf32, #tpu.memory_space<vmem_shared>>)
        tpu.yield
      }) : () -> ()
      %scan3A_114 = arith.constant 0 : i32
      scf.yield %scan3A_114 : i32
    }
    %scan3A_51 = arith.constant 20 : i32
    %barrier3A_52 = arith.constant 0 : index
    tpu.barrier barrier_id(%barrier3A_52)
    %scan3A_53 = arith.constant 0 : i32
    %scan3A_54 = arith.constant 0 : i32
    %scan3A_55 = arith.constant 5 : i32
    %scan3A_56 = arith.addi %scan3A_54, %scan3A_55 : i32
    %scan3A_57 = arith.constant 1 : i32
    %scan3A_58 = scf.for %scan3A_60 = %scan3A_54 to %scan3A_56 step %scan3A_57 iter_args(%scan3A_61 = %scan3A_53) -> (i32)  : i32 {
      %mul3A_62 = arith.constant 640 : i32
      %mul3A_63 = arith.muli %arg1, %mul3A_62 : i32
      %mul3A_64 = arith.constant 128 : i32
      %mul3A_65 = arith.muli %scan3A_60, %mul3A_64 : i32
      %add3A_66 = arith.addi %mul3A_63, %mul3A_65 : i32
      %run_scoped3A_67 = arith.constant 0 : i32
      "tpu.region"() ({
        %run_scoped3A_70 = tpu.sem_alloc : memref<!tpu.dma_semaphore, #tpu.memory_space<semaphore_mem>>
        %dma_start3A_71 = arith.constant 0 : i32
        %dma_start3A_72 = arith.constant 0 : i32
        %dma_start3A_73 = tpu.memref_slice %arg9[%run_scoped3A_67, %dma_start3A_71, %dma_start3A_72] : memref<2x128x128xf32, #tpu.memory_space<vmem>> -> memref<1x128x128xf32, #tpu.memory_space<vmem>>
        %dma_start3A_74 = tpu.memref_squeeze %dma_start3A_73 : memref<1x128x128xf32, #tpu.memory_space<vmem>> -> memref<128x128xf32, #tpu.memory_space<vmem>>
        %dma_start3A_75 = arith.constant 0 : i32
        %dma_start3A_76 = tpu.memref_slice %arg10[%add3A_66, %dma_start3A_75] : memref<10240x128xf32, #tpu.memory_space<vmem_shared>> -> memref<128x128xf32, #tpu.memory_space<vmem_shared>>
        %dma_start3A_77 = arith.constant 0 : i32
        %dma_start3A_78 = arith.constant 0 : i32
        %dma_start3A_79 = tpu.memref_slice %arg9[%run_scoped3A_67, %dma_start3A_77, %dma_start3A_78] : memref<2x128x128xf32, #tpu.memory_space<vmem>> -> memref<1x128x128xf32, #tpu.memory_space<vmem>>
        %dma_start3A_80 = tpu.memref_squeeze %dma_start3A_79 : memref<1x128x128xf32, #tpu.memory_space<vmem>> -> memref<128x128xf32, #tpu.memory_space<vmem>>
        %dma_start3A_81 = arith.constant 0 : i32
        %dma_start3A_82 = tpu.memref_slice %arg10[%add3A_66, %dma_start3A_81] : memref<10240x128xf32, #tpu.memory_space<vmem_shared>> -> memref<128x128xf32, #tpu.memory_space<vmem_shared>>
        tpu.enqueue_dma source(%dma_start3A_82 : memref<128x128xf32, #tpu.memory_space<vmem_shared>>) target(%dma_start3A_80 : memref<128x128xf32, #tpu.memory_space<vmem>>) target_semaphore(%run_scoped3A_70 : memref<!tpu.dma_semaphore, #tpu.memory_space<semaphore_mem>>)
        %dma_wait3A = arith.constant 0 : i32
        %dma_wait3A_83 = arith.constant 0 : i32
        %dma_wait3A_84 = tpu.memref_slice %arg9[%run_scoped3A_67, %dma_wait3A, %dma_wait3A_83] : memref<2x128x128xf32, #tpu.memory_space<vmem>> -> memref<1x128x128xf32, #tpu.memory_space<vmem>>
        %dma_wait3A_85 = tpu.memref_squeeze %dma_wait3A_84 : memref<1x128x128xf32, #tpu.memory_space<vmem>> -> memref<128x128xf32, #tpu.memory_space<vmem>>
        %dma_wait3A_86 = arith.constant 0 : i32
        %dma_wait3A_87 = tpu.memref_slice %arg10[%add3A_66, %dma_wait3A_86] : memref<10240x128xf32, #tpu.memory_space<vmem_shared>> -> memref<128x128xf32, #tpu.memory_space<vmem_shared>>
        %dma_wait3A_88 = arith.constant 0 : i32
        %dma_wait3A_89 = arith.constant 0 : i32
        %dma_wait3A_90 = tpu.memref_slice %arg9[%run_scoped3A_67, %dma_wait3A_88, %dma_wait3A_89] : memref<2x128x128xf32, #tpu.memory_space<vmem>> -> memref<1x128x128xf32, #tpu.memory_space<vmem>>
        %dma_wait3A_91 = tpu.memref_squeeze %dma_wait3A_90 : memref<1x128x128xf32, #tpu.memory_space<vmem>> -> memref<128x128xf32, #tpu.memory_space<vmem>>
        %dma_wait3A_92 = arith.constant 0 : i32
        %dma_wait3A_93 = tpu.memref_slice %arg10[%add3A_66, %dma_wait3A_92] : memref<10240x128xf32, #tpu.memory_space<vmem_shared>> -> memref<128x128xf32, #tpu.memory_space<vmem_shared>>
        tpu.wait_dma2 semaphore(%run_scoped3A_70 : memref<!tpu.dma_semaphore, #tpu.memory_space<semaphore_mem>>) src(%dma_wait3A_93 : memref<128x128xf32, #tpu.memory_space<vmem_shared>>) dst(%dma_wait3A_91 : memref<128x128xf32, #tpu.memory_space<vmem>>)
        tpu.yield
      }) : () -> ()
      %run_scoped3A_68 = arith.constant 0 : i32
      "tpu.region"() ({
        %run_scoped3A_70 = tpu.sem_alloc : memref<!tpu.dma_semaphore, #tpu.memory_space<semaphore_mem>>
        %dma_start3A_71 = arith.constant 0 : i32
        %dma_start3A_72 = arith.constant 0 : i32
        %dma_start3A_73 = tpu.memref_slice %arg9[%run_scoped3A_68, %dma_start3A_71, %dma_start3A_72] : memref<2x128x128xf32, #tpu.memory_space<vmem>> -> memref<1x128x128xf32, #tpu.memory_space<vmem>>
        %dma_start3A_74 = tpu.memref_squeeze %dma_start3A_73 : memref<1x128x128xf32, #tpu.memory_space<vmem>> -> memref<128x128xf32, #tpu.memory_space<vmem>>
        %dma_start3A_75 = arith.constant 0 : i32
        %dma_start3A_76 = tpu.memref_slice %arg6[%arg0, %add3A_66, %dma_start3A_75] : memref<2x10240x128xf32, #tpu.memory_space<hbm>> -> memref<1x128x128xf32, #tpu.memory_space<hbm>>
        %dma_start3A_77 = tpu.memref_squeeze %dma_start3A_76 : memref<1x128x128xf32, #tpu.memory_space<hbm>> -> memref<128x128xf32, #tpu.memory_space<hbm>>
        %dma_start3A_78 = arith.constant 0 : i32
        %dma_start3A_79 = tpu.memref_slice %arg6[%arg0, %add3A_66, %dma_start3A_78] : memref<2x10240x128xf32, #tpu.memory_space<hbm>> -> memref<1x128x128xf32, #tpu.memory_space<hbm>>
        %dma_start3A_80 = tpu.memref_squeeze %dma_start3A_79 : memref<1x128x128xf32, #tpu.memory_space<hbm>> -> memref<128x128xf32, #tpu.memory_space<hbm>>
        %dma_start3A_81 = arith.constant 0 : i32
        %dma_start3A_82 = arith.constant 0 : i32
        %dma_start3A_83 = tpu.memref_slice %arg9[%run_scoped3A_68, %dma_start3A_81, %dma_start3A_82] : memref<2x128x128xf32, #tpu.memory_space<vmem>> -> memref<1x128x128xf32, #tpu.memory_space<vmem>>
        %dma_start3A_84 = tpu.memref_squeeze %dma_start3A_83 : memref<1x128x128xf32, #tpu.memory_space<vmem>> -> memref<128x128xf32, #tpu.memory_space<vmem>>
        tpu.enqueue_dma source(%dma_start3A_84 : memref<128x128xf32, #tpu.memory_space<vmem>>) target(%dma_start3A_80 : memref<128x128xf32, #tpu.memory_space<hbm>>) target_semaphore(%run_scoped3A_70 : memref<!tpu.dma_semaphore, #tpu.memory_space<semaphore_mem>>)
        %dma_wait3A = arith.constant 0 : i32
        %dma_wait3A_85 = arith.constant 0 : i32
        %dma_wait3A_86 = tpu.memref_slice %arg9[%run_scoped3A_68, %dma_wait3A, %dma_wait3A_85] : memref<2x128x128xf32, #tpu.memory_space<vmem>> -> memref<1x128x128xf32, #tpu.memory_space<vmem>>
        %dma_wait3A_87 = tpu.memref_squeeze %dma_wait3A_86 : memref<1x128x128xf32, #tpu.memory_space<vmem>> -> memref<128x128xf32, #tpu.memory_space<vmem>>
        %dma_wait3A_88 = arith.constant 0 : i32
        %dma_wait3A_89 = tpu.memref_slice %arg6[%arg0, %add3A_66, %dma_wait3A_88] : memref<2x10240x128xf32, #tpu.memory_space<hbm>> -> memref<1x128x128xf32, #tpu.memory_space<hbm>>
        %dma_wait3A_90 = tpu.memref_squeeze %dma_wait3A_89 : memref<1x128x128xf32, #tpu.memory_space<hbm>> -> memref<128x128xf32, #tpu.memory_space<hbm>>
        %dma_wait3A_91 = arith.constant 0 : i32
        %dma_wait3A_92 = tpu.memref_slice %arg6[%arg0, %add3A_66, %dma_wait3A_91] : memref<2x10240x128xf32, #tpu.memory_space<hbm>> -> memref<1x128x128xf32, #tpu.memory_space<hbm>>
        %dma_wait3A_93 = tpu.memref_squeeze %dma_wait3A_92 : memref<1x128x128xf32, #tpu.memory_space<hbm>> -> memref<128x128xf32, #tpu.memory_space<hbm>>
        %dma_wait3A_94 = arith.constant 0 : i32
        %dma_wait3A_95 = arith.constant 0 : i32
        %dma_wait3A_96 = tpu.memref_slice %arg9[%run_scoped3A_68, %dma_wait3A_94, %dma_wait3A_95] : memref<2x128x128xf32, #tpu.memory_space<vmem>> -> memref<1x128x128xf32, #tpu.memory_space<vmem>>
        %dma_wait3A_97 = tpu.memref_squeeze %dma_wait3A_96 : memref<1x128x128xf32, #tpu.memory_space<vmem>> -> memref<128x128xf32, #tpu.memory_space<vmem>>
        tpu.wait_dma2 semaphore(%run_scoped3A_70 : memref<!tpu.dma_semaphore, #tpu.memory_space<semaphore_mem>>) src(%dma_wait3A_97 : memref<128x128xf32, #tpu.memory_space<vmem>>) dst(%dma_wait3A_93 : memref<128x128xf32, #tpu.memory_space<hbm>>)
        tpu.yield
      }) : () -> ()
      %scan3A_69 = arith.constant 0 : i32
      scf.yield %scan3A_69 : i32
    }
    %scan3A_59 = arith.constant 5 : i32
    return
  }
}

module attributes {stable_mosaic.version = 14 : i64} {
  func.func @body(%arg0: i32, %arg1: memref<1000x128xf32, #tpu.memory_space<vmem>>, %arg2: memref<128x128xf32, #tpu.memory_space<vmem>>, %arg3: memref<2x1000x16xf32, #tpu.memory_space<vmem>>, %arg4: memref<1000x128xf32, #tpu.memory_space<vmem>>) attributes {dimension_semantics = [#tpu.dimension_semantics<arbitrary>], iteration_bounds = array<i64: 10>, scalar_prefetch = 0 : i64, scratch_operands = 0 : i64, tpu.core_type = #tpu.core_type<tc>, window_params = [{transform_indices = @transform_0, window_bounds = array<i64: 1000, 128>}, {pipeline_mode = #tpu.pipeline_mode<synchronous>, transform_indices = @transform_1, window_bounds = array<i64: 128, 128>}, {transform_indices = @transform_2, window_bounds = array<i64: 2, 1000, 16>}, {transform_indices = @transform_3, window_bounds = array<i64: 1000, 128>}]} {
    %get3A = arith.constant 0 : index
    %get3A_0 = arith.constant 0 : index
    %get3A_1 = arith.constant 0 : index
    %get3A_2 = vector.load %arg3[%get3A, %get3A_0, %get3A_1] : memref<2x1000x16xf32, #tpu.memory_space<vmem>>, vector<1x1000x1xf32>
    %get3A_3 = vector.shape_cast %get3A_2 : vector<1x1000x1xf32> to vector<1000xf32>
    %add3A = arith.constant 1.000000e+00 : f32
    %add3A_4 = vector.broadcast %add3A : f32 to vector<1000xf32>
    %add3A_5 = arith.addf %add3A_4, %get3A_3 : vector<1000xf32>
    %get3A_6 = arith.constant 1 : index
    %get3A_7 = arith.constant 0 : index
    %get3A_8 = arith.constant 0 : index
    %get3A_9 = vector.load %arg3[%get3A_6, %get3A_7, %get3A_8] : memref<2x1000x16xf32, #tpu.memory_space<vmem>>, vector<1x1000x1xf32>
    %get3A_10 = vector.shape_cast %get3A_9 : vector<1x1000x1xf32> to vector<1000xf32>
    %add3A_11 = arith.addf %add3A_5, %get3A_10 : vector<1000xf32>
    %rsqrt3A = math.rsqrt %add3A_11 : vector<1000xf32>
    %get3A_12 = arith.constant 0 : index
    %get3A_13 = arith.constant 0 : index
    %get3A_14 = vector.load %arg1[%get3A_12, %get3A_13] : memref<1000x128xf32, #tpu.memory_space<vmem>>, vector<1000x128xf32>
    %get3A_15 = arith.constant 0 : index
    %get3A_16 = arith.constant 0 : index
    %get3A_17 = vector.load %arg2[%get3A_15, %get3A_16] : memref<128x128xf32, #tpu.memory_space<vmem>>, vector<128x128xf32>
    %dot_general3A = arith.constant dense<0.000000e+00> : vector<1000x128xf32>
    %dot_general3A_18 = tpu.matmul %get3A_14, %get3A_17, %dot_general3A {dimension_numbers = #tpu.dot_dimension_numbers<[1], [0], [0], [1], [0, 0, 1, 1], [], []>, transpose_lhs_hint = false} : vector<1000x128xf32>, vector<128x128xf32>, vector<1000x128xf32> -> vector<1000x128xf32>
    %broadcast_in_dim3A = vector.shape_cast %rsqrt3A : vector<1000xf32> to vector<1000x1xf32>
    %mul3A = vector.broadcast %broadcast_in_dim3A : vector<1000x1xf32> to vector<1000x128xf32>
    %mul3A_19 = arith.mulf %dot_general3A_18, %mul3A : vector<1000x128xf32>
    %swap3A = arith.constant 0 : index
    %swap3A_20 = arith.constant 0 : index
    %swap3A_21 = vector.load %arg4[%swap3A, %swap3A_20] : memref<1000x128xf32, #tpu.memory_space<vmem>>, vector<1000x128xf32>
    tpu.vector_store %arg4[%swap3A, %swap3A_20], %mul3A_19 {strides = array<i32>} : memref<1000x128xf32, #tpu.memory_space<vmem>>, vector<1000x128xf32>,
    return
  }
  func.func @transform_0(%arg0: i32) -> (i32, i32) {
    %c0_i32 = arith.constant 0 : i32
    %c0_i32_0 = arith.constant 0 : i32
    return %arg0, %c0_i32 : i32, i32
  }
  func.func @transform_1(%arg0: i32) -> (i32, i32) {
    %c0_i32 = arith.constant 0 : i32
    %c0_i32_0 = arith.constant 0 : i32
    %c0_i32_1 = arith.constant 0 : i32
    return %c0_i32, %c0_i32_0 : i32, i32
  }
  func.func @transform_2(%arg0: i32) -> (i32, i32, i32) {
    %c0_i32 = arith.constant 0 : i32
    %c0_i32_0 = arith.constant 0 : i32
    %c0_i32_1 = arith.constant 0 : i32
    return %c0_i32, %arg0, %c0_i32_0 : i32, i32, i32
  }
  func.func @transform_3(%arg0: i32) -> (i32, i32) {
    %c0_i32 = arith.constant 0 : i32
    %c0_i32_0 = arith.constant 0 : i32
    return %arg0, %c0_i32 : i32, i32
  }
}

module attributes {stable_mosaic.version = 14 : i64} {
  func.func @body(%arg0: i32, %arg1: memref<2x1000x128xf32, #tpu.memory_space<vmem>>, %arg2: memref<1000x128xf32, #tpu.memory_space<vmem>>, %arg3: memref<1x128xf32, #tpu.memory_space<vmem>>, %arg4: memref<2x1000x16xf32, #tpu.memory_space<vmem>>, %arg5: memref<128x128xf32, #tpu.memory_space<vmem>>, %arg6: memref<1000x128xf32, #tpu.memory_space<vmem>>) attributes {dimension_semantics = [#tpu.dimension_semantics<arbitrary>], iteration_bounds = array<i64: 10>, scalar_prefetch = 0 : i64, scratch_operands = 0 : i64, tpu.core_type = #tpu.core_type<tc>, window_params = [{transform_indices = @transform_0, window_bounds = array<i64: 2, 1000, 128>}, {transform_indices = @transform_1, window_bounds = array<i64: 1000, 128>}, {pipeline_mode = #tpu.pipeline_mode<synchronous>, transform_indices = @transform_2, window_bounds = array<i64: 1, 128>}, {transform_indices = @transform_3, window_bounds = array<i64: 2, 1000, 16>}, {pipeline_mode = #tpu.pipeline_mode<synchronous>, transform_indices = @transform_4, window_bounds = array<i64: 128, 128>}, {transform_indices = @transform_5, window_bounds = array<i64: 1000, 128>}]} {
    %get3A = arith.constant 0 : index
    %get3A_0 = arith.constant 0 : index
    %get3A_1 = arith.constant 0 : index
    %get3A_2 = vector.load %arg4[%get3A, %get3A_0, %get3A_1] : memref<2x1000x16xf32, #tpu.memory_space<vmem>>, vector<1x1000x1xf32>
    %get3A_3 = vector.shape_cast %get3A_2 : vector<1x1000x1xf32> to vector<1000xf32>
    %add3A = arith.constant 1.000000e+00 : f32
    %add3A_4 = vector.broadcast %add3A : f32 to vector<1000xf32>
    %add3A_5 = arith.addf %add3A_4, %get3A_3 : vector<1000xf32>
    %get3A_6 = arith.constant 1 : index
    %get3A_7 = arith.constant 0 : index
    %get3A_8 = arith.constant 0 : index
    %get3A_9 = vector.load %arg4[%get3A_6, %get3A_7, %get3A_8] : memref<2x1000x16xf32, #tpu.memory_space<vmem>>, vector<1x1000x1xf32>
    %get3A_10 = vector.shape_cast %get3A_9 : vector<1x1000x1xf32> to vector<1000xf32>
    %add3A_11 = arith.addf %add3A_5, %get3A_10 : vector<1000xf32>
    %rsqrt3A = math.rsqrt %add3A_11 : vector<1000xf32>
    %get3A_12 = arith.constant 0 : index
    %get3A_13 = arith.constant 0 : index
    %get3A_14 = arith.constant 0 : index
    %get3A_15 = vector.load %arg1[%get3A_12, %get3A_13, %get3A_14] : memref<2x1000x128xf32, #tpu.memory_space<vmem>>, vector<1x1000x128xf32>
    %get3A_16 = vector.shape_cast %get3A_15 : vector<1x1000x128xf32> to vector<1000x128xf32>
    %get3A_17 = arith.constant 1 : index
    %get3A_18 = arith.constant 0 : index
    %get3A_19 = arith.constant 0 : index
    %get3A_20 = vector.load %arg1[%get3A_17, %get3A_18, %get3A_19] : memref<2x1000x128xf32, #tpu.memory_space<vmem>>, vector<1x1000x128xf32>
    %get3A_21 = vector.shape_cast %get3A_20 : vector<1x1000x128xf32> to vector<1000x128xf32>
    %add3A_22 = arith.addf %get3A_16, %get3A_21 : vector<1000x128xf32>
    %get3A_23 = arith.constant 0 : index
    %get3A_24 = arith.constant 0 : index
    %get3A_25 = vector.load %arg2[%get3A_23, %get3A_24] : memref<1000x128xf32, #tpu.memory_space<vmem>>, vector<1000x128xf32>
    %add3A_26 = arith.addf %add3A_22, %get3A_25 : vector<1000x128xf32>
    %broadcast_in_dim3A = vector.shape_cast %rsqrt3A : vector<1000xf32> to vector<1000x1xf32>
    %mul3A = vector.broadcast %broadcast_in_dim3A : vector<1000x1xf32> to vector<1000x128xf32>
    %mul3A_27 = arith.mulf %add3A_26, %mul3A : vector<1000x128xf32>
    %get3A_28 = arith.constant 0 : index
    %get3A_29 = arith.constant 0 : index
    %get3A_30 = vector.load %arg3[%get3A_28, %get3A_29] : memref<1x128xf32, #tpu.memory_space<vmem>>, vector<1x128xf32>
    %add3A_31 = vector.broadcast %get3A_30 : vector<1x128xf32> to vector<1000x128xf32>
    %add3A_32 = arith.addf %mul3A_27, %add3A_31 : vector<1000x128xf32>
    %get3A_33 = arith.constant 0 : index
    %get3A_34 = arith.constant 0 : index
    %get3A_35 = vector.load %arg5[%get3A_33, %get3A_34] : memref<128x128xf32, #tpu.memory_space<vmem>>, vector<128x128xf32>
    %dot_general3A = arith.constant dense<0.000000e+00> : vector<1000x128xf32>
    %dot_general3A_36 = tpu.matmul %add3A_32, %get3A_35, %dot_general3A {dimension_numbers = #tpu.dot_dimension_numbers<[1], [0], [0], [1], [0, 0, 1, 1], [], []>, transpose_lhs_hint = false} : vector<1000x128xf32>, vector<128x128xf32>, vector<1000x128xf32> -> vector<1000x128xf32>
    %broadcast_in_dim3A_37 = vector.shape_cast %rsqrt3A : vector<1000xf32> to vector<1000x1xf32>
    %mul3A_38 = vector.broadcast %broadcast_in_dim3A_37 : vector<1000x1xf32> to vector<1000x128xf32>
    %mul3A_39 = arith.mulf %dot_general3A_36, %mul3A_38 : vector<1000x128xf32>
    %swap3A = arith.constant 0 : index
    %swap3A_40 = arith.constant 0 : index
    %swap3A_41 = vector.load %arg6[%swap3A, %swap3A_40] : memref<1000x128xf32, #tpu.memory_space<vmem>>, vector<1000x128xf32>
    tpu.vector_store %arg6[%swap3A, %swap3A_40], %mul3A_39 {strides = array<i32>} : memref<1000x128xf32, #tpu.memory_space<vmem>>, vector<1000x128xf32>,
    return
  }
  func.func @transform_0(%arg0: i32) -> (i32, i32, i32) {
    %c0_i32 = arith.constant 0 : i32
    %c0_i32_0 = arith.constant 0 : i32
    %c0_i32_1 = arith.constant 0 : i32
    return %c0_i32, %arg0, %c0_i32_0 : i32, i32, i32
  }
  func.func @transform_1(%arg0: i32) -> (i32, i32) {
    %c0_i32 = arith.constant 0 : i32
    %c0_i32_0 = arith.constant 0 : i32
    return %arg0, %c0_i32 : i32, i32
  }
  func.func @transform_2(%arg0: i32) -> (i32, i32) {
    %c0_i32 = arith.constant 0 : i32
    %c0_i32_0 = arith.constant 0 : i32
    %c0_i32_1 = arith.constant 0 : i32
    return %c0_i32, %c0_i32_0 : i32, i32
  }
  func.func @transform_3(%arg0: i32) -> (i32, i32, i32) {
    %c0_i32 = arith.constant 0 : i32
    %c0_i32_0 = arith.constant 0 : i32
    %c0_i32_1 = arith.constant 0 : i32
    return %c0_i32, %arg0, %c0_i32_0 : i32, i32, i32
  }
  func.func @transform_4(%arg0: i32) -> (i32, i32) {
    %c0_i32 = arith.constant 0 : i32
    %c0_i32_0 = arith.constant 0 : i32
    %c0_i32_1 = arith.constant 0 : i32
    return %c0_i32, %c0_i32_0 : i32, i32
  }
  func.func @transform_5(%arg0: i32) -> (i32, i32) {
    %c0_i32 = arith.constant 0 : i32
    %c0_i32_0 = arith.constant 0 : i32
    return %arg0, %c0_i32 : i32, i32
  }
}

module attributes {stable_mosaic.version = 14 : i64} {
  func.func @body(%arg0: i32, %arg1: memref<2x1000x128xf32, #tpu.memory_space<vmem>>, %arg2: memref<1000x128xf32, #tpu.memory_space<vmem>>, %arg3: memref<1x128xf32, #tpu.memory_space<vmem>>, %arg4: memref<2x1000x16xf32, #tpu.memory_space<vmem>>, %arg5: memref<128x128xf32, #tpu.memory_space<vmem>>, %arg6: memref<1000x128xf32, #tpu.memory_space<vmem>>) attributes {dimension_semantics = [#tpu.dimension_semantics<arbitrary>], iteration_bounds = array<i64: 10>, scalar_prefetch = 0 : i64, scratch_operands = 0 : i64, tpu.core_type = #tpu.core_type<tc>, window_params = [{transform_indices = @transform_0, window_bounds = array<i64: 2, 1000, 128>}, {transform_indices = @transform_1, window_bounds = array<i64: 1000, 128>}, {pipeline_mode = #tpu.pipeline_mode<synchronous>, transform_indices = @transform_2, window_bounds = array<i64: 1, 128>}, {transform_indices = @transform_3, window_bounds = array<i64: 2, 1000, 16>}, {pipeline_mode = #tpu.pipeline_mode<synchronous>, transform_indices = @transform_4, window_bounds = array<i64: 128, 128>}, {transform_indices = @transform_5, window_bounds = array<i64: 1000, 128>}]} {
    %get3A = arith.constant 0 : index
    %get3A_0 = arith.constant 0 : index
    %get3A_1 = arith.constant 0 : index
    %get3A_2 = vector.load %arg4[%get3A, %get3A_0, %get3A_1] : memref<2x1000x16xf32, #tpu.memory_space<vmem>>, vector<1x1000x1xf32>
    %get3A_3 = vector.shape_cast %get3A_2 : vector<1x1000x1xf32> to vector<1000xf32>
    %add3A = arith.constant 1.000000e+00 : f32
    %add3A_4 = vector.broadcast %add3A : f32 to vector<1000xf32>
    %add3A_5 = arith.addf %add3A_4, %get3A_3 : vector<1000xf32>
    %get3A_6 = arith.constant 1 : index
    %get3A_7 = arith.constant 0 : index
    %get3A_8 = arith.constant 0 : index
    %get3A_9 = vector.load %arg4[%get3A_6, %get3A_7, %get3A_8] : memref<2x1000x16xf32, #tpu.memory_space<vmem>>, vector<1x1000x1xf32>
    %get3A_10 = vector.shape_cast %get3A_9 : vector<1x1000x1xf32> to vector<1000xf32>
    %add3A_11 = arith.addf %add3A_5, %get3A_10 : vector<1000xf32>
    %rsqrt3A = math.rsqrt %add3A_11 : vector<1000xf32>
    %get3A_12 = arith.constant 0 : index
    %get3A_13 = arith.constant 0 : index
    %get3A_14 = arith.constant 0 : index
    %get3A_15 = vector.load %arg1[%get3A_12, %get3A_13, %get3A_14] : memref<2x1000x128xf32, #tpu.memory_space<vmem>>, vector<1x1000x128xf32>
    %get3A_16 = vector.shape_cast %get3A_15 : vector<1x1000x128xf32> to vector<1000x128xf32>
    %get3A_17 = arith.constant 1 : index
    %get3A_18 = arith.constant 0 : index
    %get3A_19 = arith.constant 0 : index
    %get3A_20 = vector.load %arg1[%get3A_17, %get3A_18, %get3A_19] : memref<2x1000x128xf32, #tpu.memory_space<vmem>>, vector<1x1000x128xf32>
    %get3A_21 = vector.shape_cast %get3A_20 : vector<1x1000x128xf32> to vector<1000x128xf32>
    %add3A_22 = arith.addf %get3A_16, %get3A_21 : vector<1000x128xf32>
    %get3A_23 = arith.constant 0 : index
    %get3A_24 = arith.constant 0 : index
    %get3A_25 = vector.load %arg2[%get3A_23, %get3A_24] : memref<1000x128xf32, #tpu.memory_space<vmem>>, vector<1000x128xf32>
    %add3A_26 = arith.addf %add3A_22, %get3A_25 : vector<1000x128xf32>
    %broadcast_in_dim3A = vector.shape_cast %rsqrt3A : vector<1000xf32> to vector<1000x1xf32>
    %mul3A = vector.broadcast %broadcast_in_dim3A : vector<1000x1xf32> to vector<1000x128xf32>
    %mul3A_27 = arith.mulf %add3A_26, %mul3A : vector<1000x128xf32>
    %get3A_28 = arith.constant 0 : index
    %get3A_29 = arith.constant 0 : index
    %get3A_30 = vector.load %arg3[%get3A_28, %get3A_29] : memref<1x128xf32, #tpu.memory_space<vmem>>, vector<1x128xf32>
    %add3A_31 = vector.broadcast %get3A_30 : vector<1x128xf32> to vector<1000x128xf32>
    %add3A_32 = arith.addf %mul3A_27, %add3A_31 : vector<1000x128xf32>
    %max3A = arith.constant 0.000000e+00 : f32
    %max3A_33 = vector.broadcast %max3A : f32 to vector<1000x128xf32>
    %max3A_34 = arith.maximumf %add3A_32, %max3A_33 : vector<1000x128xf32>
    %get3A_35 = arith.constant 0 : index
    %get3A_36 = arith.constant 0 : index
    %get3A_37 = vector.load %arg5[%get3A_35, %get3A_36] : memref<128x128xf32, #tpu.memory_space<vmem>>, vector<128x128xf32>
    %dot_general3A = arith.constant dense<0.000000e+00> : vector<1000x128xf32>
    %dot_general3A_38 = tpu.matmul %max3A_34, %get3A_37, %dot_general3A {dimension_numbers = #tpu.dot_dimension_numbers<[1], [0], [0], [1], [0, 0, 1, 1], [], []>, transpose_lhs_hint = false} : vector<1000x128xf32>, vector<128x128xf32>, vector<1000x128xf32> -> vector<1000x128xf32>
    %broadcast_in_dim3A_39 = vector.shape_cast %rsqrt3A : vector<1000xf32> to vector<1000x1xf32>
    %mul3A_40 = vector.broadcast %broadcast_in_dim3A_39 : vector<1000x1xf32> to vector<1000x128xf32>
    %mul3A_41 = arith.mulf %dot_general3A_38, %mul3A_40 : vector<1000x128xf32>
    %swap3A = arith.constant 0 : index
    %swap3A_42 = arith.constant 0 : index
    %swap3A_43 = vector.load %arg6[%swap3A, %swap3A_42] : memref<1000x128xf32, #tpu.memory_space<vmem>>, vector<1000x128xf32>
    tpu.vector_store %arg6[%swap3A, %swap3A_42], %mul3A_41 {strides = array<i32>} : memref<1000x128xf32, #tpu.memory_space<vmem>>, vector<1000x128xf32>,
    return
  }
  func.func @transform_0(%arg0: i32) -> (i32, i32, i32) {
    %c0_i32 = arith.constant 0 : i32
    %c0_i32_0 = arith.constant 0 : i32
    %c0_i32_1 = arith.constant 0 : i32
    return %c0_i32, %arg0, %c0_i32_0 : i32, i32, i32
  }
  func.func @transform_1(%arg0: i32) -> (i32, i32) {
    %c0_i32 = arith.constant 0 : i32
    %c0_i32_0 = arith.constant 0 : i32
    return %arg0, %c0_i32 : i32, i32
  }
  func.func @transform_2(%arg0: i32) -> (i32, i32) {
    %c0_i32 = arith.constant 0 : i32
    %c0_i32_0 = arith.constant 0 : i32
    %c0_i32_1 = arith.constant 0 : i32
    return %c0_i32, %c0_i32_0 : i32, i32
  }
  func.func @transform_3(%arg0: i32) -> (i32, i32, i32) {
    %c0_i32 = arith.constant 0 : i32
    %c0_i32_0 = arith.constant 0 : i32
    %c0_i32_1 = arith.constant 0 : i32
    return %c0_i32, %arg0, %c0_i32_0 : i32, i32, i32
  }
  func.func @transform_4(%arg0: i32) -> (i32, i32) {
    %c0_i32 = arith.constant 0 : i32
    %c0_i32_0 = arith.constant 0 : i32
    %c0_i32_1 = arith.constant 0 : i32
    return %c0_i32, %c0_i32_0 : i32, i32
  }
  func.func @transform_5(%arg0: i32) -> (i32, i32) {
    %c0_i32 = arith.constant 0 : i32
    %c0_i32_0 = arith.constant 0 : i32
    return %arg0, %c0_i32 : i32, i32
  }
}

module attributes {stable_mosaic.version = 14 : i64} {
  func.func @body(%arg0: i32, %arg1: memref<2x1000x128xf32, #tpu.memory_space<vmem>>, %arg2: memref<1000x128xf32, #tpu.memory_space<vmem>>, %arg3: memref<2x1000x16xf32, #tpu.memory_space<vmem>>, %arg4: memref<1000x128xf32, #tpu.memory_space<vmem>>) attributes {dimension_semantics = [#tpu.dimension_semantics<arbitrary>], iteration_bounds = array<i64: 10>, scalar_prefetch = 0 : i64, scratch_operands = 0 : i64, tpu.core_type = #tpu.core_type<tc>, window_params = [{transform_indices = @transform_0, window_bounds = array<i64: 2, 1000, 128>}, {transform_indices = @transform_1, window_bounds = array<i64: 1000, 128>}, {transform_indices = @transform_2, window_bounds = array<i64: 2, 1000, 16>}, {transform_indices = @transform_3, window_bounds = array<i64: 1000, 128>}]} {
    %get3A = arith.constant 0 : index
    %get3A_0 = arith.constant 0 : index
    %get3A_1 = arith.constant 0 : index
    %get3A_2 = vector.load %arg3[%get3A, %get3A_0, %get3A_1] : memref<2x1000x16xf32, #tpu.memory_space<vmem>>, vector<1x1000x1xf32>
    %get3A_3 = vector.shape_cast %get3A_2 : vector<1x1000x1xf32> to vector<1000xf32>
    %add3A = arith.constant 1.000000e+00 : f32
    %add3A_4 = vector.broadcast %add3A : f32 to vector<1000xf32>
    %add3A_5 = arith.addf %add3A_4, %get3A_3 : vector<1000xf32>
    %get3A_6 = arith.constant 1 : index
    %get3A_7 = arith.constant 0 : index
    %get3A_8 = arith.constant 0 : index
    %get3A_9 = vector.load %arg3[%get3A_6, %get3A_7, %get3A_8] : memref<2x1000x16xf32, #tpu.memory_space<vmem>>, vector<1x1000x1xf32>
    %get3A_10 = vector.shape_cast %get3A_9 : vector<1x1000x1xf32> to vector<1000xf32>
    %add3A_11 = arith.addf %add3A_5, %get3A_10 : vector<1000xf32>
    %rsqrt3A = math.rsqrt %add3A_11 : vector<1000xf32>
    %get3A_12 = arith.constant 0 : index
    %get3A_13 = arith.constant 0 : index
    %get3A_14 = arith.constant 0 : index
    %get3A_15 = vector.load %arg1[%get3A_12, %get3A_13, %get3A_14] : memref<2x1000x128xf32, #tpu.memory_space<vmem>>, vector<1x1000x128xf32>
    %get3A_16 = vector.shape_cast %get3A_15 : vector<1x1000x128xf32> to vector<1000x128xf32>
    %get3A_17 = arith.constant 1 : index
    %get3A_18 = arith.constant 0 : index
    %get3A_19 = arith.constant 0 : index
    %get3A_20 = vector.load %arg1[%get3A_17, %get3A_18, %get3A_19] : memref<2x1000x128xf32, #tpu.memory_space<vmem>>, vector<1x1000x128xf32>
    %get3A_21 = vector.shape_cast %get3A_20 : vector<1x1000x128xf32> to vector<1000x128xf32>
    %add3A_22 = arith.addf %get3A_16, %get3A_21 : vector<1000x128xf32>
    %get3A_23 = arith.constant 0 : index
    %get3A_24 = arith.constant 0 : index
    %get3A_25 = vector.load %arg2[%get3A_23, %get3A_24] : memref<1000x128xf32, #tpu.memory_space<vmem>>, vector<1000x128xf32>
    %add3A_26 = arith.addf %add3A_22, %get3A_25 : vector<1000x128xf32>
    %broadcast_in_dim3A = vector.shape_cast %rsqrt3A : vector<1000xf32> to vector<1000x1xf32>
    %mul3A = vector.broadcast %broadcast_in_dim3A : vector<1000x1xf32> to vector<1000x128xf32>
    %mul3A_27 = arith.mulf %add3A_26, %mul3A : vector<1000x128xf32>
    %swap3A = arith.constant 0 : index
    %swap3A_28 = arith.constant 0 : index
    %swap3A_29 = vector.load %arg4[%swap3A, %swap3A_28] : memref<1000x128xf32, #tpu.memory_space<vmem>>, vector<1000x128xf32>
    tpu.vector_store %arg4[%swap3A, %swap3A_28], %mul3A_27 {strides = array<i32>} : memref<1000x128xf32, #tpu.memory_space<vmem>>, vector<1000x128xf32>,
    return
  }
  func.func @transform_0(%arg0: i32) -> (i32, i32, i32) {
    %c0_i32 = arith.constant 0 : i32
    %c0_i32_0 = arith.constant 0 : i32
    %c0_i32_1 = arith.constant 0 : i32
    return %c0_i32, %arg0, %c0_i32_0 : i32, i32, i32
  }
  func.func @transform_1(%arg0: i32) -> (i32, i32) {
    %c0_i32 = arith.constant 0 : i32
    %c0_i32_0 = arith.constant 0 : i32
    return %arg0, %c0_i32 : i32, i32
  }
  func.func @transform_2(%arg0: i32) -> (i32, i32, i32) {
    %c0_i32 = arith.constant 0 : i32
    %c0_i32_0 = arith.constant 0 : i32
    %c0_i32_1 = arith.constant 0 : i32
    return %c0_i32, %arg0, %c0_i32_0 : i32, i32, i32
  }
  func.func @transform_3(%arg0: i32) -> (i32, i32) {
    %c0_i32 = arith.constant 0 : i32
    %c0_i32_0 = arith.constant 0 : i32
    return %arg0, %c0_i32 : i32, i32
  }
}

</mosaic_0001>

<sc_bundles>
// kernel: kernel.12.cloned.1.call-start
scs
__scs_entry_jumppad:
0x0: {  	(pc) =	sbr.rel $0x88, $3  }
0x1: {  	(tag) =	ssettag $0x0;
	lr =	simm.s32 $0x1  }
0x2: {  	[smem:$0x3F98] =	sst lr;
	_ =	strace $0xD0000000  }
0x3: {  	_ = 	snop  }
0x4: {  	_ = 	snop  }
0x5: {  	_ = 	snop  }
0x6: {  	_ = 	snop  }
0x7: {  	_ = 	snop  }
__scs_overlays_trampoline_lowered:
0x8: {  	[smem:$0x3FA7] =	sst s0  }
0x9: {  	[smem:$0x3FA8] =	sst s1  }
0xa: {  	[smem:$0x3FA9] =	sst s2  }
0xb: {  	[smem:$0x3FAA] =	sst s3  }
0xc: {  	[smem:$0x3FAB] =	sst s4  }
0xd: {  	[smem:$0x3FAC] =	sst s5  }
0xe: {  	[smem:$0x3FAD] =	sst s6  }
0xf: {  	[smem:$0x3FAE] =	sst s7  }
0x10: {  	[smem:$0x3FAF] =	sst s8  }
0x11: {  	[smem:$0x3FB0] =	sst s9;
	s0 =	simm.s32 @!p0 $0x0  }
0x12: {  	s1 =	sld [smem:$0x3F96];
	s0 =	simm.s32 @p0 $0x1  }
0x13: {  	[smem:$0x3FB1] =	sst s0;
	s0 =	simm.s32 @!p1 $0x0  }
0x14: {  	s2 =	sld [smem:$0x3F95];
	s0 =	simm.s32 @p1 $0x1  }
0x15: {  	[smem:$0x3FB2] =	sst s0;
	s0 =	simm.s32 @!p2 $0x0  }
0x16: {  	s3 =	sld [smem:$0x3FDB];
	s0 =	simm.s32 @p2 $0x1  }
0x17: {  	s4 =	simm.s32 $0x1BF5;
	[smem:$0x3FB4] =	sst s0  }
0x18: {  	s0 =	sld [smem:$0x3F97];
	_ =	swait.ge [sflag:s4], $0x0  }
0x19: {  	s7 =	sld [smem:$0x3F98]  }
0x1a: {  	s8 =	sadd.s32 $0xFFFFE003, lr  }
0x1b: {  	s9 =	sadd.s32 $0xFFFFFEF7, lr;
	s5 =	simm.s32 $0xFFFFFFFF;
	p2 =	slt.u32 s8, $0xFFFFF086  }
0x1c: {  	p1 =	slt.u32 s9, $0xF7A;
	s5 =	simm.s32 @!p2 $0x0  }
0x1d: {  	s5 =	simm.s32 @p1 $0x1;
	p0 =	seq.s32 s7, s2  }
0x1e: {  	s7 =	smul.u32 @!p0 $0xF7A, s2;
	p2 =	seq.s32 @!p0 s5, $0x0  }
0x1f: {  	s9 =	smul.u32 $0xF7A, s1;
	s8 =	simm.s32 @!p0 $0x1BF5;
	p2 =	por !p2, p0  }
0x20: {  	[sflag:s8] =	ssyncset.s32 @!p0 $0xFFFFF086;
	s6 =	sadd.s32 @!p0 s3, s7;
	s7 =	simm.s32 @!p0 $0x108  }
0x21: {  	s3 =	sadd.s32 s3, s9;
	s6 =	sadd.s32 @!p0 $0x88, s6;
	s7 =	simm.s32 @p2 $0x1082  }
0x22: {  	[simem:s7], [sflag:s8] =	dma.local @!p0 [hbm:s6], $0xF7A  }
0x23: {  	s9 =	sor.u32 $0xD0000000, s2;
	s6 =	simm.s32 $0x108;
	_ =	swait.ge @!p0 [sflag:s8], $0x0  }
0x24: {  	s3 =	sadd.s32 $0x88, s3;
	s6 =	simm.s32 @!p1 $0x1082;
	[sflag:s4] =	ssyncset.s32 $0xFFFFF086  }
0x25: {  	[simem:s6], [sflag:s4] =	dma.local [hbm:s3], $0xF7A  }
0x26: {  	[smem:$0x3F98] =	sst s1;
	(tag) =	ssettag s2;
	_ =	strace s9  }
0x27: {  	s1 =	sld [smem:$0x3FA8]  }
0x28: {  	s2 =	sld [smem:$0x3FA9]  }
0x29: {  	s4 =	sld [smem:$0x3FAB]  }
0x2a: {  	p0 =	seq.s32 s5, $0x0;
	s5 =	sld [smem:$0x3FAC]  }
0x2b: {  	s6 =	sld [smem:$0x3FAD]  }
0x2c: {  	s7 =	sld [smem:$0x3FAE]  }
0x2d: {  	s3 =	simm.s32 $0x108;
	s8 =	sld [smem:$0x3FAF]  }
0x2e: {  	s3 =	simm.s32 @!p0 $0x1082;
	s9 =	sld [smem:$0x3FB0]  }
0x2f: {  	lr =	sadd.s32 s0, s3;
	s0 =	sld [smem:$0x3FA7]  }
0x30: {  	s3 =	sld [smem:$0x3FAA]  }
0x31: {  	[smem:$0x3FB3] =	sst s10  }
0x32: {  	s10 =	sld [smem:$0x3FB1];
	_ =	sdelay $0x3  }
0x33: {  	p0 =	seq.s32 s10, $0x1;
	s10 =	sld [smem:$0x3FB3];
	_ =	sdelay $0x3  }
0x34: {  	[smem:$0x3FB3] =	sst s10  }
0x35: {  	s10 =	sld [smem:$0x3FB2];
	_ =	sdelay $0x3  }
0x36: {  	p1 =	seq.s32 s10, $0x1;
	s10 =	sld [smem:$0x3FB3];
	_ =	sdelay $0x3  }
0x37: {  	[smem:$0x3FB3] =	sst s10  }
0x38: {  	s10 =	sld [smem:$0x3FB4]  }
0x39: {  	_ = 	snop;
	(pc) =	sbr.ind lr, $3  }
0x3a: {  	_ = 	snop  }
0x3b: {  	_ = 	snop  }
0x3c: {  	p2 =	seq.s32 s10, $0x1;
	s10 =	sld [smem:$0x3FB3]  }
0x3d: {  	_ =	shalt  }
0x3e: {  	_ =	shalt  }
0x3f: {  	_ =	shalt  }
0x40: {  	_ =	shalt  }
0x41: {  	_ =	shalt  }
0x42: {  	_ =	shalt  }
0x43: {  	_ =	shalt  }
0x44: {  	_ =	shalt  }
0x45: {  	_ =	shalt  }
0x46: {  	_ =	shalt  }
0x47: {  	_ =	shalt  }
0x48: {  	_ =	shalt  }
0x49: {  	_ =	shalt  }
0x4a: {  	_ =	shalt  }
0x4b: {  	_ =	shalt  }
0x4c: {  	_ =	shalt  }
0x4d: {  	_ =	shalt  }
0x4e: {  	_ =	shalt  }
0x4f: {  	_ =	shalt  }
0x50: {  	_ =	shalt  }
0x51: {  	_ =	shalt  }
0x52: {  	_ =	shalt  }
0x53: {  	_ =	shalt  }
0x54: {  	_ =	shalt  }
0x55: {  	_ =	shalt  }
0x56: {  	_ =	shalt  }
0x57: {  	_ =	shalt  }
0x58: {  	_ =	shalt  }
0x59: {  	_ =	shalt  }
0x5a: {  	_ =	shalt  }
0x5b: {  	_ =	shalt  }
0x5c: {  	_ =	shalt  }
0x5d: {  	_ =	shalt  }
0x5e: {  	_ =	shalt  }
0x5f: {  	_ =	shalt  }
0x60: {  	_ =	shalt  }
0x61: {  	_ =	shalt  }
0x62: {  	_ =	shalt  }
0x63: {  	_ =	shalt  }
0x64: {  	_ =	shalt  }
0x65: {  	_ =	shalt  }
0x66: {  	_ =	shalt  }
0x67: {  	_ =	shalt  }
0x68: {  	_ =	shalt  }
0x69: {  	_ =	shalt  }
0x6a: {  	_ =	shalt  }
0x6b: {  	_ =	shalt  }
0x6c: {  	_ =	shalt  }
0x6d: {  	_ =	shalt  }
0x6e: {  	_ =	shalt  }
0x6f: {  	_ =	shalt  }
0x70: {  	_ =	shalt  }
0x71: {  	_ =	shalt  }
0x72: {  	_ =	shalt  }
0x73: {  	_ =	shalt  }
0x74: {  	_ =	shalt  }
0x75: {  	_ =	shalt  }
0x76: {  	_ =	shalt  }
0x77: {  	_ =	shalt  }
0x78: {  	_ =	shalt  }
0x79: {  	_ =	shalt  }
0x7a: {  	_ =	shalt  }
0x7b: {  	_ =	shalt  }
0x7c: {  	_ =	shalt  }
0x7d: {  	_ =	shalt  }
0x7e: {  	_ =	shalt  }
0x7f: {  	_ =	shalt  }
0x80: {  	_ =	shalt  }
0x81: {  	_ =	shalt  }
0x82: {  	_ =	shalt  }
0x83: {  	_ =	shalt  }
0x84: {  	_ =	shalt  }
0x85: {  	_ =	shalt  }
0x86: {  	_ =	shalt  }
0x87: {  	_ =	shalt  }
.Lfunc_end0:
.L_simem_size_0:
called_computation_lowered:
.L_overlay_start_0:
0x88: {  	s2 =	sld [smem:$0x3FD9]  }
0x89: {  	s3 =	sld [smem:$0x3FFE];
	_ =	sdelay $0x1  }
0x8a: {  	s1 =	srdreg.scid  }
0x8b: {  	s0 =	sand.u32 $0x1, s1  }
0x8c: {  	s16 =	sshll.u32 s0, $0xA;
	s2 =	sadd.s32 s3, s2  }
0x8d: {  	s2 =	sadd.s32 s2, s16  }
0x8e: {  	[smem:$0x3FBF] =	sst s2  }
0x8f: {  	_ = 	snop  }
0x90: {  	(tm) =	ssettm $0x1  }
0x91: {  	s17 =	sld [smem:$0x3FFB];
	_ =	sdelay $0x3  }
0x92: {  	_ =	strace s17  }
0x93: {  	s2 =	sld [smem:$0x3FFC];
	_ =	sdelay $0x3  }
0x94: {  	_ =	strace s2  }
0x95: {  	s2 =	sld [smem:$0x3FFD];
	_ =	sdelay $0x3  }
0x96: {  	_ =	strace s2  }
0x97: {  	_ =	strace $0x8FFFFFFF  }
0x98: {  	s18 =	sld [smem:$0x3FDB];
	_ =	sdelay $0x1  }
0x99: {  	s19 =	simm.s32 $_scs_section_size  }
0x9a: {  	s4 =	simm.s32 $_size__tile_overlayer_lowered;
	s5 =	simm.s32 $_tile_overlayer_lowered  }
0x9b: {  	s22 =	simm.s32 $0x1BFF;
	s21 =	sshll.u32 s5, $0x1;
	s2 =	sadd.s32 s19, s18  }
0x9c: {  	s6 =	simm.s32 $0x0;
	s20 =	sshll.u32 s4, $0x1;
	s4 =	sadd.s32 s21, s2  }
0x9d: {  	[timem:s6], [sflag:s22] =	dma.local [hbm:s4], s20  }
0x9e: {  	_ =	swait.ge [sflag:s22], s20  }
0x9f: {  	s3 =	ssub.s32 $0x0, s20;
	[sflag:s22] =	ssyncset.done $0x0  }
0xa0: {  	[sflag:s22] =	ssyncadd.s32 s3;
	_ =	sdelay $0x1  }
0xa1: {  	s23 =	simm.s32 $0x1B8B  }
0xa2: {  	_ =	swait.ge [sflag:s23], $0x1  }
0xa3: {  	[sflag:s23] =	ssyncset.done $0x0  }
0xa4: {  	s25 =	simm.s32 $0x1B8E;
	s24 =	sld [smem:$0x3FFE];
	[sflag:s23] =	ssyncadd.s32 $0xFFFFFFFF  }
0xa5: {  	s26 =	simm.s32 $execute0_lowered;
	[smem:$0x3FD2] =	sst s25  }
0xa6: {  	s4 =	sshll.u32 s26, $0x1;
	_ =	strace $0x80000046;
	[dreg:$0x1] =	wrdreg $0xFFFFFFFF  }
0xa7: {  	s28 =	simm.s32 $_size_execute0_lowered;
	s2 =	sadd.s32 s2, s4;
	[dreg:$0x0] =	wrdreg $0x0  }
0xa8: {  	s4 =	sshll.u32 s28, $0x1;
	[dreg:$0x2] =	wrdreg s2  }
0xa9: {  	[dreg:$0x3] =	wrdreg s4  }
0xaa: {  	[dreg:$0x4] =	wrdreg $0xC0  }
0xab: {  	_ =	task [dreg:s6], $0x5FFFF  }
0xac: {  	[dreg:$0x1] =	wrdreg $0xFFFFFFFF  }
0xad: {  	[dreg:$0x0] =	wrdreg $0x60  }
0xae: {  	[dreg:$0x2] =	wrdreg s24  }
0xaf: {  	[dreg:$0x3] =	wrdreg $0xA8000  }
0xb0: {  	[dreg:$0x4] =	wrdreg $0x9  }
0xb1: {  	_ =	task.clear_ibuf [dreg:s6], $0x5FFFF;
	_ =	strace $0x90000046  }
0xb2: {  	s29 =	simm.s32 $0x9;
	_ =	strace $0x80000048  }
0xb3: {  	_ =	swait.ge [sflag:s29], $0x1  }
0xb4: {  	[sflag:s29] =	ssyncadd.s32 $0xFFFFFFFF  }
0xb5: {  	_ =	strace $0x90000048  }
0xb6: {  	_ =	sfence  }
0xb7: {  	s30 =	sld [smem:$0x0];
	_ =	sdelay $0x2  }
0xb8: {  	s31 =	sshll.u32 s1, $0xD;
	s1 =	sshrl.u32 s1, $0x2  }
0xb9: {  	s3 =	sand.u32 $0x4000, s31;
	s1 =	sadd.s32 s1, s30  }
0xba: {  	s0 =	sor.u32 s3, s0;
	s1 =	sshll.u32 s1, $0x11  }
0xbb: {  	s0 =	sor.u32 s1, s0  }
0xbc: {  	s0 =	sadd.s32 $0x8F2B, s0  }
0xbd: {  	[sflag:s0] =	ssyncadd.remote.s32 $0x1  }
0xbe: {  	_ =	sfence.sel $0xFFFF  }
0xbf: {  	[dreg:$0x0] =	wrdreg $0xFFFFFFFF;
	(pc) =	sbr.abs _section_cstart, $3  }
0xc0: {  	[dreg:$0x1] =	wrdreg $0xFFFFFFFF  }
0xc1: {  	_ =	task.clear_ibuf [dreg:s6], $0x2FFFF;
	_ =	strace $0x9FFFFFFF  }
0xc2: {  	(tm) =	ssettm $0x7FFFFFFF  }
0xc3: {  	_ =	shalt  }
tec
execute0_lowered:
.L_overlay_start_1:
0x0: {  	(tag) =	ssettag $0x1  }
0x1: {  	s0 =	srdreg.scid;
	s4 =	rddreg [dreg:$0x0]  }
0x2: {  	s2 =	rddreg [dreg:$0x1];
	s1 =	stileid.u32;
	s3 =	simm.s32 $0x0  }
0x3: {  	s22 =	simm.s32 $0x80;
	s23 =	simm.s32 $0x2800;
	s24 =	simm.s32 $0x0  }
0x4: {  	s5 =	sand.u32 $0x1, s0;
	s0 =	rddreg [dreg:$0x2];
	s8 =	smul.u32 $0x50000, s1  }
0x5: {  	[smem:$0x7FF] =	sst s3;
	s19 =	sadd.s32 $0x18400, s4;
	s16 =	smul.u32 $0x14000, s1  }
0x6: {  	s6 =	sshll.u32 s5, $0x4;
	_ =	strace $0x80000047;
	s7 =	ssub.s32 $0x2, s5  }
0x7: {  	s17 =	smul.u32 $0x140000, s5;
	s6 =	sor.u32 s1, s6;
	s28 =	sshrl.u32 s7, $0x1  }
0x8: {  	s29 =	sshrl.u32 s8, $0x2;
	s12 =	sadd.s32 $0x4000, s16;
	s14 =	sadd.s32 $0x8000, s16  }
0x9: {  	s18 =	sadd.s32 $0xC000, s16;
	s21 =	sadd.s32 $0x10000, s16;
	s6 =	smul.u32 $0x500, s6  }
0xa: {  	s7 =	ssub.s32 s7, s28;
	s11 =	sadd.s32 s17, s16;
	s13 =	sadd.s32 s17, s12  }
0xb: {  	s12 =	sadd.s32 s12, s2;
	s15 =	sadd.s32 s17, s14;
	s14 =	sadd.s32 s14, s2  }
0xc: {  	s20 =	sadd.s32 s17, s18;
	s16 =	sadd.s32 s18, s2;
	s31 =	sadd.s32 s17, s21  }
0xd: {  	s18 =	sadd.s32 s21, s2;
	s21 =	simm.s32 $0x1;
	s11 =	sshrl.u32 s11, $0x3  }
0xe: {  	s13 =	sshrl.u32 s13, $0x3;
	s15 =	sshrl.u32 s15, $0x3;
	s30 =	sshrl.u32 s20, $0x3  }
0xf: {  	s20 =	sshrl.u32 s31, $0x3;
	s6 =	sadd.s32 s6, s4;
	s4 =	sadd.s32 s29, s2  }
0x10: {  	s11 =	sadd.s32 s19, s11;
	s13 =	sadd.s32 s19, s13;
	s15 =	sadd.s32 s19, s15  }
0x11: {  	s17 =	sadd.s32 s19, s30;
	s19 =	sadd.s32 s19, s20;
	s20 =	simm.s32 $0x6800  }
0x12: {  	s5 =	sadd.s32 $0xE400, s6;
	s6 =	smax.u32 s7, $0x1;
	s7 =	sadd.s32 $0x4000, s4  }
0x13: {  	v0 =	vimm.f32 $1.000000000e+00;
	v1 =	vimm.f32 $0.0e+00;
	s8 =	sadd.s32 $0x8000, s4;
	s9 =	sadd.s32 $0xC000, s4;
	s10 =	sadd.s32 $0x10000, s4  }
.LBB2_1:
0x14: {  	s25 =	simm.s32 $0x0  }
.LBB2_2:
0x15: {  	p0 =	sne.s32 s25, $0xFE00  }
.Ltmp0:
0x16: {  	_ = 	snop;
	(pc) =	sbr.rel @p0 .LBB2_2-.Ltmp0, $3  }
0x17: {  	_ =	sdelay $0x1  }
0x18: {  	s26 =	sshra.s32 s25, $0x2  }
0x19: {  	s25 =	sadd.s32 $0x200, s25;
	[tilespmem:s26+$0x2800] =	vst v0  }
0x1a: {  	s25 =	simm.s32 $0x200;
	s26 =	simm.s32 $0x0  }
.LBB2_4:
0x1b: {  	p0 =	sne.s32 s25, $0xFE00;
	[tilespmem:s26+$0x6800] =	vst v1;
	s26 =	smov.u32 s25;
	s25 =	sadd.s32 $0x200, s25  }
.Ltmp1:
0x1c: {  	(pc) =	sbr.rel @p0 .LBB2_4-.Ltmp1, $2  }
0x1d: {  	_ =	sdelay $0x2  }
0x1e: {  	s26 =	sshra.s32 s26, $0x2  }
0x1f: {  	[tilespmem:s26+$0x6800] =	vst v1  }
0x20: {  	[spmem:s4] =	stream.linear.scatter [tilespmem:s20], [sflag:$0x1], $0x4000, $0x38;
	[tilespmem:$0xD000] =	vst v63  }
0x21: {  	_ =	swait.ge [sflag:s21], $0x4000  }
0x22: {  	[sflag:s21] =	ssyncset.done $0x0  }
0x23: {  	[sflag:s21] =	ssyncadd.s32 $0xFFFFC000  }
0x24: {  	[spmem:s7] =	stream.linear.scatter [tilespmem:s20], [sflag:$0x1], $0x4000, $0x38;
	[tilespmem:$0xD000] =	vst v63  }
0x25: {  	_ =	swait.ge [sflag:s21], $0x4000  }
0x26: {  	[sflag:s21] =	ssyncset.done $0x0  }
0x27: {  	[sflag:s21] =	ssyncadd.s32 $0xFFFFC000  }
0x28: {  	[spmem:s8] =	stream.linear.scatter [tilespmem:s20], [sflag:$0x1], $0x4000, $0x38;
	[tilespmem:$0xD000] =	vst v63  }
0x29: {  	_ =	swait.ge [sflag:s21], $0x4000  }
0x2a: {  	[sflag:s21] =	ssyncset.done $0x0  }
0x2b: {  	[sflag:s21] =	ssyncadd.s32 $0xFFFFC000  }
0x2c: {  	[spmem:s9] =	stream.linear.scatter [tilespmem:s20], [sflag:$0x1], $0x4000, $0x38;
	[tilespmem:$0xD000] =	vst v63  }
0x2d: {  	_ =	swait.ge [sflag:s21], $0x4000  }
0x2e: {  	[sflag:s21] =	ssyncset.done $0x0  }
0x2f: {  	[sflag:s21] =	ssyncadd.s32 $0xFFFFC000  }
0x30: {  	[spmem:s10] =	stream.linear.scatter [tilespmem:s20], [sflag:$0x1], $0x4000, $0x38;
	[tilespmem:$0xD000] =	vst v63  }
0x31: {  	_ =	swait.ge [sflag:s21], $0x4000  }
0x32: {  	[sflag:s21] =	ssyncset.done $0x0  }
0x33: {  	[sflag:s21] =	ssyncadd.s32 $0xFFFFC000  }
0x34: {  	s25 =	simm.s32 $0x0;
	[bflag:$0x0] =	sbarrier.arrive $0xFFFF  }
0x35: {  	[tilespmem:s25], [sflag:$0x1] =	stream.linear.gather [hbm4b:s5+s25], $0x2800, $0x38;
	[tilespmem:$0xD000] =	vst v63  }
0x36: {  	_ =	swait.ge [sflag:s21], $0x2800  }
0x37: {  	[sflag:s21] =	ssyncset.done $0x0  }
0x38: {  	s31 =	simm.s32 $0x0;
	[sflag:s21] =	ssyncadd.s32 $0xFFFFD800  }
0x39: {  	[spmem:s2] =	stream.indirect.scatter.add.f32 [tilespmem:s23], [sflag:$0x1], $0x10, s31, s22, $0xb8;
	[tilespmem:$0xD000] =	vst v63  }
0x3a: {  	_ =	swait.ge [sflag:s21], $0x800  }
0x3b: {  	s25 =	simm.s32 $0x200;
	[sflag:s21] =	ssyncset.done $0x0  }
.LBB2_6:
0x3c: {  	s26 =	sshra.s32 s25, $0x2;
	[sflag:s21] =	ssyncadd.s32 $0xFFFFF800;
	p0 =	sne.s32 s25, $0x9E00  }
0x3d: {  	[spmem:s2] =	stream.indirect.scatter.add.f32 [tilespmem:s23], [sflag:$0x1], $0x10, s26, s22, $0xb8;
	[tilespmem:$0xD000] =	vst v63  }
.Ltmp2:
0x3e: {  	_ = 	snop;
	(pc) =	sbr.rel @p0 .LBB2_6-.Ltmp2, $4  }
0x3f: {  	_ = 	snop  }
0x40: {  	s25 =	sadd.s32 $0x200, s25  }
0x41: {  	_ =	swait.ge [sflag:s21], $0x800  }
0x42: {  	[sflag:s21] =	ssyncset.done $0x0  }
0x43: {  	[sflag:s21] =	ssyncadd.s32 $0xFFFFF800  }
0x44: {  	[bflag:$0x0] =	sbarrier.arrive $0xFFFF  }
0x45: {  	[tilespmem:s20], [sflag:$0x1] =	stream.linear.gather [spmem:s4], $0x4000, $0x38;
	[tilespmem:$0xD000] =	vst v63  }
0x46: {  	_ =	swait.ge [sflag:s21], $0x4000  }
0x47: {  	[sflag:s21] =	ssyncset.done $0x0  }
0x48: {  	[sflag:s21] =	ssyncadd.s32 $0xFFFFC000  }
0x49: {  	[hbm4b:s11+s3] =	stream.linear.scatter [tilespmem:s20], [sflag:$0x1], $0x4000, $0x38;
	[tilespmem:$0xD000] =	vst v63  }
0x4a: {  	_ =	swait.ge [sflag:s21], $0x4000  }
0x4b: {  	[sflag:s21] =	ssyncset.done $0x0  }
0x4c: {  	[sflag:s21] =	ssyncadd.s32 $0xFFFFC000  }
0x4d: {  	[tilespmem:s20], [sflag:$0x1] =	stream.linear.gather [spmem:s12], $0x4000, $0x38;
	[tilespmem:$0xD000] =	vst v63  }
0x4e: {  	_ =	swait.ge [sflag:s21], $0x4000  }
0x4f: {  	[sflag:s21] =	ssyncset.done $0x0  }
0x50: {  	[sflag:s21] =	ssyncadd.s32 $0xFFFFC000  }
0x51: {  	[hbm4b:s13+s3] =	stream.linear.scatter [tilespmem:s20], [sflag:$0x1], $0x4000, $0x38;
	[tilespmem:$0xD000] =	vst v63  }
0x52: {  	_ =	swait.ge [sflag:s21], $0x4000  }
0x53: {  	[sflag:s21] =	ssyncset.done $0x0  }
0x54: {  	[sflag:s21] =	ssyncadd.s32 $0xFFFFC000  }
0x55: {  	[tilespmem:s20], [sflag:$0x1] =	stream.linear.gather [spmem:s14], $0x4000, $0x38;
	[tilespmem:$0xD000] =	vst v63  }
0x56: {  	_ =	swait.ge [sflag:s21], $0x4000  }
0x57: {  	[sflag:s21] =	ssyncset.done $0x0  }
0x58: {  	[sflag:s21] =	ssyncadd.s32 $0xFFFFC000  }
0x59: {  	[hbm4b:s15+s3] =	stream.linear.scatter [tilespmem:s20], [sflag:$0x1], $0x4000, $0x38;
	[tilespmem:$0xD000] =	vst v63  }
0x5a: {  	_ =	swait.ge [sflag:s21], $0x4000  }
0x5b: {  	[sflag:s21] =	ssyncset.done $0x0  }
0x5c: {  	[sflag:s21] =	ssyncadd.s32 $0xFFFFC000  }
0x5d: {  	[tilespmem:s20], [sflag:$0x1] =	stream.linear.gather [spmem:s16], $0x4000, $0x38;
	[tilespmem:$0xD000] =	vst v63  }
0x5e: {  	_ =	swait.ge [sflag:s21], $0x4000  }
0x5f: {  	[sflag:s21] =	ssyncset.done $0x0  }
0x60: {  	[sflag:s21] =	ssyncadd.s32 $0xFFFFC000  }
0x61: {  	[hbm4b:s17+s3] =	stream.linear.scatter [tilespmem:s20], [sflag:$0x1], $0x4000, $0x38;
	[tilespmem:$0xD000] =	vst v63  }
0x62: {  	_ =	swait.ge [sflag:s21], $0x4000  }
0x63: {  	[sflag:s21] =	ssyncset.done $0x0  }
0x64: {  	[sflag:s21] =	ssyncadd.s32 $0xFFFFC000  }
0x65: {  	[tilespmem:s20], [sflag:$0x1] =	stream.linear.gather [spmem:s18], $0x4000, $0x38;
	[tilespmem:$0xD000] =	vst v63  }
0x66: {  	s24 =	sadd.s32 $0x1, s24;
	_ =	swait.ge [sflag:s21], $0x4000  }
0x67: {  	p0 =	sne.s32 s24, s6;
	[sflag:s21] =	ssyncset.done $0x0  }
.Ltmp3:
0x68: {  	[sflag:s21] =	ssyncadd.s32 $0xFFFFC000;
	(pc) =	sbr.rel @p0 .LBB2_1-.Ltmp3, $4  }
0x69: {  	[hbm4b:s19+s3] =	stream.linear.scatter [tilespmem:s20], [sflag:$0x1], $0x4000, $0x38;
	[tilespmem:$0xD000] =	vst v63  }
0x6a: {  	_ =	swait.ge [sflag:s21], $0x4000  }
0x6b: {  	[sflag:s21] =	ssyncset.done $0x0  }
0x6c: {  	[sflag:s21] =	ssyncadd.s32 $0xFFFFC000  }
0x6d: {  	_ =	sfence.sel $0x180000  }
0x6e: {  	[bflag:$0x0] =	sbarrier.arrive $0xFFFF  }
0x6f: {  	p0 =	sne.s32 s1, $0x0;
	_ =	strace $0x90000047  }
0x70: {  	s0 =	sadd.s32 @!p0 $0x100000, s0;
	[bflag:$0x2] =	sbarrier.arrive $0xFFFF  }
0x71: {  	[sflag:s0] =	ssyncadd.tile.s32 @!p0 $0x1;
	_ =	shalt  }
.Lfunc_end2:
_tile_overlayer_lowered:
.L_overlay_start_2:
0x72: {  	(tag) =	ssettag $0x2  }
0x73: {  	s0 =	rddreg [dreg:$0x0];
	s2 =	stileid.u32  }
0x74: {  	s1 =	rddreg [dreg:$0x1];
	p0 =	sne.s32 s2, $0x0  }
0x75: {  	s3 =	rddreg [dreg:$0x2];
	[bflag:$0x3] =	sbarrier.arrive $0xFFFF;
	s2 =	simm.s32 @!p0 $0x1C01  }
0x76: {  	[timem:s3], [sflag:s2] =	dma.local @!p0 [hbm:s0], s1  }
0x77: {  	s0 =	simm.s32 @!p0 $0x1  }
0x78: {  	_ =	swait.ge @!p0 [sflag:s0], s1  }
0x79: {  	s1 =	ssub.s32 @!p0 $0x0, s1;
	[sflag:s0] =	ssyncset.done @!p0 $0x0  }
0x7a: {  	[sflag:s0] =	ssyncadd.s32 @!p0 s1  }
0x7b: {  	[bflag:$0x3] =	sbarrier.arrive $0xFFFF  }
0x7c: {  	_ =	shalt  }

// kernel: kernel.15.cloned.1.call-start
scs
__scs_entry_jumppad:
0x0: {  	(pc) =	sbr.rel $0x88, $3  }
0x1: {  	(tag) =	ssettag $0x0;
	lr =	simm.s32 $0x1  }
0x2: {  	[smem:$0x3F98] =	sst lr;
	_ =	strace $0xD0000000  }
0x3: {  	_ = 	snop  }
0x4: {  	_ = 	snop  }
0x5: {  	_ = 	snop  }
0x6: {  	_ = 	snop  }
0x7: {  	_ = 	snop  }
__scs_overlays_trampoline_lowered:
0x8: {  	[smem:$0x3FA7] =	sst s0  }
0x9: {  	[smem:$0x3FA8] =	sst s1  }
0xa: {  	[smem:$0x3FA9] =	sst s2  }
0xb: {  	[smem:$0x3FAA] =	sst s3  }
0xc: {  	[smem:$0x3FAB] =	sst s4  }
0xd: {  	[smem:$0x3FAC] =	sst s5  }
0xe: {  	[smem:$0x3FAD] =	sst s6  }
0xf: {  	[smem:$0x3FAE] =	sst s7  }
0x10: {  	[smem:$0x3FAF] =	sst s8  }
0x11: {  	[smem:$0x3FB0] =	sst s9;
	s0 =	simm.s32 @!p0 $0x0  }
0x12: {  	s1 =	sld [smem:$0x3F96];
	s0 =	simm.s32 @p0 $0x1  }
0x13: {  	[smem:$0x3FB1] =	sst s0;
	s0 =	simm.s32 @!p1 $0x0  }
0x14: {  	s2 =	sld [smem:$0x3F95];
	s0 =	simm.s32 @p1 $0x1  }
0x15: {  	[smem:$0x3FB2] =	sst s0;
	s0 =	simm.s32 @!p2 $0x0  }
0x16: {  	s3 =	sld [smem:$0x3FDB];
	s0 =	simm.s32 @p2 $0x1  }
0x17: {  	s4 =	simm.s32 $0x1BF5;
	[smem:$0x3FB4] =	sst s0  }
0x18: {  	s0 =	sld [smem:$0x3F97];
	_ =	swait.ge [sflag:s4], $0x0  }
0x19: {  	s7 =	sld [smem:$0x3F98]  }
0x1a: {  	s8 =	sadd.s32 $0xFFFFE003, lr  }
0x1b: {  	s9 =	sadd.s32 $0xFFFFFEF7, lr;
	s5 =	simm.s32 $0xFFFFFFFF;
	p2 =	slt.u32 s8, $0xFFFFF086  }
0x1c: {  	p1 =	slt.u32 s9, $0xF7A;
	s5 =	simm.s32 @!p2 $0x0  }
0x1d: {  	s5 =	simm.s32 @p1 $0x1;
	p0 =	seq.s32 s7, s2  }
0x1e: {  	s7 =	smul.u32 @!p0 $0xF7A, s2;
	p2 =	seq.s32 @!p0 s5, $0x0  }
0x1f: {  	s9 =	smul.u32 $0xF7A, s1;
	s8 =	simm.s32 @!p0 $0x1BF5;
	p2 =	por !p2, p0  }
0x20: {  	[sflag:s8] =	ssyncset.s32 @!p0 $0xFFFFF086;
	s6 =	sadd.s32 @!p0 s3, s7;
	s7 =	simm.s32 @!p0 $0x108  }
0x21: {  	s3 =	sadd.s32 s3, s9;
	s6 =	sadd.s32 @!p0 $0x88, s6;
	s7 =	simm.s32 @p2 $0x1082  }
0x22: {  	[simem:s7], [sflag:s8] =	dma.local @!p0 [hbm:s6], $0xF7A  }
0x23: {  	s9 =	sor.u32 $0xD0000000, s2;
	s6 =	simm.s32 $0x108;
	_ =	swait.ge @!p0 [sflag:s8], $0x0  }
0x24: {  	s3 =	sadd.s32 $0x88, s3;
	s6 =	simm.s32 @!p1 $0x1082;
	[sflag:s4] =	ssyncset.s32 $0xFFFFF086  }
0x25: {  	[simem:s6], [sflag:s4] =	dma.local [hbm:s3], $0xF7A  }
0x26: {  	[smem:$0x3F98] =	sst s1;
	(tag) =	ssettag s2;
	_ =	strace s9  }
0x27: {  	s1 =	sld [smem:$0x3FA8]  }
0x28: {  	s2 =	sld [smem:$0x3FA9]  }
0x29: {  	s4 =	sld [smem:$0x3FAB]  }
0x2a: {  	p0 =	seq.s32 s5, $0x0;
	s5 =	sld [smem:$0x3FAC]  }
0x2b: {  	s6 =	sld [smem:$0x3FAD]  }
0x2c: {  	s7 =	sld [smem:$0x3FAE]  }
0x2d: {  	s3 =	simm.s32 $0x108;
	s8 =	sld [smem:$0x3FAF]  }
0x2e: {  	s3 =	simm.s32 @!p0 $0x1082;
	s9 =	sld [smem:$0x3FB0]  }
0x2f: {  	lr =	sadd.s32 s0, s3;
	s0 =	sld [smem:$0x3FA7]  }
0x30: {  	s3 =	sld [smem:$0x3FAA]  }
0x31: {  	[smem:$0x3FB3] =	sst s10  }
0x32: {  	s10 =	sld [smem:$0x3FB1];
	_ =	sdelay $0x3  }
0x33: {  	p0 =	seq.s32 s10, $0x1;
	s10 =	sld [smem:$0x3FB3];
	_ =	sdelay $0x3  }
0x34: {  	[smem:$0x3FB3] =	sst s10  }
0x35: {  	s10 =	sld [smem:$0x3FB2];
	_ =	sdelay $0x3  }
0x36: {  	p1 =	seq.s32 s10, $0x1;
	s10 =	sld [smem:$0x3FB3];
	_ =	sdelay $0x3  }
0x37: {  	[smem:$0x3FB3] =	sst s10  }
0x38: {  	s10 =	sld [smem:$0x3FB4]  }
0x39: {  	_ = 	snop;
	(pc) =	sbr.ind lr, $3  }
0x3a: {  	_ = 	snop  }
0x3b: {  	_ = 	snop  }
0x3c: {  	p2 =	seq.s32 s10, $0x1;
	s10 =	sld [smem:$0x3FB3]  }
0x3d: {  	_ =	shalt  }
0x3e: {  	_ =	shalt  }
0x3f: {  	_ =	shalt  }
0x40: {  	_ =	shalt  }
0x41: {  	_ =	shalt  }
0x42: {  	_ =	shalt  }
0x43: {  	_ =	shalt  }
0x44: {  	_ =	shalt  }
0x45: {  	_ =	shalt  }
0x46: {  	_ =	shalt  }
0x47: {  	_ =	shalt  }
0x48: {  	_ =	shalt  }
0x49: {  	_ =	shalt  }
0x4a: {  	_ =	shalt  }
0x4b: {  	_ =	shalt  }
0x4c: {  	_ =	shalt  }
0x4d: {  	_ =	shalt  }
0x4e: {  	_ =	shalt  }
0x4f: {  	_ =	shalt  }
0x50: {  	_ =	shalt  }
0x51: {  	_ =	shalt  }
0x52: {  	_ =	shalt  }
0x53: {  	_ =	shalt  }
0x54: {  	_ =	shalt  }
0x55: {  	_ =	shalt  }
0x56: {  	_ =	shalt  }
0x57: {  	_ =	shalt  }
0x58: {  	_ =	shalt  }
0x59: {  	_ =	shalt  }
0x5a: {  	_ =	shalt  }
0x5b: {  	_ =	shalt  }
0x5c: {  	_ =	shalt  }
0x5d: {  	_ =	shalt  }
0x5e: {  	_ =	shalt  }
0x5f: {  	_ =	shalt  }
0x60: {  	_ =	shalt  }
0x61: {  	_ =	shalt  }
0x62: {  	_ =	shalt  }
0x63: {  	_ =	shalt  }
0x64: {  	_ =	shalt  }
0x65: {  	_ =	shalt  }
0x66: {  	_ =	shalt  }
0x67: {  	_ =	shalt  }
0x68: {  	_ =	shalt  }
0x69: {  	_ =	shalt  }
0x6a: {  	_ =	shalt  }
0x6b: {  	_ =	shalt  }
0x6c: {  	_ =	shalt  }
0x6d: {  	_ =	shalt  }
0x6e: {  	_ =	shalt  }
0x6f: {  	_ =	shalt  }
0x70: {  	_ =	shalt  }
0x71: {  	_ =	shalt  }
0x72: {  	_ =	shalt  }
0x73: {  	_ =	shalt  }
0x74: {  	_ =	shalt  }
0x75: {  	_ =	shalt  }
0x76: {  	_ =	shalt  }
0x77: {  	_ =	shalt  }
0x78: {  	_ =	shalt  }
0x79: {  	_ =	shalt  }
0x7a: {  	_ =	shalt  }
0x7b: {  	_ =	shalt  }
0x7c: {  	_ =	shalt  }
0x7d: {  	_ =	shalt  }
0x7e: {  	_ =	shalt  }
0x7f: {  	_ =	shalt  }
0x80: {  	_ =	shalt  }
0x81: {  	_ =	shalt  }
0x82: {  	_ =	shalt  }
0x83: {  	_ =	shalt  }
0x84: {  	_ =	shalt  }
0x85: {  	_ =	shalt  }
0x86: {  	_ =	shalt  }
0x87: {  	_ =	shalt  }
.Lfunc_end0:
.L_simem_size_0:
called_computation.1_lowered:
.L_overlay_start_0:
0x88: {  	s2 =	sld [smem:$0x3FD9]  }
0x89: {  	s3 =	sld [smem:$0x3FFE];
	_ =	sdelay $0x1  }
0x8a: {  	s1 =	srdreg.scid  }
0x8b: {  	s0 =	sand.u32 $0x1, s1  }
0x8c: {  	s17 =	sshll.u32 s0, $0xA;
	s2 =	sadd.s32 s3, s2  }
0x8d: {  	s2 =	sadd.s32 s2, s17  }
0x8e: {  	[smem:$0x3FBF] =	sst s2  }
0x8f: {  	_ = 	snop  }
0x90: {  	s2 =	sld [smem:$0x3FD0];
	(tm) =	ssettm $0x1  }
0x91: {  	s18 =	sld [smem:$0x3FFB];
	_ =	sdelay $0x3  }
0x92: {  	_ =	strace s18  }
0x93: {  	s3 =	sld [smem:$0x3FFC];
	_ =	sdelay $0x3  }
0x94: {  	_ =	strace s3  }
0x95: {  	s3 =	sld [smem:$0x3FFD];
	_ =	sdelay $0x3  }
0x96: {  	_ =	strace s3  }
0x97: {  	_ =	strace $0x8FFFFFFF  }
0x98: {  	s19 =	sld [smem:$0x3FDB];
	_ =	sdelay $0x1  }
0x99: {  	s4 =	simm.s32 $_scs_section_size  }
0x9a: {  	s5 =	simm.s32 $_size__tile_overlayer_lowered;
	s6 =	simm.s32 $_tile_overlayer_lowered  }
0x9b: {  	s22 =	simm.s32 $0x1BFF;
	s21 =	sshll.u32 s6, $0x1;
	s3 =	sadd.s32 s4, s19  }
0x9c: {  	s7 =	simm.s32 $0x0;
	s20 =	sshll.u32 s5, $0x1;
	s5 =	sadd.s32 s21, s3  }
0x9d: {  	[timem:s7], [sflag:s22] =	dma.local [hbm:s5], s20  }
0x9e: {  	_ =	swait.ge [sflag:s22], s20  }
0x9f: {  	s4 =	ssub.s32 $0x0, s20;
	[sflag:s22] =	ssyncset.done $0x0  }
0xa0: {  	[sflag:s22] =	ssyncadd.s32 s4;
	_ =	sdelay $0x1  }
0xa1: {  	s23 =	simm.s32 $0x1B8B  }
0xa2: {  	_ =	swait.ge [sflag:s23], $0x1  }
0xa3: {  	[sflag:s23] =	ssyncset.done $0x0  }
0xa4: {  	s25 =	simm.s32 $0x1B8E;
	s24 =	sld [smem:$0x3FFE];
	[sflag:s23] =	ssyncadd.s32 $0xFFFFFFFF  }
0xa5: {  	s26 =	simm.s32 $execute0_lowered;
	[smem:$0x3FD2] =	sst s25  }
0xa6: {  	s5 =	sshll.u32 s26, $0x1;
	_ =	strace $0x80000049;
	[dreg:$0x1] =	wrdreg $0xFFFFFFFF  }
0xa7: {  	s28 =	simm.s32 $_size_execute0_lowered;
	s3 =	sadd.s32 s3, s5;
	[dreg:$0x0] =	wrdreg $0x0  }
0xa8: {  	s5 =	sshll.u32 s28, $0x1;
	[dreg:$0x2] =	wrdreg s3  }
0xa9: {  	[dreg:$0x3] =	wrdreg s5  }
0xaa: {  	[dreg:$0x4] =	wrdreg $0xC0  }
0xab: {  	_ =	task [dreg:s7], $0x5FFFF  }
0xac: {  	[dreg:$0x1] =	wrdreg $0xFFFFFFFF  }
0xad: {  	[dreg:$0x0] =	wrdreg $0x60  }
0xae: {  	[dreg:$0x2] =	wrdreg s2  }
0xaf: {  	[dreg:$0x3] =	wrdreg s24  }
0xb0: {  	[dreg:$0x4] =	wrdreg $0xA8000  }
0xb1: {  	[dreg:$0x5] =	wrdreg $0x9  }
0xb2: {  	_ =	task.clear_ibuf [dreg:s7], $0x6FFFF;
	_ =	strace $0x90000049  }
0xb3: {  	s29 =	simm.s32 $0x9;
	_ =	strace $0x8000004B  }
0xb4: {  	_ =	swait.ge [sflag:s29], $0x1  }
0xb5: {  	[sflag:s29] =	ssyncadd.s32 $0xFFFFFFFF  }
0xb6: {  	_ =	strace $0x9000004B  }
0xb7: {  	_ =	sfence  }
0xb8: {  	s30 =	sld [smem:$0x0];
	_ =	sdelay $0x2  }
0xb9: {  	s31 =	sshll.u32 s1, $0xD;
	s1 =	sshrl.u32 s1, $0x2  }
0xba: {  	s3 =	sand.u32 $0x4000, s31;
	s1 =	sadd.s32 s1, s30  }
0xbb: {  	s0 =	sor.u32 s3, s0;
	s1 =	sshll.u32 s1, $0x11  }
0xbc: {  	s0 =	sor.u32 s1, s0  }
0xbd: {  	s0 =	sadd.s32 $0x8F2B, s0  }
0xbe: {  	[sflag:s0] =	ssyncadd.remote.s32 $0x1  }
0xbf: {  	_ =	sfence.sel $0xFFFF  }
0xc0: {  	[dreg:$0x0] =	wrdreg $0xFFFFFFFF;
	(pc) =	sbr.abs _section_cstart, $3  }
0xc1: {  	[dreg:$0x1] =	wrdreg $0xFFFFFFFF  }
0xc2: {  	_ =	task.clear_ibuf [dreg:s7], $0x2FFFF;
	_ =	strace $0x9FFFFFFF  }
0xc3: {  	(tm) =	ssettm $0x7FFFFFFF  }
tec
execute0_lowered:
.L_overlay_start_1:
0x0: {  	(tag) =	ssettag $0x1  }
0x1: {  	s1 =	rddreg [dreg:$0x0]  }
0x2: {  	s0 =	rddreg [dreg:$0x1]  }
0x3: {  	s2 =	rddreg [dreg:$0x2]  }
0x4: {  	s3 =	simm.s32 $0x0;
	s4 =	srdreg.scid;
	s12 =	stileid.u32  }
0x5: {  	s28 =	simm.s32 $0x1400;
	s29 =	simm.s32 $0x80;
	s30 =	simm.s32 $0x6800  }
0x6: {  	s31 =	simm.s32 $0x1;
	[smem:$0x7FF] =	sst s3;
	s4 =	sand.u32 $0x1, s4  }
0x7: {  	s7 =	sadd.s32 $0x4400, s0;
	s6 =	smul.u32 $0x50000, s12;
	s8 =	sadd.s32 $0xE400, s0  }
0x8: {  	s11 =	sadd.s32 $0x68400, s0;
	s0 =	sadd.s32 $0x68C00, s0;
	s13 =	smul.u32 $0x14000, s12  }
0x9: {  	_ =	strace $0x8000004A;
	s5 =	sshll.u32 s4, $0x4;
	s9 =	ssub.s32 $0x2, s4  }
0xa: {  	[dreg:$0x4] =	wrdreg s11;
	s4 =	smul.u32 $0x140000, s4;
	s5 =	sor.u32 s12, s5  }
0xb: {  	s25 =	sshrl.u32 s9, $0x1;
	s6 =	sshrl.u32 s6, $0x2;
	s10 =	smul.u32 $0x500, s5  }
0xc: {  	s20 =	sadd.s32 $0x4000, s13;
	s23 =	sadd.s32 $0x8000, s13;
	s5 =	smul.u32 $0x2800, s5  }
0xd: {  	s9 =	ssub.s32 s9, s25;
	s6 =	sadd.s32 s6, s2;
	s19 =	sadd.s32 s4, s13  }
0xe: {  	s21 =	sadd.s32 s4, s20;
	s24 =	sadd.s32 s4, s23;
	s25 =	sadd.s32 $0xC000, s13  }
0xf: {  	s16 =	smax.u32 s9, $0x1;
	s17 =	sadd.s32 $0x4000, s6;
	s18 =	sadd.s32 $0x8000, s6  }
0x10: {  	s14 =	sadd.s32 $0xC000, s6;
	s15 =	sadd.s32 $0x10000, s6;
	[dreg:$0x9] =	wrdreg s16  }
0x11: {  	s22 =	sshrl.u32 s21, $0x3;
	s21 =	sadd.s32 s25, s2;
	[dreg:$0xa] =	wrdreg s17  }
0x12: {  	s26 =	sadd.s32 s7, s10;
	s5 =	sshrl.u32 s5, $0x3;
	[dreg:$0xb] =	wrdreg s18  }
0x13: {  	s10 =	sadd.s32 s8, s10;
	s17 =	sadd.s32 s20, s2;
	[dreg:$0x5] =	wrdreg s26  }
0x14: {  	s18 =	sadd.s32 s0, s22;
	[dreg:$0x6] =	wrdreg s10;
	s5 =	sadd.s32 $0x280, s5  }
0x15: {  	s26 =	sadd.s32 s4, s25;
	s25 =	simm.s32 $0x2800;
	s7 =	sadd.s32 s7, s5  }
0x16: {  	s5 =	sadd.s32 s8, s5;
	s8 =	simm.s32 $0x0;
	[dreg:$0x7] =	wrdreg s7  }
0x17: {  	[dreg:$0x8] =	wrdreg s5;
	s7 =	sshrl.u32 s19, $0x3;
	s19 =	sadd.s32 s23, s2  }
0x18: {  	s5 =	sadd.s32 $0x10000, s13;
	s16 =	sadd.s32 s0, s7;
	s7 =	sshrl.u32 s24, $0x3  }
0x19: {  	s4 =	sadd.s32 s4, s5;
	s23 =	sadd.s32 s5, s2;
	s5 =	simm.s32 $0x2700  }
0x1a: {  	s20 =	sadd.s32 s0, s7;
	s7 =	sshrl.u32 s26, $0x3;
	s4 =	sshrl.u32 s4, $0x3  }
0x1b: {  	s26 =	simm.s32 $0x3;
	s22 =	sadd.s32 s0, s7;
	s24 =	sadd.s32 s0, s4  }
0x1c: {  	s0 =	simm.s32 $0x2;
	s4 =	simm.s32 $0x1380;
	s7 =	simm.s32 $0x2780  }
.LBB2_1:
0x1d: {  	s9 =	rddreg [dreg:$0x4]  }
0x1e: {  	[tilespmem:s25], [sflag:$0x3] =	stream.linear.gather [hbm4b:s9+s3], $0x4000, $0x38;
	[tilespmem:$0x1E800] =	vst v63  }
0x1f: {  	_ =	swait.ge [sflag:s26], $0x4000  }
0x20: {  	[sflag:s26] =	ssyncset.done $0x0  }
0x21: {  	[sflag:s26] =	ssyncadd.s32 $0xFFFFC000  }
0x22: {  	[spmem:s6] =	stream.linear.scatter [tilespmem:s25], [sflag:$0x3], $0x4000, $0x38;
	[tilespmem:$0x1E800] =	vst v63  }
0x23: {  	_ =	swait.ge [sflag:s26], $0x4000  }
0x24: {  	[sflag:s26] =	ssyncset.done $0x0  }
0x25: {  	s10 =	rddreg [dreg:$0xa];
	[sflag:s26] =	ssyncadd.s32 $0xFFFFC000  }
0x26: {  	[spmem:s10] =	stream.linear.scatter [tilespmem:s25], [sflag:$0x3], $0x4000, $0x38;
	[tilespmem:$0x1E800] =	vst v63  }
0x27: {  	_ =	swait.ge [sflag:s26], $0x4000  }
0x28: {  	[sflag:s26] =	ssyncset.done $0x0  }
0x29: {  	s11 =	rddreg [dreg:$0xb];
	[sflag:s26] =	ssyncadd.s32 $0xFFFFC000  }
0x2a: {  	[spmem:s11] =	stream.linear.scatter [tilespmem:s25], [sflag:$0x3], $0x4000, $0x38;
	[tilespmem:$0x1E800] =	vst v63  }
0x2b: {  	_ =	swait.ge [sflag:s26], $0x4000  }
0x2c: {  	[sflag:s26] =	ssyncset.done $0x0  }
0x2d: {  	[sflag:s26] =	ssyncadd.s32 $0xFFFFC000  }
0x2e: {  	[spmem:s14] =	stream.linear.scatter [tilespmem:s25], [sflag:$0x3], $0x4000, $0x38;
	[tilespmem:$0x1E800] =	vst v63  }
0x2f: {  	_ =	swait.ge [sflag:s26], $0x4000  }
0x30: {  	[sflag:s26] =	ssyncset.done $0x0  }
0x31: {  	[sflag:s26] =	ssyncadd.s32 $0xFFFFC000  }
0x32: {  	[spmem:s15] =	stream.linear.scatter [tilespmem:s25], [sflag:$0x3], $0x4000, $0x38;
	[tilespmem:$0x1E800] =	vst v63  }
0x33: {  	_ =	swait.ge [sflag:s26], $0x4000  }
0x34: {  	[sflag:s26] =	ssyncset.done $0x0  }
0x35: {  	[sflag:s26] =	ssyncadd.s32 $0xFFFFC000  }
0x36: {  	[bflag:$0x0] =	sbarrier.arrive $0xFFFF  }
0x37: {  	s12 =	rddreg [dreg:$0x5]  }
0x38: {  	[tilespmem:s3], [sflag:$0x3] =	stream.linear.gather [hbm4b:s12+s3], $0x1400, $0x38;
	[tilespmem:$0x1E800] =	vst v63  }
0x39: {  	_ =	swait.ge [sflag:s26], $0x1400  }
0x3a: {  	[sflag:s26] =	ssyncset.done $0x0  }
0x3b: {  	s13 =	rddreg [dreg:$0x6];
	[sflag:s26] =	ssyncadd.s32 $0xFFFFEC00  }
0x3c: {  	[tilespmem:s28], [sflag:$0x3] =	stream.linear.gather [hbm4b:s13+s3], $0x1400, $0x38;
	[tilespmem:$0x1E800] =	vst v63  }
0x3d: {  	_ =	swait.ge [sflag:s26], $0x1400  }
0x3e: {  	[sflag:s26] =	ssyncset.done $0x0  }
0x3f: {  	[sflag:s26] =	ssyncadd.s32 $0xFFFFEC00  }
0x40: {  	[tilespmem:s25], [sflag:$0x1] =	stream.indirect.gather [hbm4b:s1+s29], $0x80, s3, s29, $0xb8;
	[tilespmem:$0x1E800] =	vst v63  }
0x41: {  	s10 =	simm.s32 $0x80  }
0x42: {  	[tilespmem:s30], [sflag:$0x2] =	stream.indirect.gather [hbm4b:s1+s29], $0x80, s10, s29, $0xb8;
	[tilespmem:$0x1E800] =	vst v63  }
0x43: {  	_ =	swait.ge [sflag:s31], $0x4000  }
0x44: {  	[sflag:s31] =	ssyncset.done $0x0  }
0x45: {  	s11 =	simm.s32 $0x1400;
	[sflag:s31] =	ssyncadd.s32 $0xFFFFC000  }
0x46: {  	[spmem:s2] =	stream.indirect.scatter.add.f32 [tilespmem:s25], [sflag:$0x3], $0x80, s11, s29, $0xb8;
	[tilespmem:$0x1E800] =	vst v63  }
0x47: {  	_ =	swait.ge [sflag:s26], $0x4000  }
0x48: {  	[sflag:s26] =	ssyncset.done $0x0  }
0x49: {  	s12 =	simm.s32 $0x100;
	[sflag:s26] =	ssyncadd.s32 $0xFFFFC000  }
0x4a: {  	[tilespmem:s25], [sflag:$0x1] =	stream.indirect.gather [hbm4b:s1+s29], $0x80, s12, s29, $0xb8;
	[tilespmem:$0x1E800] =	vst v63  }
0x4b: {  	_ =	swait.ge [sflag:s0], $0x4000  }
0x4c: {  	[sflag:s0] =	ssyncset.done $0x0  }
0x4d: {  	s13 =	simm.s32 $0x1480;
	[sflag:s0] =	ssyncadd.s32 $0xFFFFC000  }
0x4e: {  	[spmem:s2] =	stream.indirect.scatter.add.f32 [tilespmem:s30], [sflag:$0x3], $0x80, s13, s29, $0xb8;
	[tilespmem:$0x1E800] =	vst v63  }
0x4f: {  	_ =	swait.ge [sflag:s26], $0x4000  }
0x50: {  	s9 =	simm.s32 $0x100;
	s10 =	simm.s32 $0x800;
	[sflag:s26] =	ssyncset.done $0x0  }
.LBB2_2:
0x51: {  	s11 =	sadd.s32 $0x80, s9  }
0x52: {  	[sflag:s26] =	ssyncadd.s32 $0xFFFFC000;
	s12 =	smov.u32 s10;
	s13 =	sadd.s32 $0x400, s10  }
0x53: {  	[tilespmem:s30], [sflag:$0x2] =	stream.indirect.gather [hbm4b:s1+s29], $0x80, s11, s29, $0xb8;
	[tilespmem:$0x1E800] =	vst v63  }
0x54: {  	p0 =	sne.s32 s10, $0x4800;
	_ =	swait.ge [sflag:s31], $0x4000  }
0x55: {  	[sflag:s31] =	ssyncset.done $0x0  }
0x56: {  	s10 =	sadd.s32 $0x1400, s9;
	[sflag:s31] =	ssyncadd.s32 $0xFFFFC000  }
0x57: {  	[spmem:s2] =	stream.indirect.scatter.add.f32 [tilespmem:s25], [sflag:$0x3], $0x80, s10, s29, $0xb8;
	[tilespmem:$0x1E800] =	vst v63  }
0x58: {  	_ =	swait.ge [sflag:s26], $0x4000  }
0x59: {  	[sflag:s26] =	ssyncset.done $0x0  }
0x5a: {  	s10 =	sadd.s32 $0x100, s9;
	[sflag:s26] =	ssyncadd.s32 $0xFFFFC000  }
0x5b: {  	[tilespmem:s25], [sflag:$0x1] =	stream.indirect.gather [hbm4b:s1+s29], $0x80, s10, s29, $0xb8;
	[tilespmem:$0x1E800] =	vst v63  }
0x5c: {  	_ =	swait.ge [sflag:s0], $0x4000  }
.Ltmp0:
0x5d: {  	[sflag:s0] =	ssyncset.done $0x0;
	(pc) =	sbr.rel @p0 .LBB2_2-.Ltmp0, $4  }
0x5e: {  	s9 =	sadd.s32 $0x1480, s9;
	[sflag:s0] =	ssyncadd.s32 $0xFFFFC000  }
0x5f: {  	[spmem:s2] =	stream.indirect.scatter.add.f32 [tilespmem:s30], [sflag:$0x3], $0x80, s9, s29, $0xb8;
	[tilespmem:$0x1E800] =	vst v63  }
0x60: {  	_ =	swait.ge [sflag:s26], $0x4000  }
0x61: {  	s10 =	smov.u32 s13;
	s9 =	sshra.s32 s12, $0x2;
	[sflag:s26] =	ssyncset.done $0x0  }
0x62: {  	s10 =	sadd.s32 $0x80, s9;
	[sflag:s26] =	ssyncadd.s32 $0xFFFFC000  }
0x63: {  	[tilespmem:s30], [sflag:$0x2] =	stream.indirect.gather [hbm4b:s1+s29], $0x80, s10, s29, $0xb8;
	[tilespmem:$0x1E800] =	vst v63  }
0x64: {  	_ =	swait.ge [sflag:s31], $0x4000  }
0x65: {  	[sflag:s31] =	ssyncset.done $0x0  }
0x66: {  	s12 =	sadd.s32 $0x1400, s9;
	[sflag:s31] =	ssyncadd.s32 $0xFFFFC000  }
0x67: {  	[spmem:s2] =	stream.indirect.scatter.add.f32 [tilespmem:s25], [sflag:$0x3], $0x80, s12, s29, $0xb8;
	[tilespmem:$0x1E800] =	vst v63  }
0x68: {  	_ =	swait.ge [sflag:s26], $0x4000  }
0x69: {  	[sflag:s26] =	ssyncset.done $0x0  }
0x6a: {  	s13 =	sadd.s32 $0x100, s9;
	[sflag:s26] =	ssyncadd.s32 $0xFFFFC000  }
0x6b: {  	[tilespmem:s25], [sflag:$0x1] =	stream.indirect.gather [hbm4b:s1+s29], $0x80, s13, s29, $0xb8;
	[tilespmem:$0x1E800] =	vst v63  }
0x6c: {  	_ =	swait.ge [sflag:s0], $0x4000  }
0x6d: {  	[sflag:s0] =	ssyncset.done $0x0  }
0x6e: {  	s10 =	sadd.s32 $0x1480, s9;
	[sflag:s0] =	ssyncadd.s32 $0xFFFFC000  }
0x6f: {  	[spmem:s2] =	stream.indirect.scatter.add.f32 [tilespmem:s30], [sflag:$0x3], $0x80, s10, s29, $0xb8;
	[tilespmem:$0x1E800] =	vst v63  }
0x70: {  	_ =	swait.ge [sflag:s26], $0x4000  }
0x71: {  	[sflag:s26] =	ssyncset.done $0x0  }
0x72: {  	[sflag:s26] =	ssyncadd.s32 $0xFFFFC000  }
0x73: {  	[tilespmem:s30], [sflag:$0x2] =	stream.indirect.gather [hbm4b:s1+s29], $0x80, s4, s29, $0xb8;
	[tilespmem:$0x1E800] =	vst v63  }
0x74: {  	_ =	swait.ge [sflag:s31], $0x4000  }
0x75: {  	[sflag:s31] =	ssyncset.done $0x0  }
0x76: {  	[sflag:s31] =	ssyncadd.s32 $0xFFFFC000  }
0x77: {  	[spmem:s2] =	stream.indirect.scatter.add.f32 [tilespmem:s25], [sflag:$0x3], $0x80, s5, s29, $0xb8;
	[tilespmem:$0x1E800] =	vst v63  }
0x78: {  	_ =	swait.ge [sflag:s26], $0x4000  }
0x79: {  	[sflag:s26] =	ssyncset.done $0x0  }
0x7a: {  	[sflag:s26] =	ssyncadd.s32 $0xFFFFC000  }
0x7b: {  	_ =	swait.ge [sflag:s0], $0x4000  }
0x7c: {  	[sflag:s0] =	ssyncset.done $0x0  }
0x7d: {  	[sflag:s0] =	ssyncadd.s32 $0xFFFFC000  }
0x7e: {  	[spmem:s2] =	stream.indirect.scatter.add.f32 [tilespmem:s30], [sflag:$0x3], $0x80, s7, s29, $0xb8;
	[tilespmem:$0x1E800] =	vst v63  }
0x7f: {  	_ =	swait.ge [sflag:s26], $0x4000  }
0x80: {  	[sflag:s26] =	ssyncset.done $0x0  }
0x81: {  	s11 =	simm.s32 $0x0;
	s12 =	rddreg [dreg:$0x7];
	[sflag:s26] =	ssyncadd.s32 $0xFFFFC000  }
0x82: {  	[tilespmem:s11], [sflag:$0x3] =	stream.linear.gather [hbm4b:s12+s11], $0x1400, $0x38;
	[tilespmem:$0x1E800] =	vst v63  }
0x83: {  	_ =	swait.ge [sflag:s26], $0x1400  }
0x84: {  	[sflag:s26] =	ssyncset.done $0x0  }
0x85: {  	s13 =	rddreg [dreg:$0x8];
	[sflag:s26] =	ssyncadd.s32 $0xFFFFEC00  }
0x86: {  	[tilespmem:s28], [sflag:$0x3] =	stream.linear.gather [hbm4b:s13+s11], $0x1400, $0x38;
	[tilespmem:$0x1E800] =	vst v63  }
0x87: {  	_ =	swait.ge [sflag:s26], $0x1400  }
0x88: {  	[sflag:s26] =	ssyncset.done $0x0  }
0x89: {  	[sflag:s26] =	ssyncadd.s32 $0xFFFFEC00  }
0x8a: {  	[tilespmem:s25], [sflag:$0x1] =	stream.indirect.gather [hbm4b:s1+s29], $0x80, s11, s29, $0xb8;
	[tilespmem:$0x1E800] =	vst v63  }
0x8b: {  	s10 =	simm.s32 $0x80  }
0x8c: {  	[tilespmem:s30], [sflag:$0x2] =	stream.indirect.gather [hbm4b:s1+s29], $0x80, s10, s29, $0xb8;
	[tilespmem:$0x1E800] =	vst v63  }
0x8d: {  	_ =	swait.ge [sflag:s31], $0x4000  }
0x8e: {  	[sflag:s31] =	ssyncset.done $0x0  }
0x8f: {  	s11 =	simm.s32 $0x1400;
	[sflag:s31] =	ssyncadd.s32 $0xFFFFC000  }
0x90: {  	[spmem:s2] =	stream.indirect.scatter.add.f32 [tilespmem:s25], [sflag:$0x3], $0x80, s11, s29, $0xb8;
	[tilespmem:$0x1E800] =	vst v63  }
0x91: {  	_ =	swait.ge [sflag:s26], $0x4000  }
0x92: {  	[sflag:s26] =	ssyncset.done $0x0  }
0x93: {  	s12 =	simm.s32 $0x100;
	[sflag:s26] =	ssyncadd.s32 $0xFFFFC000  }
0x94: {  	[tilespmem:s25], [sflag:$0x1] =	stream.indirect.gather [hbm4b:s1+s29], $0x80, s12, s29, $0xb8;
	[tilespmem:$0x1E800] =	vst v63  }
0x95: {  	_ =	swait.ge [sflag:s0], $0x4000  }
0x96: {  	[sflag:s0] =	ssyncset.done $0x0  }
0x97: {  	s13 =	simm.s32 $0x1480;
	[sflag:s0] =	ssyncadd.s32 $0xFFFFC000  }
0x98: {  	[spmem:s2] =	stream.indirect.scatter.add.f32 [tilespmem:s30], [sflag:$0x3], $0x80, s13, s29, $0xb8;
	[tilespmem:$0x1E800] =	vst v63  }
0x99: {  	_ =	swait.ge [sflag:s26], $0x4000  }
0x9a: {  	s9 =	simm.s32 $0x100;
	s10 =	simm.s32 $0x800;
	[sflag:s26] =	ssyncset.done $0x0  }
.LBB2_4:
0x9b: {  	s11 =	sadd.s32 $0x80, s9  }
0x9c: {  	[sflag:s26] =	ssyncadd.s32 $0xFFFFC000;
	s12 =	smov.u32 s10;
	s13 =	sadd.s32 $0x400, s10  }
0x9d: {  	[tilespmem:s30], [sflag:$0x2] =	stream.indirect.gather [hbm4b:s1+s29], $0x80, s11, s29, $0xb8;
	[tilespmem:$0x1E800] =	vst v63  }
0x9e: {  	p0 =	sne.s32 s10, $0x4800;
	_ =	swait.ge [sflag:s31], $0x4000  }
0x9f: {  	[sflag:s31] =	ssyncset.done $0x0  }
0xa0: {  	s10 =	sadd.s32 $0x1400, s9;
	[sflag:s31] =	ssyncadd.s32 $0xFFFFC000  }
0xa1: {  	[spmem:s2] =	stream.indirect.scatter.add.f32 [tilespmem:s25], [sflag:$0x3], $0x80, s10, s29, $0xb8;
	[tilespmem:$0x1E800] =	vst v63  }
0xa2: {  	_ =	swait.ge [sflag:s26], $0x4000  }
0xa3: {  	[sflag:s26] =	ssyncset.done $0x0  }
0xa4: {  	s10 =	sadd.s32 $0x100, s9;
	[sflag:s26] =	ssyncadd.s32 $0xFFFFC000  }
0xa5: {  	[tilespmem:s25], [sflag:$0x1] =	stream.indirect.gather [hbm4b:s1+s29], $0x80, s10, s29, $0xb8;
	[tilespmem:$0x1E800] =	vst v63  }
0xa6: {  	_ =	swait.ge [sflag:s0], $0x4000  }
.Ltmp1:
0xa7: {  	[sflag:s0] =	ssyncset.done $0x0;
	(pc) =	sbr.rel @p0 .LBB2_4-.Ltmp1, $4  }
0xa8: {  	s9 =	sadd.s32 $0x1480, s9;
	[sflag:s0] =	ssyncadd.s32 $0xFFFFC000  }
0xa9: {  	[spmem:s2] =	stream.indirect.scatter.add.f32 [tilespmem:s30], [sflag:$0x3], $0x80, s9, s29, $0xb8;
	[tilespmem:$0x1E800] =	vst v63  }
0xaa: {  	_ =	swait.ge [sflag:s26], $0x4000  }
0xab: {  	s10 =	smov.u32 s13;
	s9 =	sshra.s32 s12, $0x2;
	[sflag:s26] =	ssyncset.done $0x0  }
0xac: {  	s10 =	sadd.s32 $0x80, s9;
	[sflag:s26] =	ssyncadd.s32 $0xFFFFC000  }
0xad: {  	[tilespmem:s30], [sflag:$0x2] =	stream.indirect.gather [hbm4b:s1+s29], $0x80, s10, s29, $0xb8;
	[tilespmem:$0x1E800] =	vst v63  }
0xae: {  	_ =	swait.ge [sflag:s31], $0x4000  }
0xaf: {  	[sflag:s31] =	ssyncset.done $0x0  }
0xb0: {  	s13 =	sadd.s32 $0x1400, s9;
	[sflag:s31] =	ssyncadd.s32 $0xFFFFC000  }
0xb1: {  	[spmem:s2] =	stream.indirect.scatter.add.f32 [tilespmem:s25], [sflag:$0x3], $0x80, s13, s29, $0xb8;
	[tilespmem:$0x1E800] =	vst v63  }
0xb2: {  	_ =	swait.ge [sflag:s26], $0x4000  }
0xb3: {  	[sflag:s26] =	ssyncset.done $0x0  }
0xb4: {  	s11 =	sadd.s32 $0x100, s9;
	[sflag:s26] =	ssyncadd.s32 $0xFFFFC000  }
0xb5: {  	[tilespmem:s25], [sflag:$0x1] =	stream.indirect.gather [hbm4b:s1+s29], $0x80, s11, s29, $0xb8;
	[tilespmem:$0x1E800] =	vst v63  }
0xb6: {  	_ =	swait.ge [sflag:s0], $0x4000  }
0xb7: {  	[sflag:s0] =	ssyncset.done $0x0  }
0xb8: {  	s12 =	sadd.s32 $0x1480, s9;
	[sflag:s0] =	ssyncadd.s32 $0xFFFFC000  }
0xb9: {  	[spmem:s2] =	stream.indirect.scatter.add.f32 [tilespmem:s30], [sflag:$0x3], $0x80, s12, s29, $0xb8;
	[tilespmem:$0x1E800] =	vst v63  }
0xba: {  	_ =	swait.ge [sflag:s26], $0x4000  }
0xbb: {  	[sflag:s26] =	ssyncset.done $0x0  }
0xbc: {  	[sflag:s26] =	ssyncadd.s32 $0xFFFFC000  }
0xbd: {  	[tilespmem:s30], [sflag:$0x2] =	stream.indirect.gather [hbm4b:s1+s29], $0x80, s4, s29, $0xb8;
	[tilespmem:$0x1E800] =	vst v63  }
0xbe: {  	_ =	swait.ge [sflag:s31], $0x4000  }
0xbf: {  	[sflag:s31] =	ssyncset.done $0x0  }
0xc0: {  	[sflag:s31] =	ssyncadd.s32 $0xFFFFC000  }
0xc1: {  	[spmem:s2] =	stream.indirect.scatter.add.f32 [tilespmem:s25], [sflag:$0x3], $0x80, s5, s29, $0xb8;
	[tilespmem:$0x1E800] =	vst v63  }
0xc2: {  	_ =	swait.ge [sflag:s26], $0x4000  }
0xc3: {  	[sflag:s26] =	ssyncset.done $0x0  }
0xc4: {  	[sflag:s26] =	ssyncadd.s32 $0xFFFFC000  }
0xc5: {  	_ =	swait.ge [sflag:s0], $0x4000  }
0xc6: {  	[sflag:s0] =	ssyncset.done $0x0  }
0xc7: {  	[sflag:s0] =	ssyncadd.s32 $0xFFFFC000  }
0xc8: {  	[spmem:s2] =	stream.indirect.scatter.add.f32 [tilespmem:s30], [sflag:$0x3], $0x80, s7, s29, $0xb8;
	[tilespmem:$0x1E800] =	vst v63  }
0xc9: {  	_ =	swait.ge [sflag:s26], $0x4000  }
0xca: {  	[sflag:s26] =	ssyncset.done $0x0  }
0xcb: {  	[sflag:s26] =	ssyncadd.s32 $0xFFFFC000  }
0xcc: {  	[bflag:$0x0] =	sbarrier.arrive $0xFFFF  }
0xcd: {  	[tilespmem:s25], [sflag:$0x3] =	stream.linear.gather [spmem:s6], $0x4000, $0x38;
	[tilespmem:$0x1E800] =	vst v63  }
0xce: {  	_ =	swait.ge [sflag:s26], $0x4000  }
0xcf: {  	[sflag:s26] =	ssyncset.done $0x0  }
0xd0: {  	[sflag:s26] =	ssyncadd.s32 $0xFFFFC000  }
0xd1: {  	[hbm4b:s16+s3] =	stream.linear.scatter [tilespmem:s25], [sflag:$0x3], $0x4000, $0x38;
	[tilespmem:$0x1E800] =	vst v63  }
0xd2: {  	_ =	swait.ge [sflag:s26], $0x4000  }
0xd3: {  	[sflag:s26] =	ssyncset.done $0x0  }
0xd4: {  	[sflag:s26] =	ssyncadd.s32 $0xFFFFC000  }
0xd5: {  	[tilespmem:s25], [sflag:$0x3] =	stream.linear.gather [spmem:s17], $0x4000, $0x38;
	[tilespmem:$0x1E800] =	vst v63  }
0xd6: {  	_ =	swait.ge [sflag:s26], $0x4000  }
0xd7: {  	[sflag:s26] =	ssyncset.done $0x0  }
0xd8: {  	[sflag:s26] =	ssyncadd.s32 $0xFFFFC000  }
0xd9: {  	[hbm4b:s18+s3] =	stream.linear.scatter [tilespmem:s25], [sflag:$0x3], $0x4000, $0x38;
	[tilespmem:$0x1E800] =	vst v63  }
0xda: {  	_ =	swait.ge [sflag:s26], $0x4000  }
0xdb: {  	[sflag:s26] =	ssyncset.done $0x0  }
0xdc: {  	[sflag:s26] =	ssyncadd.s32 $0xFFFFC000  }
0xdd: {  	[tilespmem:s25], [sflag:$0x3] =	stream.linear.gather [spmem:s19], $0x4000, $0x38;
	[tilespmem:$0x1E800] =	vst v63  }
0xde: {  	_ =	swait.ge [sflag:s26], $0x4000  }
0xdf: {  	[sflag:s26] =	ssyncset.done $0x0  }
0xe0: {  	[sflag:s26] =	ssyncadd.s32 $0xFFFFC000  }
0xe1: {  	[hbm4b:s20+s3] =	stream.linear.scatter [tilespmem:s25], [sflag:$0x3], $0x4000, $0x38;
	[tilespmem:$0x1E800] =	vst v63  }
0xe2: {  	_ =	swait.ge [sflag:s26], $0x4000  }
0xe3: {  	[sflag:s26] =	ssyncset.done $0x0  }
0xe4: {  	[sflag:s26] =	ssyncadd.s32 $0xFFFFC000  }
0xe5: {  	[tilespmem:s25], [sflag:$0x3] =	stream.linear.gather [spmem:s21], $0x4000, $0x38;
	[tilespmem:$0x1E800] =	vst v63  }
0xe6: {  	_ =	swait.ge [sflag:s26], $0x4000  }
0xe7: {  	[sflag:s26] =	ssyncset.done $0x0  }
0xe8: {  	[sflag:s26] =	ssyncadd.s32 $0xFFFFC000  }
0xe9: {  	[hbm4b:s22+s3] =	stream.linear.scatter [tilespmem:s25], [sflag:$0x3], $0x4000, $0x38;
	[tilespmem:$0x1E800] =	vst v63  }
0xea: {  	_ =	swait.ge [sflag:s26], $0x4000  }
0xeb: {  	[sflag:s26] =	ssyncset.done $0x0  }
0xec: {  	[sflag:s26] =	ssyncadd.s32 $0xFFFFC000  }
0xed: {  	[tilespmem:s25], [sflag:$0x3] =	stream.linear.gather [spmem:s23], $0x4000, $0x38;
	[tilespmem:$0x1E800] =	vst v63  }
0xee: {  	_ =	swait.ge [sflag:s26], $0x4000  }
0xef: {  	[sflag:s26] =	ssyncset.done $0x0  }
0xf0: {  	[sflag:s26] =	ssyncadd.s32 $0xFFFFC000  }
0xf1: {  	[hbm4b:s24+s3] =	stream.linear.scatter [tilespmem:s25], [sflag:$0x3], $0x4000, $0x38;
	[tilespmem:$0x1E800] =	vst v63  }
0xf2: {  	_ =	swait.ge [sflag:s26], $0x4000  }
0xf3: {  	s8 =	sadd.s32 $0x1, s8;
	s13 =	rddreg [dreg:$0x9]  }
0xf4: {  	p0 =	sne.s32 s8, s13  }
.Ltmp2:
0xf5: {  	_ = 	snop;
	(pc) =	sbr.rel @p0 .LBB2_1-.Ltmp2, $3  }
0xf6: {  	_ =	sdelay $0x1  }
0xf7: {  	[sflag:s26] =	ssyncset.done $0x0  }
0xf8: {  	[sflag:s26] =	ssyncadd.s32 $0xFFFFC000  }
0xf9: {  	_ =	sfence.sel $0x180000  }
0xfa: {  	[bflag:$0x0] =	sbarrier.arrive $0xFFFF  }
0xfb: {  	_ =	strace $0x9000004A  }
0xfc: {  	s0 =	stileid.u32;
	[bflag:$0x2] =	sbarrier.arrive $0xFFFF  }
0xfd: {  	p0 =	sne.s32 s0, $0x0;
	s0 =	rddreg [dreg:$0x3]  }
0xfe: {  	s0 =	sadd.s32 @!p0 $0x100000, s0  }
0xff: {  	[sflag:s0] =	ssyncadd.tile.s32 @!p0 $0x1;
	_ =	shalt  }
.Lfunc_end2:
_tile_overlayer_lowered:
.L_overlay_start_2:
0x100: {  	(tag) =	ssettag $0x2  }
0x101: {  	s0 =	rddreg [dreg:$0x0];
	s2 =	stileid.u32  }
0x102: {  	s1 =	rddreg [dreg:$0x1];
	p0 =	sne.s32 s2, $0x0  }
0x103: {  	s3 =	rddreg [dreg:$0x2];
	[bflag:$0x3] =	sbarrier.arrive $0xFFFF;
	s2 =	simm.s32 @!p0 $0x1C03  }
0x104: {  	[timem:s3], [sflag:s2] =	dma.local @!p0 [hbm:s0], s1  }
0x105: {  	s0 =	simm.s32 @!p0 $0x3  }
0x106: {  	_ =	swait.ge @!p0 [sflag:s0], s1  }
0x107: {  	s1 =	ssub.s32 @!p0 $0x0, s1;
	[sflag:s0] =	ssyncset.done @!p0 $0x0  }
0x108: {  	[sflag:s0] =	ssyncadd.s32 @!p0 s1  }
0x109: {  	[bflag:$0x3] =	sbarrier.arrive $0xFFFF  }
0x10a: {  	_ =	shalt  }

// kernel: kernel.18.cloned.1.call-start
scs
__scs_entry_jumppad:
0x0: {  	(pc) =	sbr.rel $0x88, $3  }
0x1: {  	(tag) =	ssettag $0x0;
	lr =	simm.s32 $0x1  }
0x2: {  	[smem:$0x3F98] =	sst lr;
	_ =	strace $0xD0000000  }
0x3: {  	_ = 	snop  }
0x4: {  	_ = 	snop  }
0x5: {  	_ = 	snop  }
0x6: {  	_ = 	snop  }
0x7: {  	_ = 	snop  }
__scs_overlays_trampoline_lowered:
0x8: {  	[smem:$0x3FA7] =	sst s0  }
0x9: {  	[smem:$0x3FA8] =	sst s1  }
0xa: {  	[smem:$0x3FA9] =	sst s2  }
0xb: {  	[smem:$0x3FAA] =	sst s3  }
0xc: {  	[smem:$0x3FAB] =	sst s4  }
0xd: {  	[smem:$0x3FAC] =	sst s5  }
0xe: {  	[smem:$0x3FAD] =	sst s6  }
0xf: {  	[smem:$0x3FAE] =	sst s7  }
0x10: {  	[smem:$0x3FAF] =	sst s8  }
0x11: {  	[smem:$0x3FB0] =	sst s9;
	s0 =	simm.s32 @!p0 $0x0  }
0x12: {  	s1 =	sld [smem:$0x3F96];
	s0 =	simm.s32 @p0 $0x1  }
0x13: {  	[smem:$0x3FB1] =	sst s0;
	s0 =	simm.s32 @!p1 $0x0  }
0x14: {  	s2 =	sld [smem:$0x3F95];
	s0 =	simm.s32 @p1 $0x1  }
0x15: {  	[smem:$0x3FB2] =	sst s0;
	s0 =	simm.s32 @!p2 $0x0  }
0x16: {  	s3 =	sld [smem:$0x3FDB];
	s0 =	simm.s32 @p2 $0x1  }
0x17: {  	s4 =	simm.s32 $0x1BF5;
	[smem:$0x3FB4] =	sst s0  }
0x18: {  	s0 =	sld [smem:$0x3F97];
	_ =	swait.ge [sflag:s4], $0x0  }
0x19: {  	s7 =	sld [smem:$0x3F98]  }
0x1a: {  	s8 =	sadd.s32 $0xFFFFE003, lr  }
0x1b: {  	s9 =	sadd.s32 $0xFFFFFEF7, lr;
	s5 =	simm.s32 $0xFFFFFFFF;
	p2 =	slt.u32 s8, $0xFFFFF086  }
0x1c: {  	p1 =	slt.u32 s9, $0xF7A;
	s5 =	simm.s32 @!p2 $0x0  }
0x1d: {  	s5 =	simm.s32 @p1 $0x1;
	p0 =	seq.s32 s7, s2  }
0x1e: {  	s7 =	smul.u32 @!p0 $0xF7A, s2;
	p2 =	seq.s32 @!p0 s5, $0x0  }
0x1f: {  	s9 =	smul.u32 $0xF7A, s1;
	s8 =	simm.s32 @!p0 $0x1BF5;
	p2 =	por !p2, p0  }
0x20: {  	[sflag:s8] =	ssyncset.s32 @!p0 $0xFFFFF086;
	s6 =	sadd.s32 @!p0 s3, s7;
	s7 =	simm.s32 @!p0 $0x108  }
0x21: {  	s3 =	sadd.s32 s3, s9;
	s6 =	sadd.s32 @!p0 $0x88, s6;
	s7 =	simm.s32 @p2 $0x1082  }
0x22: {  	[simem:s7], [sflag:s8] =	dma.local @!p0 [hbm:s6], $0xF7A  }
0x23: {  	s9 =	sor.u32 $0xD0000000, s2;
	s6 =	simm.s32 $0x108;
	_ =	swait.ge @!p0 [sflag:s8], $0x0  }
0x24: {  	s3 =	sadd.s32 $0x88, s3;
	s6 =	simm.s32 @!p1 $0x1082;
	[sflag:s4] =	ssyncset.s32 $0xFFFFF086  }
0x25: {  	[simem:s6], [sflag:s4] =	dma.local [hbm:s3], $0xF7A  }
0x26: {  	[smem:$0x3F98] =	sst s1;
	(tag) =	ssettag s2;
	_ =	strace s9  }
0x27: {  	s1 =	sld [smem:$0x3FA8]  }
0x28: {  	s2 =	sld [smem:$0x3FA9]  }
0x29: {  	s4 =	sld [smem:$0x3FAB]  }
0x2a: {  	p0 =	seq.s32 s5, $0x0;
	s5 =	sld [smem:$0x3FAC]  }
0x2b: {  	s6 =	sld [smem:$0x3FAD]  }
0x2c: {  	s7 =	sld [smem:$0x3FAE]  }
0x2d: {  	s3 =	simm.s32 $0x108;
	s8 =	sld [smem:$0x3FAF]  }
0x2e: {  	s3 =	simm.s32 @!p0 $0x1082;
	s9 =	sld [smem:$0x3FB0]  }
0x2f: {  	lr =	sadd.s32 s0, s3;
	s0 =	sld [smem:$0x3FA7]  }
0x30: {  	s3 =	sld [smem:$0x3FAA]  }
0x31: {  	[smem:$0x3FB3] =	sst s10  }
0x32: {  	s10 =	sld [smem:$0x3FB1];
	_ =	sdelay $0x3  }
0x33: {  	p0 =	seq.s32 s10, $0x1;
	s10 =	sld [smem:$0x3FB3];
	_ =	sdelay $0x3  }
0x34: {  	[smem:$0x3FB3] =	sst s10  }
0x35: {  	s10 =	sld [smem:$0x3FB2];
	_ =	sdelay $0x3  }
0x36: {  	p1 =	seq.s32 s10, $0x1;
	s10 =	sld [smem:$0x3FB3];
	_ =	sdelay $0x3  }
0x37: {  	[smem:$0x3FB3] =	sst s10  }
0x38: {  	s10 =	sld [smem:$0x3FB4]  }
0x39: {  	_ = 	snop;
	(pc) =	sbr.ind lr, $3  }
0x3a: {  	_ = 	snop  }
0x3b: {  	_ = 	snop  }
0x3c: {  	p2 =	seq.s32 s10, $0x1;
	s10 =	sld [smem:$0x3FB3]  }
0x3d: {  	_ =	shalt  }
0x3e: {  	_ =	shalt  }
0x3f: {  	_ =	shalt  }
0x40: {  	_ =	shalt  }
0x41: {  	_ =	shalt  }
0x42: {  	_ =	shalt  }
0x43: {  	_ =	shalt  }
0x44: {  	_ =	shalt  }
0x45: {  	_ =	shalt  }
0x46: {  	_ =	shalt  }
0x47: {  	_ =	shalt  }
0x48: {  	_ =	shalt  }
0x49: {  	_ =	shalt  }
0x4a: {  	_ =	shalt  }
0x4b: {  	_ =	shalt  }
0x4c: {  	_ =	shalt  }
0x4d: {  	_ =	shalt  }
0x4e: {  	_ =	shalt  }
0x4f: {  	_ =	shalt  }
0x50: {  	_ =	shalt  }
0x51: {  	_ =	shalt  }
0x52: {  	_ =	shalt  }
0x53: {  	_ =	shalt  }
0x54: {  	_ =	shalt  }
0x55: {  	_ =	shalt  }
0x56: {  	_ =	shalt  }
0x57: {  	_ =	shalt  }
0x58: {  	_ =	shalt  }
0x59: {  	_ =	shalt  }
0x5a: {  	_ =	shalt  }
0x5b: {  	_ =	shalt  }
0x5c: {  	_ =	shalt  }
0x5d: {  	_ =	shalt  }
0x5e: {  	_ =	shalt  }
0x5f: {  	_ =	shalt  }
0x60: {  	_ =	shalt  }
0x61: {  	_ =	shalt  }
0x62: {  	_ =	shalt  }
0x63: {  	_ =	shalt  }
0x64: {  	_ =	shalt  }
0x65: {  	_ =	shalt  }
0x66: {  	_ =	shalt  }
0x67: {  	_ =	shalt  }
0x68: {  	_ =	shalt  }
0x69: {  	_ =	shalt  }
0x6a: {  	_ =	shalt  }
0x6b: {  	_ =	shalt  }
0x6c: {  	_ =	shalt  }
0x6d: {  	_ =	shalt  }
0x6e: {  	_ =	shalt  }
0x6f: {  	_ =	shalt  }
0x70: {  	_ =	shalt  }
0x71: {  	_ =	shalt  }
0x72: {  	_ =	shalt  }
0x73: {  	_ =	shalt  }
0x74: {  	_ =	shalt  }
0x75: {  	_ =	shalt  }
0x76: {  	_ =	shalt  }
0x77: {  	_ =	shalt  }
0x78: {  	_ =	shalt  }
0x79: {  	_ =	shalt  }
0x7a: {  	_ =	shalt  }
0x7b: {  	_ =	shalt  }
0x7c: {  	_ =	shalt  }
0x7d: {  	_ =	shalt  }
0x7e: {  	_ =	shalt  }
0x7f: {  	_ =	shalt  }
0x80: {  	_ =	shalt  }
0x81: {  	_ =	shalt  }
0x82: {  	_ =	shalt  }
0x83: {  	_ =	shalt  }
0x84: {  	_ =	shalt  }
0x85: {  	_ =	shalt  }
0x86: {  	_ =	shalt  }
0x87: {  	_ =	shalt  }
.Lfunc_end0:
.L_simem_size_0:
called_computation.2_lowered:
.L_overlay_start_0:
0x88: {  	s2 =	sld [smem:$0x3FD9]  }
0x89: {  	s3 =	sld [smem:$0x3FFE];
	_ =	sdelay $0x1  }
0x8a: {  	s1 =	srdreg.scid  }
0x8b: {  	s0 =	sand.u32 $0x1, s1  }
0x8c: {  	s17 =	sshll.u32 s0, $0xA;
	s2 =	sadd.s32 s3, s2  }
0x8d: {  	s2 =	sadd.s32 s2, s17  }
0x8e: {  	[smem:$0x3FBF] =	sst s2  }
0x8f: {  	_ = 	snop  }
0x90: {  	s2 =	sld [smem:$0x3FD0];
	(tm) =	ssettm $0x1  }
0x91: {  	s18 =	sld [smem:$0x3FFB];
	_ =	sdelay $0x3  }
0x92: {  	_ =	strace s18  }
0x93: {  	s3 =	sld [smem:$0x3FFC];
	_ =	sdelay $0x3  }
0x94: {  	_ =	strace s3  }
0x95: {  	s3 =	sld [smem:$0x3FFD];
	_ =	sdelay $0x3  }
0x96: {  	_ =	strace s3  }
0x97: {  	_ =	strace $0x8FFFFFFF  }
0x98: {  	s19 =	sld [smem:$0x3FDB];
	_ =	sdelay $0x1  }
0x99: {  	s4 =	simm.s32 $_scs_section_size  }
0x9a: {  	s5 =	simm.s32 $_size__tile_overlayer_lowered;
	s6 =	simm.s32 $_tile_overlayer_lowered  }
0x9b: {  	s22 =	simm.s32 $0x1BFF;
	s21 =	sshll.u32 s6, $0x1;
	s3 =	sadd.s32 s4, s19  }
0x9c: {  	s7 =	simm.s32 $0x0;
	s20 =	sshll.u32 s5, $0x1;
	s5 =	sadd.s32 s21, s3  }
0x9d: {  	[timem:s7], [sflag:s22] =	dma.local [hbm:s5], s20  }
0x9e: {  	_ =	swait.ge [sflag:s22], s20  }
0x9f: {  	s4 =	ssub.s32 $0x0, s20;
	[sflag:s22] =	ssyncset.done $0x0  }
0xa0: {  	[sflag:s22] =	ssyncadd.s32 s4;
	_ =	sdelay $0x1  }
0xa1: {  	s23 =	simm.s32 $0x1B8B  }
0xa2: {  	_ =	swait.ge [sflag:s23], $0x1  }
0xa3: {  	[sflag:s23] =	ssyncset.done $0x0  }
0xa4: {  	s25 =	simm.s32 $0x1B8E;
	s24 =	sld [smem:$0x3FFE];
	[sflag:s23] =	ssyncadd.s32 $0xFFFFFFFF  }
0xa5: {  	s26 =	simm.s32 $execute0_lowered;
	[smem:$0x3FD2] =	sst s25  }
0xa6: {  	s5 =	sshll.u32 s26, $0x1;
	_ =	strace $0x8000004C;
	[dreg:$0x1] =	wrdreg $0xFFFFFFFF  }
0xa7: {  	s28 =	simm.s32 $_size_execute0_lowered;
	s3 =	sadd.s32 s3, s5;
	[dreg:$0x0] =	wrdreg $0x0  }
0xa8: {  	s5 =	sshll.u32 s28, $0x1;
	[dreg:$0x2] =	wrdreg s3  }
0xa9: {  	[dreg:$0x3] =	wrdreg s5  }
0xaa: {  	[dreg:$0x4] =	wrdreg $0xC0  }
0xab: {  	_ =	task [dreg:s7], $0x5FFFF  }
0xac: {  	[dreg:$0x1] =	wrdreg $0xFFFFFFFF  }
0xad: {  	[dreg:$0x0] =	wrdreg $0x60  }
0xae: {  	[dreg:$0x2] =	wrdreg s2  }
0xaf: {  	[dreg:$0x3] =	wrdreg s24  }
0xb0: {  	[dreg:$0x4] =	wrdreg $0xA8000  }
0xb1: {  	[dreg:$0x5] =	wrdreg $0x9  }
0xb2: {  	_ =	task.clear_ibuf [dreg:s7], $0x6FFFF;
	_ =	strace $0x9000004C  }
0xb3: {  	s29 =	simm.s32 $0x9;
	_ =	strace $0x8000004E  }
0xb4: {  	_ =	swait.ge [sflag:s29], $0x1  }
0xb5: {  	[sflag:s29] =	ssyncadd.s32 $0xFFFFFFFF  }
0xb6: {  	_ =	strace $0x9000004E  }
0xb7: {  	_ =	sfence  }
0xb8: {  	s30 =	sld [smem:$0x0];
	_ =	sdelay $0x2  }
0xb9: {  	s31 =	sshll.u32 s1, $0xD;
	s1 =	sshrl.u32 s1, $0x2  }
0xba: {  	s3 =	sand.u32 $0x4000, s31;
	s1 =	sadd.s32 s1, s30  }
0xbb: {  	s0 =	sor.u32 s3, s0;
	s1 =	sshll.u32 s1, $0x11  }
0xbc: {  	s0 =	sor.u32 s1, s0  }
0xbd: {  	s0 =	sadd.s32 $0x8F2B, s0  }
0xbe: {  	[sflag:s0] =	ssyncadd.remote.s32 $0x1  }
0xbf: {  	_ =	sfence.sel $0xFFFF  }
0xc0: {  	[dreg:$0x0] =	wrdreg $0xFFFFFFFF;
	(pc) =	sbr.abs _section_cstart, $3  }
0xc1: {  	[dreg:$0x1] =	wrdreg $0xFFFFFFFF  }
0xc2: {  	_ =	task.clear_ibuf [dreg:s7], $0x2FFFF;
	_ =	strace $0x9FFFFFFF  }
0xc3: {  	(tm) =	ssettm $0x7FFFFFFF  }
tec
execute0_lowered:
.L_overlay_start_1:
0x0: {  	(tag) =	ssettag $0x1  }
0x1: {  	s1 =	rddreg [dreg:$0x0]  }
0x2: {  	s0 =	rddreg [dreg:$0x1]  }
0x3: {  	s2 =	rddreg [dreg:$0x2]  }
0x4: {  	s3 =	simm.s32 $0x0;
	s4 =	srdreg.scid;
	s12 =	stileid.u32  }
0x5: {  	s28 =	simm.s32 $0x1400;
	s29 =	simm.s32 $0x80;
	s30 =	simm.s32 $0x6800  }
0x6: {  	s31 =	simm.s32 $0x1;
	[smem:$0x7FF] =	sst s3;
	s4 =	sand.u32 $0x1, s4  }
0x7: {  	s7 =	sadd.s32 $0x4400, s0;
	s6 =	smul.u32 $0x50000, s12;
	s8 =	sadd.s32 $0xE400, s0  }
0x8: {  	s11 =	sadd.s32 $0x68400, s0;
	s0 =	sadd.s32 $0x68C00, s0;
	s13 =	smul.u32 $0x14000, s12  }
0x9: {  	_ =	strace $0x8000004D;
	s5 =	sshll.u32 s4, $0x4;
	s9 =	ssub.s32 $0x2, s4  }
0xa: {  	[dreg:$0x4] =	wrdreg s11;
	s4 =	smul.u32 $0x140000, s4;
	s5 =	sor.u32 s12, s5  }
0xb: {  	s25 =	sshrl.u32 s9, $0x1;
	s6 =	sshrl.u32 s6, $0x2;
	s10 =	smul.u32 $0x500, s5  }
0xc: {  	s20 =	sadd.s32 $0x4000, s13;
	s23 =	sadd.s32 $0x8000, s13;
	s5 =	smul.u32 $0x2800, s5  }
0xd: {  	s9 =	ssub.s32 s9, s25;
	s6 =	sadd.s32 s6, s2;
	s19 =	sadd.s32 s4, s13  }
0xe: {  	s21 =	sadd.s32 s4, s20;
	s24 =	sadd.s32 s4, s23;
	s25 =	sadd.s32 $0xC000, s13  }
0xf: {  	s16 =	smax.u32 s9, $0x1;
	s17 =	sadd.s32 $0x4000, s6;
	s18 =	sadd.s32 $0x8000, s6  }
0x10: {  	s14 =	sadd.s32 $0xC000, s6;
	s15 =	sadd.s32 $0x10000, s6;
	[dreg:$0x9] =	wrdreg s16  }
0x11: {  	s22 =	sshrl.u32 s21, $0x3;
	s21 =	sadd.s32 s25, s2;
	[dreg:$0xa] =	wrdreg s17  }
0x12: {  	s26 =	sadd.s32 s7, s10;
	s5 =	sshrl.u32 s5, $0x3;
	[dreg:$0xb] =	wrdreg s18  }
0x13: {  	s10 =	sadd.s32 s8, s10;
	s17 =	sadd.s32 s20, s2;
	[dreg:$0x5] =	wrdreg s26  }
0x14: {  	s18 =	sadd.s32 s0, s22;
	[dreg:$0x6] =	wrdreg s10;
	s5 =	sadd.s32 $0x280, s5  }
0x15: {  	s26 =	sadd.s32 s4, s25;
	s25 =	simm.s32 $0x2800;
	s7 =	sadd.s32 s7, s5  }
0x16: {  	s5 =	sadd.s32 s8, s5;
	s8 =	simm.s32 $0x0;
	[dreg:$0x7] =	wrdreg s7  }
0x17: {  	[dreg:$0x8] =	wrdreg s5;
	s7 =	sshrl.u32 s19, $0x3;
	s19 =	sadd.s32 s23, s2  }
0x18: {  	s5 =	sadd.s32 $0x10000, s13;
	s16 =	sadd.s32 s0, s7;
	s7 =	sshrl.u32 s24, $0x3  }
0x19: {  	s4 =	sadd.s32 s4, s5;
	s23 =	sadd.s32 s5, s2;
	s5 =	simm.s32 $0x2700  }
0x1a: {  	s20 =	sadd.s32 s0, s7;
	s7 =	sshrl.u32 s26, $0x3;
	s4 =	sshrl.u32 s4, $0x3  }
0x1b: {  	s26 =	simm.s32 $0x3;
	s22 =	sadd.s32 s0, s7;
	s24 =	sadd.s32 s0, s4  }
0x1c: {  	s0 =	simm.s32 $0x2;
	s4 =	simm.s32 $0x1380;
	s7 =	simm.s32 $0x2780  }
.LBB2_1:
0x1d: {  	s9 =	rddreg [dreg:$0x4]  }
0x1e: {  	[tilespmem:s25], [sflag:$0x3] =	stream.linear.gather [hbm4b:s9+s3], $0x4000, $0x38;
	[tilespmem:$0x1E800] =	vst v63  }
0x1f: {  	_ =	swait.ge [sflag:s26], $0x4000  }
0x20: {  	[sflag:s26] =	ssyncset.done $0x0  }
0x21: {  	[sflag:s26] =	ssyncadd.s32 $0xFFFFC000  }
0x22: {  	[spmem:s6] =	stream.linear.scatter [tilespmem:s25], [sflag:$0x3], $0x4000, $0x38;
	[tilespmem:$0x1E800] =	vst v63  }
0x23: {  	_ =	swait.ge [sflag:s26], $0x4000  }
0x24: {  	[sflag:s26] =	ssyncset.done $0x0  }
0x25: {  	s10 =	rddreg [dreg:$0xa];
	[sflag:s26] =	ssyncadd.s32 $0xFFFFC000  }
0x26: {  	[spmem:s10] =	stream.linear.scatter [tilespmem:s25], [sflag:$0x3], $0x4000, $0x38;
	[tilespmem:$0x1E800] =	vst v63  }
0x27: {  	_ =	swait.ge [sflag:s26], $0x4000  }
0x28: {  	[sflag:s26] =	ssyncset.done $0x0  }
0x29: {  	s11 =	rddreg [dreg:$0xb];
	[sflag:s26] =	ssyncadd.s32 $0xFFFFC000  }
0x2a: {  	[spmem:s11] =	stream.linear.scatter [tilespmem:s25], [sflag:$0x3], $0x4000, $0x38;
	[tilespmem:$0x1E800] =	vst v63  }
0x2b: {  	_ =	swait.ge [sflag:s26], $0x4000  }
0x2c: {  	[sflag:s26] =	ssyncset.done $0x0  }
0x2d: {  	[sflag:s26] =	ssyncadd.s32 $0xFFFFC000  }
0x2e: {  	[spmem:s14] =	stream.linear.scatter [tilespmem:s25], [sflag:$0x3], $0x4000, $0x38;
	[tilespmem:$0x1E800] =	vst v63  }
0x2f: {  	_ =	swait.ge [sflag:s26], $0x4000  }
0x30: {  	[sflag:s26] =	ssyncset.done $0x0  }
0x31: {  	[sflag:s26] =	ssyncadd.s32 $0xFFFFC000  }
0x32: {  	[spmem:s15] =	stream.linear.scatter [tilespmem:s25], [sflag:$0x3], $0x4000, $0x38;
	[tilespmem:$0x1E800] =	vst v63  }
0x33: {  	_ =	swait.ge [sflag:s26], $0x4000  }
0x34: {  	[sflag:s26] =	ssyncset.done $0x0  }
0x35: {  	[sflag:s26] =	ssyncadd.s32 $0xFFFFC000  }
0x36: {  	[bflag:$0x0] =	sbarrier.arrive $0xFFFF  }
0x37: {  	s12 =	rddreg [dreg:$0x5]  }
0x38: {  	[tilespmem:s3], [sflag:$0x3] =	stream.linear.gather [hbm4b:s12+s3], $0x1400, $0x38;
	[tilespmem:$0x1E800] =	vst v63  }
0x39: {  	_ =	swait.ge [sflag:s26], $0x1400  }
0x3a: {  	[sflag:s26] =	ssyncset.done $0x0  }
0x3b: {  	s13 =	rddreg [dreg:$0x6];
	[sflag:s26] =	ssyncadd.s32 $0xFFFFEC00  }
0x3c: {  	[tilespmem:s28], [sflag:$0x3] =	stream.linear.gather [hbm4b:s13+s3], $0x1400, $0x38;
	[tilespmem:$0x1E800] =	vst v63  }
0x3d: {  	_ =	swait.ge [sflag:s26], $0x1400  }
0x3e: {  	[sflag:s26] =	ssyncset.done $0x0  }
0x3f: {  	[sflag:s26] =	ssyncadd.s32 $0xFFFFEC00  }
0x40: {  	[tilespmem:s25], [sflag:$0x1] =	stream.indirect.gather [hbm4b:s1+s29], $0x80, s3, s29, $0xb8;
	[tilespmem:$0x1E800] =	vst v63  }
0x41: {  	s10 =	simm.s32 $0x80  }
0x42: {  	[tilespmem:s30], [sflag:$0x2] =	stream.indirect.gather [hbm4b:s1+s29], $0x80, s10, s29, $0xb8;
	[tilespmem:$0x1E800] =	vst v63  }
0x43: {  	_ =	swait.ge [sflag:s31], $0x4000  }
0x44: {  	[sflag:s31] =	ssyncset.done $0x0  }
0x45: {  	s11 =	simm.s32 $0x1400;
	[sflag:s31] =	ssyncadd.s32 $0xFFFFC000  }
0x46: {  	[spmem:s2] =	stream.indirect.scatter.add.f32 [tilespmem:s25], [sflag:$0x3], $0x80, s11, s29, $0xb8;
	[tilespmem:$0x1E800] =	vst v63  }
0x47: {  	_ =	swait.ge [sflag:s26], $0x4000  }
0x48: {  	[sflag:s26] =	ssyncset.done $0x0  }
0x49: {  	s12 =	simm.s32 $0x100;
	[sflag:s26] =	ssyncadd.s32 $0xFFFFC000  }
0x4a: {  	[tilespmem:s25], [sflag:$0x1] =	stream.indirect.gather [hbm4b:s1+s29], $0x80, s12, s29, $0xb8;
	[tilespmem:$0x1E800] =	vst v63  }
0x4b: {  	_ =	swait.ge [sflag:s0], $0x4000  }
0x4c: {  	[sflag:s0] =	ssyncset.done $0x0  }
0x4d: {  	s13 =	simm.s32 $0x1480;
	[sflag:s0] =	ssyncadd.s32 $0xFFFFC000  }
0x4e: {  	[spmem:s2] =	stream.indirect.scatter.add.f32 [tilespmem:s30], [sflag:$0x3], $0x80, s13, s29, $0xb8;
	[tilespmem:$0x1E800] =	vst v63  }
0x4f: {  	_ =	swait.ge [sflag:s26], $0x4000  }
0x50: {  	s9 =	simm.s32 $0x100;
	s10 =	simm.s32 $0x800;
	[sflag:s26] =	ssyncset.done $0x0  }
.LBB2_2:
0x51: {  	s11 =	sadd.s32 $0x80, s9  }
0x52: {  	[sflag:s26] =	ssyncadd.s32 $0xFFFFC000;
	s12 =	smov.u32 s10;
	s13 =	sadd.s32 $0x400, s10  }
0x53: {  	[tilespmem:s30], [sflag:$0x2] =	stream.indirect.gather [hbm4b:s1+s29], $0x80, s11, s29, $0xb8;
	[tilespmem:$0x1E800] =	vst v63  }
0x54: {  	p0 =	sne.s32 s10, $0x4800;
	_ =	swait.ge [sflag:s31], $0x4000  }
0x55: {  	[sflag:s31] =	ssyncset.done $0x0  }
0x56: {  	s10 =	sadd.s32 $0x1400, s9;
	[sflag:s31] =	ssyncadd.s32 $0xFFFFC000  }
0x57: {  	[spmem:s2] =	stream.indirect.scatter.add.f32 [tilespmem:s25], [sflag:$0x3], $0x80, s10, s29, $0xb8;
	[tilespmem:$0x1E800] =	vst v63  }
0x58: {  	_ =	swait.ge [sflag:s26], $0x4000  }
0x59: {  	[sflag:s26] =	ssyncset.done $0x0  }
0x5a: {  	s10 =	sadd.s32 $0x100, s9;
	[sflag:s26] =	ssyncadd.s32 $0xFFFFC000  }
0x5b: {  	[tilespmem:s25], [sflag:$0x1] =	stream.indirect.gather [hbm4b:s1+s29], $0x80, s10, s29, $0xb8;
	[tilespmem:$0x1E800] =	vst v63  }
0x5c: {  	_ =	swait.ge [sflag:s0], $0x4000  }
.Ltmp0:
0x5d: {  	[sflag:s0] =	ssyncset.done $0x0;
	(pc) =	sbr.rel @p0 .LBB2_2-.Ltmp0, $4  }
0x5e: {  	s9 =	sadd.s32 $0x1480, s9;
	[sflag:s0] =	ssyncadd.s32 $0xFFFFC000  }
0x5f: {  	[spmem:s2] =	stream.indirect.scatter.add.f32 [tilespmem:s30], [sflag:$0x3], $0x80, s9, s29, $0xb8;
	[tilespmem:$0x1E800] =	vst v63  }
0x60: {  	_ =	swait.ge [sflag:s26], $0x4000  }
0x61: {  	s10 =	smov.u32 s13;
	s9 =	sshra.s32 s12, $0x2;
	[sflag:s26] =	ssyncset.done $0x0  }
0x62: {  	s10 =	sadd.s32 $0x80, s9;
	[sflag:s26] =	ssyncadd.s32 $0xFFFFC000  }
0x63: {  	[tilespmem:s30], [sflag:$0x2] =	stream.indirect.gather [hbm4b:s1+s29], $0x80, s10, s29, $0xb8;
	[tilespmem:$0x1E800] =	vst v63  }
0x64: {  	_ =	swait.ge [sflag:s31], $0x4000  }
0x65: {  	[sflag:s31] =	ssyncset.done $0x0  }
0x66: {  	s12 =	sadd.s32 $0x1400, s9;
	[sflag:s31] =	ssyncadd.s32 $0xFFFFC000  }
0x67: {  	[spmem:s2] =	stream.indirect.scatter.add.f32 [tilespmem:s25], [sflag:$0x3], $0x80, s12, s29, $0xb8;
	[tilespmem:$0x1E800] =	vst v63  }
0x68: {  	_ =	swait.ge [sflag:s26], $0x4000  }
0x69: {  	[sflag:s26] =	ssyncset.done $0x0  }
0x6a: {  	s13 =	sadd.s32 $0x100, s9;
	[sflag:s26] =	ssyncadd.s32 $0xFFFFC000  }
0x6b: {  	[tilespmem:s25], [sflag:$0x1] =	stream.indirect.gather [hbm4b:s1+s29], $0x80, s13, s29, $0xb8;
	[tilespmem:$0x1E800] =	vst v63  }
0x6c: {  	_ =	swait.ge [sflag:s0], $0x4000  }
0x6d: {  	[sflag:s0] =	ssyncset.done $0x0  }
0x6e: {  	s10 =	sadd.s32 $0x1480, s9;
	[sflag:s0] =	ssyncadd.s32 $0xFFFFC000  }
0x6f: {  	[spmem:s2] =	stream.indirect.scatter.add.f32 [tilespmem:s30], [sflag:$0x3], $0x80, s10, s29, $0xb8;
	[tilespmem:$0x1E800] =	vst v63  }
0x70: {  	_ =	swait.ge [sflag:s26], $0x4000  }
0x71: {  	[sflag:s26] =	ssyncset.done $0x0  }
0x72: {  	[sflag:s26] =	ssyncadd.s32 $0xFFFFC000  }
0x73: {  	[tilespmem:s30], [sflag:$0x2] =	stream.indirect.gather [hbm4b:s1+s29], $0x80, s4, s29, $0xb8;
	[tilespmem:$0x1E800] =	vst v63  }
0x74: {  	_ =	swait.ge [sflag:s31], $0x4000  }
0x75: {  	[sflag:s31] =	ssyncset.done $0x0  }
0x76: {  	[sflag:s31] =	ssyncadd.s32 $0xFFFFC000  }
0x77: {  	[spmem:s2] =	stream.indirect.scatter.add.f32 [tilespmem:s25], [sflag:$0x3], $0x80, s5, s29, $0xb8;
	[tilespmem:$0x1E800] =	vst v63  }
0x78: {  	_ =	swait.ge [sflag:s26], $0x4000  }
0x79: {  	[sflag:s26] =	ssyncset.done $0x0  }
0x7a: {  	[sflag:s26] =	ssyncadd.s32 $0xFFFFC000  }
0x7b: {  	_ =	swait.ge [sflag:s0], $0x4000  }
0x7c: {  	[sflag:s0] =	ssyncset.done $0x0  }
0x7d: {  	[sflag:s0] =	ssyncadd.s32 $0xFFFFC000  }
0x7e: {  	[spmem:s2] =	stream.indirect.scatter.add.f32 [tilespmem:s30], [sflag:$0x3], $0x80, s7, s29, $0xb8;
	[tilespmem:$0x1E800] =	vst v63  }
0x7f: {  	_ =	swait.ge [sflag:s26], $0x4000  }
0x80: {  	[sflag:s26] =	ssyncset.done $0x0  }
0x81: {  	s11 =	simm.s32 $0x0;
	s12 =	rddreg [dreg:$0x7];
	[sflag:s26] =	ssyncadd.s32 $0xFFFFC000  }
0x82: {  	[tilespmem:s11], [sflag:$0x3] =	stream.linear.gather [hbm4b:s12+s11], $0x1400, $0x38;
	[tilespmem:$0x1E800] =	vst v63  }
0x83: {  	_ =	swait.ge [sflag:s26], $0x1400  }
0x84: {  	[sflag:s26] =	ssyncset.done $0x0  }
0x85: {  	s13 =	rddreg [dreg:$0x8];
	[sflag:s26] =	ssyncadd.s32 $0xFFFFEC00  }
0x86: {  	[tilespmem:s28], [sflag:$0x3] =	stream.linear.gather [hbm4b:s13+s11], $0x1400, $0x38;
	[tilespmem:$0x1E800] =	vst v63  }
0x87: {  	_ =	swait.ge [sflag:s26], $0x1400  }
0x88: {  	[sflag:s26] =	ssyncset.done $0x0  }
0x89: {  	[sflag:s26] =	ssyncadd.s32 $0xFFFFEC00  }
0x8a: {  	[tilespmem:s25], [sflag:$0x1] =	stream.indirect.gather [hbm4b:s1+s29], $0x80, s11, s29, $0xb8;
	[tilespmem:$0x1E800] =	vst v63  }
0x8b: {  	s10 =	simm.s32 $0x80  }
0x8c: {  	[tilespmem:s30], [sflag:$0x2] =	stream.indirect.gather [hbm4b:s1+s29], $0x80, s10, s29, $0xb8;
	[tilespmem:$0x1E800] =	vst v63  }
0x8d: {  	_ =	swait.ge [sflag:s31], $0x4000  }
0x8e: {  	[sflag:s31] =	ssyncset.done $0x0  }
0x8f: {  	s11 =	simm.s32 $0x1400;
	[sflag:s31] =	ssyncadd.s32 $0xFFFFC000  }
0x90: {  	[spmem:s2] =	stream.indirect.scatter.add.f32 [tilespmem:s25], [sflag:$0x3], $0x80, s11, s29, $0xb8;
	[tilespmem:$0x1E800] =	vst v63  }
0x91: {  	_ =	swait.ge [sflag:s26], $0x4000  }
0x92: {  	[sflag:s26] =	ssyncset.done $0x0  }
0x93: {  	s12 =	simm.s32 $0x100;
	[sflag:s26] =	ssyncadd.s32 $0xFFFFC000  }
0x94: {  	[tilespmem:s25], [sflag:$0x1] =	stream.indirect.gather [hbm4b:s1+s29], $0x80, s12, s29, $0xb8;
	[tilespmem:$0x1E800] =	vst v63  }
0x95: {  	_ =	swait.ge [sflag:s0], $0x4000  }
0x96: {  	[sflag:s0] =	ssyncset.done $0x0  }
0x97: {  	s13 =	simm.s32 $0x1480;
	[sflag:s0] =	ssyncadd.s32 $0xFFFFC000  }
0x98: {  	[spmem:s2] =	stream.indirect.scatter.add.f32 [tilespmem:s30], [sflag:$0x3], $0x80, s13, s29, $0xb8;
	[tilespmem:$0x1E800] =	vst v63  }
0x99: {  	_ =	swait.ge [sflag:s26], $0x4000  }
0x9a: {  	s9 =	simm.s32 $0x100;
	s10 =	simm.s32 $0x800;
	[sflag:s26] =	ssyncset.done $0x0  }
.LBB2_4:
0x9b: {  	s11 =	sadd.s32 $0x80, s9  }
0x9c: {  	[sflag:s26] =	ssyncadd.s32 $0xFFFFC000;
	s12 =	smov.u32 s10;
	s13 =	sadd.s32 $0x400, s10  }
0x9d: {  	[tilespmem:s30], [sflag:$0x2] =	stream.indirect.gather [hbm4b:s1+s29], $0x80, s11, s29, $0xb8;
	[tilespmem:$0x1E800] =	vst v63  }
0x9e: {  	p0 =	sne.s32 s10, $0x4800;
	_ =	swait.ge [sflag:s31], $0x4000  }
0x9f: {  	[sflag:s31] =	ssyncset.done $0x0  }
0xa0: {  	s10 =	sadd.s32 $0x1400, s9;
	[sflag:s31] =	ssyncadd.s32 $0xFFFFC000  }
0xa1: {  	[spmem:s2] =	stream.indirect.scatter.add.f32 [tilespmem:s25], [sflag:$0x3], $0x80, s10, s29, $0xb8;
	[tilespmem:$0x1E800] =	vst v63  }
0xa2: {  	_ =	swait.ge [sflag:s26], $0x4000  }
0xa3: {  	[sflag:s26] =	ssyncset.done $0x0  }
0xa4: {  	s10 =	sadd.s32 $0x100, s9;
	[sflag:s26] =	ssyncadd.s32 $0xFFFFC000  }
0xa5: {  	[tilespmem:s25], [sflag:$0x1] =	stream.indirect.gather [hbm4b:s1+s29], $0x80, s10, s29, $0xb8;
	[tilespmem:$0x1E800] =	vst v63  }
0xa6: {  	_ =	swait.ge [sflag:s0], $0x4000  }
.Ltmp1:
0xa7: {  	[sflag:s0] =	ssyncset.done $0x0;
	(pc) =	sbr.rel @p0 .LBB2_4-.Ltmp1, $4  }
0xa8: {  	s9 =	sadd.s32 $0x1480, s9;
	[sflag:s0] =	ssyncadd.s32 $0xFFFFC000  }
0xa9: {  	[spmem:s2] =	stream.indirect.scatter.add.f32 [tilespmem:s30], [sflag:$0x3], $0x80, s9, s29, $0xb8;
	[tilespmem:$0x1E800] =	vst v63  }
0xaa: {  	_ =	swait.ge [sflag:s26], $0x4000  }
0xab: {  	s10 =	smov.u32 s13;
	s9 =	sshra.s32 s12, $0x2;
	[sflag:s26] =	ssyncset.done $0x0  }
0xac: {  	s10 =	sadd.s32 $0x80, s9;
	[sflag:s26] =	ssyncadd.s32 $0xFFFFC000  }
0xad: {  	[tilespmem:s30], [sflag:$0x2] =	stream.indirect.gather [hbm4b:s1+s29], $0x80, s10, s29, $0xb8;
	[tilespmem:$0x1E800] =	vst v63  }
0xae: {  	_ =	swait.ge [sflag:s31], $0x4000  }
0xaf: {  	[sflag:s31] =	ssyncset.done $0x0  }
0xb0: {  	s13 =	sadd.s32 $0x1400, s9;
	[sflag:s31] =	ssyncadd.s32 $0xFFFFC000  }
0xb1: {  	[spmem:s2] =	stream.indirect.scatter.add.f32 [tilespmem:s25], [sflag:$0x3], $0x80, s13, s29, $0xb8;
	[tilespmem:$0x1E800] =	vst v63  }
0xb2: {  	_ =	swait.ge [sflag:s26], $0x4000  }
0xb3: {  	[sflag:s26] =	ssyncset.done $0x0  }
0xb4: {  	s11 =	sadd.s32 $0x100, s9;
	[sflag:s26] =	ssyncadd.s32 $0xFFFFC000  }
0xb5: {  	[tilespmem:s25], [sflag:$0x1] =	stream.indirect.gather [hbm4b:s1+s29], $0x80, s11, s29, $0xb8;
	[tilespmem:$0x1E800] =	vst v63  }
0xb6: {  	_ =	swait.ge [sflag:s0], $0x4000  }
0xb7: {  	[sflag:s0] =	ssyncset.done $0x0  }
0xb8: {  	s12 =	sadd.s32 $0x1480, s9;
	[sflag:s0] =	ssyncadd.s32 $0xFFFFC000  }
0xb9: {  	[spmem:s2] =	stream.indirect.scatter.add.f32 [tilespmem:s30], [sflag:$0x3], $0x80, s12, s29, $0xb8;
	[tilespmem:$0x1E800] =	vst v63  }
0xba: {  	_ =	swait.ge [sflag:s26], $0x4000  }
0xbb: {  	[sflag:s26] =	ssyncset.done $0x0  }
0xbc: {  	[sflag:s26] =	ssyncadd.s32 $0xFFFFC000  }
0xbd: {  	[tilespmem:s30], [sflag:$0x2] =	stream.indirect.gather [hbm4b:s1+s29], $0x80, s4, s29, $0xb8;
	[tilespmem:$0x1E800] =	vst v63  }
0xbe: {  	_ =	swait.ge [sflag:s31], $0x4000  }
0xbf: {  	[sflag:s31] =	ssyncset.done $0x0  }
0xc0: {  	[sflag:s31] =	ssyncadd.s32 $0xFFFFC000  }
0xc1: {  	[spmem:s2] =	stream.indirect.scatter.add.f32 [tilespmem:s25], [sflag:$0x3], $0x80, s5, s29, $0xb8;
	[tilespmem:$0x1E800] =	vst v63  }
0xc2: {  	_ =	swait.ge [sflag:s26], $0x4000  }
0xc3: {  	[sflag:s26] =	ssyncset.done $0x0  }
0xc4: {  	[sflag:s26] =	ssyncadd.s32 $0xFFFFC000  }
0xc5: {  	_ =	swait.ge [sflag:s0], $0x4000  }
0xc6: {  	[sflag:s0] =	ssyncset.done $0x0  }
0xc7: {  	[sflag:s0] =	ssyncadd.s32 $0xFFFFC000  }
0xc8: {  	[spmem:s2] =	stream.indirect.scatter.add.f32 [tilespmem:s30], [sflag:$0x3], $0x80, s7, s29, $0xb8;
	[tilespmem:$0x1E800] =	vst v63  }
0xc9: {  	_ =	swait.ge [sflag:s26], $0x4000  }
0xca: {  	[sflag:s26] =	ssyncset.done $0x0  }
0xcb: {  	[sflag:s26] =	ssyncadd.s32 $0xFFFFC000  }
0xcc: {  	[bflag:$0x0] =	sbarrier.arrive $0xFFFF  }
0xcd: {  	[tilespmem:s25], [sflag:$0x3] =	stream.linear.gather [spmem:s6], $0x4000, $0x38;
	[tilespmem:$0x1E800] =	vst v63  }
0xce: {  	_ =	swait.ge [sflag:s26], $0x4000  }
0xcf: {  	[sflag:s26] =	ssyncset.done $0x0  }
0xd0: {  	[sflag:s26] =	ssyncadd.s32 $0xFFFFC000  }
0xd1: {  	[hbm4b:s16+s3] =	stream.linear.scatter [tilespmem:s25], [sflag:$0x3], $0x4000, $0x38;
	[tilespmem:$0x1E800] =	vst v63  }
0xd2: {  	_ =	swait.ge [sflag:s26], $0x4000  }
0xd3: {  	[sflag:s26] =	ssyncset.done $0x0  }
0xd4: {  	[sflag:s26] =	ssyncadd.s32 $0xFFFFC000  }
0xd5: {  	[tilespmem:s25], [sflag:$0x3] =	stream.linear.gather [spmem:s17], $0x4000, $0x38;
	[tilespmem:$0x1E800] =	vst v63  }
0xd6: {  	_ =	swait.ge [sflag:s26], $0x4000  }
0xd7: {  	[sflag:s26] =	ssyncset.done $0x0  }
0xd8: {  	[sflag:s26] =	ssyncadd.s32 $0xFFFFC000  }
0xd9: {  	[hbm4b:s18+s3] =	stream.linear.scatter [tilespmem:s25], [sflag:$0x3], $0x4000, $0x38;
	[tilespmem:$0x1E800] =	vst v63  }
0xda: {  	_ =	swait.ge [sflag:s26], $0x4000  }
0xdb: {  	[sflag:s26] =	ssyncset.done $0x0  }
0xdc: {  	[sflag:s26] =	ssyncadd.s32 $0xFFFFC000  }
0xdd: {  	[tilespmem:s25], [sflag:$0x3] =	stream.linear.gather [spmem:s19], $0x4000, $0x38;
	[tilespmem:$0x1E800] =	vst v63  }
0xde: {  	_ =	swait.ge [sflag:s26], $0x4000  }
0xdf: {  	[sflag:s26] =	ssyncset.done $0x0  }
0xe0: {  	[sflag:s26] =	ssyncadd.s32 $0xFFFFC000  }
0xe1: {  	[hbm4b:s20+s3] =	stream.linear.scatter [tilespmem:s25], [sflag:$0x3], $0x4000, $0x38;
	[tilespmem:$0x1E800] =	vst v63  }
0xe2: {  	_ =	swait.ge [sflag:s26], $0x4000  }
0xe3: {  	[sflag:s26] =	ssyncset.done $0x0  }
0xe4: {  	[sflag:s26] =	ssyncadd.s32 $0xFFFFC000  }
0xe5: {  	[tilespmem:s25], [sflag:$0x3] =	stream.linear.gather [spmem:s21], $0x4000, $0x38;
	[tilespmem:$0x1E800] =	vst v63  }
0xe6: {  	_ =	swait.ge [sflag:s26], $0x4000  }
0xe7: {  	[sflag:s26] =	ssyncset.done $0x0  }
0xe8: {  	[sflag:s26] =	ssyncadd.s32 $0xFFFFC000  }
0xe9: {  	[hbm4b:s22+s3] =	stream.linear.scatter [tilespmem:s25], [sflag:$0x3], $0x4000, $0x38;
	[tilespmem:$0x1E800] =	vst v63  }
0xea: {  	_ =	swait.ge [sflag:s26], $0x4000  }
0xeb: {  	[sflag:s26] =	ssyncset.done $0x0  }
0xec: {  	[sflag:s26] =	ssyncadd.s32 $0xFFFFC000  }
0xed: {  	[tilespmem:s25], [sflag:$0x3] =	stream.linear.gather [spmem:s23], $0x4000, $0x38;
	[tilespmem:$0x1E800] =	vst v63  }
0xee: {  	_ =	swait.ge [sflag:s26], $0x4000  }
0xef: {  	[sflag:s26] =	ssyncset.done $0x0  }
0xf0: {  	[sflag:s26] =	ssyncadd.s32 $0xFFFFC000  }
0xf1: {  	[hbm4b:s24+s3] =	stream.linear.scatter [tilespmem:s25], [sflag:$0x3], $0x4000, $0x38;
	[tilespmem:$0x1E800] =	vst v63  }
0xf2: {  	_ =	swait.ge [sflag:s26], $0x4000  }
0xf3: {  	s8 =	sadd.s32 $0x1, s8;
	s13 =	rddreg [dreg:$0x9]  }
0xf4: {  	p0 =	sne.s32 s8, s13  }
.Ltmp2:
0xf5: {  	_ = 	snop;
	(pc) =	sbr.rel @p0 .LBB2_1-.Ltmp2, $3  }
0xf6: {  	_ =	sdelay $0x1  }
0xf7: {  	[sflag:s26] =	ssyncset.done $0x0  }
0xf8: {  	[sflag:s26] =	ssyncadd.s32 $0xFFFFC000  }
0xf9: {  	_ =	sfence.sel $0x180000  }
0xfa: {  	[bflag:$0x0] =	sbarrier.arrive $0xFFFF  }
0xfb: {  	_ =	strace $0x9000004D  }
0xfc: {  	s0 =	stileid.u32;
	[bflag:$0x2] =	sbarrier.arrive $0xFFFF  }
0xfd: {  	p0 =	sne.s32 s0, $0x0;
	s0 =	rddreg [dreg:$0x3]  }
0xfe: {  	s0 =	sadd.s32 @!p0 $0x100000, s0  }
0xff: {  	[sflag:s0] =	ssyncadd.tile.s32 @!p0 $0x1;
	_ =	shalt  }
.Lfunc_end2:
_tile_overlayer_lowered:
.L_overlay_start_2:
0x100: {  	(tag) =	ssettag $0x2  }
0x101: {  	s0 =	rddreg [dreg:$0x0];
	s2 =	stileid.u32  }
0x102: {  	s1 =	rddreg [dreg:$0x1];
	p0 =	sne.s32 s2, $0x0  }
0x103: {  	s3 =	rddreg [dreg:$0x2];
	[bflag:$0x3] =	sbarrier.arrive $0xFFFF;
	s2 =	simm.s32 @!p0 $0x1C03  }
0x104: {  	[timem:s3], [sflag:s2] =	dma.local @!p0 [hbm:s0], s1  }
0x105: {  	s0 =	simm.s32 @!p0 $0x3  }
0x106: {  	_ =	swait.ge @!p0 [sflag:s0], s1  }
0x107: {  	s1 =	ssub.s32 @!p0 $0x0, s1;
	[sflag:s0] =	ssyncset.done @!p0 $0x0  }
0x108: {  	[sflag:s0] =	ssyncadd.s32 @!p0 s1  }
0x109: {  	[bflag:$0x3] =	sbarrier.arrive $0xFFFF  }
0x10a: {  	_ =	shalt  }

// kernel: kernel.21.cloned.1.call-start
scs
__scs_entry_jumppad:
0x0: {  	(pc) =	sbr.rel $0x88, $3  }
0x1: {  	(tag) =	ssettag $0x0;
	lr =	simm.s32 $0x1  }
0x2: {  	[smem:$0x3F98] =	sst lr;
	_ =	strace $0xD0000000  }
0x3: {  	_ = 	snop  }
0x4: {  	_ = 	snop  }
0x5: {  	_ = 	snop  }
0x6: {  	_ = 	snop  }
0x7: {  	_ = 	snop  }
__scs_overlays_trampoline_lowered:
0x8: {  	[smem:$0x3FA7] =	sst s0  }
0x9: {  	[smem:$0x3FA8] =	sst s1  }
0xa: {  	[smem:$0x3FA9] =	sst s2  }
0xb: {  	[smem:$0x3FAA] =	sst s3  }
0xc: {  	[smem:$0x3FAB] =	sst s4  }
0xd: {  	[smem:$0x3FAC] =	sst s5  }
0xe: {  	[smem:$0x3FAD] =	sst s6  }
0xf: {  	[smem:$0x3FAE] =	sst s7  }
0x10: {  	[smem:$0x3FAF] =	sst s8  }
0x11: {  	[smem:$0x3FB0] =	sst s9;
	s0 =	simm.s32 @!p0 $0x0  }
0x12: {  	s1 =	sld [smem:$0x3F96];
	s0 =	simm.s32 @p0 $0x1  }
0x13: {  	[smem:$0x3FB1] =	sst s0;
	s0 =	simm.s32 @!p1 $0x0  }
0x14: {  	s2 =	sld [smem:$0x3F95];
	s0 =	simm.s32 @p1 $0x1  }
0x15: {  	[smem:$0x3FB2] =	sst s0;
	s0 =	simm.s32 @!p2 $0x0  }
0x16: {  	s3 =	sld [smem:$0x3FDB];
	s0 =	simm.s32 @p2 $0x1  }
0x17: {  	s4 =	simm.s32 $0x1BF5;
	[smem:$0x3FB4] =	sst s0  }
0x18: {  	s0 =	sld [smem:$0x3F97];
	_ =	swait.ge [sflag:s4], $0x0  }
0x19: {  	s7 =	sld [smem:$0x3F98]  }
0x1a: {  	s8 =	sadd.s32 $0xFFFFE003, lr  }
0x1b: {  	s9 =	sadd.s32 $0xFFFFFEF7, lr;
	s5 =	simm.s32 $0xFFFFFFFF;
	p2 =	slt.u32 s8, $0xFFFFF086  }
0x1c: {  	p1 =	slt.u32 s9, $0xF7A;
	s5 =	simm.s32 @!p2 $0x0  }
0x1d: {  	s5 =	simm.s32 @p1 $0x1;
	p0 =	seq.s32 s7, s2  }
0x1e: {  	s7 =	smul.u32 @!p0 $0xF7A, s2;
	p2 =	seq.s32 @!p0 s5, $0x0  }
0x1f: {  	s9 =	smul.u32 $0xF7A, s1;
	s8 =	simm.s32 @!p0 $0x1BF5;
	p2 =	por !p2, p0  }
0x20: {  	[sflag:s8] =	ssyncset.s32 @!p0 $0xFFFFF086;
	s6 =	sadd.s32 @!p0 s3, s7;
	s7 =	simm.s32 @!p0 $0x108  }
0x21: {  	s3 =	sadd.s32 s3, s9;
	s6 =	sadd.s32 @!p0 $0x88, s6;
	s7 =	simm.s32 @p2 $0x1082  }
0x22: {  	[simem:s7], [sflag:s8] =	dma.local @!p0 [hbm:s6], $0xF7A  }
0x23: {  	s9 =	sor.u32 $0xD0000000, s2;
	s6 =	simm.s32 $0x108;
	_ =	swait.ge @!p0 [sflag:s8], $0x0  }
0x24: {  	s3 =	sadd.s32 $0x88, s3;
	s6 =	simm.s32 @!p1 $0x1082;
	[sflag:s4] =	ssyncset.s32 $0xFFFFF086  }
0x25: {  	[simem:s6], [sflag:s4] =	dma.local [hbm:s3], $0xF7A  }
0x26: {  	[smem:$0x3F98] =	sst s1;
	(tag) =	ssettag s2;
	_ =	strace s9  }
0x27: {  	s1 =	sld [smem:$0x3FA8]  }
0x28: {  	s2 =	sld [smem:$0x3FA9]  }
0x29: {  	s4 =	sld [smem:$0x3FAB]  }
0x2a: {  	p0 =	seq.s32 s5, $0x0;
	s5 =	sld [smem:$0x3FAC]  }
0x2b: {  	s6 =	sld [smem:$0x3FAD]  }
0x2c: {  	s7 =	sld [smem:$0x3FAE]  }
0x2d: {  	s3 =	simm.s32 $0x108;
	s8 =	sld [smem:$0x3FAF]  }
0x2e: {  	s3 =	simm.s32 @!p0 $0x1082;
	s9 =	sld [smem:$0x3FB0]  }
0x2f: {  	lr =	sadd.s32 s0, s3;
	s0 =	sld [smem:$0x3FA7]  }
0x30: {  	s3 =	sld [smem:$0x3FAA]  }
0x31: {  	[smem:$0x3FB3] =	sst s10  }
0x32: {  	s10 =	sld [smem:$0x3FB1];
	_ =	sdelay $0x3  }
0x33: {  	p0 =	seq.s32 s10, $0x1;
	s10 =	sld [smem:$0x3FB3];
	_ =	sdelay $0x3  }
0x34: {  	[smem:$0x3FB3] =	sst s10  }
0x35: {  	s10 =	sld [smem:$0x3FB2];
	_ =	sdelay $0x3  }
0x36: {  	p1 =	seq.s32 s10, $0x1;
	s10 =	sld [smem:$0x3FB3];
	_ =	sdelay $0x3  }
0x37: {  	[smem:$0x3FB3] =	sst s10  }
0x38: {  	s10 =	sld [smem:$0x3FB4]  }
0x39: {  	_ = 	snop;
	(pc) =	sbr.ind lr, $3  }
0x3a: {  	_ = 	snop  }
0x3b: {  	_ = 	snop  }
0x3c: {  	p2 =	seq.s32 s10, $0x1;
	s10 =	sld [smem:$0x3FB3]  }
0x3d: {  	_ =	shalt  }
0x3e: {  	_ =	shalt  }
0x3f: {  	_ =	shalt  }
0x40: {  	_ =	shalt  }
0x41: {  	_ =	shalt  }
0x42: {  	_ =	shalt  }
0x43: {  	_ =	shalt  }
0x44: {  	_ =	shalt  }
0x45: {  	_ =	shalt  }
0x46: {  	_ =	shalt  }
0x47: {  	_ =	shalt  }
0x48: {  	_ =	shalt  }
0x49: {  	_ =	shalt  }
0x4a: {  	_ =	shalt  }
0x4b: {  	_ =	shalt  }
0x4c: {  	_ =	shalt  }
0x4d: {  	_ =	shalt  }
0x4e: {  	_ =	shalt  }
0x4f: {  	_ =	shalt  }
0x50: {  	_ =	shalt  }
0x51: {  	_ =	shalt  }
0x52: {  	_ =	shalt  }
0x53: {  	_ =	shalt  }
0x54: {  	_ =	shalt  }
0x55: {  	_ =	shalt  }
0x56: {  	_ =	shalt  }
0x57: {  	_ =	shalt  }
0x58: {  	_ =	shalt  }
0x59: {  	_ =	shalt  }
0x5a: {  	_ =	shalt  }
0x5b: {  	_ =	shalt  }
0x5c: {  	_ =	shalt  }
0x5d: {  	_ =	shalt  }
0x5e: {  	_ =	shalt  }
0x5f: {  	_ =	shalt  }
0x60: {  	_ =	shalt  }
0x61: {  	_ =	shalt  }
0x62: {  	_ =	shalt  }
0x63: {  	_ =	shalt  }
0x64: {  	_ =	shalt  }
0x65: {  	_ =	shalt  }
0x66: {  	_ =	shalt  }
0x67: {  	_ =	shalt  }
0x68: {  	_ =	shalt  }
0x69: {  	_ =	shalt  }
0x6a: {  	_ =	shalt  }
0x6b: {  	_ =	shalt  }
0x6c: {  	_ =	shalt  }
0x6d: {  	_ =	shalt  }
0x6e: {  	_ =	shalt  }
0x6f: {  	_ =	shalt  }
0x70: {  	_ =	shalt  }
0x71: {  	_ =	shalt  }
0x72: {  	_ =	shalt  }
0x73: {  	_ =	shalt  }
0x74: {  	_ =	shalt  }
0x75: {  	_ =	shalt  }
0x76: {  	_ =	shalt  }
0x77: {  	_ =	shalt  }
0x78: {  	_ =	shalt  }
0x79: {  	_ =	shalt  }
0x7a: {  	_ =	shalt  }
0x7b: {  	_ =	shalt  }
0x7c: {  	_ =	shalt  }
0x7d: {  	_ =	shalt  }
0x7e: {  	_ =	shalt  }
0x7f: {  	_ =	shalt  }
0x80: {  	_ =	shalt  }
0x81: {  	_ =	shalt  }
0x82: {  	_ =	shalt  }
0x83: {  	_ =	shalt  }
0x84: {  	_ =	shalt  }
0x85: {  	_ =	shalt  }
0x86: {  	_ =	shalt  }
0x87: {  	_ =	shalt  }
.Lfunc_end0:
.L_simem_size_0:
called_computation.3_lowered:
.L_overlay_start_0:
0x88: {  	s2 =	sld [smem:$0x3FD9]  }
0x89: {  	s3 =	sld [smem:$0x3FFE];
	_ =	sdelay $0x1  }
0x8a: {  	s1 =	srdreg.scid  }
0x8b: {  	s0 =	sand.u32 $0x1, s1  }
0x8c: {  	s17 =	sshll.u32 s0, $0xA;
	s2 =	sadd.s32 s3, s2  }
0x8d: {  	s2 =	sadd.s32 s2, s17  }
0x8e: {  	[smem:$0x3FBF] =	sst s2  }
0x8f: {  	_ = 	snop  }
0x90: {  	s2 =	sld [smem:$0x3FD0];
	(tm) =	ssettm $0x1  }
0x91: {  	s18 =	sld [smem:$0x3FFB];
	_ =	sdelay $0x3  }
0x92: {  	_ =	strace s18  }
0x93: {  	s3 =	sld [smem:$0x3FFC];
	_ =	sdelay $0x3  }
0x94: {  	_ =	strace s3  }
0x95: {  	s3 =	sld [smem:$0x3FFD];
	_ =	sdelay $0x3  }
0x96: {  	_ =	strace s3  }
0x97: {  	_ =	strace $0x8FFFFFFF  }
0x98: {  	s19 =	sld [smem:$0x3FDB];
	_ =	sdelay $0x1  }
0x99: {  	s4 =	simm.s32 $_scs_section_size  }
0x9a: {  	s5 =	simm.s32 $_size__tile_overlayer_lowered;
	s6 =	simm.s32 $_tile_overlayer_lowered  }
0x9b: {  	s22 =	simm.s32 $0x1BFF;
	s21 =	sshll.u32 s6, $0x1;
	s3 =	sadd.s32 s4, s19  }
0x9c: {  	s7 =	simm.s32 $0x0;
	s20 =	sshll.u32 s5, $0x1;
	s5 =	sadd.s32 s21, s3  }
0x9d: {  	[timem:s7], [sflag:s22] =	dma.local [hbm:s5], s20  }
0x9e: {  	_ =	swait.ge [sflag:s22], s20  }
0x9f: {  	s4 =	ssub.s32 $0x0, s20;
	[sflag:s22] =	ssyncset.done $0x0  }
0xa0: {  	[sflag:s22] =	ssyncadd.s32 s4;
	_ =	sdelay $0x1  }
0xa1: {  	s23 =	simm.s32 $0x1B8B  }
0xa2: {  	_ =	swait.ge [sflag:s23], $0x1  }
0xa3: {  	[sflag:s23] =	ssyncset.done $0x0  }
0xa4: {  	s25 =	simm.s32 $0x1B8E;
	s24 =	sld [smem:$0x3FFE];
	[sflag:s23] =	ssyncadd.s32 $0xFFFFFFFF  }
0xa5: {  	s26 =	simm.s32 $execute0_lowered;
	[smem:$0x3FD2] =	sst s25  }
0xa6: {  	s5 =	sshll.u32 s26, $0x1;
	_ =	strace $0x8000004F;
	[dreg:$0x1] =	wrdreg $0xFFFFFFFF  }
0xa7: {  	s28 =	simm.s32 $_size_execute0_lowered;
	s3 =	sadd.s32 s3, s5;
	[dreg:$0x0] =	wrdreg $0x0  }
0xa8: {  	s5 =	sshll.u32 s28, $0x1;
	[dreg:$0x2] =	wrdreg s3  }
0xa9: {  	[dreg:$0x3] =	wrdreg s5  }
0xaa: {  	[dreg:$0x4] =	wrdreg $0xC0  }
0xab: {  	_ =	task [dreg:s7], $0x5FFFF  }
0xac: {  	[dreg:$0x1] =	wrdreg $0xFFFFFFFF  }
0xad: {  	[dreg:$0x0] =	wrdreg $0x60  }
0xae: {  	[dreg:$0x2] =	wrdreg s2  }
0xaf: {  	[dreg:$0x3] =	wrdreg s24  }
0xb0: {  	[dreg:$0x4] =	wrdreg $0xA8000  }
0xb1: {  	[dreg:$0x5] =	wrdreg $0x9  }
0xb2: {  	_ =	task.clear_ibuf [dreg:s7], $0x6FFFF;
	_ =	strace $0x9000004F  }
0xb3: {  	s29 =	simm.s32 $0x9;
	_ =	strace $0x80000051  }
0xb4: {  	_ =	swait.ge [sflag:s29], $0x1  }
0xb5: {  	[sflag:s29] =	ssyncadd.s32 $0xFFFFFFFF  }
0xb6: {  	_ =	strace $0x90000051  }
0xb7: {  	_ =	sfence  }
0xb8: {  	s30 =	sld [smem:$0x0];
	_ =	sdelay $0x2  }
0xb9: {  	s31 =	sshll.u32 s1, $0xD;
	s1 =	sshrl.u32 s1, $0x2  }
0xba: {  	s3 =	sand.u32 $0x4000, s31;
	s1 =	sadd.s32 s1, s30  }
0xbb: {  	s0 =	sor.u32 s3, s0;
	s1 =	sshll.u32 s1, $0x11  }
0xbc: {  	s0 =	sor.u32 s1, s0  }
0xbd: {  	s0 =	sadd.s32 $0x8F2B, s0  }
0xbe: {  	[sflag:s0] =	ssyncadd.remote.s32 $0x1  }
0xbf: {  	_ =	sfence.sel $0xFFFF  }
0xc0: {  	[dreg:$0x0] =	wrdreg $0xFFFFFFFF;
	(pc) =	sbr.abs _section_cstart, $3  }
0xc1: {  	[dreg:$0x1] =	wrdreg $0xFFFFFFFF  }
0xc2: {  	_ =	task.clear_ibuf [dreg:s7], $0x2FFFF;
	_ =	strace $0x9FFFFFFF  }
0xc3: {  	(tm) =	ssettm $0x7FFFFFFF  }
tec
execute0_lowered:
.L_overlay_start_1:
0x0: {  	(tag) =	ssettag $0x1  }
0x1: {  	s1 =	rddreg [dreg:$0x0]  }
0x2: {  	s0 =	rddreg [dreg:$0x1]  }
0x3: {  	s2 =	rddreg [dreg:$0x2]  }
0x4: {  	s3 =	simm.s32 $0x0;
	s4 =	srdreg.scid;
	s12 =	stileid.u32  }
0x5: {  	s28 =	simm.s32 $0x1400;
	s29 =	simm.s32 $0x80;
	s30 =	simm.s32 $0x6800  }
0x6: {  	s31 =	simm.s32 $0x1;
	[smem:$0x7FF] =	sst s3;
	s4 =	sand.u32 $0x1, s4  }
0x7: {  	s7 =	sadd.s32 $0x4400, s0;
	s6 =	smul.u32 $0x50000, s12;
	s8 =	sadd.s32 $0xE400, s0  }
0x8: {  	s11 =	sadd.s32 $0x68400, s0;
	s0 =	sadd.s32 $0x68C00, s0;
	s13 =	smul.u32 $0x14000, s12  }
0x9: {  	_ =	strace $0x80000050;
	s5 =	sshll.u32 s4, $0x4;
	s9 =	ssub.s32 $0x2, s4  }
0xa: {  	[dreg:$0x4] =	wrdreg s11;
	s4 =	smul.u32 $0x140000, s4;
	s5 =	sor.u32 s12, s5  }
0xb: {  	s25 =	sshrl.u32 s9, $0x1;
	s6 =	sshrl.u32 s6, $0x2;
	s10 =	smul.u32 $0x500, s5  }
0xc: {  	s20 =	sadd.s32 $0x4000, s13;
	s23 =	sadd.s32 $0x8000, s13;
	s5 =	smul.u32 $0x2800, s5  }
0xd: {  	s9 =	ssub.s32 s9, s25;
	s6 =	sadd.s32 s6, s2;
	s19 =	sadd.s32 s4, s13  }
0xe: {  	s21 =	sadd.s32 s4, s20;
	s24 =	sadd.s32 s4, s23;
	s25 =	sadd.s32 $0xC000, s13  }
0xf: {  	s16 =	smax.u32 s9, $0x1;
	s17 =	sadd.s32 $0x4000, s6;
	s18 =	sadd.s32 $0x8000, s6  }
0x10: {  	s14 =	sadd.s32 $0xC000, s6;
	s15 =	sadd.s32 $0x10000, s6;
	[dreg:$0x9] =	wrdreg s16  }
0x11: {  	s22 =	sshrl.u32 s21, $0x3;
	s21 =	sadd.s32 s25, s2;
	[dreg:$0xa] =	wrdreg s17  }
0x12: {  	s26 =	sadd.s32 s7, s10;
	s5 =	sshrl.u32 s5, $0x3;
	[dreg:$0xb] =	wrdreg s18  }
0x13: {  	s10 =	sadd.s32 s8, s10;
	s17 =	sadd.s32 s20, s2;
	[dreg:$0x5] =	wrdreg s26  }
0x14: {  	s18 =	sadd.s32 s0, s22;
	[dreg:$0x6] =	wrdreg s10;
	s5 =	sadd.s32 $0x280, s5  }
0x15: {  	s26 =	sadd.s32 s4, s25;
	s25 =	simm.s32 $0x2800;
	s7 =	sadd.s32 s7, s5  }
0x16: {  	s5 =	sadd.s32 s8, s5;
	s8 =	simm.s32 $0x0;
	[dreg:$0x7] =	wrdreg s7  }
0x17: {  	[dreg:$0x8] =	wrdreg s5;
	s7 =	sshrl.u32 s19, $0x3;
	s19 =	sadd.s32 s23, s2  }
0x18: {  	s5 =	sadd.s32 $0x10000, s13;
	s16 =	sadd.s32 s0, s7;
	s7 =	sshrl.u32 s24, $0x3  }
0x19: {  	s4 =	sadd.s32 s4, s5;
	s23 =	sadd.s32 s5, s2;
	s5 =	simm.s32 $0x2700  }
0x1a: {  	s20 =	sadd.s32 s0, s7;
	s7 =	sshrl.u32 s26, $0x3;
	s4 =	sshrl.u32 s4, $0x3  }
0x1b: {  	s26 =	simm.s32 $0x3;
	s22 =	sadd.s32 s0, s7;
	s24 =	sadd.s32 s0, s4  }
0x1c: {  	s0 =	simm.s32 $0x2;
	s4 =	simm.s32 $0x1380;
	s7 =	simm.s32 $0x2780  }
.LBB2_1:
0x1d: {  	s9 =	rddreg [dreg:$0x4]  }
0x1e: {  	[tilespmem:s25], [sflag:$0x3] =	stream.linear.gather [hbm4b:s9+s3], $0x4000, $0x38;
	[tilespmem:$0x1E800] =	vst v63  }
0x1f: {  	_ =	swait.ge [sflag:s26], $0x4000  }
0x20: {  	[sflag:s26] =	ssyncset.done $0x0  }
0x21: {  	[sflag:s26] =	ssyncadd.s32 $0xFFFFC000  }
0x22: {  	[spmem:s6] =	stream.linear.scatter [tilespmem:s25], [sflag:$0x3], $0x4000, $0x38;
	[tilespmem:$0x1E800] =	vst v63  }
0x23: {  	_ =	swait.ge [sflag:s26], $0x4000  }
0x24: {  	[sflag:s26] =	ssyncset.done $0x0  }
0x25: {  	s10 =	rddreg [dreg:$0xa];
	[sflag:s26] =	ssyncadd.s32 $0xFFFFC000  }
0x26: {  	[spmem:s10] =	stream.linear.scatter [tilespmem:s25], [sflag:$0x3], $0x4000, $0x38;
	[tilespmem:$0x1E800] =	vst v63  }
0x27: {  	_ =	swait.ge [sflag:s26], $0x4000  }
0x28: {  	[sflag:s26] =	ssyncset.done $0x0  }
0x29: {  	s11 =	rddreg [dreg:$0xb];
	[sflag:s26] =	ssyncadd.s32 $0xFFFFC000  }
0x2a: {  	[spmem:s11] =	stream.linear.scatter [tilespmem:s25], [sflag:$0x3], $0x4000, $0x38;
	[tilespmem:$0x1E800] =	vst v63  }
0x2b: {  	_ =	swait.ge [sflag:s26], $0x4000  }
0x2c: {  	[sflag:s26] =	ssyncset.done $0x0  }
0x2d: {  	[sflag:s26] =	ssyncadd.s32 $0xFFFFC000  }
0x2e: {  	[spmem:s14] =	stream.linear.scatter [tilespmem:s25], [sflag:$0x3], $0x4000, $0x38;
	[tilespmem:$0x1E800] =	vst v63  }
0x2f: {  	_ =	swait.ge [sflag:s26], $0x4000  }
0x30: {  	[sflag:s26] =	ssyncset.done $0x0  }
0x31: {  	[sflag:s26] =	ssyncadd.s32 $0xFFFFC000  }
0x32: {  	[spmem:s15] =	stream.linear.scatter [tilespmem:s25], [sflag:$0x3], $0x4000, $0x38;
	[tilespmem:$0x1E800] =	vst v63  }
0x33: {  	_ =	swait.ge [sflag:s26], $0x4000  }
0x34: {  	[sflag:s26] =	ssyncset.done $0x0  }
0x35: {  	[sflag:s26] =	ssyncadd.s32 $0xFFFFC000  }
0x36: {  	[bflag:$0x0] =	sbarrier.arrive $0xFFFF  }
0x37: {  	s12 =	rddreg [dreg:$0x5]  }
0x38: {  	[tilespmem:s3], [sflag:$0x3] =	stream.linear.gather [hbm4b:s12+s3], $0x1400, $0x38;
	[tilespmem:$0x1E800] =	vst v63  }
0x39: {  	_ =	swait.ge [sflag:s26], $0x1400  }
0x3a: {  	[sflag:s26] =	ssyncset.done $0x0  }
0x3b: {  	s13 =	rddreg [dreg:$0x6];
	[sflag:s26] =	ssyncadd.s32 $0xFFFFEC00  }
0x3c: {  	[tilespmem:s28], [sflag:$0x3] =	stream.linear.gather [hbm4b:s13+s3], $0x1400, $0x38;
	[tilespmem:$0x1E800] =	vst v63  }
0x3d: {  	_ =	swait.ge [sflag:s26], $0x1400  }
0x3e: {  	[sflag:s26] =	ssyncset.done $0x0  }
0x3f: {  	[sflag:s26] =	ssyncadd.s32 $0xFFFFEC00  }
0x40: {  	[tilespmem:s25], [sflag:$0x1] =	stream.indirect.gather [hbm4b:s1+s29], $0x80, s3, s29, $0xb8;
	[tilespmem:$0x1E800] =	vst v63  }
0x41: {  	s10 =	simm.s32 $0x80  }
0x42: {  	[tilespmem:s30], [sflag:$0x2] =	stream.indirect.gather [hbm4b:s1+s29], $0x80, s10, s29, $0xb8;
	[tilespmem:$0x1E800] =	vst v63  }
0x43: {  	_ =	swait.ge [sflag:s31], $0x4000  }
0x44: {  	[sflag:s31] =	ssyncset.done $0x0  }
0x45: {  	s11 =	simm.s32 $0x1400;
	[sflag:s31] =	ssyncadd.s32 $0xFFFFC000  }
0x46: {  	[spmem:s2] =	stream.indirect.scatter.add.f32 [tilespmem:s25], [sflag:$0x3], $0x80, s11, s29, $0xb8;
	[tilespmem:$0x1E800] =	vst v63  }
0x47: {  	_ =	swait.ge [sflag:s26], $0x4000  }
0x48: {  	[sflag:s26] =	ssyncset.done $0x0  }
0x49: {  	s12 =	simm.s32 $0x100;
	[sflag:s26] =	ssyncadd.s32 $0xFFFFC000  }
0x4a: {  	[tilespmem:s25], [sflag:$0x1] =	stream.indirect.gather [hbm4b:s1+s29], $0x80, s12, s29, $0xb8;
	[tilespmem:$0x1E800] =	vst v63  }
0x4b: {  	_ =	swait.ge [sflag:s0], $0x4000  }
0x4c: {  	[sflag:s0] =	ssyncset.done $0x0  }
0x4d: {  	s13 =	simm.s32 $0x1480;
	[sflag:s0] =	ssyncadd.s32 $0xFFFFC000  }
0x4e: {  	[spmem:s2] =	stream.indirect.scatter.add.f32 [tilespmem:s30], [sflag:$0x3], $0x80, s13, s29, $0xb8;
	[tilespmem:$0x1E800] =	vst v63  }
0x4f: {  	_ =	swait.ge [sflag:s26], $0x4000  }
0x50: {  	s9 =	simm.s32 $0x100;
	s10 =	simm.s32 $0x800;
	[sflag:s26] =	ssyncset.done $0x0  }
.LBB2_2:
0x51: {  	s11 =	sadd.s32 $0x80, s9  }
0x52: {  	[sflag:s26] =	ssyncadd.s32 $0xFFFFC000;
	s12 =	smov.u32 s10;
	s13 =	sadd.s32 $0x400, s10  }
0x53: {  	[tilespmem:s30], [sflag:$0x2] =	stream.indirect.gather [hbm4b:s1+s29], $0x80, s11, s29, $0xb8;
	[tilespmem:$0x1E800] =	vst v63  }
0x54: {  	p0 =	sne.s32 s10, $0x4800;
	_ =	swait.ge [sflag:s31], $0x4000  }
0x55: {  	[sflag:s31] =	ssyncset.done $0x0  }
0x56: {  	s10 =	sadd.s32 $0x1400, s9;
	[sflag:s31] =	ssyncadd.s32 $0xFFFFC000  }
0x57: {  	[spmem:s2] =	stream.indirect.scatter.add.f32 [tilespmem:s25], [sflag:$0x3], $0x80, s10, s29, $0xb8;
	[tilespmem:$0x1E800] =	vst v63  }
0x58: {  	_ =	swait.ge [sflag:s26], $0x4000  }
0x59: {  	[sflag:s26] =	ssyncset.done $0x0  }
0x5a: {  	s10 =	sadd.s32 $0x100, s9;
	[sflag:s26] =	ssyncadd.s32 $0xFFFFC000  }
0x5b: {  	[tilespmem:s25], [sflag:$0x1] =	stream.indirect.gather [hbm4b:s1+s29], $0x80, s10, s29, $0xb8;
	[tilespmem:$0x1E800] =	vst v63  }
0x5c: {  	_ =	swait.ge [sflag:s0], $0x4000  }
.Ltmp0:
0x5d: {  	[sflag:s0] =	ssyncset.done $0x0;
	(pc) =	sbr.rel @p0 .LBB2_2-.Ltmp0, $4  }
0x5e: {  	s9 =	sadd.s32 $0x1480, s9;
	[sflag:s0] =	ssyncadd.s32 $0xFFFFC000  }
0x5f: {  	[spmem:s2] =	stream.indirect.scatter.add.f32 [tilespmem:s30], [sflag:$0x3], $0x80, s9, s29, $0xb8;
	[tilespmem:$0x1E800] =	vst v63  }
0x60: {  	_ =	swait.ge [sflag:s26], $0x4000  }
0x61: {  	s10 =	smov.u32 s13;
	s9 =	sshra.s32 s12, $0x2;
	[sflag:s26] =	ssyncset.done $0x0  }
0x62: {  	s10 =	sadd.s32 $0x80, s9;
	[sflag:s26] =	ssyncadd.s32 $0xFFFFC000  }
0x63: {  	[tilespmem:s30], [sflag:$0x2] =	stream.indirect.gather [hbm4b:s1+s29], $0x80, s10, s29, $0xb8;
	[tilespmem:$0x1E800] =	vst v63  }
0x64: {  	_ =	swait.ge [sflag:s31], $0x4000  }
0x65: {  	[sflag:s31] =	ssyncset.done $0x0  }
0x66: {  	s12 =	sadd.s32 $0x1400, s9;
	[sflag:s31] =	ssyncadd.s32 $0xFFFFC000  }
0x67: {  	[spmem:s2] =	stream.indirect.scatter.add.f32 [tilespmem:s25], [sflag:$0x3], $0x80, s12, s29, $0xb8;
	[tilespmem:$0x1E800] =	vst v63  }
0x68: {  	_ =	swait.ge [sflag:s26], $0x4000  }
0x69: {  	[sflag:s26] =	ssyncset.done $0x0  }
0x6a: {  	s13 =	sadd.s32 $0x100, s9;
	[sflag:s26] =	ssyncadd.s32 $0xFFFFC000  }
0x6b: {  	[tilespmem:s25], [sflag:$0x1] =	stream.indirect.gather [hbm4b:s1+s29], $0x80, s13, s29, $0xb8;
	[tilespmem:$0x1E800] =	vst v63  }
0x6c: {  	_ =	swait.ge [sflag:s0], $0x4000  }
0x6d: {  	[sflag:s0] =	ssyncset.done $0x0  }
0x6e: {  	s10 =	sadd.s32 $0x1480, s9;
	[sflag:s0] =	ssyncadd.s32 $0xFFFFC000  }
0x6f: {  	[spmem:s2] =	stream.indirect.scatter.add.f32 [tilespmem:s30], [sflag:$0x3], $0x80, s10, s29, $0xb8;
	[tilespmem:$0x1E800] =	vst v63  }
0x70: {  	_ =	swait.ge [sflag:s26], $0x4000  }
0x71: {  	[sflag:s26] =	ssyncset.done $0x0  }
0x72: {  	[sflag:s26] =	ssyncadd.s32 $0xFFFFC000  }
0x73: {  	[tilespmem:s30], [sflag:$0x2] =	stream.indirect.gather [hbm4b:s1+s29], $0x80, s4, s29, $0xb8;
	[tilespmem:$0x1E800] =	vst v63  }
0x74: {  	_ =	swait.ge [sflag:s31], $0x4000  }
0x75: {  	[sflag:s31] =	ssyncset.done $0x0  }
0x76: {  	[sflag:s31] =	ssyncadd.s32 $0xFFFFC000  }
0x77: {  	[spmem:s2] =	stream.indirect.scatter.add.f32 [tilespmem:s25], [sflag:$0x3], $0x80, s5, s29, $0xb8;
	[tilespmem:$0x1E800] =	vst v63  }
0x78: {  	_ =	swait.ge [sflag:s26], $0x4000  }
0x79: {  	[sflag:s26] =	ssyncset.done $0x0  }
0x7a: {  	[sflag:s26] =	ssyncadd.s32 $0xFFFFC000  }
0x7b: {  	_ =	swait.ge [sflag:s0], $0x4000  }
0x7c: {  	[sflag:s0] =	ssyncset.done $0x0  }
0x7d: {  	[sflag:s0] =	ssyncadd.s32 $0xFFFFC000  }
0x7e: {  	[spmem:s2] =	stream.indirect.scatter.add.f32 [tilespmem:s30], [sflag:$0x3], $0x80, s7, s29, $0xb8;
	[tilespmem:$0x1E800] =	vst v63  }
0x7f: {  	_ =	swait.ge [sflag:s26], $0x4000  }
0x80: {  	[sflag:s26] =	ssyncset.done $0x0  }
0x81: {  	s11 =	simm.s32 $0x0;
	s12 =	rddreg [dreg:$0x7];
	[sflag:s26] =	ssyncadd.s32 $0xFFFFC000  }
0x82: {  	[tilespmem:s11], [sflag:$0x3] =	stream.linear.gather [hbm4b:s12+s11], $0x1400, $0x38;
	[tilespmem:$0x1E800] =	vst v63  }
0x83: {  	_ =	swait.ge [sflag:s26], $0x1400  }
0x84: {  	[sflag:s26] =	ssyncset.done $0x0  }
0x85: {  	s13 =	rddreg [dreg:$0x8];
	[sflag:s26] =	ssyncadd.s32 $0xFFFFEC00  }
0x86: {  	[tilespmem:s28], [sflag:$0x3] =	stream.linear.gather [hbm4b:s13+s11], $0x1400, $0x38;
	[tilespmem:$0x1E800] =	vst v63  }
0x87: {  	_ =	swait.ge [sflag:s26], $0x1400  }
0x88: {  	[sflag:s26] =	ssyncset.done $0x0  }
0x89: {  	[sflag:s26] =	ssyncadd.s32 $0xFFFFEC00  }
0x8a: {  	[tilespmem:s25], [sflag:$0x1] =	stream.indirect.gather [hbm4b:s1+s29], $0x80, s11, s29, $0xb8;
	[tilespmem:$0x1E800] =	vst v63  }
0x8b: {  	s10 =	simm.s32 $0x80  }
0x8c: {  	[tilespmem:s30], [sflag:$0x2] =	stream.indirect.gather [hbm4b:s1+s29], $0x80, s10, s29, $0xb8;
	[tilespmem:$0x1E800] =	vst v63  }
0x8d: {  	_ =	swait.ge [sflag:s31], $0x4000  }
0x8e: {  	[sflag:s31] =	ssyncset.done $0x0  }
0x8f: {  	s11 =	simm.s32 $0x1400;
	[sflag:s31] =	ssyncadd.s32 $0xFFFFC000  }
0x90: {  	[spmem:s2] =	stream.indirect.scatter.add.f32 [tilespmem:s25], [sflag:$0x3], $0x80, s11, s29, $0xb8;
	[tilespmem:$0x1E800] =	vst v63  }
0x91: {  	_ =	swait.ge [sflag:s26], $0x4000  }
0x92: {  	[sflag:s26] =	ssyncset.done $0x0  }
0x93: {  	s12 =	simm.s32 $0x100;
	[sflag:s26] =	ssyncadd.s32 $0xFFFFC000  }
0x94: {  	[tilespmem:s25], [sflag:$0x1] =	stream.indirect.gather [hbm4b:s1+s29], $0x80, s12, s29, $0xb8;
	[tilespmem:$0x1E800] =	vst v63  }
0x95: {  	_ =	swait.ge [sflag:s0], $0x4000  }
0x96: {  	[sflag:s0] =	ssyncset.done $0x0  }
0x97: {  	s13 =	simm.s32 $0x1480;
	[sflag:s0] =	ssyncadd.s32 $0xFFFFC000  }
0x98: {  	[spmem:s2] =	stream.indirect.scatter.add.f32 [tilespmem:s30], [sflag:$0x3], $0x80, s13, s29, $0xb8;
	[tilespmem:$0x1E800] =	vst v63  }
0x99: {  	_ =	swait.ge [sflag:s26], $0x4000  }
0x9a: {  	s9 =	simm.s32 $0x100;
	s10 =	simm.s32 $0x800;
	[sflag:s26] =	ssyncset.done $0x0  }
.LBB2_4:
0x9b: {  	s11 =	sadd.s32 $0x80, s9  }
0x9c: {  	[sflag:s26] =	ssyncadd.s32 $0xFFFFC000;
	s12 =	smov.u32 s10;
	s13 =	sadd.s32 $0x400, s10  }
0x9d: {  	[tilespmem:s30], [sflag:$0x2] =	stream.indirect.gather [hbm4b:s1+s29], $0x80, s11, s29, $0xb8;
	[tilespmem:$0x1E800] =	vst v63  }
0x9e: {  	p0 =	sne.s32 s10, $0x4800;
	_ =	swait.ge [sflag:s31], $0x4000  }
0x9f: {  	[sflag:s31] =	ssyncset.done $0x0  }
0xa0: {  	s10 =	sadd.s32 $0x1400, s9;
	[sflag:s31] =	ssyncadd.s32 $0xFFFFC000  }
0xa1: {  	[spmem:s2] =	stream.indirect.scatter.add.f32 [tilespmem:s25], [sflag:$0x3], $0x80, s10, s29, $0xb8;
	[tilespmem:$0x1E800] =	vst v63  }
0xa2: {  	_ =	swait.ge [sflag:s26], $0x4000  }
0xa3: {  	[sflag:s26] =	ssyncset.done $0x0  }
0xa4: {  	s10 =	sadd.s32 $0x100, s9;
	[sflag:s26] =	ssyncadd.s32 $0xFFFFC000  }
0xa5: {  	[tilespmem:s25], [sflag:$0x1] =	stream.indirect.gather [hbm4b:s1+s29], $0x80, s10, s29, $0xb8;
	[tilespmem:$0x1E800] =	vst v63  }
0xa6: {  	_ =	swait.ge [sflag:s0], $0x4000  }
.Ltmp1:
0xa7: {  	[sflag:s0] =	ssyncset.done $0x0;
	(pc) =	sbr.rel @p0 .LBB2_4-.Ltmp1, $4  }
0xa8: {  	s9 =	sadd.s32 $0x1480, s9;
	[sflag:s0] =	ssyncadd.s32 $0xFFFFC000  }
0xa9: {  	[spmem:s2] =	stream.indirect.scatter.add.f32 [tilespmem:s30], [sflag:$0x3], $0x80, s9, s29, $0xb8;
	[tilespmem:$0x1E800] =	vst v63  }
0xaa: {  	_ =	swait.ge [sflag:s26], $0x4000  }
0xab: {  	s10 =	smov.u32 s13;
	s9 =	sshra.s32 s12, $0x2;
	[sflag:s26] =	ssyncset.done $0x0  }
0xac: {  	s10 =	sadd.s32 $0x80, s9;
	[sflag:s26] =	ssyncadd.s32 $0xFFFFC000  }
0xad: {  	[tilespmem:s30], [sflag:$0x2] =	stream.indirect.gather [hbm4b:s1+s29], $0x80, s10, s29, $0xb8;
	[tilespmem:$0x1E800] =	vst v63  }
0xae: {  	_ =	swait.ge [sflag:s31], $0x4000  }
0xaf: {  	[sflag:s31] =	ssyncset.done $0x0  }
0xb0: {  	s13 =	sadd.s32 $0x1400, s9;
	[sflag:s31] =	ssyncadd.s32 $0xFFFFC000  }
0xb1: {  	[spmem:s2] =	stream.indirect.scatter.add.f32 [tilespmem:s25], [sflag:$0x3], $0x80, s13, s29, $0xb8;
	[tilespmem:$0x1E800] =	vst v63  }
0xb2: {  	_ =	swait.ge [sflag:s26], $0x4000  }
0xb3: {  	[sflag:s26] =	ssyncset.done $0x0  }
0xb4: {  	s11 =	sadd.s32 $0x100, s9;
	[sflag:s26] =	ssyncadd.s32 $0xFFFFC000  }
0xb5: {  	[tilespmem:s25], [sflag:$0x1] =	stream.indirect.gather [hbm4b:s1+s29], $0x80, s11, s29, $0xb8;
	[tilespmem:$0x1E800] =	vst v63  }
0xb6: {  	_ =	swait.ge [sflag:s0], $0x4000  }
0xb7: {  	[sflag:s0] =	ssyncset.done $0x0  }
0xb8: {  	s12 =	sadd.s32 $0x1480, s9;
	[sflag:s0] =	ssyncadd.s32 $0xFFFFC000  }
0xb9: {  	[spmem:s2] =	stream.indirect.scatter.add.f32 [tilespmem:s30], [sflag:$0x3], $0x80, s12, s29, $0xb8;
	[tilespmem:$0x1E800] =	vst v63  }
0xba: {  	_ =	swait.ge [sflag:s26], $0x4000  }
0xbb: {  	[sflag:s26] =	ssyncset.done $0x0  }
0xbc: {  	[sflag:s26] =	ssyncadd.s32 $0xFFFFC000  }
0xbd: {  	[tilespmem:s30], [sflag:$0x2] =	stream.indirect.gather [hbm4b:s1+s29], $0x80, s4, s29, $0xb8;
	[tilespmem:$0x1E800] =	vst v63  }
0xbe: {  	_ =	swait.ge [sflag:s31], $0x4000  }
0xbf: {  	[sflag:s31] =	ssyncset.done $0x0  }
0xc0: {  	[sflag:s31] =	ssyncadd.s32 $0xFFFFC000  }
0xc1: {  	[spmem:s2] =	stream.indirect.scatter.add.f32 [tilespmem:s25], [sflag:$0x3], $0x80, s5, s29, $0xb8;
	[tilespmem:$0x1E800] =	vst v63  }
0xc2: {  	_ =	swait.ge [sflag:s26], $0x4000  }
0xc3: {  	[sflag:s26] =	ssyncset.done $0x0  }
0xc4: {  	[sflag:s26] =	ssyncadd.s32 $0xFFFFC000  }
0xc5: {  	_ =	swait.ge [sflag:s0], $0x4000  }
0xc6: {  	[sflag:s0] =	ssyncset.done $0x0  }
0xc7: {  	[sflag:s0] =	ssyncadd.s32 $0xFFFFC000  }
0xc8: {  	[spmem:s2] =	stream.indirect.scatter.add.f32 [tilespmem:s30], [sflag:$0x3], $0x80, s7, s29, $0xb8;
	[tilespmem:$0x1E800] =	vst v63  }
0xc9: {  	_ =	swait.ge [sflag:s26], $0x4000  }
0xca: {  	[sflag:s26] =	ssyncset.done $0x0  }
0xcb: {  	[sflag:s26] =	ssyncadd.s32 $0xFFFFC000  }
0xcc: {  	[bflag:$0x0] =	sbarrier.arrive $0xFFFF  }
0xcd: {  	[tilespmem:s25], [sflag:$0x3] =	stream.linear.gather [spmem:s6], $0x4000, $0x38;
	[tilespmem:$0x1E800] =	vst v63  }
0xce: {  	_ =	swait.ge [sflag:s26], $0x4000  }
0xcf: {  	[sflag:s26] =	ssyncset.done $0x0  }
0xd0: {  	[sflag:s26] =	ssyncadd.s32 $0xFFFFC000  }
0xd1: {  	[hbm4b:s16+s3] =	stream.linear.scatter [tilespmem:s25], [sflag:$0x3], $0x4000, $0x38;
	[tilespmem:$0x1E800] =	vst v63  }
0xd2: {  	_ =	swait.ge [sflag:s26], $0x4000  }
0xd3: {  	[sflag:s26] =	ssyncset.done $0x0  }
0xd4: {  	[sflag:s26] =	ssyncadd.s32 $0xFFFFC000  }
0xd5: {  	[tilespmem:s25], [sflag:$0x3] =	stream.linear.gather [spmem:s17], $0x4000, $0x38;
	[tilespmem:$0x1E800] =	vst v63  }
0xd6: {  	_ =	swait.ge [sflag:s26], $0x4000  }
0xd7: {  	[sflag:s26] =	ssyncset.done $0x0  }
0xd8: {  	[sflag:s26] =	ssyncadd.s32 $0xFFFFC000  }
0xd9: {  	[hbm4b:s18+s3] =	stream.linear.scatter [tilespmem:s25], [sflag:$0x3], $0x4000, $0x38;
	[tilespmem:$0x1E800] =	vst v63  }
0xda: {  	_ =	swait.ge [sflag:s26], $0x4000  }
0xdb: {  	[sflag:s26] =	ssyncset.done $0x0  }
0xdc: {  	[sflag:s26] =	ssyncadd.s32 $0xFFFFC000  }
0xdd: {  	[tilespmem:s25], [sflag:$0x3] =	stream.linear.gather [spmem:s19], $0x4000, $0x38;
	[tilespmem:$0x1E800] =	vst v63  }
0xde: {  	_ =	swait.ge [sflag:s26], $0x4000  }
0xdf: {  	[sflag:s26] =	ssyncset.done $0x0  }
0xe0: {  	[sflag:s26] =	ssyncadd.s32 $0xFFFFC000  }
0xe1: {  	[hbm4b:s20+s3] =	stream.linear.scatter [tilespmem:s25], [sflag:$0x3], $0x4000, $0x38;
	[tilespmem:$0x1E800] =	vst v63  }
0xe2: {  	_ =	swait.ge [sflag:s26], $0x4000  }
0xe3: {  	[sflag:s26] =	ssyncset.done $0x0  }
0xe4: {  	[sflag:s26] =	ssyncadd.s32 $0xFFFFC000  }
0xe5: {  	[tilespmem:s25], [sflag:$0x3] =	stream.linear.gather [spmem:s21], $0x4000, $0x38;
	[tilespmem:$0x1E800] =	vst v63  }
0xe6: {  	_ =	swait.ge [sflag:s26], $0x4000  }
0xe7: {  	[sflag:s26] =	ssyncset.done $0x0  }
0xe8: {  	[sflag:s26] =	ssyncadd.s32 $0xFFFFC000  }
0xe9: {  	[hbm4b:s22+s3] =	stream.linear.scatter [tilespmem:s25], [sflag:$0x3], $0x4000, $0x38;
	[tilespmem:$0x1E800] =	vst v63  }
0xea: {  	_ =	swait.ge [sflag:s26], $0x4000  }
0xeb: {  	[sflag:s26] =	ssyncset.done $0x0  }
0xec: {  	[sflag:s26] =	ssyncadd.s32 $0xFFFFC000  }
0xed: {  	[tilespmem:s25], [sflag:$0x3] =	stream.linear.gather [spmem:s23], $0x4000, $0x38;
	[tilespmem:$0x1E800] =	vst v63  }
0xee: {  	_ =	swait.ge [sflag:s26], $0x4000  }
0xef: {  	[sflag:s26] =	ssyncset.done $0x0  }
0xf0: {  	[sflag:s26] =	ssyncadd.s32 $0xFFFFC000  }
0xf1: {  	[hbm4b:s24+s3] =	stream.linear.scatter [tilespmem:s25], [sflag:$0x3], $0x4000, $0x38;
	[tilespmem:$0x1E800] =	vst v63  }
0xf2: {  	_ =	swait.ge [sflag:s26], $0x4000  }
0xf3: {  	s8 =	sadd.s32 $0x1, s8;
	s13 =	rddreg [dreg:$0x9]  }
0xf4: {  	p0 =	sne.s32 s8, s13  }
.Ltmp2:
0xf5: {  	_ = 	snop;
	(pc) =	sbr.rel @p0 .LBB2_1-.Ltmp2, $3  }
0xf6: {  	_ =	sdelay $0x1  }
0xf7: {  	[sflag:s26] =	ssyncset.done $0x0  }
0xf8: {  	[sflag:s26] =	ssyncadd.s32 $0xFFFFC000  }
0xf9: {  	_ =	sfence.sel $0x180000  }
0xfa: {  	[bflag:$0x0] =	sbarrier.arrive $0xFFFF  }
0xfb: {  	_ =	strace $0x90000050  }
0xfc: {  	s0 =	stileid.u32;
	[bflag:$0x2] =	sbarrier.arrive $0xFFFF  }
0xfd: {  	p0 =	sne.s32 s0, $0x0;
	s0 =	rddreg [dreg:$0x3]  }
0xfe: {  	s0 =	sadd.s32 @!p0 $0x100000, s0  }
0xff: {  	[sflag:s0] =	ssyncadd.tile.s32 @!p0 $0x1;
	_ =	shalt  }
.Lfunc_end2:
_tile_overlayer_lowered:
.L_overlay_start_2:
0x100: {  	(tag) =	ssettag $0x2  }
0x101: {  	s0 =	rddreg [dreg:$0x0];
	s2 =	stileid.u32  }
0x102: {  	s1 =	rddreg [dreg:$0x1];
	p0 =	sne.s32 s2, $0x0  }
0x103: {  	s3 =	rddreg [dreg:$0x2];
	[bflag:$0x3] =	sbarrier.arrive $0xFFFF;
	s2 =	simm.s32 @!p0 $0x1C03  }
0x104: {  	[timem:s3], [sflag:s2] =	dma.local @!p0 [hbm:s0], s1  }
0x105: {  	s0 =	simm.s32 @!p0 $0x3  }
0x106: {  	_ =	swait.ge @!p0 [sflag:s0], s1  }
0x107: {  	s1 =	ssub.s32 @!p0 $0x0, s1;
	[sflag:s0] =	ssyncset.done @!p0 $0x0  }
0x108: {  	[sflag:s0] =	ssyncadd.s32 @!p0 s1  }
0x109: {  	[bflag:$0x3] =	sbarrier.arrive $0xFFFF  }
0x10a: {  	_ =	shalt  }

// kernel: kernel.24.cloned.1.call-start
scs
__scs_entry_jumppad:
0x0: {  	(pc) =	sbr.rel $0x88, $3  }
0x1: {  	(tag) =	ssettag $0x0;
	lr =	simm.s32 $0x1  }
0x2: {  	[smem:$0x3F98] =	sst lr;
	_ =	strace $0xD0000000  }
0x3: {  	_ = 	snop  }
0x4: {  	_ = 	snop  }
0x5: {  	_ = 	snop  }
0x6: {  	_ = 	snop  }
0x7: {  	_ = 	snop  }
__scs_overlays_trampoline_lowered:
0x8: {  	[smem:$0x3FA7] =	sst s0  }
0x9: {  	[smem:$0x3FA8] =	sst s1  }
0xa: {  	[smem:$0x3FA9] =	sst s2  }
0xb: {  	[smem:$0x3FAA] =	sst s3  }
0xc: {  	[smem:$0x3FAB] =	sst s4  }
0xd: {  	[smem:$0x3FAC] =	sst s5  }
0xe: {  	[smem:$0x3FAD] =	sst s6  }
0xf: {  	[smem:$0x3FAE] =	sst s7  }
0x10: {  	[smem:$0x3FAF] =	sst s8  }
0x11: {  	[smem:$0x3FB0] =	sst s9;
	s0 =	simm.s32 @!p0 $0x0  }
0x12: {  	s1 =	sld [smem:$0x3F96];
	s0 =	simm.s32 @p0 $0x1  }
0x13: {  	[smem:$0x3FB1] =	sst s0;
	s0 =	simm.s32 @!p1 $0x0  }
0x14: {  	s2 =	sld [smem:$0x3F95];
	s0 =	simm.s32 @p1 $0x1  }
0x15: {  	[smem:$0x3FB2] =	sst s0;
	s0 =	simm.s32 @!p2 $0x0  }
0x16: {  	s3 =	sld [smem:$0x3FDB];
	s0 =	simm.s32 @p2 $0x1  }
0x17: {  	s4 =	simm.s32 $0x1BF5;
	[smem:$0x3FB4] =	sst s0  }
0x18: {  	s0 =	sld [smem:$0x3F97];
	_ =	swait.ge [sflag:s4], $0x0  }
0x19: {  	s7 =	sld [smem:$0x3F98]  }
0x1a: {  	s8 =	sadd.s32 $0xFFFFE003, lr  }
0x1b: {  	s9 =	sadd.s32 $0xFFFFFEF7, lr;
	s5 =	simm.s32 $0xFFFFFFFF;
	p2 =	slt.u32 s8, $0xFFFFF086  }
0x1c: {  	p1 =	slt.u32 s9, $0xF7A;
	s5 =	simm.s32 @!p2 $0x0  }
0x1d: {  	s5 =	simm.s32 @p1 $0x1;
	p0 =	seq.s32 s7, s2  }
0x1e: {  	s7 =	smul.u32 @!p0 $0xF7A, s2;
	p2 =	seq.s32 @!p0 s5, $0x0  }
0x1f: {  	s9 =	smul.u32 $0xF7A, s1;
	s8 =	simm.s32 @!p0 $0x1BF5;
	p2 =	por !p2, p0  }
0x20: {  	[sflag:s8] =	ssyncset.s32 @!p0 $0xFFFFF086;
	s6 =	sadd.s32 @!p0 s3, s7;
	s7 =	simm.s32 @!p0 $0x108  }
0x21: {  	s3 =	sadd.s32 s3, s9;
	s6 =	sadd.s32 @!p0 $0x88, s6;
	s7 =	simm.s32 @p2 $0x1082  }
0x22: {  	[simem:s7], [sflag:s8] =	dma.local @!p0 [hbm:s6], $0xF7A  }
0x23: {  	s9 =	sor.u32 $0xD0000000, s2;
	s6 =	simm.s32 $0x108;
	_ =	swait.ge @!p0 [sflag:s8], $0x0  }
0x24: {  	s3 =	sadd.s32 $0x88, s3;
	s6 =	simm.s32 @!p1 $0x1082;
	[sflag:s4] =	ssyncset.s32 $0xFFFFF086  }
0x25: {  	[simem:s6], [sflag:s4] =	dma.local [hbm:s3], $0xF7A  }
0x26: {  	[smem:$0x3F98] =	sst s1;
	(tag) =	ssettag s2;
	_ =	strace s9  }
0x27: {  	s1 =	sld [smem:$0x3FA8]  }
0x28: {  	s2 =	sld [smem:$0x3FA9]  }
0x29: {  	s4 =	sld [smem:$0x3FAB]  }
0x2a: {  	p0 =	seq.s32 s5, $0x0;
	s5 =	sld [smem:$0x3FAC]  }
0x2b: {  	s6 =	sld [smem:$0x3FAD]  }
0x2c: {  	s7 =	sld [smem:$0x3FAE]  }
0x2d: {  	s3 =	simm.s32 $0x108;
	s8 =	sld [smem:$0x3FAF]  }
0x2e: {  	s3 =	simm.s32 @!p0 $0x1082;
	s9 =	sld [smem:$0x3FB0]  }
0x2f: {  	lr =	sadd.s32 s0, s3;
	s0 =	sld [smem:$0x3FA7]  }
0x30: {  	s3 =	sld [smem:$0x3FAA]  }
0x31: {  	[smem:$0x3FB3] =	sst s10  }
0x32: {  	s10 =	sld [smem:$0x3FB1];
	_ =	sdelay $0x3  }
0x33: {  	p0 =	seq.s32 s10, $0x1;
	s10 =	sld [smem:$0x3FB3];
	_ =	sdelay $0x3  }
0x34: {  	[smem:$0x3FB3] =	sst s10  }
0x35: {  	s10 =	sld [smem:$0x3FB2];
	_ =	sdelay $0x3  }
0x36: {  	p1 =	seq.s32 s10, $0x1;
	s10 =	sld [smem:$0x3FB3];
	_ =	sdelay $0x3  }
0x37: {  	[smem:$0x3FB3] =	sst s10  }
0x38: {  	s10 =	sld [smem:$0x3FB4]  }
0x39: {  	_ = 	snop;
	(pc) =	sbr.ind lr, $3  }
0x3a: {  	_ = 	snop  }
0x3b: {  	_ = 	snop  }
0x3c: {  	p2 =	seq.s32 s10, $0x1;
	s10 =	sld [smem:$0x3FB3]  }
0x3d: {  	_ =	shalt  }
0x3e: {  	_ =	shalt  }
0x3f: {  	_ =	shalt  }
0x40: {  	_ =	shalt  }
0x41: {  	_ =	shalt  }
0x42: {  	_ =	shalt  }
0x43: {  	_ =	shalt  }
0x44: {  	_ =	shalt  }
0x45: {  	_ =	shalt  }
0x46: {  	_ =	shalt  }
0x47: {  	_ =	shalt  }
0x48: {  	_ =	shalt  }
0x49: {  	_ =	shalt  }
0x4a: {  	_ =	shalt  }
0x4b: {  	_ =	shalt  }
0x4c: {  	_ =	shalt  }
0x4d: {  	_ =	shalt  }
0x4e: {  	_ =	shalt  }
0x4f: {  	_ =	shalt  }
0x50: {  	_ =	shalt  }
0x51: {  	_ =	shalt  }
0x52: {  	_ =	shalt  }
0x53: {  	_ =	shalt  }
0x54: {  	_ =	shalt  }
0x55: {  	_ =	shalt  }
0x56: {  	_ =	shalt  }
0x57: {  	_ =	shalt  }
0x58: {  	_ =	shalt  }
0x59: {  	_ =	shalt  }
0x5a: {  	_ =	shalt  }
0x5b: {  	_ =	shalt  }
0x5c: {  	_ =	shalt  }
0x5d: {  	_ =	shalt  }
0x5e: {  	_ =	shalt  }
0x5f: {  	_ =	shalt  }
0x60: {  	_ =	shalt  }
0x61: {  	_ =	shalt  }
0x62: {  	_ =	shalt  }
0x63: {  	_ =	shalt  }
0x64: {  	_ =	shalt  }
0x65: {  	_ =	shalt  }
0x66: {  	_ =	shalt  }
0x67: {  	_ =	shalt  }
0x68: {  	_ =	shalt  }
0x69: {  	_ =	shalt  }
0x6a: {  	_ =	shalt  }
0x6b: {  	_ =	shalt  }
0x6c: {  	_ =	shalt  }
0x6d: {  	_ =	shalt  }
0x6e: {  	_ =	shalt  }
0x6f: {  	_ =	shalt  }
0x70: {  	_ =	shalt  }
0x71: {  	_ =	shalt  }
0x72: {  	_ =	shalt  }
0x73: {  	_ =	shalt  }
0x74: {  	_ =	shalt  }
0x75: {  	_ =	shalt  }
0x76: {  	_ =	shalt  }
0x77: {  	_ =	shalt  }
0x78: {  	_ =	shalt  }
0x79: {  	_ =	shalt  }
0x7a: {  	_ =	shalt  }
0x7b: {  	_ =	shalt  }
0x7c: {  	_ =	shalt  }
0x7d: {  	_ =	shalt  }
0x7e: {  	_ =	shalt  }
0x7f: {  	_ =	shalt  }
0x80: {  	_ =	shalt  }
0x81: {  	_ =	shalt  }
0x82: {  	_ =	shalt  }
0x83: {  	_ =	shalt  }
0x84: {  	_ =	shalt  }
0x85: {  	_ =	shalt  }
0x86: {  	_ =	shalt  }
0x87: {  	_ =	shalt  }
.Lfunc_end0:
.L_simem_size_0:
called_computation.4_lowered:
.L_overlay_start_0:
0x88: {  	s2 =	sld [smem:$0x3FD9]  }
0x89: {  	s3 =	sld [smem:$0x3FFE];
	_ =	sdelay $0x1  }
0x8a: {  	s1 =	srdreg.scid  }
0x8b: {  	s0 =	sand.u32 $0x1, s1  }
0x8c: {  	s17 =	sshll.u32 s0, $0xA;
	s2 =	sadd.s32 s3, s2  }
0x8d: {  	s2 =	sadd.s32 s2, s17  }
0x8e: {  	[smem:$0x3FBF] =	sst s2  }
0x8f: {  	_ = 	snop  }
0x90: {  	s2 =	sld [smem:$0x3FD0];
	(tm) =	ssettm $0x1  }
0x91: {  	s18 =	sld [smem:$0x3FFB];
	_ =	sdelay $0x3  }
0x92: {  	_ =	strace s18  }
0x93: {  	s3 =	sld [smem:$0x3FFC];
	_ =	sdelay $0x3  }
0x94: {  	_ =	strace s3  }
0x95: {  	s3 =	sld [smem:$0x3FFD];
	_ =	sdelay $0x3  }
0x96: {  	_ =	strace s3  }
0x97: {  	_ =	strace $0x8FFFFFFF  }
0x98: {  	s19 =	sld [smem:$0x3FDB];
	_ =	sdelay $0x1  }
0x99: {  	s4 =	simm.s32 $_scs_section_size  }
0x9a: {  	s5 =	simm.s32 $_size__tile_overlayer_lowered;
	s6 =	simm.s32 $_tile_overlayer_lowered  }
0x9b: {  	s22 =	simm.s32 $0x1BFF;
	s21 =	sshll.u32 s6, $0x1;
	s3 =	sadd.s32 s4, s19  }
0x9c: {  	s7 =	simm.s32 $0x0;
	s20 =	sshll.u32 s5, $0x1;
	s5 =	sadd.s32 s21, s3  }
0x9d: {  	[timem:s7], [sflag:s22] =	dma.local [hbm:s5], s20  }
0x9e: {  	_ =	swait.ge [sflag:s22], s20  }
0x9f: {  	s4 =	ssub.s32 $0x0, s20;
	[sflag:s22] =	ssyncset.done $0x0  }
0xa0: {  	[sflag:s22] =	ssyncadd.s32 s4;
	_ =	sdelay $0x1  }
0xa1: {  	s23 =	simm.s32 $0x1B8B  }
0xa2: {  	_ =	swait.ge [sflag:s23], $0x1  }
0xa3: {  	[sflag:s23] =	ssyncset.done $0x0  }
0xa4: {  	s25 =	simm.s32 $0x1B8E;
	s24 =	sld [smem:$0x3FFE];
	[sflag:s23] =	ssyncadd.s32 $0xFFFFFFFF  }
0xa5: {  	s26 =	simm.s32 $execute0_lowered;
	[smem:$0x3FD2] =	sst s25  }
0xa6: {  	s5 =	sshll.u32 s26, $0x1;
	_ =	strace $0x80000052;
	[dreg:$0x1] =	wrdreg $0xFFFFFFFF  }
0xa7: {  	s28 =	simm.s32 $_size_execute0_lowered;
	s3 =	sadd.s32 s3, s5;
	[dreg:$0x0] =	wrdreg $0x0  }
0xa8: {  	s5 =	sshll.u32 s28, $0x1;
	[dreg:$0x2] =	wrdreg s3  }
0xa9: {  	[dreg:$0x3] =	wrdreg s5  }
0xaa: {  	[dreg:$0x4] =	wrdreg $0xC0  }
0xab: {  	_ =	task [dreg:s7], $0x5FFFF  }
0xac: {  	[dreg:$0x1] =	wrdreg $0xFFFFFFFF  }
0xad: {  	[dreg:$0x0] =	wrdreg $0x60  }
0xae: {  	[dreg:$0x2] =	wrdreg s2  }
0xaf: {  	[dreg:$0x3] =	wrdreg s24  }
0xb0: {  	[dreg:$0x4] =	wrdreg $0xA8000  }
0xb1: {  	[dreg:$0x5] =	wrdreg $0x9  }
0xb2: {  	_ =	task.clear_ibuf [dreg:s7], $0x6FFFF;
	_ =	strace $0x90000052  }
0xb3: {  	s29 =	simm.s32 $0x9;
	_ =	strace $0x80000054  }
0xb4: {  	_ =	swait.ge [sflag:s29], $0x1  }
0xb5: {  	[sflag:s29] =	ssyncadd.s32 $0xFFFFFFFF  }
0xb6: {  	_ =	strace $0x90000054  }
0xb7: {  	_ =	sfence  }
0xb8: {  	s30 =	sld [smem:$0x0];
	_ =	sdelay $0x2  }
0xb9: {  	s31 =	sshll.u32 s1, $0xD;
	s1 =	sshrl.u32 s1, $0x2  }
0xba: {  	s3 =	sand.u32 $0x4000, s31;
	s1 =	sadd.s32 s1, s30  }
0xbb: {  	s0 =	sor.u32 s3, s0;
	s1 =	sshll.u32 s1, $0x11  }
0xbc: {  	s0 =	sor.u32 s1, s0  }
0xbd: {  	s0 =	sadd.s32 $0x8F2B, s0  }
0xbe: {  	[sflag:s0] =	ssyncadd.remote.s32 $0x1  }
0xbf: {  	_ =	sfence.sel $0xFFFF  }
0xc0: {  	[dreg:$0x0] =	wrdreg $0xFFFFFFFF;
	(pc) =	sbr.abs _section_cstart, $3  }
0xc1: {  	[dreg:$0x1] =	wrdreg $0xFFFFFFFF  }
0xc2: {  	_ =	task.clear_ibuf [dreg:s7], $0x2FFFF;
	_ =	strace $0x9FFFFFFF  }
0xc3: {  	(tm) =	ssettm $0x7FFFFFFF  }
tec
execute0_lowered:
.L_overlay_start_1:
0x0: {  	(tag) =	ssettag $0x1  }
0x1: {  	s1 =	rddreg [dreg:$0x0]  }
0x2: {  	s0 =	rddreg [dreg:$0x1]  }
0x3: {  	s2 =	rddreg [dreg:$0x2]  }
0x4: {  	s3 =	simm.s32 $0x0;
	s4 =	srdreg.scid;
	s12 =	stileid.u32  }
0x5: {  	s28 =	simm.s32 $0x1400;
	s29 =	simm.s32 $0x80;
	s30 =	simm.s32 $0x6800  }
0x6: {  	s31 =	simm.s32 $0x1;
	[smem:$0x7FF] =	sst s3;
	s4 =	sand.u32 $0x1, s4  }
0x7: {  	s7 =	sadd.s32 $0x4400, s0;
	s6 =	smul.u32 $0x50000, s12;
	s8 =	sadd.s32 $0xE400, s0  }
0x8: {  	s11 =	sadd.s32 $0x68400, s0;
	s0 =	sadd.s32 $0x68C00, s0;
	s13 =	smul.u32 $0x14000, s12  }
0x9: {  	_ =	strace $0x80000053;
	s5 =	sshll.u32 s4, $0x4;
	s9 =	ssub.s32 $0x2, s4  }
0xa: {  	[dreg:$0x4] =	wrdreg s11;
	s4 =	smul.u32 $0x140000, s4;
	s5 =	sor.u32 s12, s5  }
0xb: {  	s25 =	sshrl.u32 s9, $0x1;
	s6 =	sshrl.u32 s6, $0x2;
	s10 =	smul.u32 $0x500, s5  }
0xc: {  	s20 =	sadd.s32 $0x4000, s13;
	s23 =	sadd.s32 $0x8000, s13;
	s5 =	smul.u32 $0x2800, s5  }
0xd: {  	s9 =	ssub.s32 s9, s25;
	s6 =	sadd.s32 s6, s2;
	s19 =	sadd.s32 s4, s13  }
0xe: {  	s21 =	sadd.s32 s4, s20;
	s24 =	sadd.s32 s4, s23;
	s25 =	sadd.s32 $0xC000, s13  }
0xf: {  	s16 =	smax.u32 s9, $0x1;
	s17 =	sadd.s32 $0x4000, s6;
	s18 =	sadd.s32 $0x8000, s6  }
0x10: {  	s14 =	sadd.s32 $0xC000, s6;
	s15 =	sadd.s32 $0x10000, s6;
	[dreg:$0x9] =	wrdreg s16  }
0x11: {  	s22 =	sshrl.u32 s21, $0x3;
	s21 =	sadd.s32 s25, s2;
	[dreg:$0xa] =	wrdreg s17  }
0x12: {  	s26 =	sadd.s32 s7, s10;
	s5 =	sshrl.u32 s5, $0x3;
	[dreg:$0xb] =	wrdreg s18  }
0x13: {  	s10 =	sadd.s32 s8, s10;
	s17 =	sadd.s32 s20, s2;
	[dreg:$0x5] =	wrdreg s26  }
0x14: {  	s18 =	sadd.s32 s0, s22;
	[dreg:$0x6] =	wrdreg s10;
	s5 =	sadd.s32 $0x280, s5  }
0x15: {  	s26 =	sadd.s32 s4, s25;
	s25 =	simm.s32 $0x2800;
	s7 =	sadd.s32 s7, s5  }
0x16: {  	s5 =	sadd.s32 s8, s5;
	s8 =	simm.s32 $0x0;
	[dreg:$0x7] =	wrdreg s7  }
0x17: {  	[dreg:$0x8] =	wrdreg s5;
	s7 =	sshrl.u32 s19, $0x3;
	s19 =	sadd.s32 s23, s2  }
0x18: {  	s5 =	sadd.s32 $0x10000, s13;
	s16 =	sadd.s32 s0, s7;
	s7 =	sshrl.u32 s24, $0x3  }
0x19: {  	s4 =	sadd.s32 s4, s5;
	s23 =	sadd.s32 s5, s2;
	s5 =	simm.s32 $0x2700  }
0x1a: {  	s20 =	sadd.s32 s0, s7;
	s7 =	sshrl.u32 s26, $0x3;
	s4 =	sshrl.u32 s4, $0x3  }
0x1b: {  	s26 =	simm.s32 $0x3;
	s22 =	sadd.s32 s0, s7;
	s24 =	sadd.s32 s0, s4  }
0x1c: {  	s0 =	simm.s32 $0x2;
	s4 =	simm.s32 $0x1380;
	s7 =	simm.s32 $0x2780  }
.LBB2_1:
0x1d: {  	s9 =	rddreg [dreg:$0x4]  }
0x1e: {  	[tilespmem:s25], [sflag:$0x3] =	stream.linear.gather [hbm4b:s9+s3], $0x4000, $0x38;
	[tilespmem:$0x1E800] =	vst v63  }
0x1f: {  	_ =	swait.ge [sflag:s26], $0x4000  }
0x20: {  	[sflag:s26] =	ssyncset.done $0x0  }
0x21: {  	[sflag:s26] =	ssyncadd.s32 $0xFFFFC000  }
0x22: {  	[spmem:s6] =	stream.linear.scatter [tilespmem:s25], [sflag:$0x3], $0x4000, $0x38;
	[tilespmem:$0x1E800] =	vst v63  }
0x23: {  	_ =	swait.ge [sflag:s26], $0x4000  }
0x24: {  	[sflag:s26] =	ssyncset.done $0x0  }
0x25: {  	s10 =	rddreg [dreg:$0xa];
	[sflag:s26] =	ssyncadd.s32 $0xFFFFC000  }
0x26: {  	[spmem:s10] =	stream.linear.scatter [tilespmem:s25], [sflag:$0x3], $0x4000, $0x38;
	[tilespmem:$0x1E800] =	vst v63  }
0x27: {  	_ =	swait.ge [sflag:s26], $0x4000  }
0x28: {  	[sflag:s26] =	ssyncset.done $0x0  }
0x29: {  	s11 =	rddreg [dreg:$0xb];
	[sflag:s26] =	ssyncadd.s32 $0xFFFFC000  }
0x2a: {  	[spmem:s11] =	stream.linear.scatter [tilespmem:s25], [sflag:$0x3], $0x4000, $0x38;
	[tilespmem:$0x1E800] =	vst v63  }
0x2b: {  	_ =	swait.ge [sflag:s26], $0x4000  }
0x2c: {  	[sflag:s26] =	ssyncset.done $0x0  }
0x2d: {  	[sflag:s26] =	ssyncadd.s32 $0xFFFFC000  }
0x2e: {  	[spmem:s14] =	stream.linear.scatter [tilespmem:s25], [sflag:$0x3], $0x4000, $0x38;
	[tilespmem:$0x1E800] =	vst v63  }
0x2f: {  	_ =	swait.ge [sflag:s26], $0x4000  }
0x30: {  	[sflag:s26] =	ssyncset.done $0x0  }
0x31: {  	[sflag:s26] =	ssyncadd.s32 $0xFFFFC000  }
0x32: {  	[spmem:s15] =	stream.linear.scatter [tilespmem:s25], [sflag:$0x3], $0x4000, $0x38;
	[tilespmem:$0x1E800] =	vst v63  }
0x33: {  	_ =	swait.ge [sflag:s26], $0x4000  }
0x34: {  	[sflag:s26] =	ssyncset.done $0x0  }
0x35: {  	[sflag:s26] =	ssyncadd.s32 $0xFFFFC000  }
0x36: {  	[bflag:$0x0] =	sbarrier.arrive $0xFFFF  }
0x37: {  	s12 =	rddreg [dreg:$0x5]  }
0x38: {  	[tilespmem:s3], [sflag:$0x3] =	stream.linear.gather [hbm4b:s12+s3], $0x1400, $0x38;
	[tilespmem:$0x1E800] =	vst v63  }
0x39: {  	_ =	swait.ge [sflag:s26], $0x1400  }
0x3a: {  	[sflag:s26] =	ssyncset.done $0x0  }
0x3b: {  	s13 =	rddreg [dreg:$0x6];
	[sflag:s26] =	ssyncadd.s32 $0xFFFFEC00  }
0x3c: {  	[tilespmem:s28], [sflag:$0x3] =	stream.linear.gather [hbm4b:s13+s3], $0x1400, $0x38;
	[tilespmem:$0x1E800] =	vst v63  }
0x3d: {  	_ =	swait.ge [sflag:s26], $0x1400  }
0x3e: {  	[sflag:s26] =	ssyncset.done $0x0  }
0x3f: {  	[sflag:s26] =	ssyncadd.s32 $0xFFFFEC00  }
0x40: {  	[tilespmem:s25], [sflag:$0x1] =	stream.indirect.gather [hbm4b:s1+s29], $0x80, s3, s29, $0xb8;
	[tilespmem:$0x1E800] =	vst v63  }
0x41: {  	s10 =	simm.s32 $0x80  }
0x42: {  	[tilespmem:s30], [sflag:$0x2] =	stream.indirect.gather [hbm4b:s1+s29], $0x80, s10, s29, $0xb8;
	[tilespmem:$0x1E800] =	vst v63  }
0x43: {  	_ =	swait.ge [sflag:s31], $0x4000  }
0x44: {  	[sflag:s31] =	ssyncset.done $0x0  }
0x45: {  	s11 =	simm.s32 $0x1400;
	[sflag:s31] =	ssyncadd.s32 $0xFFFFC000  }
0x46: {  	[spmem:s2] =	stream.indirect.scatter.add.f32 [tilespmem:s25], [sflag:$0x3], $0x80, s11, s29, $0xb8;
	[tilespmem:$0x1E800] =	vst v63  }
0x47: {  	_ =	swait.ge [sflag:s26], $0x4000  }
0x48: {  	[sflag:s26] =	ssyncset.done $0x0  }
0x49: {  	s12 =	simm.s32 $0x100;
	[sflag:s26] =	ssyncadd.s32 $0xFFFFC000  }
0x4a: {  	[tilespmem:s25], [sflag:$0x1] =	stream.indirect.gather [hbm4b:s1+s29], $0x80, s12, s29, $0xb8;
	[tilespmem:$0x1E800] =	vst v63  }
0x4b: {  	_ =	swait.ge [sflag:s0], $0x4000  }
0x4c: {  	[sflag:s0] =	ssyncset.done $0x0  }
0x4d: {  	s13 =	simm.s32 $0x1480;
	[sflag:s0] =	ssyncadd.s32 $0xFFFFC000  }
0x4e: {  	[spmem:s2] =	stream.indirect.scatter.add.f32 [tilespmem:s30], [sflag:$0x3], $0x80, s13, s29, $0xb8;
	[tilespmem:$0x1E800] =	vst v63  }
0x4f: {  	_ =	swait.ge [sflag:s26], $0x4000  }
0x50: {  	s9 =	simm.s32 $0x100;
	s10 =	simm.s32 $0x800;
	[sflag:s26] =	ssyncset.done $0x0  }
.LBB2_2:
0x51: {  	s11 =	sadd.s32 $0x80, s9  }
0x52: {  	[sflag:s26] =	ssyncadd.s32 $0xFFFFC000;
	s12 =	smov.u32 s10;
	s13 =	sadd.s32 $0x400, s10  }
0x53: {  	[tilespmem:s30], [sflag:$0x2] =	stream.indirect.gather [hbm4b:s1+s29], $0x80, s11, s29, $0xb8;
	[tilespmem:$0x1E800] =	vst v63  }
0x54: {  	p0 =	sne.s32 s10, $0x4800;
	_ =	swait.ge [sflag:s31], $0x4000  }
0x55: {  	[sflag:s31] =	ssyncset.done $0x0  }
0x56: {  	s10 =	sadd.s32 $0x1400, s9;
	[sflag:s31] =	ssyncadd.s32 $0xFFFFC000  }
0x57: {  	[spmem:s2] =	stream.indirect.scatter.add.f32 [tilespmem:s25], [sflag:$0x3], $0x80, s10, s29, $0xb8;
	[tilespmem:$0x1E800] =	vst v63  }
0x58: {  	_ =	swait.ge [sflag:s26], $0x4000  }
0x59: {  	[sflag:s26] =	ssyncset.done $0x0  }
0x5a: {  	s10 =	sadd.s32 $0x100, s9;
	[sflag:s26] =	ssyncadd.s32 $0xFFFFC000  }
0x5b: {  	[tilespmem:s25], [sflag:$0x1] =	stream.indirect.gather [hbm4b:s1+s29], $0x80, s10, s29, $0xb8;
	[tilespmem:$0x1E800] =	vst v63  }
0x5c: {  	_ =	swait.ge [sflag:s0], $0x4000  }
.Ltmp0:
0x5d: {  	[sflag:s0] =	ssyncset.done $0x0;
	(pc) =	sbr.rel @p0 .LBB2_2-.Ltmp0, $4  }
0x5e: {  	s9 =	sadd.s32 $0x1480, s9;
	[sflag:s0] =	ssyncadd.s32 $0xFFFFC000  }
0x5f: {  	[spmem:s2] =	stream.indirect.scatter.add.f32 [tilespmem:s30], [sflag:$0x3], $0x80, s9, s29, $0xb8;
	[tilespmem:$0x1E800] =	vst v63  }
0x60: {  	_ =	swait.ge [sflag:s26], $0x4000  }
0x61: {  	s10 =	smov.u32 s13;
	s9 =	sshra.s32 s12, $0x2;
	[sflag:s26] =	ssyncset.done $0x0  }
0x62: {  	s10 =	sadd.s32 $0x80, s9;
	[sflag:s26] =	ssyncadd.s32 $0xFFFFC000  }
0x63: {  	[tilespmem:s30], [sflag:$0x2] =	stream.indirect.gather [hbm4b:s1+s29], $0x80, s10, s29, $0xb8;
	[tilespmem:$0x1E800] =	vst v63  }
0x64: {  	_ =	swait.ge [sflag:s31], $0x4000  }
0x65: {  	[sflag:s31] =	ssyncset.done $0x0  }
0x66: {  	s12 =	sadd.s32 $0x1400, s9;
	[sflag:s31] =	ssyncadd.s32 $0xFFFFC000  }
0x67: {  	[spmem:s2] =	stream.indirect.scatter.add.f32 [tilespmem:s25], [sflag:$0x3], $0x80, s12, s29, $0xb8;
	[tilespmem:$0x1E800] =	vst v63  }
0x68: {  	_ =	swait.ge [sflag:s26], $0x4000  }
0x69: {  	[sflag:s26] =	ssyncset.done $0x0  }
0x6a: {  	s13 =	sadd.s32 $0x100, s9;
	[sflag:s26] =	ssyncadd.s32 $0xFFFFC000  }
0x6b: {  	[tilespmem:s25], [sflag:$0x1] =	stream.indirect.gather [hbm4b:s1+s29], $0x80, s13, s29, $0xb8;
	[tilespmem:$0x1E800] =	vst v63  }
0x6c: {  	_ =	swait.ge [sflag:s0], $0x4000  }
0x6d: {  	[sflag:s0] =	ssyncset.done $0x0  }
0x6e: {  	s10 =	sadd.s32 $0x1480, s9;
	[sflag:s0] =	ssyncadd.s32 $0xFFFFC000  }
0x6f: {  	[spmem:s2] =	stream.indirect.scatter.add.f32 [tilespmem:s30], [sflag:$0x3], $0x80, s10, s29, $0xb8;
	[tilespmem:$0x1E800] =	vst v63  }
0x70: {  	_ =	swait.ge [sflag:s26], $0x4000  }
0x71: {  	[sflag:s26] =	ssyncset.done $0x0  }
0x72: {  	[sflag:s26] =	ssyncadd.s32 $0xFFFFC000  }
0x73: {  	[tilespmem:s30], [sflag:$0x2] =	stream.indirect.gather [hbm4b:s1+s29], $0x80, s4, s29, $0xb8;
	[tilespmem:$0x1E800] =	vst v63  }
0x74: {  	_ =	swait.ge [sflag:s31], $0x4000  }
0x75: {  	[sflag:s31] =	ssyncset.done $0x0  }
0x76: {  	[sflag:s31] =	ssyncadd.s32 $0xFFFFC000  }
0x77: {  	[spmem:s2] =	stream.indirect.scatter.add.f32 [tilespmem:s25], [sflag:$0x3], $0x80, s5, s29, $0xb8;
	[tilespmem:$0x1E800] =	vst v63  }
0x78: {  	_ =	swait.ge [sflag:s26], $0x4000  }
0x79: {  	[sflag:s26] =	ssyncset.done $0x0  }
0x7a: {  	[sflag:s26] =	ssyncadd.s32 $0xFFFFC000  }
0x7b: {  	_ =	swait.ge [sflag:s0], $0x4000  }
0x7c: {  	[sflag:s0] =	ssyncset.done $0x0  }
0x7d: {  	[sflag:s0] =	ssyncadd.s32 $0xFFFFC000  }
0x7e: {  	[spmem:s2] =	stream.indirect.scatter.add.f32 [tilespmem:s30], [sflag:$0x3], $0x80, s7, s29, $0xb8;
	[tilespmem:$0x1E800] =	vst v63  }
0x7f: {  	_ =	swait.ge [sflag:s26], $0x4000  }
0x80: {  	[sflag:s26] =	ssyncset.done $0x0  }
0x81: {  	s11 =	simm.s32 $0x0;
	s12 =	rddreg [dreg:$0x7];
	[sflag:s26] =	ssyncadd.s32 $0xFFFFC000  }
0x82: {  	[tilespmem:s11], [sflag:$0x3] =	stream.linear.gather [hbm4b:s12+s11], $0x1400, $0x38;
	[tilespmem:$0x1E800] =	vst v63  }
0x83: {  	_ =	swait.ge [sflag:s26], $0x1400  }
0x84: {  	[sflag:s26] =	ssyncset.done $0x0  }
0x85: {  	s13 =	rddreg [dreg:$0x8];
	[sflag:s26] =	ssyncadd.s32 $0xFFFFEC00  }
0x86: {  	[tilespmem:s28], [sflag:$0x3] =	stream.linear.gather [hbm4b:s13+s11], $0x1400, $0x38;
	[tilespmem:$0x1E800] =	vst v63  }
0x87: {  	_ =	swait.ge [sflag:s26], $0x1400  }
0x88: {  	[sflag:s26] =	ssyncset.done $0x0  }
0x89: {  	[sflag:s26] =	ssyncadd.s32 $0xFFFFEC00  }
0x8a: {  	[tilespmem:s25], [sflag:$0x1] =	stream.indirect.gather [hbm4b:s1+s29], $0x80, s11, s29, $0xb8;
	[tilespmem:$0x1E800] =	vst v63  }
0x8b: {  	s10 =	simm.s32 $0x80  }
0x8c: {  	[tilespmem:s30], [sflag:$0x2] =	stream.indirect.gather [hbm4b:s1+s29], $0x80, s10, s29, $0xb8;
	[tilespmem:$0x1E800] =	vst v63  }
0x8d: {  	_ =	swait.ge [sflag:s31], $0x4000  }
0x8e: {  	[sflag:s31] =	ssyncset.done $0x0  }
0x8f: {  	s11 =	simm.s32 $0x1400;
	[sflag:s31] =	ssyncadd.s32 $0xFFFFC000  }
0x90: {  	[spmem:s2] =	stream.indirect.scatter.add.f32 [tilespmem:s25], [sflag:$0x3], $0x80, s11, s29, $0xb8;
	[tilespmem:$0x1E800] =	vst v63  }
0x91: {  	_ =	swait.ge [sflag:s26], $0x4000  }
0x92: {  	[sflag:s26] =	ssyncset.done $0x0  }
0x93: {  	s12 =	simm.s32 $0x100;
	[sflag:s26] =	ssyncadd.s32 $0xFFFFC000  }
0x94: {  	[tilespmem:s25], [sflag:$0x1] =	stream.indirect.gather [hbm4b:s1+s29], $0x80, s12, s29, $0xb8;
	[tilespmem:$0x1E800] =	vst v63  }
0x95: {  	_ =	swait.ge [sflag:s0], $0x4000  }
0x96: {  	[sflag:s0] =	ssyncset.done $0x0  }
0x97: {  	s13 =	simm.s32 $0x1480;
	[sflag:s0] =	ssyncadd.s32 $0xFFFFC000  }
0x98: {  	[spmem:s2] =	stream.indirect.scatter.add.f32 [tilespmem:s30], [sflag:$0x3], $0x80, s13, s29, $0xb8;
	[tilespmem:$0x1E800] =	vst v63  }
0x99: {  	_ =	swait.ge [sflag:s26], $0x4000  }
0x9a: {  	s9 =	simm.s32 $0x100;
	s10 =	simm.s32 $0x800;
	[sflag:s26] =	ssyncset.done $0x0  }
.LBB2_4:
0x9b: {  	s11 =	sadd.s32 $0x80, s9  }
0x9c: {  	[sflag:s26] =	ssyncadd.s32 $0xFFFFC000;
	s12 =	smov.u32 s10;
	s13 =	sadd.s32 $0x400, s10  }
0x9d: {  	[tilespmem:s30], [sflag:$0x2] =	stream.indirect.gather [hbm4b:s1+s29], $0x80, s11, s29, $0xb8;
	[tilespmem:$0x1E800] =	vst v63  }
0x9e: {  	p0 =	sne.s32 s10, $0x4800;
	_ =	swait.ge [sflag:s31], $0x4000  }
0x9f: {  	[sflag:s31] =	ssyncset.done $0x0  }
0xa0: {  	s10 =	sadd.s32 $0x1400, s9;
	[sflag:s31] =	ssyncadd.s32 $0xFFFFC000  }
0xa1: {  	[spmem:s2] =	stream.indirect.scatter.add.f32 [tilespmem:s25], [sflag:$0x3], $0x80, s10, s29, $0xb8;
	[tilespmem:$0x1E800] =	vst v63  }
0xa2: {  	_ =	swait.ge [sflag:s26], $0x4000  }
0xa3: {  	[sflag:s26] =	ssyncset.done $0x0  }
0xa4: {  	s10 =	sadd.s32 $0x100, s9;
	[sflag:s26] =	ssyncadd.s32 $0xFFFFC000  }
0xa5: {  	[tilespmem:s25], [sflag:$0x1] =	stream.indirect.gather [hbm4b:s1+s29], $0x80, s10, s29, $0xb8;
	[tilespmem:$0x1E800] =	vst v63  }
0xa6: {  	_ =	swait.ge [sflag:s0], $0x4000  }
.Ltmp1:
0xa7: {  	[sflag:s0] =	ssyncset.done $0x0;
	(pc) =	sbr.rel @p0 .LBB2_4-.Ltmp1, $4  }
0xa8: {  	s9 =	sadd.s32 $0x1480, s9;
	[sflag:s0] =	ssyncadd.s32 $0xFFFFC000  }
0xa9: {  	[spmem:s2] =	stream.indirect.scatter.add.f32 [tilespmem:s30], [sflag:$0x3], $0x80, s9, s29, $0xb8;
	[tilespmem:$0x1E800] =	vst v63  }
0xaa: {  	_ =	swait.ge [sflag:s26], $0x4000  }
0xab: {  	s10 =	smov.u32 s13;
	s9 =	sshra.s32 s12, $0x2;
	[sflag:s26] =	ssyncset.done $0x0  }
0xac: {  	s10 =	sadd.s32 $0x80, s9;
	[sflag:s26] =	ssyncadd.s32 $0xFFFFC000  }
0xad: {  	[tilespmem:s30], [sflag:$0x2] =	stream.indirect.gather [hbm4b:s1+s29], $0x80, s10, s29, $0xb8;
	[tilespmem:$0x1E800] =	vst v63  }
0xae: {  	_ =	swait.ge [sflag:s31], $0x4000  }
0xaf: {  	[sflag:s31] =	ssyncset.done $0x0  }
0xb0: {  	s13 =	sadd.s32 $0x1400, s9;
	[sflag:s31] =	ssyncadd.s32 $0xFFFFC000  }
0xb1: {  	[spmem:s2] =	stream.indirect.scatter.add.f32 [tilespmem:s25], [sflag:$0x3], $0x80, s13, s29, $0xb8;
	[tilespmem:$0x1E800] =	vst v63  }
0xb2: {  	_ =	swait.ge [sflag:s26], $0x4000  }
0xb3: {  	[sflag:s26] =	ssyncset.done $0x0  }
0xb4: {  	s11 =	sadd.s32 $0x100, s9;
	[sflag:s26] =	ssyncadd.s32 $0xFFFFC000  }
0xb5: {  	[tilespmem:s25], [sflag:$0x1] =	stream.indirect.gather [hbm4b:s1+s29], $0x80, s11, s29, $0xb8;
	[tilespmem:$0x1E800] =	vst v63  }
0xb6: {  	_ =	swait.ge [sflag:s0], $0x4000  }
0xb7: {  	[sflag:s0] =	ssyncset.done $0x0  }
0xb8: {  	s12 =	sadd.s32 $0x1480, s9;
	[sflag:s0] =	ssyncadd.s32 $0xFFFFC000  }
0xb9: {  	[spmem:s2] =	stream.indirect.scatter.add.f32 [tilespmem:s30], [sflag:$0x3], $0x80, s12, s29, $0xb8;
	[tilespmem:$0x1E800] =	vst v63  }
0xba: {  	_ =	swait.ge [sflag:s26], $0x4000  }
0xbb: {  	[sflag:s26] =	ssyncset.done $0x0  }
0xbc: {  	[sflag:s26] =	ssyncadd.s32 $0xFFFFC000  }
0xbd: {  	[tilespmem:s30], [sflag:$0x2] =	stream.indirect.gather [hbm4b:s1+s29], $0x80, s4, s29, $0xb8;
	[tilespmem:$0x1E800] =	vst v63  }
0xbe: {  	_ =	swait.ge [sflag:s31], $0x4000  }
0xbf: {  	[sflag:s31] =	ssyncset.done $0x0  }
0xc0: {  	[sflag:s31] =	ssyncadd.s32 $0xFFFFC000  }
0xc1: {  	[spmem:s2] =	stream.indirect.scatter.add.f32 [tilespmem:s25], [sflag:$0x3], $0x80, s5, s29, $0xb8;
	[tilespmem:$0x1E800] =	vst v63  }
0xc2: {  	_ =	swait.ge [sflag:s26], $0x4000  }
0xc3: {  	[sflag:s26] =	ssyncset.done $0x0  }
0xc4: {  	[sflag:s26] =	ssyncadd.s32 $0xFFFFC000  }
0xc5: {  	_ =	swait.ge [sflag:s0], $0x4000  }
0xc6: {  	[sflag:s0] =	ssyncset.done $0x0  }
0xc7: {  	[sflag:s0] =	ssyncadd.s32 $0xFFFFC000  }
0xc8: {  	[spmem:s2] =	stream.indirect.scatter.add.f32 [tilespmem:s30], [sflag:$0x3], $0x80, s7, s29, $0xb8;
	[tilespmem:$0x1E800] =	vst v63  }
0xc9: {  	_ =	swait.ge [sflag:s26], $0x4000  }
0xca: {  	[sflag:s26] =	ssyncset.done $0x0  }
0xcb: {  	[sflag:s26] =	ssyncadd.s32 $0xFFFFC000  }
0xcc: {  	[bflag:$0x0] =	sbarrier.arrive $0xFFFF  }
0xcd: {  	[tilespmem:s25], [sflag:$0x3] =	stream.linear.gather [spmem:s6], $0x4000, $0x38;
	[tilespmem:$0x1E800] =	vst v63  }
0xce: {  	_ =	swait.ge [sflag:s26], $0x4000  }
0xcf: {  	[sflag:s26] =	ssyncset.done $0x0  }
0xd0: {  	[sflag:s26] =	ssyncadd.s32 $0xFFFFC000  }
0xd1: {  	[hbm4b:s16+s3] =	stream.linear.scatter [tilespmem:s25], [sflag:$0x3], $0x4000, $0x38;
	[tilespmem:$0x1E800] =	vst v63  }
0xd2: {  	_ =	swait.ge [sflag:s26], $0x4000  }
0xd3: {  	[sflag:s26] =	ssyncset.done $0x0  }
0xd4: {  	[sflag:s26] =	ssyncadd.s32 $0xFFFFC000  }
0xd5: {  	[tilespmem:s25], [sflag:$0x3] =	stream.linear.gather [spmem:s17], $0x4000, $0x38;
	[tilespmem:$0x1E800] =	vst v63  }
0xd6: {  	_ =	swait.ge [sflag:s26], $0x4000  }
0xd7: {  	[sflag:s26] =	ssyncset.done $0x0  }
0xd8: {  	[sflag:s26] =	ssyncadd.s32 $0xFFFFC000  }
0xd9: {  	[hbm4b:s18+s3] =	stream.linear.scatter [tilespmem:s25], [sflag:$0x3], $0x4000, $0x38;
	[tilespmem:$0x1E800] =	vst v63  }
0xda: {  	_ =	swait.ge [sflag:s26], $0x4000  }
0xdb: {  	[sflag:s26] =	ssyncset.done $0x0  }
0xdc: {  	[sflag:s26] =	ssyncadd.s32 $0xFFFFC000  }
0xdd: {  	[tilespmem:s25], [sflag:$0x3] =	stream.linear.gather [spmem:s19], $0x4000, $0x38;
	[tilespmem:$0x1E800] =	vst v63  }
0xde: {  	_ =	swait.ge [sflag:s26], $0x4000  }
0xdf: {  	[sflag:s26] =	ssyncset.done $0x0  }
0xe0: {  	[sflag:s26] =	ssyncadd.s32 $0xFFFFC000  }
0xe1: {  	[hbm4b:s20+s3] =	stream.linear.scatter [tilespmem:s25], [sflag:$0x3], $0x4000, $0x38;
	[tilespmem:$0x1E800] =	vst v63  }
0xe2: {  	_ =	swait.ge [sflag:s26], $0x4000  }
0xe3: {  	[sflag:s26] =	ssyncset.done $0x0  }
0xe4: {  	[sflag:s26] =	ssyncadd.s32 $0xFFFFC000  }
0xe5: {  	[tilespmem:s25], [sflag:$0x3] =	stream.linear.gather [spmem:s21], $0x4000, $0x38;
	[tilespmem:$0x1E800] =	vst v63  }
0xe6: {  	_ =	swait.ge [sflag:s26], $0x4000  }
0xe7: {  	[sflag:s26] =	ssyncset.done $0x0  }
0xe8: {  	[sflag:s26] =	ssyncadd.s32 $0xFFFFC000  }
0xe9: {  	[hbm4b:s22+s3] =	stream.linear.scatter [tilespmem:s25], [sflag:$0x3], $0x4000, $0x38;
	[tilespmem:$0x1E800] =	vst v63  }
0xea: {  	_ =	swait.ge [sflag:s26], $0x4000  }
0xeb: {  	[sflag:s26] =	ssyncset.done $0x0  }
0xec: {  	[sflag:s26] =	ssyncadd.s32 $0xFFFFC000  }
0xed: {  	[tilespmem:s25], [sflag:$0x3] =	stream.linear.gather [spmem:s23], $0x4000, $0x38;
	[tilespmem:$0x1E800] =	vst v63  }
0xee: {  	_ =	swait.ge [sflag:s26], $0x4000  }
0xef: {  	[sflag:s26] =	ssyncset.done $0x0  }
0xf0: {  	[sflag:s26] =	ssyncadd.s32 $0xFFFFC000  }
0xf1: {  	[hbm4b:s24+s3] =	stream.linear.scatter [tilespmem:s25], [sflag:$0x3], $0x4000, $0x38;
	[tilespmem:$0x1E800] =	vst v63  }
0xf2: {  	_ =	swait.ge [sflag:s26], $0x4000  }
0xf3: {  	s8 =	sadd.s32 $0x1, s8;
	s13 =	rddreg [dreg:$0x9]  }
0xf4: {  	p0 =	sne.s32 s8, s13  }
.Ltmp2:
0xf5: {  	_ = 	snop;
	(pc) =	sbr.rel @p0 .LBB2_1-.Ltmp2, $3  }
0xf6: {  	_ =	sdelay $0x1  }
0xf7: {  	[sflag:s26] =	ssyncset.done $0x0  }
0xf8: {  	[sflag:s26] =	ssyncadd.s32 $0xFFFFC000  }
0xf9: {  	_ =	sfence.sel $0x180000  }
0xfa: {  	[bflag:$0x0] =	sbarrier.arrive $0xFFFF  }
0xfb: {  	_ =	strace $0x90000053  }
0xfc: {  	s0 =	stileid.u32;
	[bflag:$0x2] =	sbarrier.arrive $0xFFFF  }
0xfd: {  	p0 =	sne.s32 s0, $0x0;
	s0 =	rddreg [dreg:$0x3]  }
0xfe: {  	s0 =	sadd.s32 @!p0 $0x100000, s0  }
0xff: {  	[sflag:s0] =	ssyncadd.tile.s32 @!p0 $0x1;
	_ =	shalt  }
.Lfunc_end2:
_tile_overlayer_lowered:
.L_overlay_start_2:
0x100: {  	(tag) =	ssettag $0x2  }
0x101: {  	s0 =	rddreg [dreg:$0x0];
	s2 =	stileid.u32  }
0x102: {  	s1 =	rddreg [dreg:$0x1];
	p0 =	sne.s32 s2, $0x0  }
0x103: {  	s3 =	rddreg [dreg:$0x2];
	[bflag:$0x3] =	sbarrier.arrive $0xFFFF;
	s2 =	simm.s32 @!p0 $0x1C03  }
0x104: {  	[timem:s3], [sflag:s2] =	dma.local @!p0 [hbm:s0], s1  }
0x105: {  	s0 =	simm.s32 @!p0 $0x3  }
0x106: {  	_ =	swait.ge @!p0 [sflag:s0], s1  }
0x107: {  	s1 =	ssub.s32 @!p0 $0x0, s1;
	[sflag:s0] =	ssyncset.done @!p0 $0x0  }
0x108: {  	[sflag:s0] =	ssyncadd.s32 @!p0 s1  }
0x109: {  	[bflag:$0x3] =	sbarrier.arrive $0xFFFF  }
0x10a: {  	_ =	shalt  }

</sc_bundles>
